<compile_context>
chip_gen: v7x
topology: tpu7x:2x2x1
jax: 0.10.2.dev20260603
libtpu: 0.0.44.dev20260713+nightly
codegen_flags: <defaults>
</compile_context>

<pallas_src>
import functools

import jax
import jax.numpy as jnp
from jax import lax
from jax.experimental import pallas as pl
from jax.experimental.pallas import tpu as pltpu
from jax.experimental.pallas import tpu_sc as plsc

NUM_EXPERTS = 16
TOP_K = 2
HIDDEN = 2048
INTER = 768
TOKENS = 8192
ROWS = TOKENS * TOP_K

BM = 512
NUM_BLOCKS = ROWS // BM
MAX_TILES = NUM_BLOCKS + NUM_EXPERTS

_NEG = float(jnp.finfo(jnp.float32).min)


def _routing_body(logits_ref, w_ref, d_ref, bounds_ref):
    logits = logits_ref[...]
    lanes = jax.lax.broadcasted_iota(jnp.int32, (TOKENS, NUM_EXPERTS), 1)

    v1 = jnp.max(logits, axis=1, keepdims=True)
    e1 = jnp.min(jnp.where(logits == v1, lanes, NUM_EXPERTS), axis=1,
                 keepdims=True)
    oh1 = (lanes == e1)
    masked = jnp.where(oh1, _NEG, logits)
    v2 = jnp.max(masked, axis=1, keepdims=True)
    e2 = jnp.min(jnp.where(masked == v2, lanes, NUM_EXPERTS), axis=1,
                 keepdims=True)
    oh2 = (lanes == e2)

    w0 = jax.nn.sigmoid(v1 - v2)
    w1 = jax.nn.sigmoid(v2 - v1)

    s = (oh1 | oh2).astype(jnp.int32)
    c = jnp.concatenate(
        [jnp.zeros((1, NUM_EXPERTS), jnp.int32), s[:-1]], axis=0)
    sh = 1
    while sh < TOKENS:
        c = c + jnp.concatenate(
            [jnp.zeros((sh, NUM_EXPERTS), jnp.int32), c[:-sh]], axis=0)
        sh *= 2

    tot = c[-1:] + s[-1:]
    st = jnp.concatenate([jnp.zeros((1, 1), jnp.int32), tot[:, :-1]], axis=1)
    sh = 1
    while sh < NUM_EXPERTS:
        st = st + jnp.concatenate(
            [jnp.zeros((1, sh), jnp.int32), st[:, :-sh]], axis=1)
        sh *= 2

    pos = c + st
    d0 = jnp.sum(jnp.where(oh1, pos, 0), axis=1, keepdims=True)
    d1 = jnp.sum(jnp.where(oh2, pos, 0), axis=1, keepdims=True)

    w_ref[...] = jnp.concatenate([w0, w1], axis=1)
    d_ref[...] = jnp.concatenate([d0, d1], axis=1)
    bounds_ref[...] = jnp.concatenate([st, st + tot], axis=0)


def _routing(router_logits):
    return pl.pallas_call(
        _routing_body,
        out_shape=(
            jax.ShapeDtypeStruct((TOKENS, TOP_K), jnp.float32),
            jax.ShapeDtypeStruct((TOKENS, TOP_K), jnp.int32),
            jax.ShapeDtypeStruct((2, NUM_EXPERTS), jnp.int32),
        ),
    )(router_logits)


NC = 1


def _moe_mm_body(te_ref, tb_ref, bounds_ref, hs_ref, g_ref, u_ref, d_ref,
                 ws_ref, out_ref, acc_ref):
    t = pl.program_id(0)
    nc = pl.program_id(1)
    e = te_ref[t]
    b = tb_ref[t]
    start = bounds_ref[0, e]
    end = bounds_ref[1, e]
    rows = b * BM + jax.lax.broadcasted_iota(jnp.int32, (BM, 1), 0)
    mask = (rows >= start) & (rows < end)

    x = hs_ref[...].astype(jnp.bfloat16)
    g = jnp.dot(x, g_ref[0].astype(jnp.bfloat16),
                preferred_element_type=jnp.float32)
    u = jnp.dot(x, u_ref[0].astype(jnp.bfloat16),
                preferred_element_type=jnp.float32)
    act = (g * jax.nn.sigmoid(g)) * u
    act = act * ws_ref[0, 0].reshape(BM, 1)
    o = jnp.dot(act.astype(jnp.bfloat16), d_ref[0].astype(jnp.bfloat16),
                preferred_element_type=jnp.float32)

    if NC > 1:
        @pl.when(nc == 0)
        def _():
            acc_ref[...] = o

    @pl.when(nc == NC - 1)
    def _():
        prev = o if NC == 1 else acc_ref[...] + o
        out_ref[...] = jnp.where(mask, prev, out_ref[...])


def _grouped_mlp(hs_sorted, gate_proj, up_proj, down_proj, w_sorted, bounds):
    starts = bounds[0]
    ends = bounds[1]
    group_sizes = ends - starts
    first = starts // BM
    last = jnp.maximum(ends - 1, 0) // BM
    nblk = jnp.where(group_sizes > 0, last - first + 1, 0)
    cum = jnp.cumsum(nblk)
    cum0 = cum - nblk
    t = jnp.arange(MAX_TILES, dtype=jnp.int32)
    tile_expert = jnp.searchsorted(cum, t, side="right").astype(jnp.int32)
    tile_expert = jnp.clip(tile_expert, 0, NUM_EXPERTS - 1)
    tile_block = first[tile_expert] + (t - cum0[tile_expert])
    tile_block = jnp.clip(tile_block, 0, NUM_BLOCKS - 1).astype(jnp.int32)

    grid_spec = pltpu.PrefetchScalarGridSpec(
        num_scalar_prefetch=3,
        grid=(MAX_TILES, NC),
        in_specs=[
            pl.BlockSpec((BM, HIDDEN),
                         lambda t, nc, te, tb, bd: (tb[t], 0)),
            pl.BlockSpec((1, HIDDEN, INTER // NC),
                         lambda t, nc, te, tb, bd: (te[t], 0, nc)),
            pl.BlockSpec((1, HIDDEN, INTER // NC),
                         lambda t, nc, te, tb, bd: (te[t], 0, nc)),
            pl.BlockSpec((1, INTER // NC, HIDDEN),
                         lambda t, nc, te, tb, bd: (te[t], nc, 0)),
            pl.BlockSpec((1, 1, BM),
                         lambda t, nc, te, tb, bd: (tb[t], 0, 0)),
        ],
        out_specs=pl.BlockSpec((BM, HIDDEN),
                               lambda t, nc, te, tb, bd: (tb[t], 0)),
        scratch_shapes=[pltpu.VMEM((BM, HIDDEN), jnp.float32)],
    )
    return pl.pallas_call(
        _moe_mm_body,
        grid_spec=grid_spec,
        out_shape=jax.ShapeDtypeStruct((ROWS, HIDDEN), jnp.float32),
        compiler_params=pltpu.CompilerParams(
            dimension_semantics=("arbitrary", "arbitrary"),
            vmem_limit_bytes=120 * 1024 * 1024),
    )(tile_expert, tile_block, bounds, hs_sorted, gate_proj, up_proj,
      down_proj, w_sorted.reshape(NUM_BLOCKS, 1, BM))


_SC_WORKERS = 32
_TPW = TOKENS // _SC_WORKERS
_CH = 8
_NCH = _TPW // _CH
_IDX_ROWS = TOKENS // _CH


def _scatter_sc(hidden_states, d0, d1, w0, w1):
    mesh = plsc.VectorSubcoreMesh(core_axis_name="c", subcore_axis_name="s")

    @functools.partial(
        pl.kernel, mesh=mesh,
        out_type=(
            jax.ShapeDtypeStruct((ROWS, HIDDEN), jnp.float32),
            jax.ShapeDtypeStruct((ROWS,), jnp.float32),
        ),
        scratch_types=[
            pltpu.VMEM((_NCH, _CH), jnp.int32),
            pltpu.VMEM((_NCH, _CH), jnp.int32),
            pltpu.VMEM((_NCH, _CH), jnp.float32),
            pltpu.VMEM((_NCH, _CH), jnp.float32),
            pltpu.VMEM((_CH, HIDDEN), jnp.float32),
            pltpu.VMEM((_CH, HIDDEN), jnp.float32),
            pltpu.SemaphoreType.DMA,
            pltpu.SemaphoreType.DMA,
            pltpu.SemaphoreType.DMA,
            pltpu.SemaphoreType.DMA,
            pltpu.SemaphoreType.DMA,
            pltpu.SemaphoreType.DMA,
            pltpu.SemaphoreType.DMA,
            pltpu.SemaphoreType.DMA,
            pltpu.SemaphoreType.DMA,
            pltpu.SemaphoreType.DMA,
        ],
    )
    def k(hs_hbm, d0_hbm, d1_hbm, w0_hbm, w1_hbm, hss_hbm, ws_hbm,
          idx0_v, idx1_v, w0_v, w1_v, bufa, bufb,
          la, lb, sa0, sa1, sb0, sb1, wa0, wa1, wb0, wb1):
        wid = lax.axis_index("s") * 2 + lax.axis_index("c")
        row0 = wid * _NCH
        tok0 = wid * _TPW
        pltpu.sync_copy(d0_hbm.at[pl.ds(row0, _NCH)], idx0_v)
        pltpu.sync_copy(d1_hbm.at[pl.ds(row0, _NCH)], idx1_v)
        pltpu.sync_copy(w0_hbm.at[pl.ds(row0, _NCH)], w0_v)
        pltpu.sync_copy(w1_hbm.at[pl.ds(row0, _NCH)], w1_v)

        def load(c, buf, sem):
            pltpu.async_copy(hs_hbm.at[pl.ds(tok0 + c * _CH, _CH)], buf, sem)

        def wait_load(buf, sem):
            pltpu.make_async_copy(hs_hbm.at[pl.ds(0, _CH)], buf, sem).wait()

        def scatter(c, buf, sems):
            pltpu.async_copy(buf, hss_hbm.at[idx0_v.at[c]], sems[0])
            pltpu.async_copy(buf, hss_hbm.at[idx1_v.at[c]], sems[1])
            pltpu.async_copy(w0_v.at[c], ws_hbm.at[idx0_v.at[c]], sems[2])
            pltpu.async_copy(w1_v.at[c], ws_hbm.at[idx1_v.at[c]], sems[3])

        def wait_scatter(buf, sems):
            pltpu.make_async_copy(buf, hss_hbm.at[idx0_v.at[0]],
                                  sems[0]).wait()
            pltpu.make_async_copy(buf, hss_hbm.at[idx1_v.at[0]],
                                  sems[1]).wait()
            pltpu.make_async_copy(w0_v.at[0], ws_hbm.at[idx0_v.at[0]],
                                  sems[2]).wait()
            pltpu.make_async_copy(w1_v.at[0], ws_hbm.at[idx1_v.at[0]],
                                  sems[3]).wait()

        load(0, bufa, la)
        load(1, bufb, lb)

        def body(i, _):
            ca = 2 * i
            cb = 2 * i + 1
            wait_load(bufa, la)
            scatter(ca, bufa, (sa0, sa1, wa0, wa1))

            @pl.when(i < _NCH // 2 - 1)
            def _():
                wait_scatter(bufa, (sa0, sa1, wa0, wa1))
                load(ca + 2, bufa, la)

            wait_load(bufb, lb)
            scatter(cb, bufb, (sb0, sb1, wb0, wb1))

            @pl.when(i < _NCH // 2 - 1)
            def _():
                wait_scatter(bufb, (sb0, sb1, wb0, wb1))
                load(cb + 2, bufb, lb)

            return 0

        lax.fori_loop(0, _NCH // 2, body, 0)
        wait_scatter(bufa, (sa0, sa1, wa0, wa1))
        wait_scatter(bufb, (sb0, sb1, wb0, wb1))

    return k(hidden_states,
             d0.reshape(_IDX_ROWS, _CH), d1.reshape(_IDX_ROWS, _CH),
             w0.reshape(_IDX_ROWS, _CH), w1.reshape(_IDX_ROWS, _CH))


def _combine_sc(down_out, d0, d1):
    mesh = plsc.VectorSubcoreMesh(core_axis_name="c", subcore_axis_name="s")

    @functools.partial(
        pl.kernel, mesh=mesh,
        out_type=jax.ShapeDtypeStruct((TOKENS, HIDDEN), jnp.float32),
        scratch_types=[
            pltpu.VMEM((_NCH, _CH), jnp.int32),
            pltpu.VMEM((_NCH, _CH), jnp.int32),
            pltpu.VMEM((_CH, HIDDEN), jnp.float32),
            pltpu.VMEM((_CH, HIDDEN), jnp.float32),
            pltpu.VMEM((_CH, HIDDEN), jnp.float32),
            pltpu.VMEM((_CH, HIDDEN), jnp.float32),
            pltpu.SemaphoreType.DMA,
            pltpu.SemaphoreType.DMA,
            pltpu.SemaphoreType.DMA,
            pltpu.SemaphoreType.DMA,
            pltpu.SemaphoreType.DMA,
            pltpu.SemaphoreType.DMA,
        ],
    )
    def k(x_hbm, d0_hbm, d1_hbm, out_hbm, idx0_v, idx1_v,
          a0, a1, b0, b1, ga0, ga1, gb0, gb1, sa, sb):
        wid = lax.axis_index("s") * 2 + lax.axis_index("c")
        row0 = wid * _NCH
        tok0 = wid * _TPW
        pltpu.sync_copy(d0_hbm.at[pl.ds(row0, _NCH)], idx0_v)
        pltpu.sync_copy(d1_hbm.at[pl.ds(row0, _NCH)], idx1_v)

        def gather(c, bufs, sems):
            pltpu.async_copy(x_hbm.at[idx0_v.at[c]], bufs[0], sems[0])
            pltpu.async_copy(x_hbm.at[idx1_v.at[c]], bufs[1], sems[1])

        def wait_gather(bufs, sems):
            pltpu.make_async_copy(x_hbm.at[idx0_v.at[0]], bufs[0],
                                  sems[0]).wait()
            pltpu.make_async_copy(x_hbm.at[idx1_v.at[0]], bufs[1],
                                  sems[1]).wait()

        def add_rows(dst, src):
            for r in range(_CH):
                def inner(i, _):
                    base = i * 128
                    for kk in range(8):
                        off = base + kk * 16
                        dst[r, pl.ds(off, 16)] = (dst[r, pl.ds(off, 16)] +
                                                  src[r, pl.ds(off, 16)])
                    return 0
                lax.fori_loop(0, HIDDEN // 128, inner, 0)

        def store(c, buf, sem):
            pltpu.async_copy(buf, out_hbm.at[pl.ds(tok0 + c * _CH, _CH)], sem)

        def wait_store(c, buf, sem):
            pltpu.make_async_copy(buf, out_hbm.at[pl.ds(tok0 + c * _CH, _CH)],
                                  sem).wait()

        gather(0, (a0, a1), (ga0, ga1))
        gather(1, (b0, b1), (gb0, gb1))

        def body(i, _):
            ca = 2 * i
            cb = 2 * i + 1
            wait_gather((a0, a1), (ga0, ga1))
            add_rows(a0, a1)
            store(ca, a0, sa)

            @pl.when(i < _NCH // 2 - 1)
            def _():
                wait_store(ca, a0, sa)
                gather(ca + 2, (a0, a1), (ga0, ga1))

            wait_gather((b0, b1), (gb0, gb1))
            add_rows(b0, b1)
            store(cb, b0, sb)

            @pl.when(i < _NCH // 2 - 1)
            def _():
                wait_store(cb, b0, sb)
                gather(cb + 2, (b0, b1), (gb0, gb1))

            return 0

        lax.fori_loop(0, _NCH // 2, body, 0)
        wait_store(_NCH - 2, a0, sa)
        wait_store(_NCH - 1, b0, sb)

    return k(down_out, d0.reshape(_IDX_ROWS, _CH), d1.reshape(_IDX_ROWS, _CH))


@jax.jit
def kernel(hidden_states, router_logits, gate_proj, up_proj, down_proj):
    w, d, bounds = _routing(router_logits)

    hs_sorted, w_sorted = _scatter_sc(hidden_states, d[:, 0] + 0, d[:, 1] + 0,
                                      w[:, 0] + 0, w[:, 1] + 0)

    down_out = _grouped_mlp(hs_sorted, gate_proj, up_proj, down_proj,
                            w_sorted, bounds)

    return _combine_sc(down_out, d[:, 0] + 0, d[:, 1] + 0)

# --- scband reference (transcript-rebuilt; emitter-appended) ---
"""Pipeline reference for scband-qwen3-experts-32495722561888 (READ-ONLY COPY).

The authoritative reference and input builder live on the scoring server;
editing this copy changes nothing except your own understanding.
"""

import jax, jax.numpy as jnp
import numpy as np

NUM_EXPERTS = 16
TOP_K = 2
HIDDEN = 2048
INTER = 768
TOKENS = 8192


def setup_inputs(seed: int = 0) -> dict:
    key = jax.random.key(seed)
    k1, k2, k3, k4, k5 = jax.random.split(key, 5)
    hidden_states = jax.random.normal(k1, (TOKENS, HIDDEN), dtype=jnp.float32)
    router_logits = jax.random.normal(k2, (TOKENS, NUM_EXPERTS), dtype=jnp.float32)
    # lecun_normal init: std = 1/sqrt(fan_in)
    gate_proj = jax.random.normal(k3, (NUM_EXPERTS, HIDDEN, INTER), dtype=jnp.float32) * (1.0 / np.sqrt(HIDDEN))
    up_proj = jax.random.normal(k4, (NUM_EXPERTS, HIDDEN, INTER), dtype=jnp.float32) * (1.0 / np.sqrt(HIDDEN))
    down_proj = jax.random.normal(k5, (NUM_EXPERTS, INTER, HIDDEN), dtype=jnp.float32) * (1.0 / np.sqrt(INTER))
    return {
        "hidden_states": hidden_states,
        "router_logits": router_logits,
        "gate_proj": gate_proj,
        "up_proj": up_proj,
        "down_proj": down_proj,
    }


def reference(hidden_states, router_logits, gate_proj, up_proj, down_proj):
    # top-k routing + softmax over the selected logits
    routing_weights, selected_experts = jax.lax.top_k(router_logits, k=TOP_K)
    routing_weights = jax.nn.softmax(routing_weights, axis=-1)
    selected_experts_flat = selected_experts.ravel()
    # expand each token top_k times, then sort by expert id (prepare_routing)
    hidden_states_expanded = jnp.repeat(hidden_states, TOP_K, axis=0)
    sort_indices = jnp.argsort(selected_experts_flat)
    hidden_states_sorted = hidden_states_expanded[sort_indices]
    group_sizes = jnp.bincount(selected_experts_flat, length=NUM_EXPERTS).astype(jnp.int32)
    unsort_indices = jnp.argsort(sort_indices)
    # grouped (ragged) expert GEMMs
    gate_out = jax.lax.ragged_dot(hidden_states_sorted, gate_proj, group_sizes)
    up_out = jax.lax.ragged_dot(hidden_states_sorted, up_proj, group_sizes)
    down_out = jax.lax.ragged_dot(jax.nn.silu(gate_out) * up_out, down_proj, group_sizes)
    unsorted_out = down_out[unsort_indices]
    reshaped_out = unsorted_out.reshape(-1, TOP_K, HIDDEN)
    return jnp.sum(reshaped_out * routing_weights[..., None], axis=1)

if __name__ == "__main__":
    import jax
    _d = setup_inputs()
    print(jax.jit(kernel)(*tuple(_d.values())))

</pallas_src>

<mosaic_0001>
#map = affine_map<(d0, d1) -> (0, 0)>
module attributes {stable_mosaic.version = 14 : i64} {
  func.func @k(%arg0: i32, %arg1: i32, %arg2: memref<16384x2048xf32, #tpu.memory_space<hbm>>, %arg3: memref<1024x8xi32, #tpu.memory_space<hbm>>, %arg4: memref<1024x8xi32, #tpu.memory_space<hbm>>, %arg5: memref<8192x2048xf32, #tpu.memory_space<hbm>>, %arg6: memref<32x8xi32, #tpu.memory_space<vmem>>, %arg7: memref<32x8xi32, #tpu.memory_space<vmem>>, %arg8: memref<8x2048xf32, #tpu.memory_space<vmem>>, %arg9: memref<8x2048xf32, #tpu.memory_space<vmem>>, %arg10: memref<8x2048xf32, #tpu.memory_space<vmem>>, %arg11: memref<8x2048xf32, #tpu.memory_space<vmem>>, %arg12: memref<!tpu.dma_semaphore, #tpu.memory_space<semaphore_mem>>, %arg13: memref<!tpu.dma_semaphore, #tpu.memory_space<semaphore_mem>>, %arg14: memref<!tpu.dma_semaphore, #tpu.memory_space<semaphore_mem>>, %arg15: memref<!tpu.dma_semaphore, #tpu.memory_space<semaphore_mem>>, %arg16: memref<!tpu.dma_semaphore, #tpu.memory_space<semaphore_mem>>, %arg17: memref<!tpu.dma_semaphore, #tpu.memory_space<semaphore_mem>>) attributes {dimension_semantics = [#tpu.dimension_semantics<core_parallel>, #tpu.dimension_semantics<subcore_parallel>], iteration_bounds = array<i64: 2, 16>, scalar_prefetch = 0 : i64, scratch_operands = 12 : i64, tpu.core_type = #tpu.core_type<sc_vector_subcore>, window_params = [{transform_indices = #map}, {transform_indices = #map}, {transform_indices = #map}, {transform_indices = #map}]} {
    %mul3A = arith.constant 2 : i32
    %mul3A_0 = arith.muli %arg1, %mul3A : i32
    %add3A = arith.addi %mul3A_0, %arg0 : i32
    %mul3A_1 = arith.constant 32 : i32
    %mul3A_2 = arith.muli %add3A, %mul3A_1 : i32
    %mul3A_3 = arith.constant 256 : i32
    %mul3A_4 = arith.muli %add3A, %mul3A_3 : i32
    "tpu.region"() ({
      %run_scoped3A = tpu.sem_alloc : memref<!tpu.dma_semaphore, #tpu.memory_space<semaphore_mem>>
      %dma_start3A_49 = arith.constant 0 : i32
      %dma_start3A_50 = tpu.memref_slice %arg3[%mul3A_2, %dma_start3A_49] : memref<1024x8xi32, #tpu.memory_space<hbm>> -> memref<32x8xi32, #tpu.memory_space<hbm>>
      %dma_start3A_51 = arith.constant 0 : i32
      %dma_start3A_52 = tpu.memref_slice %arg3[%mul3A_2, %dma_start3A_51] : memref<1024x8xi32, #tpu.memory_space<hbm>> -> memref<32x8xi32, #tpu.memory_space<hbm>>
      tpu.enqueue_dma source(%dma_start3A_52 : memref<32x8xi32, #tpu.memory_space<hbm>>) target(%arg6 : memref<32x8xi32, #tpu.memory_space<vmem>>) target_semaphore(%run_scoped3A : memref<!tpu.dma_semaphore, #tpu.memory_space<semaphore_mem>>)
      %dma_wait3A_53 = arith.constant 0 : i32
      %dma_wait3A_54 = tpu.memref_slice %arg3[%mul3A_2, %dma_wait3A_53] : memref<1024x8xi32, #tpu.memory_space<hbm>> -> memref<32x8xi32, #tpu.memory_space<hbm>>
      %dma_wait3A_55 = arith.constant 0 : i32
      %dma_wait3A_56 = tpu.memref_slice %arg3[%mul3A_2, %dma_wait3A_55] : memref<1024x8xi32, #tpu.memory_space<hbm>> -> memref<32x8xi32, #tpu.memory_space<hbm>>
      tpu.wait_dma2 semaphore(%run_scoped3A : memref<!tpu.dma_semaphore, #tpu.memory_space<semaphore_mem>>) src(%dma_wait3A_56 : memref<32x8xi32, #tpu.memory_space<hbm>>) dst(%arg6 : memref<32x8xi32, #tpu.memory_space<vmem>>)
      tpu.yield
    }) : () -> ()
    "tpu.region"() ({
      %run_scoped3A = tpu.sem_alloc : memref<!tpu.dma_semaphore, #tpu.memory_space<semaphore_mem>>
      %dma_start3A_49 = arith.constant 0 : i32
      %dma_start3A_50 = tpu.memref_slice %arg4[%mul3A_2, %dma_start3A_49] : memref<1024x8xi32, #tpu.memory_space<hbm>> -> memref<32x8xi32, #tpu.memory_space<hbm>>
      %dma_start3A_51 = arith.constant 0 : i32
      %dma_start3A_52 = tpu.memref_slice %arg4[%mul3A_2, %dma_start3A_51] : memref<1024x8xi32, #tpu.memory_space<hbm>> -> memref<32x8xi32, #tpu.memory_space<hbm>>
      tpu.enqueue_dma source(%dma_start3A_52 : memref<32x8xi32, #tpu.memory_space<hbm>>) target(%arg7 : memref<32x8xi32, #tpu.memory_space<vmem>>) target_semaphore(%run_scoped3A : memref<!tpu.dma_semaphore, #tpu.memory_space<semaphore_mem>>)
      %dma_wait3A_53 = arith.constant 0 : i32
      %dma_wait3A_54 = tpu.memref_slice %arg4[%mul3A_2, %dma_wait3A_53] : memref<1024x8xi32, #tpu.memory_space<hbm>> -> memref<32x8xi32, #tpu.memory_space<hbm>>
      %dma_wait3A_55 = arith.constant 0 : i32
      %dma_wait3A_56 = tpu.memref_slice %arg4[%mul3A_2, %dma_wait3A_55] : memref<1024x8xi32, #tpu.memory_space<hbm>> -> memref<32x8xi32, #tpu.memory_space<hbm>>
      tpu.wait_dma2 semaphore(%run_scoped3A : memref<!tpu.dma_semaphore, #tpu.memory_space<semaphore_mem>>) src(%dma_wait3A_56 : memref<32x8xi32, #tpu.memory_space<hbm>>) dst(%arg7 : memref<32x8xi32, #tpu.memory_space<vmem>>)
      tpu.yield
    }) : () -> ()
    %dma_start3A = arith.constant 0 : i32
    %dma_start3A_5 = arith.constant 0 : i32
    %dma_start3A_6 = tpu.memref_slice %arg6[%dma_start3A, %dma_start3A_5] : memref<32x8xi32, #tpu.memory_space<vmem>> -> memref<1x8xi32, #tpu.memory_space<vmem>>
    %dma_start3A_7 = tpu.memref_squeeze %dma_start3A_6 : memref<1x8xi32, #tpu.memory_space<vmem>> -> memref<8xi32, #tpu.memory_space<vmem>>
    %dma_start3A_8 = arith.constant 0 : i32
    %dma_start3A_9 = arith.constant 0 : i32
    %dma_start3A_10 = tpu.memref_slice %arg2[%dma_start3A_8, %dma_start3A_9] : memref<16384x2048xf32, #tpu.memory_space<hbm>> -> memref<16384x2048xf32, #tpu.memory_space<hbm>>
    tpu.enqueue_indirect_dma source(%dma_start3A_10 : memref<16384x2048xf32, #tpu.memory_space<hbm>>) target(%arg8 : memref<8x2048xf32, #tpu.memory_space<vmem>>) offsets(%dma_start3A_7 : memref<8xi32, #tpu.memory_space<vmem>>) semaphore(%arg12 : memref<!tpu.dma_semaphore, #tpu.memory_space<semaphore_mem>>)
    %dma_start3A_11 = arith.constant 0 : i32
    %dma_start3A_12 = arith.constant 0 : i32
    %dma_start3A_13 = tpu.memref_slice %arg7[%dma_start3A_11, %dma_start3A_12] : memref<32x8xi32, #tpu.memory_space<vmem>> -> memref<1x8xi32, #tpu.memory_space<vmem>>
    %dma_start3A_14 = tpu.memref_squeeze %dma_start3A_13 : memref<1x8xi32, #tpu.memory_space<vmem>> -> memref<8xi32, #tpu.memory_space<vmem>>
    %dma_start3A_15 = arith.constant 0 : i32
    %dma_start3A_16 = arith.constant 0 : i32
    %dma_start3A_17 = tpu.memref_slice %arg2[%dma_start3A_15, %dma_start3A_16] : memref<16384x2048xf32, #tpu.memory_space<hbm>> -> memref<16384x2048xf32, #tpu.memory_space<hbm>>
    tpu.enqueue_indirect_dma source(%dma_start3A_17 : memref<16384x2048xf32, #tpu.memory_space<hbm>>) target(%arg9 : memref<8x2048xf32, #tpu.memory_space<vmem>>) offsets(%dma_start3A_14 : memref<8xi32, #tpu.memory_space<vmem>>) semaphore(%arg13 : memref<!tpu.dma_semaphore, #tpu.memory_space<semaphore_mem>>)
    %dma_start3A_18 = arith.constant 1 : i32
    %dma_start3A_19 = arith.constant 0 : i32
    %dma_start3A_20 = tpu.memref_slice %arg6[%dma_start3A_18, %dma_start3A_19] : memref<32x8xi32, #tpu.memory_space<vmem>> -> memref<1x8xi32, #tpu.memory_space<vmem>>
    %dma_start3A_21 = tpu.memref_squeeze %dma_start3A_20 : memref<1x8xi32, #tpu.memory_space<vmem>> -> memref<8xi32, #tpu.memory_space<vmem>>
    %dma_start3A_22 = arith.constant 0 : i32
    %dma_start3A_23 = arith.constant 0 : i32
    %dma_start3A_24 = tpu.memref_slice %arg2[%dma_start3A_22, %dma_start3A_23] : memref<16384x2048xf32, #tpu.memory_space<hbm>> -> memref<16384x2048xf32, #tpu.memory_space<hbm>>
    tpu.enqueue_indirect_dma source(%dma_start3A_24 : memref<16384x2048xf32, #tpu.memory_space<hbm>>) target(%arg10 : memref<8x2048xf32, #tpu.memory_space<vmem>>) offsets(%dma_start3A_21 : memref<8xi32, #tpu.memory_space<vmem>>) semaphore(%arg14 : memref<!tpu.dma_semaphore, #tpu.memory_space<semaphore_mem>>)
    %dma_start3A_25 = arith.constant 1 : i32
    %dma_start3A_26 = arith.constant 0 : i32
    %dma_start3A_27 = tpu.memref_slice %arg7[%dma_start3A_25, %dma_start3A_26] : memref<32x8xi32, #tpu.memory_space<vmem>> -> memref<1x8xi32, #tpu.memory_space<vmem>>
    %dma_start3A_28 = tpu.memref_squeeze %dma_start3A_27 : memref<1x8xi32, #tpu.memory_space<vmem>> -> memref<8xi32, #tpu.memory_space<vmem>>
    %dma_start3A_29 = arith.constant 0 : i32
    %dma_start3A_30 = arith.constant 0 : i32
    %dma_start3A_31 = tpu.memref_slice %arg2[%dma_start3A_29, %dma_start3A_30] : memref<16384x2048xf32, #tpu.memory_space<hbm>> -> memref<16384x2048xf32, #tpu.memory_space<hbm>>
    tpu.enqueue_indirect_dma source(%dma_start3A_31 : memref<16384x2048xf32, #tpu.memory_space<hbm>>) target(%arg11 : memref<8x2048xf32, #tpu.memory_space<vmem>>) offsets(%dma_start3A_28 : memref<8xi32, #tpu.memory_space<vmem>>) semaphore(%arg15 : memref<!tpu.dma_semaphore, #tpu.memory_space<semaphore_mem>>)
    %scan3A = arith.constant 0 : i32
    %scan3A_32 = arith.constant 0 : i32
    %scan3A_33 = arith.constant 16 : i32
    %scan3A_34 = arith.addi %scan3A_32, %scan3A_33 : i32
    %scan3A_35 = arith.constant 1 : i32
    %scan3A_36 = scf.for %scan3A_49 = %scan3A_32 to %scan3A_34 step %scan3A_35 iter_args(%scan3A_50 = %scan3A) -> (i32)  : i32 {
      %mul3A_51 = arith.constant 2 : i32
      %mul3A_52 = arith.muli %mul3A_51, %scan3A_49 : i32
      %mul3A_53 = arith.constant 2 : i32
      %mul3A_54 = arith.muli %mul3A_53, %scan3A_49 : i32
      %add3A_55 = arith.constant 1 : i32
      %add3A_56 = arith.addi %mul3A_54, %add3A_55 : i32
      %dma_wait3A_57 = arith.constant 0 : i32
      %dma_wait3A_58 = arith.constant 0 : i32
      %dma_wait3A_59 = tpu.memref_slice %arg6[%dma_wait3A_57, %dma_wait3A_58] : memref<32x8xi32, #tpu.memory_space<vmem>> -> memref<1x8xi32, #tpu.memory_space<vmem>>
      %dma_wait3A_60 = tpu.memref_squeeze %dma_wait3A_59 : memref<1x8xi32, #tpu.memory_space<vmem>> -> memref<8xi32, #tpu.memory_space<vmem>>
      %dma_wait3A_61 = arith.constant 0 : i32
      %dma_wait3A_62 = arith.constant 0 : i32
      %dma_wait3A_63 = tpu.memref_slice %arg2[%dma_wait3A_61, %dma_wait3A_62] : memref<16384x2048xf32, #tpu.memory_space<hbm>> -> memref<16384x2048xf32, #tpu.memory_space<hbm>>
      tpu.wait_indirect_dma semaphore(%arg12 : memref<!tpu.dma_semaphore, #tpu.memory_space<semaphore_mem>>) src(%dma_wait3A_63 : memref<16384x2048xf32, #tpu.memory_space<hbm>>) dst(%arg8 : memref<8x2048xf32, #tpu.memory_space<vmem>>)
      %dma_wait3A_64 = arith.constant 0 : i32
      %dma_wait3A_65 = arith.constant 0 : i32
      %dma_wait3A_66 = tpu.memref_slice %arg7[%dma_wait3A_64, %dma_wait3A_65] : memref<32x8xi32, #tpu.memory_space<vmem>> -> memref<1x8xi32, #tpu.memory_space<vmem>>
      %dma_wait3A_67 = tpu.memref_squeeze %dma_wait3A_66 : memref<1x8xi32, #tpu.memory_space<vmem>> -> memref<8xi32, #tpu.memory_space<vmem>>
      %dma_wait3A_68 = arith.constant 0 : i32
      %dma_wait3A_69 = arith.constant 0 : i32
      %dma_wait3A_70 = tpu.memref_slice %arg2[%dma_wait3A_68, %dma_wait3A_69] : memref<16384x2048xf32, #tpu.memory_space<hbm>> -> memref<16384x2048xf32, #tpu.memory_space<hbm>>
      tpu.wait_indirect_dma semaphore(%arg13 : memref<!tpu.dma_semaphore, #tpu.memory_space<semaphore_mem>>) src(%dma_wait3A_70 : memref<16384x2048xf32, #tpu.memory_space<hbm>>) dst(%arg9 : memref<8x2048xf32, #tpu.memory_space<vmem>>)
      %scan3A_71 = arith.constant 0 : i32
      %scan3A_72 = arith.constant 0 : i32
      %scan3A_73 = arith.constant 16 : i32
      %scan3A_74 = arith.addi %scan3A_72, %scan3A_73 : i32
      %scan3A_75 = arith.constant 1 : i32
      %scan3A_76 = scf.for %scan3A_219 = %scan3A_72 to %scan3A_74 step %scan3A_75 iter_args(%scan3A_220 = %scan3A_71) -> (i32)  : i32 {
        %mul3A_221 = arith.constant 128 : i32
        %mul3A_222 = arith.muli %scan3A_219, %mul3A_221 : i32
        %add3A_223 = arith.constant 0 : i32
        %add3A_224 = arith.addi %mul3A_222, %add3A_223 : i32
        %get3A = arith.constant 0 : i32
        %get3A_225 = arith.index_cast %get3A : i32 to index
        %get3A_226 = arith.index_cast %add3A_224 : i32 to index
        %get3A_227 = tpu.vector_load %arg8[%get3A_225, %get3A_226] {strides = array<i32>} : memref<8x2048xf32, #tpu.memory_space<vmem>>, vector<1x16xf32>,
        %get3A_228 = vector.shape_cast %get3A_227 : vector<1x16xf32> to vector<16xf32>
        %get3A_229 = arith.constant 0 : i32
        %get3A_230 = arith.index_cast %get3A_229 : i32 to index
        %get3A_231 = arith.index_cast %add3A_224 : i32 to index
        %get3A_232 = tpu.vector_load %arg9[%get3A_230, %get3A_231] {strides = array<i32>} : memref<8x2048xf32, #tpu.memory_space<vmem>>, vector<1x16xf32>,
        %get3A_233 = vector.shape_cast %get3A_232 : vector<1x16xf32> to vector<16xf32>
        %add3A_234 = arith.addf %get3A_228, %get3A_233 : vector<16xf32>
        %swap3A = arith.constant 0 : i32
        %swap3A_235 = arith.index_cast %swap3A : i32 to index
        %swap3A_236 = arith.index_cast %add3A_224 : i32 to index
        %swap3A_237 = tpu.vector_load %arg8[%swap3A_235, %swap3A_236] {strides = array<i32>} : memref<8x2048xf32, #tpu.memory_space<vmem>>, vector<1x16xf32>,
        %swap3A_238 = vector.shape_cast %swap3A_237 : vector<1x16xf32> to vector<16xf32>
        %swap3A_239 = vector.shape_cast %add3A_234 : vector<16xf32> to vector<1x16xf32>
        tpu.vector_store %arg8[%swap3A_235, %swap3A_236], %swap3A_239 {strides = array<i32>} : memref<8x2048xf32, #tpu.memory_space<vmem>>, vector<1x16xf32>,
        %add3A_240 = arith.constant 16 : i32
        %add3A_241 = arith.addi %mul3A_222, %add3A_240 : i32
        %get3A_242 = arith.constant 0 : i32
        %get3A_243 = arith.index_cast %get3A_242 : i32 to index
        %get3A_244 = arith.index_cast %add3A_241 : i32 to index
        %get3A_245 = tpu.vector_load %arg8[%get3A_243, %get3A_244] {strides = array<i32>} : memref<8x2048xf32, #tpu.memory_space<vmem>>, vector<1x16xf32>,
        %get3A_246 = vector.shape_cast %get3A_245 : vector<1x16xf32> to vector<16xf32>
        %get3A_247 = arith.constant 0 : i32
        %get3A_248 = arith.index_cast %get3A_247 : i32 to index
        %get3A_249 = arith.index_cast %add3A_241 : i32 to index
        %get3A_250 = tpu.vector_load %arg9[%get3A_248, %get3A_249] {strides = array<i32>} : memref<8x2048xf32, #tpu.memory_space<vmem>>, vector<1x16xf32>,
        %get3A_251 = vector.shape_cast %get3A_250 : vector<1x16xf32> to vector<16xf32>
        %add3A_252 = arith.addf %get3A_246, %get3A_251 : vector<16xf32>
        %swap3A_253 = arith.constant 0 : i32
        %swap3A_254 = arith.index_cast %swap3A_253 : i32 to index
        %swap3A_255 = arith.index_cast %add3A_241 : i32 to index
        %swap3A_256 = tpu.vector_load %arg8[%swap3A_254, %swap3A_255] {strides = array<i32>} : memref<8x2048xf32, #tpu.memory_space<vmem>>, vector<1x16xf32>,
        %swap3A_257 = vector.shape_cast %swap3A_256 : vector<1x16xf32> to vector<16xf32>
        %swap3A_258 = vector.shape_cast %add3A_252 : vector<16xf32> to vector<1x16xf32>
        tpu.vector_store %arg8[%swap3A_254, %swap3A_255], %swap3A_258 {strides = array<i32>} : memref<8x2048xf32, #tpu.memory_space<vmem>>, vector<1x16xf32>,
        %add3A_259 = arith.constant 32 : i32
        %add3A_260 = arith.addi %mul3A_222, %add3A_259 : i32
        %get3A_261 = arith.constant 0 : i32
        %get3A_262 = arith.index_cast %get3A_261 : i32 to index
        %get3A_263 = arith.index_cast %add3A_260 : i32 to index
        %get3A_264 = tpu.vector_load %arg8[%get3A_262, %get3A_263] {strides = array<i32>} : memref<8x2048xf32, #tpu.memory_space<vmem>>, vector<1x16xf32>,
        %get3A_265 = vector.shape_cast %get3A_264 : vector<1x16xf32> to vector<16xf32>
        %get3A_266 = arith.constant 0 : i32
        %get3A_267 = arith.index_cast %get3A_266 : i32 to index
        %get3A_268 = arith.index_cast %add3A_260 : i32 to index
        %get3A_269 = tpu.vector_load %arg9[%get3A_267, %get3A_268] {strides = array<i32>} : memref<8x2048xf32, #tpu.memory_space<vmem>>, vector<1x16xf32>,
        %get3A_270 = vector.shape_cast %get3A_269 : vector<1x16xf32> to vector<16xf32>
        %add3A_271 = arith.addf %get3A_265, %get3A_270 : vector<16xf32>
        %swap3A_272 = arith.constant 0 : i32
        %swap3A_273 = arith.index_cast %swap3A_272 : i32 to index
        %swap3A_274 = arith.index_cast %add3A_260 : i32 to index
        %swap3A_275 = tpu.vector_load %arg8[%swap3A_273, %swap3A_274] {strides = array<i32>} : memref<8x2048xf32, #tpu.memory_space<vmem>>, vector<1x16xf32>,
        %swap3A_276 = vector.shape_cast %swap3A_275 : vector<1x16xf32> to vector<16xf32>
        %swap3A_277 = vector.shape_cast %add3A_271 : vector<16xf32> to vector<1x16xf32>
        tpu.vector_store %arg8[%swap3A_273, %swap3A_274], %swap3A_277 {strides = array<i32>} : memref<8x2048xf32, #tpu.memory_space<vmem>>, vector<1x16xf32>,
        %add3A_278 = arith.constant 48 : i32
        %add3A_279 = arith.addi %mul3A_222, %add3A_278 : i32
        %get3A_280 = arith.constant 0 : i32
        %get3A_281 = arith.index_cast %get3A_280 : i32 to index
        %get3A_282 = arith.index_cast %add3A_279 : i32 to index
        %get3A_283 = tpu.vector_load %arg8[%get3A_281, %get3A_282] {strides = array<i32>} : memref<8x2048xf32, #tpu.memory_space<vmem>>, vector<1x16xf32>,
        %get3A_284 = vector.shape_cast %get3A_283 : vector<1x16xf32> to vector<16xf32>
        %get3A_285 = arith.constant 0 : i32
        %get3A_286 = arith.index_cast %get3A_285 : i32 to index
        %get3A_287 = arith.index_cast %add3A_279 : i32 to index
        %get3A_288 = tpu.vector_load %arg9[%get3A_286, %get3A_287] {strides = array<i32>} : memref<8x2048xf32, #tpu.memory_space<vmem>>, vector<1x16xf32>,
        %get3A_289 = vector.shape_cast %get3A_288 : vector<1x16xf32> to vector<16xf32>
        %add3A_290 = arith.addf %get3A_284, %get3A_289 : vector<16xf32>
        %swap3A_291 = arith.constant 0 : i32
        %swap3A_292 = arith.index_cast %swap3A_291 : i32 to index
        %swap3A_293 = arith.index_cast %add3A_279 : i32 to index
        %swap3A_294 = tpu.vector_load %arg8[%swap3A_292, %swap3A_293] {strides = array<i32>} : memref<8x2048xf32, #tpu.memory_space<vmem>>, vector<1x16xf32>,
        %swap3A_295 = vector.shape_cast %swap3A_294 : vector<1x16xf32> to vector<16xf32>
        %swap3A_296 = vector.shape_cast %add3A_290 : vector<16xf32> to vector<1x16xf32>
        tpu.vector_store %arg8[%swap3A_292, %swap3A_293], %swap3A_296 {strides = array<i32>} : memref<8x2048xf32, #tpu.memory_space<vmem>>, vector<1x16xf32>,
        %add3A_297 = arith.constant 64 : i32
        %add3A_298 = arith.addi %mul3A_222, %add3A_297 : i32
        %get3A_299 = arith.constant 0 : i32
        %get3A_300 = arith.index_cast %get3A_299 : i32 to index
        %get3A_301 = arith.index_cast %add3A_298 : i32 to index
        %get3A_302 = tpu.vector_load %arg8[%get3A_300, %get3A_301] {strides = array<i32>} : memref<8x2048xf32, #tpu.memory_space<vmem>>, vector<1x16xf32>,
        %get3A_303 = vector.shape_cast %get3A_302 : vector<1x16xf32> to vector<16xf32>
        %get3A_304 = arith.constant 0 : i32
        %get3A_305 = arith.index_cast %get3A_304 : i32 to index
        %get3A_306 = arith.index_cast %add3A_298 : i32 to index
        %get3A_307 = tpu.vector_load %arg9[%get3A_305, %get3A_306] {strides = array<i32>} : memref<8x2048xf32, #tpu.memory_space<vmem>>, vector<1x16xf32>,
        %get3A_308 = vector.shape_cast %get3A_307 : vector<1x16xf32> to vector<16xf32>
        %add3A_309 = arith.addf %get3A_303, %get3A_308 : vector<16xf32>
        %swap3A_310 = arith.constant 0 : i32
        %swap3A_311 = arith.index_cast %swap3A_310 : i32 to index
        %swap3A_312 = arith.index_cast %add3A_298 : i32 to index
        %swap3A_313 = tpu.vector_load %arg8[%swap3A_311, %swap3A_312] {strides = array<i32>} : memref<8x2048xf32, #tpu.memory_space<vmem>>, vector<1x16xf32>,
        %swap3A_314 = vector.shape_cast %swap3A_313 : vector<1x16xf32> to vector<16xf32>
        %swap3A_315 = vector.shape_cast %add3A_309 : vector<16xf32> to vector<1x16xf32>
        tpu.vector_store %arg8[%swap3A_311, %swap3A_312], %swap3A_315 {strides = array<i32>} : memref<8x2048xf32, #tpu.memory_space<vmem>>, vector<1x16xf32>,
        %add3A_316 = arith.constant 80 : i32
        %add3A_317 = arith.addi %mul3A_222, %add3A_316 : i32
        %get3A_318 = arith.constant 0 : i32
        %get3A_319 = arith.index_cast %get3A_318 : i32 to index
        %get3A_320 = arith.index_cast %add3A_317 : i32 to index
        %get3A_321 = tpu.vector_load %arg8[%get3A_319, %get3A_320] {strides = array<i32>} : memref<8x2048xf32, #tpu.memory_space<vmem>>, vector<1x16xf32>,
        %get3A_322 = vector.shape_cast %get3A_321 : vector<1x16xf32> to vector<16xf32>
        %get3A_323 = arith.constant 0 : i32
        %get3A_324 = arith.index_cast %get3A_323 : i32 to index
        %get3A_325 = arith.index_cast %add3A_317 : i32 to index
        %get3A_326 = tpu.vector_load %arg9[%get3A_324, %get3A_325] {strides = array<i32>} : memref<8x2048xf32, #tpu.memory_space<vmem>>, vector<1x16xf32>,
        %get3A_327 = vector.shape_cast %get3A_326 : vector<1x16xf32> to vector<16xf32>
        %add3A_328 = arith.addf %get3A_322, %get3A_327 : vector<16xf32>
        %swap3A_329 = arith.constant 0 : i32
        %swap3A_330 = arith.index_cast %swap3A_329 : i32 to index
        %swap3A_331 = arith.index_cast %add3A_317 : i32 to index
        %swap3A_332 = tpu.vector_load %arg8[%swap3A_330, %swap3A_331] {strides = array<i32>} : memref<8x2048xf32, #tpu.memory_space<vmem>>, vector<1x16xf32>,
        %swap3A_333 = vector.shape_cast %swap3A_332 : vector<1x16xf32> to vector<16xf32>
        %swap3A_334 = vector.shape_cast %add3A_328 : vector<16xf32> to vector<1x16xf32>
        tpu.vector_store %arg8[%swap3A_330, %swap3A_331], %swap3A_334 {strides = array<i32>} : memref<8x2048xf32, #tpu.memory_space<vmem>>, vector<1x16xf32>,
        %add3A_335 = arith.constant 96 : i32
        %add3A_336 = arith.addi %mul3A_222, %add3A_335 : i32
        %get3A_337 = arith.constant 0 : i32
        %get3A_338 = arith.index_cast %get3A_337 : i32 to index
        %get3A_339 = arith.index_cast %add3A_336 : i32 to index
        %get3A_340 = tpu.vector_load %arg8[%get3A_338, %get3A_339] {strides = array<i32>} : memref<8x2048xf32, #tpu.memory_space<vmem>>, vector<1x16xf32>,
        %get3A_341 = vector.shape_cast %get3A_340 : vector<1x16xf32> to vector<16xf32>
        %get3A_342 = arith.constant 0 : i32
        %get3A_343 = arith.index_cast %get3A_342 : i32 to index
        %get3A_344 = arith.index_cast %add3A_336 : i32 to index
        %get3A_345 = tpu.vector_load %arg9[%get3A_343, %get3A_344] {strides = array<i32>} : memref<8x2048xf32, #tpu.memory_space<vmem>>, vector<1x16xf32>,
        %get3A_346 = vector.shape_cast %get3A_345 : vector<1x16xf32> to vector<16xf32>
        %add3A_347 = arith.addf %get3A_341, %get3A_346 : vector<16xf32>
        %swap3A_348 = arith.constant 0 : i32
        %swap3A_349 = arith.index_cast %swap3A_348 : i32 to index
        %swap3A_350 = arith.index_cast %add3A_336 : i32 to index
        %swap3A_351 = tpu.vector_load %arg8[%swap3A_349, %swap3A_350] {strides = array<i32>} : memref<8x2048xf32, #tpu.memory_space<vmem>>, vector<1x16xf32>,
        %swap3A_352 = vector.shape_cast %swap3A_351 : vector<1x16xf32> to vector<16xf32>
        %swap3A_353 = vector.shape_cast %add3A_347 : vector<16xf32> to vector<1x16xf32>
        tpu.vector_store %arg8[%swap3A_349, %swap3A_350], %swap3A_353 {strides = array<i32>} : memref<8x2048xf32, #tpu.memory_space<vmem>>, vector<1x16xf32>,
        %add3A_354 = arith.constant 112 : i32
        %add3A_355 = arith.addi %mul3A_222, %add3A_354 : i32
        %get3A_356 = arith.constant 0 : i32
        %get3A_357 = arith.index_cast %get3A_356 : i32 to index
        %get3A_358 = arith.index_cast %add3A_355 : i32 to index
        %get3A_359 = tpu.vector_load %arg8[%get3A_357, %get3A_358] {strides = array<i32>} : memref<8x2048xf32, #tpu.memory_space<vmem>>, vector<1x16xf32>,
        %get3A_360 = vector.shape_cast %get3A_359 : vector<1x16xf32> to vector<16xf32>
        %get3A_361 = arith.constant 0 : i32
        %get3A_362 = arith.index_cast %get3A_361 : i32 to index
        %get3A_363 = arith.index_cast %add3A_355 : i32 to index
        %get3A_364 = tpu.vector_load %arg9[%get3A_362, %get3A_363] {strides = array<i32>} : memref<8x2048xf32, #tpu.memory_space<vmem>>, vector<1x16xf32>,
        %get3A_365 = vector.shape_cast %get3A_364 : vector<1x16xf32> to vector<16xf32>
        %add3A_366 = arith.addf %get3A_360, %get3A_365 : vector<16xf32>
        %swap3A_367 = arith.constant 0 : i32
        %swap3A_368 = arith.index_cast %swap3A_367 : i32 to index
        %swap3A_369 = arith.index_cast %add3A_355 : i32 to index
        %swap3A_370 = tpu.vector_load %arg8[%swap3A_368, %swap3A_369] {strides = array<i32>} : memref<8x2048xf32, #tpu.memory_space<vmem>>, vector<1x16xf32>,
        %swap3A_371 = vector.shape_cast %swap3A_370 : vector<1x16xf32> to vector<16xf32>
        %swap3A_372 = vector.shape_cast %add3A_366 : vector<16xf32> to vector<1x16xf32>
        tpu.vector_store %arg8[%swap3A_368, %swap3A_369], %swap3A_372 {strides = array<i32>} : memref<8x2048xf32, #tpu.memory_space<vmem>>, vector<1x16xf32>,
        %scan3A_373 = arith.constant 0 : i32
        scf.yield %scan3A_373 : i32
      }
      %scan3A_77 = arith.constant 16 : i32
      %scan3A_78 = arith.constant 0 : i32
      %scan3A_79 = arith.constant 0 : i32
      %scan3A_80 = arith.constant 16 : i32
      %scan3A_81 = arith.addi %scan3A_79, %scan3A_80 : i32
      %scan3A_82 = arith.constant 1 : i32
      %scan3A_83 = scf.for %scan3A_219 = %scan3A_79 to %scan3A_81 step %scan3A_82 iter_args(%scan3A_220 = %scan3A_78) -> (i32)  : i32 {
        %mul3A_221 = arith.constant 128 : i32
        %mul3A_222 = arith.muli %scan3A_219, %mul3A_221 : i32
        %add3A_223 = arith.constant 0 : i32
        %add3A_224 = arith.addi %mul3A_222, %add3A_223 : i32
        %get3A = arith.constant 1 : i32
        %get3A_225 = arith.index_cast %get3A : i32 to index
        %get3A_226 = arith.index_cast %add3A_224 : i32 to index
        %get3A_227 = tpu.vector_load %arg8[%get3A_225, %get3A_226] {strides = array<i32>} : memref<8x2048xf32, #tpu.memory_space<vmem>>, vector<1x16xf32>,
        %get3A_228 = vector.shape_cast %get3A_227 : vector<1x16xf32> to vector<16xf32>
        %get3A_229 = arith.constant 1 : i32
        %get3A_230 = arith.index_cast %get3A_229 : i32 to index
        %get3A_231 = arith.index_cast %add3A_224 : i32 to index
        %get3A_232 = tpu.vector_load %arg9[%get3A_230, %get3A_231] {strides = array<i32>} : memref<8x2048xf32, #tpu.memory_space<vmem>>, vector<1x16xf32>,
        %get3A_233 = vector.shape_cast %get3A_232 : vector<1x16xf32> to vector<16xf32>
        %add3A_234 = arith.addf %get3A_228, %get3A_233 : vector<16xf32>
        %swap3A = arith.constant 1 : i32
        %swap3A_235 = arith.index_cast %swap3A : i32 to index
        %swap3A_236 = arith.index_cast %add3A_224 : i32 to index
        %swap3A_237 = tpu.vector_load %arg8[%swap3A_235, %swap3A_236] {strides = array<i32>} : memref<8x2048xf32, #tpu.memory_space<vmem>>, vector<1x16xf32>,
        %swap3A_238 = vector.shape_cast %swap3A_237 : vector<1x16xf32> to vector<16xf32>
        %swap3A_239 = vector.shape_cast %add3A_234 : vector<16xf32> to vector<1x16xf32>
        tpu.vector_store %arg8[%swap3A_235, %swap3A_236], %swap3A_239 {strides = array<i32>} : memref<8x2048xf32, #tpu.memory_space<vmem>>, vector<1x16xf32>,
        %add3A_240 = arith.constant 16 : i32
        %add3A_241 = arith.addi %mul3A_222, %add3A_240 : i32
        %get3A_242 = arith.constant 1 : i32
        %get3A_243 = arith.index_cast %get3A_242 : i32 to index
        %get3A_244 = arith.index_cast %add3A_241 : i32 to index
        %get3A_245 = tpu.vector_load %arg8[%get3A_243, %get3A_244] {strides = array<i32>} : memref<8x2048xf32, #tpu.memory_space<vmem>>, vector<1x16xf32>,
        %get3A_246 = vector.shape_cast %get3A_245 : vector<1x16xf32> to vector<16xf32>
        %get3A_247 = arith.constant 1 : i32
        %get3A_248 = arith.index_cast %get3A_247 : i32 to index
        %get3A_249 = arith.index_cast %add3A_241 : i32 to index
        %get3A_250 = tpu.vector_load %arg9[%get3A_248, %get3A_249] {strides = array<i32>} : memref<8x2048xf32, #tpu.memory_space<vmem>>, vector<1x16xf32>,
        %get3A_251 = vector.shape_cast %get3A_250 : vector<1x16xf32> to vector<16xf32>
        %add3A_252 = arith.addf %get3A_246, %get3A_251 : vector<16xf32>
        %swap3A_253 = arith.constant 1 : i32
        %swap3A_254 = arith.index_cast %swap3A_253 : i32 to index
        %swap3A_255 = arith.index_cast %add3A_241 : i32 to index
        %swap3A_256 = tpu.vector_load %arg8[%swap3A_254, %swap3A_255] {strides = array<i32>} : memref<8x2048xf32, #tpu.memory_space<vmem>>, vector<1x16xf32>,
        %swap3A_257 = vector.shape_cast %swap3A_256 : vector<1x16xf32> to vector<16xf32>
        %swap3A_258 = vector.shape_cast %add3A_252 : vector<16xf32> to vector<1x16xf32>
        tpu.vector_store %arg8[%swap3A_254, %swap3A_255], %swap3A_258 {strides = array<i32>} : memref<8x2048xf32, #tpu.memory_space<vmem>>, vector<1x16xf32>,
        %add3A_259 = arith.constant 32 : i32
        %add3A_260 = arith.addi %mul3A_222, %add3A_259 : i32
        %get3A_261 = arith.constant 1 : i32
        %get3A_262 = arith.index_cast %get3A_261 : i32 to index
        %get3A_263 = arith.index_cast %add3A_260 : i32 to index
        %get3A_264 = tpu.vector_load %arg8[%get3A_262, %get3A_263] {strides = array<i32>} : memref<8x2048xf32, #tpu.memory_space<vmem>>, vector<1x16xf32>,
        %get3A_265 = vector.shape_cast %get3A_264 : vector<1x16xf32> to vector<16xf32>
        %get3A_266 = arith.constant 1 : i32
        %get3A_267 = arith.index_cast %get3A_266 : i32 to index
        %get3A_268 = arith.index_cast %add3A_260 : i32 to index
        %get3A_269 = tpu.vector_load %arg9[%get3A_267, %get3A_268] {strides = array<i32>} : memref<8x2048xf32, #tpu.memory_space<vmem>>, vector<1x16xf32>,
        %get3A_270 = vector.shape_cast %get3A_269 : vector<1x16xf32> to vector<16xf32>
        %add3A_271 = arith.addf %get3A_265, %get3A_270 : vector<16xf32>
        %swap3A_272 = arith.constant 1 : i32
        %swap3A_273 = arith.index_cast %swap3A_272 : i32 to index
        %swap3A_274 = arith.index_cast %add3A_260 : i32 to index
        %swap3A_275 = tpu.vector_load %arg8[%swap3A_273, %swap3A_274] {strides = array<i32>} : memref<8x2048xf32, #tpu.memory_space<vmem>>, vector<1x16xf32>,
        %swap3A_276 = vector.shape_cast %swap3A_275 : vector<1x16xf32> to vector<16xf32>
        %swap3A_277 = vector.shape_cast %add3A_271 : vector<16xf32> to vector<1x16xf32>
        tpu.vector_store %arg8[%swap3A_273, %swap3A_274], %swap3A_277 {strides = array<i32>} : memref<8x2048xf32, #tpu.memory_space<vmem>>, vector<1x16xf32>,
        %add3A_278 = arith.constant 48 : i32
        %add3A_279 = arith.addi %mul3A_222, %add3A_278 : i32
        %get3A_280 = arith.constant 1 : i32
        %get3A_281 = arith.index_cast %get3A_280 : i32 to index
        %get3A_282 = arith.index_cast %add3A_279 : i32 to index
        %get3A_283 = tpu.vector_load %arg8[%get3A_281, %get3A_282] {strides = array<i32>} : memref<8x2048xf32, #tpu.memory_space<vmem>>, vector<1x16xf32>,
        %get3A_284 = vector.shape_cast %get3A_283 : vector<1x16xf32> to vector<16xf32>
        %get3A_285 = arith.constant 1 : i32
        %get3A_286 = arith.index_cast %get3A_285 : i32 to index
        %get3A_287 = arith.index_cast %add3A_279 : i32 to index
        %get3A_288 = tpu.vector_load %arg9[%get3A_286, %get3A_287] {strides = array<i32>} : memref<8x2048xf32, #tpu.memory_space<vmem>>, vector<1x16xf32>,
        %get3A_289 = vector.shape_cast %get3A_288 : vector<1x16xf32> to vector<16xf32>
        %add3A_290 = arith.addf %get3A_284, %get3A_289 : vector<16xf32>
        %swap3A_291 = arith.constant 1 : i32
        %swap3A_292 = arith.index_cast %swap3A_291 : i32 to index
        %swap3A_293 = arith.index_cast %add3A_279 : i32 to index
        %swap3A_294 = tpu.vector_load %arg8[%swap3A_292, %swap3A_293] {strides = array<i32>} : memref<8x2048xf32, #tpu.memory_space<vmem>>, vector<1x16xf32>,
        %swap3A_295 = vector.shape_cast %swap3A_294 : vector<1x16xf32> to vector<16xf32>
        %swap3A_296 = vector.shape_cast %add3A_290 : vector<16xf32> to vector<1x16xf32>
        tpu.vector_store %arg8[%swap3A_292, %swap3A_293], %swap3A_296 {strides = array<i32>} : memref<8x2048xf32, #tpu.memory_space<vmem>>, vector<1x16xf32>,
        %add3A_297 = arith.constant 64 : i32
        %add3A_298 = arith.addi %mul3A_222, %add3A_297 : i32
        %get3A_299 = arith.constant 1 : i32
        %get3A_300 = arith.index_cast %get3A_299 : i32 to index
        %get3A_301 = arith.index_cast %add3A_298 : i32 to index
        %get3A_302 = tpu.vector_load %arg8[%get3A_300, %get3A_301] {strides = array<i32>} : memref<8x2048xf32, #tpu.memory_space<vmem>>, vector<1x16xf32>,
        %get3A_303 = vector.shape_cast %get3A_302 : vector<1x16xf32> to vector<16xf32>
        %get3A_304 = arith.constant 1 : i32
        %get3A_305 = arith.index_cast %get3A_304 : i32 to index
        %get3A_306 = arith.index_cast %add3A_298 : i32 to index
        %get3A_307 = tpu.vector_load %arg9[%get3A_305, %get3A_306] {strides = array<i32>} : memref<8x2048xf32, #tpu.memory_space<vmem>>, vector<1x16xf32>,
        %get3A_308 = vector.shape_cast %get3A_307 : vector<1x16xf32> to vector<16xf32>
        %add3A_309 = arith.addf %get3A_303, %get3A_308 : vector<16xf32>
        %swap3A_310 = arith.constant 1 : i32
        %swap3A_311 = arith.index_cast %swap3A_310 : i32 to index
        %swap3A_312 = arith.index_cast %add3A_298 : i32 to index
        %swap3A_313 = tpu.vector_load %arg8[%swap3A_311, %swap3A_312] {strides = array<i32>} : memref<8x2048xf32, #tpu.memory_space<vmem>>, vector<1x16xf32>,
        %swap3A_314 = vector.shape_cast %swap3A_313 : vector<1x16xf32> to vector<16xf32>
        %swap3A_315 = vector.shape_cast %add3A_309 : vector<16xf32> to vector<1x16xf32>
        tpu.vector_store %arg8[%swap3A_311, %swap3A_312], %swap3A_315 {strides = array<i32>} : memref<8x2048xf32, #tpu.memory_space<vmem>>, vector<1x16xf32>,
        %add3A_316 = arith.constant 80 : i32
        %add3A_317 = arith.addi %mul3A_222, %add3A_316 : i32
        %get3A_318 = arith.constant 1 : i32
        %get3A_319 = arith.index_cast %get3A_318 : i32 to index
        %get3A_320 = arith.index_cast %add3A_317 : i32 to index
        %get3A_321 = tpu.vector_load %arg8[%get3A_319, %get3A_320] {strides = array<i32>} : memref<8x2048xf32, #tpu.memory_space<vmem>>, vector<1x16xf32>,
        %get3A_322 = vector.shape_cast %get3A_321 : vector<1x16xf32> to vector<16xf32>
        %get3A_323 = arith.constant 1 : i32
        %get3A_324 = arith.index_cast %get3A_323 : i32 to index
        %get3A_325 = arith.index_cast %add3A_317 : i32 to index
        %get3A_326 = tpu.vector_load %arg9[%get3A_324, %get3A_325] {strides = array<i32>} : memref<8x2048xf32, #tpu.memory_space<vmem>>, vector<1x16xf32>,
        %get3A_327 = vector.shape_cast %get3A_326 : vector<1x16xf32> to vector<16xf32>
        %add3A_328 = arith.addf %get3A_322, %get3A_327 : vector<16xf32>
        %swap3A_329 = arith.constant 1 : i32
        %swap3A_330 = arith.index_cast %swap3A_329 : i32 to index
        %swap3A_331 = arith.index_cast %add3A_317 : i32 to index
        %swap3A_332 = tpu.vector_load %arg8[%swap3A_330, %swap3A_331] {strides = array<i32>} : memref<8x2048xf32, #tpu.memory_space<vmem>>, vector<1x16xf32>,
        %swap3A_333 = vector.shape_cast %swap3A_332 : vector<1x16xf32> to vector<16xf32>
        %swap3A_334 = vector.shape_cast %add3A_328 : vector<16xf32> to vector<1x16xf32>
        tpu.vector_store %arg8[%swap3A_330, %swap3A_331], %swap3A_334 {strides = array<i32>} : memref<8x2048xf32, #tpu.memory_space<vmem>>, vector<1x16xf32>,
        %add3A_335 = arith.constant 96 : i32
        %add3A_336 = arith.addi %mul3A_222, %add3A_335 : i32
        %get3A_337 = arith.constant 1 : i32
        %get3A_338 = arith.index_cast %get3A_337 : i32 to index
        %get3A_339 = arith.index_cast %add3A_336 : i32 to index
        %get3A_340 = tpu.vector_load %arg8[%get3A_338, %get3A_339] {strides = array<i32>} : memref<8x2048xf32, #tpu.memory_space<vmem>>, vector<1x16xf32>,
        %get3A_341 = vector.shape_cast %get3A_340 : vector<1x16xf32> to vector<16xf32>
        %get3A_342 = arith.constant 1 : i32
        %get3A_343 = arith.index_cast %get3A_342 : i32 to index
        %get3A_344 = arith.index_cast %add3A_336 : i32 to index
        %get3A_345 = tpu.vector_load %arg9[%get3A_343, %get3A_344] {strides = array<i32>} : memref<8x2048xf32, #tpu.memory_space<vmem>>, vector<1x16xf32>,
        %get3A_346 = vector.shape_cast %get3A_345 : vector<1x16xf32> to vector<16xf32>
        %add3A_347 = arith.addf %get3A_341, %get3A_346 : vector<16xf32>
        %swap3A_348 = arith.constant 1 : i32
        %swap3A_349 = arith.index_cast %swap3A_348 : i32 to index
        %swap3A_350 = arith.index_cast %add3A_336 : i32 to index
        %swap3A_351 = tpu.vector_load %arg8[%swap3A_349, %swap3A_350] {strides = array<i32>} : memref<8x2048xf32, #tpu.memory_space<vmem>>, vector<1x16xf32>,
        %swap3A_352 = vector.shape_cast %swap3A_351 : vector<1x16xf32> to vector<16xf32>
        %swap3A_353 = vector.shape_cast %add3A_347 : vector<16xf32> to vector<1x16xf32>
        tpu.vector_store %arg8[%swap3A_349, %swap3A_350], %swap3A_353 {strides = array<i32>} : memref<8x2048xf32, #tpu.memory_space<vmem>>, vector<1x16xf32>,
        %add3A_354 = arith.constant 112 : i32
        %add3A_355 = arith.addi %mul3A_222, %add3A_354 : i32
        %get3A_356 = arith.constant 1 : i32
        %get3A_357 = arith.index_cast %get3A_356 : i32 to index
        %get3A_358 = arith.index_cast %add3A_355 : i32 to index
        %get3A_359 = tpu.vector_load %arg8[%get3A_357, %get3A_358] {strides = array<i32>} : memref<8x2048xf32, #tpu.memory_space<vmem>>, vector<1x16xf32>,
        %get3A_360 = vector.shape_cast %get3A_359 : vector<1x16xf32> to vector<16xf32>
        %get3A_361 = arith.constant 1 : i32
        %get3A_362 = arith.index_cast %get3A_361 : i32 to index
        %get3A_363 = arith.index_cast %add3A_355 : i32 to index
        %get3A_364 = tpu.vector_load %arg9[%get3A_362, %get3A_363] {strides = array<i32>} : memref<8x2048xf32, #tpu.memory_space<vmem>>, vector<1x16xf32>,
        %get3A_365 = vector.shape_cast %get3A_364 : vector<1x16xf32> to vector<16xf32>
        %add3A_366 = arith.addf %get3A_360, %get3A_365 : vector<16xf32>
        %swap3A_367 = arith.constant 1 : i32
        %swap3A_368 = arith.index_cast %swap3A_367 : i32 to index
        %swap3A_369 = arith.index_cast %add3A_355 : i32 to index
        %swap3A_370 = tpu.vector_load %arg8[%swap3A_368, %swap3A_369] {strides = array<i32>} : memref<8x2048xf32, #tpu.memory_space<vmem>>, vector<1x16xf32>,
        %swap3A_371 = vector.shape_cast %swap3A_370 : vector<1x16xf32> to vector<16xf32>
        %swap3A_372 = vector.shape_cast %add3A_366 : vector<16xf32> to vector<1x16xf32>
        tpu.vector_store %arg8[%swap3A_368, %swap3A_369], %swap3A_372 {strides = array<i32>} : memref<8x2048xf32, #tpu.memory_space<vmem>>, vector<1x16xf32>,
        %scan3A_373 = arith.constant 0 : i32
        scf.yield %scan3A_373 : i32
      }
      %scan3A_84 = arith.constant 16 : i32
      %scan3A_85 = arith.constant 0 : i32
      %scan3A_86 = arith.constant 0 : i32
      %scan3A_87 = arith.constant 16 : i32
      %scan3A_88 = arith.addi %scan3A_86, %scan3A_87 : i32
      %scan3A_89 = arith.constant 1 : i32
      %scan3A_90 = scf.for %scan3A_219 = %scan3A_86 to %scan3A_88 step %scan3A_89 iter_args(%scan3A_220 = %scan3A_85) -> (i32)  : i32 {
        %mul3A_221 = arith.constant 128 : i32
        %mul3A_222 = arith.muli %scan3A_219, %mul3A_221 : i32
        %add3A_223 = arith.constant 0 : i32
        %add3A_224 = arith.addi %mul3A_222, %add3A_223 : i32
        %get3A = arith.constant 2 : i32
        %get3A_225 = arith.index_cast %get3A : i32 to index
        %get3A_226 = arith.index_cast %add3A_224 : i32 to index
        %get3A_227 = tpu.vector_load %arg8[%get3A_225, %get3A_226] {strides = array<i32>} : memref<8x2048xf32, #tpu.memory_space<vmem>>, vector<1x16xf32>,
        %get3A_228 = vector.shape_cast %get3A_227 : vector<1x16xf32> to vector<16xf32>
        %get3A_229 = arith.constant 2 : i32
        %get3A_230 = arith.index_cast %get3A_229 : i32 to index
        %get3A_231 = arith.index_cast %add3A_224 : i32 to index
        %get3A_232 = tpu.vector_load %arg9[%get3A_230, %get3A_231] {strides = array<i32>} : memref<8x2048xf32, #tpu.memory_space<vmem>>, vector<1x16xf32>,
        %get3A_233 = vector.shape_cast %get3A_232 : vector<1x16xf32> to vector<16xf32>
        %add3A_234 = arith.addf %get3A_228, %get3A_233 : vector<16xf32>
        %swap3A = arith.constant 2 : i32
        %swap3A_235 = arith.index_cast %swap3A : i32 to index
        %swap3A_236 = arith.index_cast %add3A_224 : i32 to index
        %swap3A_237 = tpu.vector_load %arg8[%swap3A_235, %swap3A_236] {strides = array<i32>} : memref<8x2048xf32, #tpu.memory_space<vmem>>, vector<1x16xf32>,
        %swap3A_238 = vector.shape_cast %swap3A_237 : vector<1x16xf32> to vector<16xf32>
        %swap3A_239 = vector.shape_cast %add3A_234 : vector<16xf32> to vector<1x16xf32>
        tpu.vector_store %arg8[%swap3A_235, %swap3A_236], %swap3A_239 {strides = array<i32>} : memref<8x2048xf32, #tpu.memory_space<vmem>>, vector<1x16xf32>,
        %add3A_240 = arith.constant 16 : i32
        %add3A_241 = arith.addi %mul3A_222, %add3A_240 : i32
        %get3A_242 = arith.constant 2 : i32
        %get3A_243 = arith.index_cast %get3A_242 : i32 to index
        %get3A_244 = arith.index_cast %add3A_241 : i32 to index
        %get3A_245 = tpu.vector_load %arg8[%get3A_243, %get3A_244] {strides = array<i32>} : memref<8x2048xf32, #tpu.memory_space<vmem>>, vector<1x16xf32>,
        %get3A_246 = vector.shape_cast %get3A_245 : vector<1x16xf32> to vector<16xf32>
        %get3A_247 = arith.constant 2 : i32
        %get3A_248 = arith.index_cast %get3A_247 : i32 to index
        %get3A_249 = arith.index_cast %add3A_241 : i32 to index
        %get3A_250 = tpu.vector_load %arg9[%get3A_248, %get3A_249] {strides = array<i32>} : memref<8x2048xf32, #tpu.memory_space<vmem>>, vector<1x16xf32>,
        %get3A_251 = vector.shape_cast %get3A_250 : vector<1x16xf32> to vector<16xf32>
        %add3A_252 = arith.addf %get3A_246, %get3A_251 : vector<16xf32>
        %swap3A_253 = arith.constant 2 : i32
        %swap3A_254 = arith.index_cast %swap3A_253 : i32 to index
        %swap3A_255 = arith.index_cast %add3A_241 : i32 to index
        %swap3A_256 = tpu.vector_load %arg8[%swap3A_254, %swap3A_255] {strides = array<i32>} : memref<8x2048xf32, #tpu.memory_space<vmem>>, vector<1x16xf32>,
        %swap3A_257 = vector.shape_cast %swap3A_256 : vector<1x16xf32> to vector<16xf32>
        %swap3A_258 = vector.shape_cast %add3A_252 : vector<16xf32> to vector<1x16xf32>
        tpu.vector_store %arg8[%swap3A_254, %swap3A_255], %swap3A_258 {strides = array<i32>} : memref<8x2048xf32, #tpu.memory_space<vmem>>, vector<1x16xf32>,
        %add3A_259 = arith.constant 32 : i32
        %add3A_260 = arith.addi %mul3A_222, %add3A_259 : i32
        %get3A_261 = arith.constant 2 : i32
        %get3A_262 = arith.index_cast %get3A_261 : i32 to index
        %get3A_263 = arith.index_cast %add3A_260 : i32 to index
        %get3A_264 = tpu.vector_load %arg8[%get3A_262, %get3A_263] {strides = array<i32>} : memref<8x2048xf32, #tpu.memory_space<vmem>>, vector<1x16xf32>,
        %get3A_265 = vector.shape_cast %get3A_264 : vector<1x16xf32> to vector<16xf32>
        %get3A_266 = arith.constant 2 : i32
        %get3A_267 = arith.index_cast %get3A_266 : i32 to index
        %get3A_268 = arith.index_cast %add3A_260 : i32 to index
        %get3A_269 = tpu.vector_load %arg9[%get3A_267, %get3A_268] {strides = array<i32>} : memref<8x2048xf32, #tpu.memory_space<vmem>>, vector<1x16xf32>,
        %get3A_270 = vector.shape_cast %get3A_269 : vector<1x16xf32> to vector<16xf32>
        %add3A_271 = arith.addf %get3A_265, %get3A_270 : vector<16xf32>
        %swap3A_272 = arith.constant 2 : i32
        %swap3A_273 = arith.index_cast %swap3A_272 : i32 to index
        %swap3A_274 = arith.index_cast %add3A_260 : i32 to index
        %swap3A_275 = tpu.vector_load %arg8[%swap3A_273, %swap3A_274] {strides = array<i32>} : memref<8x2048xf32, #tpu.memory_space<vmem>>, vector<1x16xf32>,
        %swap3A_276 = vector.shape_cast %swap3A_275 : vector<1x16xf32> to vector<16xf32>
        %swap3A_277 = vector.shape_cast %add3A_271 : vector<16xf32> to vector<1x16xf32>
        tpu.vector_store %arg8[%swap3A_273, %swap3A_274], %swap3A_277 {strides = array<i32>} : memref<8x2048xf32, #tpu.memory_space<vmem>>, vector<1x16xf32>,
        %add3A_278 = arith.constant 48 : i32
        %add3A_279 = arith.addi %mul3A_222, %add3A_278 : i32
        %get3A_280 = arith.constant 2 : i32
        %get3A_281 = arith.index_cast %get3A_280 : i32 to index
        %get3A_282 = arith.index_cast %add3A_279 : i32 to index
        %get3A_283 = tpu.vector_load %arg8[%get3A_281, %get3A_282] {strides = array<i32>} : memref<8x2048xf32, #tpu.memory_space<vmem>>, vector<1x16xf32>,
        %get3A_284 = vector.shape_cast %get3A_283 : vector<1x16xf32> to vector<16xf32>
        %get3A_285 = arith.constant 2 : i32
        %get3A_286 = arith.index_cast %get3A_285 : i32 to index
        %get3A_287 = arith.index_cast %add3A_279 : i32 to index
        %get3A_288 = tpu.vector_load %arg9[%get3A_286, %get3A_287] {strides = array<i32>} : memref<8x2048xf32, #tpu.memory_space<vmem>>, vector<1x16xf32>,
        %get3A_289 = vector.shape_cast %get3A_288 : vector<1x16xf32> to vector<16xf32>
        %add3A_290 = arith.addf %get3A_284, %get3A_289 : vector<16xf32>
        %swap3A_291 = arith.constant 2 : i32
        %swap3A_292 = arith.index_cast %swap3A_291 : i32 to index
        %swap3A_293 = arith.index_cast %add3A_279 : i32 to index
        %swap3A_294 = tpu.vector_load %arg8[%swap3A_292, %swap3A_293] {strides = array<i32>} : memref<8x2048xf32, #tpu.memory_space<vmem>>, vector<1x16xf32>,
        %swap3A_295 = vector.shape_cast %swap3A_294 : vector<1x16xf32> to vector<16xf32>
        %swap3A_296 = vector.shape_cast %add3A_290 : vector<16xf32> to vector<1x16xf32>
        tpu.vector_store %arg8[%swap3A_292, %swap3A_293], %swap3A_296 {strides = array<i32>} : memref<8x2048xf32, #tpu.memory_space<vmem>>, vector<1x16xf32>,
        %add3A_297 = arith.constant 64 : i32
        %add3A_298 = arith.addi %mul3A_222, %add3A_297 : i32
        %get3A_299 = arith.constant 2 : i32
        %get3A_300 = arith.index_cast %get3A_299 : i32 to index
        %get3A_301 = arith.index_cast %add3A_298 : i32 to index
        %get3A_302 = tpu.vector_load %arg8[%get3A_300, %get3A_301] {strides = array<i32>} : memref<8x2048xf32, #tpu.memory_space<vmem>>, vector<1x16xf32>,
        %get3A_303 = vector.shape_cast %get3A_302 : vector<1x16xf32> to vector<16xf32>
        %get3A_304 = arith.constant 2 : i32
        %get3A_305 = arith.index_cast %get3A_304 : i32 to index
        %get3A_306 = arith.index_cast %add3A_298 : i32 to index
        %get3A_307 = tpu.vector_load %arg9[%get3A_305, %get3A_306] {strides = array<i32>} : memref<8x2048xf32, #tpu.memory_space<vmem>>, vector<1x16xf32>,
        %get3A_308 = vector.shape_cast %get3A_307 : vector<1x16xf32> to vector<16xf32>
        %add3A_309 = arith.addf %get3A_303, %get3A_308 : vector<16xf32>
        %swap3A_310 = arith.constant 2 : i32
        %swap3A_311 = arith.index_cast %swap3A_310 : i32 to index
        %swap3A_312 = arith.index_cast %add3A_298 : i32 to index
        %swap3A_313 = tpu.vector_load %arg8[%swap3A_311, %swap3A_312] {strides = array<i32>} : memref<8x2048xf32, #tpu.memory_space<vmem>>, vector<1x16xf32>,
        %swap3A_314 = vector.shape_cast %swap3A_313 : vector<1x16xf32> to vector<16xf32>
        %swap3A_315 = vector.shape_cast %add3A_309 : vector<16xf32> to vector<1x16xf32>
        tpu.vector_store %arg8[%swap3A_311, %swap3A_312], %swap3A_315 {strides = array<i32>} : memref<8x2048xf32, #tpu.memory_space<vmem>>, vector<1x16xf32>,
        %add3A_316 = arith.constant 80 : i32
        %add3A_317 = arith.addi %mul3A_222, %add3A_316 : i32
        %get3A_318 = arith.constant 2 : i32
        %get3A_319 = arith.index_cast %get3A_318 : i32 to index
        %get3A_320 = arith.index_cast %add3A_317 : i32 to index
        %get3A_321 = tpu.vector_load %arg8[%get3A_319, %get3A_320] {strides = array<i32>} : memref<8x2048xf32, #tpu.memory_space<vmem>>, vector<1x16xf32>,
        %get3A_322 = vector.shape_cast %get3A_321 : vector<1x16xf32> to vector<16xf32>
        %get3A_323 = arith.constant 2 : i32
        %get3A_324 = arith.index_cast %get3A_323 : i32 to index
        %get3A_325 = arith.index_cast %add3A_317 : i32 to index
        %get3A_326 = tpu.vector_load %arg9[%get3A_324, %get3A_325] {strides = array<i32>} : memref<8x2048xf32, #tpu.memory_space<vmem>>, vector<1x16xf32>,
        %get3A_327 = vector.shape_cast %get3A_326 : vector<1x16xf32> to vector<16xf32>
        %add3A_328 = arith.addf %get3A_322, %get3A_327 : vector<16xf32>
        %swap3A_329 = arith.constant 2 : i32
        %swap3A_330 = arith.index_cast %swap3A_329 : i32 to index
        %swap3A_331 = arith.index_cast %add3A_317 : i32 to index
        %swap3A_332 = tpu.vector_load %arg8[%swap3A_330, %swap3A_331] {strides = array<i32>} : memref<8x2048xf32, #tpu.memory_space<vmem>>, vector<1x16xf32>,
        %swap3A_333 = vector.shape_cast %swap3A_332 : vector<1x16xf32> to vector<16xf32>
        %swap3A_334 = vector.shape_cast %add3A_328 : vector<16xf32> to vector<1x16xf32>
        tpu.vector_store %arg8[%swap3A_330, %swap3A_331], %swap3A_334 {strides = array<i32>} : memref<8x2048xf32, #tpu.memory_space<vmem>>, vector<1x16xf32>,
        %add3A_335 = arith.constant 96 : i32
        %add3A_336 = arith.addi %mul3A_222, %add3A_335 : i32
        %get3A_337 = arith.constant 2 : i32
        %get3A_338 = arith.index_cast %get3A_337 : i32 to index
        %get3A_339 = arith.index_cast %add3A_336 : i32 to index
        %get3A_340 = tpu.vector_load %arg8[%get3A_338, %get3A_339] {strides = array<i32>} : memref<8x2048xf32, #tpu.memory_space<vmem>>, vector<1x16xf32>,
        %get3A_341 = vector.shape_cast %get3A_340 : vector<1x16xf32> to vector<16xf32>
        %get3A_342 = arith.constant 2 : i32
        %get3A_343 = arith.index_cast %get3A_342 : i32 to index
        %get3A_344 = arith.index_cast %add3A_336 : i32 to index
        %get3A_345 = tpu.vector_load %arg9[%get3A_343, %get3A_344] {strides = array<i32>} : memref<8x2048xf32, #tpu.memory_space<vmem>>, vector<1x16xf32>,
        %get3A_346 = vector.shape_cast %get3A_345 : vector<1x16xf32> to vector<16xf32>
        %add3A_347 = arith.addf %get3A_341, %get3A_346 : vector<16xf32>
        %swap3A_348 = arith.constant 2 : i32
        %swap3A_349 = arith.index_cast %swap3A_348 : i32 to index
        %swap3A_350 = arith.index_cast %add3A_336 : i32 to index
        %swap3A_351 = tpu.vector_load %arg8[%swap3A_349, %swap3A_350] {strides = array<i32>} : memref<8x2048xf32, #tpu.memory_space<vmem>>, vector<1x16xf32>,
        %swap3A_352 = vector.shape_cast %swap3A_351 : vector<1x16xf32> to vector<16xf32>
        %swap3A_353 = vector.shape_cast %add3A_347 : vector<16xf32> to vector<1x16xf32>
        tpu.vector_store %arg8[%swap3A_349, %swap3A_350], %swap3A_353 {strides = array<i32>} : memref<8x2048xf32, #tpu.memory_space<vmem>>, vector<1x16xf32>,
        %add3A_354 = arith.constant 112 : i32
        %add3A_355 = arith.addi %mul3A_222, %add3A_354 : i32
        %get3A_356 = arith.constant 2 : i32
        %get3A_357 = arith.index_cast %get3A_356 : i32 to index
        %get3A_358 = arith.index_cast %add3A_355 : i32 to index
        %get3A_359 = tpu.vector_load %arg8[%get3A_357, %get3A_358] {strides = array<i32>} : memref<8x2048xf32, #tpu.memory_space<vmem>>, vector<1x16xf32>,
        %get3A_360 = vector.shape_cast %get3A_359 : vector<1x16xf32> to vector<16xf32>
        %get3A_361 = arith.constant 2 : i32
        %get3A_362 = arith.index_cast %get3A_361 : i32 to index
        %get3A_363 = arith.index_cast %add3A_355 : i32 to index
        %get3A_364 = tpu.vector_load %arg9[%get3A_362, %get3A_363] {strides = array<i32>} : memref<8x2048xf32, #tpu.memory_space<vmem>>, vector<1x16xf32>,
        %get3A_365 = vector.shape_cast %get3A_364 : vector<1x16xf32> to vector<16xf32>
        %add3A_366 = arith.addf %get3A_360, %get3A_365 : vector<16xf32>
        %swap3A_367 = arith.constant 2 : i32
        %swap3A_368 = arith.index_cast %swap3A_367 : i32 to index
        %swap3A_369 = arith.index_cast %add3A_355 : i32 to index
        %swap3A_370 = tpu.vector_load %arg8[%swap3A_368, %swap3A_369] {strides = array<i32>} : memref<8x2048xf32, #tpu.memory_space<vmem>>, vector<1x16xf32>,
        %swap3A_371 = vector.shape_cast %swap3A_370 : vector<1x16xf32> to vector<16xf32>
        %swap3A_372 = vector.shape_cast %add3A_366 : vector<16xf32> to vector<1x16xf32>
        tpu.vector_store %arg8[%swap3A_368, %swap3A_369], %swap3A_372 {strides = array<i32>} : memref<8x2048xf32, #tpu.memory_space<vmem>>, vector<1x16xf32>,
        %scan3A_373 = arith.constant 0 : i32
        scf.yield %scan3A_373 : i32
      }
      %scan3A_91 = arith.constant 16 : i32
      %scan3A_92 = arith.constant 0 : i32
      %scan3A_93 = arith.constant 0 : i32
      %scan3A_94 = arith.constant 16 : i32
      %scan3A_95 = arith.addi %scan3A_93, %scan3A_94 : i32
      %scan3A_96 = arith.constant 1 : i32
      %scan3A_97 = scf.for %scan3A_219 = %scan3A_93 to %scan3A_95 step %scan3A_96 iter_args(%scan3A_220 = %scan3A_92) -> (i32)  : i32 {
        %mul3A_221 = arith.constant 128 : i32
        %mul3A_222 = arith.muli %scan3A_219, %mul3A_221 : i32
        %add3A_223 = arith.constant 0 : i32
        %add3A_224 = arith.addi %mul3A_222, %add3A_223 : i32
        %get3A = arith.constant 3 : i32
        %get3A_225 = arith.index_cast %get3A : i32 to index
        %get3A_226 = arith.index_cast %add3A_224 : i32 to index
        %get3A_227 = tpu.vector_load %arg8[%get3A_225, %get3A_226] {strides = array<i32>} : memref<8x2048xf32, #tpu.memory_space<vmem>>, vector<1x16xf32>,
        %get3A_228 = vector.shape_cast %get3A_227 : vector<1x16xf32> to vector<16xf32>
        %get3A_229 = arith.constant 3 : i32
        %get3A_230 = arith.index_cast %get3A_229 : i32 to index
        %get3A_231 = arith.index_cast %add3A_224 : i32 to index
        %get3A_232 = tpu.vector_load %arg9[%get3A_230, %get3A_231] {strides = array<i32>} : memref<8x2048xf32, #tpu.memory_space<vmem>>, vector<1x16xf32>,
        %get3A_233 = vector.shape_cast %get3A_232 : vector<1x16xf32> to vector<16xf32>
        %add3A_234 = arith.addf %get3A_228, %get3A_233 : vector<16xf32>
        %swap3A = arith.constant 3 : i32
        %swap3A_235 = arith.index_cast %swap3A : i32 to index
        %swap3A_236 = arith.index_cast %add3A_224 : i32 to index
        %swap3A_237 = tpu.vector_load %arg8[%swap3A_235, %swap3A_236] {strides = array<i32>} : memref<8x2048xf32, #tpu.memory_space<vmem>>, vector<1x16xf32>,
        %swap3A_238 = vector.shape_cast %swap3A_237 : vector<1x16xf32> to vector<16xf32>
        %swap3A_239 = vector.shape_cast %add3A_234 : vector<16xf32> to vector<1x16xf32>
        tpu.vector_store %arg8[%swap3A_235, %swap3A_236], %swap3A_239 {strides = array<i32>} : memref<8x2048xf32, #tpu.memory_space<vmem>>, vector<1x16xf32>,
        %add3A_240 = arith.constant 16 : i32
        %add3A_241 = arith.addi %mul3A_222, %add3A_240 : i32
        %get3A_242 = arith.constant 3 : i32
        %get3A_243 = arith.index_cast %get3A_242 : i32 to index
        %get3A_244 = arith.index_cast %add3A_241 : i32 to index
        %get3A_245 = tpu.vector_load %arg8[%get3A_243, %get3A_244] {strides = array<i32>} : memref<8x2048xf32, #tpu.memory_space<vmem>>, vector<1x16xf32>,
        %get3A_246 = vector.shape_cast %get3A_245 : vector<1x16xf32> to vector<16xf32>
        %get3A_247 = arith.constant 3 : i32
        %get3A_248 = arith.index_cast %get3A_247 : i32 to index
        %get3A_249 = arith.index_cast %add3A_241 : i32 to index
        %get3A_250 = tpu.vector_load %arg9[%get3A_248, %get3A_249] {strides = array<i32>} : memref<8x2048xf32, #tpu.memory_space<vmem>>, vector<1x16xf32>,
        %get3A_251 = vector.shape_cast %get3A_250 : vector<1x16xf32> to vector<16xf32>
        %add3A_252 = arith.addf %get3A_246, %get3A_251 : vector<16xf32>
        %swap3A_253 = arith.constant 3 : i32
        %swap3A_254 = arith.index_cast %swap3A_253 : i32 to index
        %swap3A_255 = arith.index_cast %add3A_241 : i32 to index
        %swap3A_256 = tpu.vector_load %arg8[%swap3A_254, %swap3A_255] {strides = array<i32>} : memref<8x2048xf32, #tpu.memory_space<vmem>>, vector<1x16xf32>,
        %swap3A_257 = vector.shape_cast %swap3A_256 : vector<1x16xf32> to vector<16xf32>
        %swap3A_258 = vector.shape_cast %add3A_252 : vector<16xf32> to vector<1x16xf32>
        tpu.vector_store %arg8[%swap3A_254, %swap3A_255], %swap3A_258 {strides = array<i32>} : memref<8x2048xf32, #tpu.memory_space<vmem>>, vector<1x16xf32>,
        %add3A_259 = arith.constant 32 : i32
        %add3A_260 = arith.addi %mul3A_222, %add3A_259 : i32
        %get3A_261 = arith.constant 3 : i32
        %get3A_262 = arith.index_cast %get3A_261 : i32 to index
        %get3A_263 = arith.index_cast %add3A_260 : i32 to index
        %get3A_264 = tpu.vector_load %arg8[%get3A_262, %get3A_263] {strides = array<i32>} : memref<8x2048xf32, #tpu.memory_space<vmem>>, vector<1x16xf32>,
        %get3A_265 = vector.shape_cast %get3A_264 : vector<1x16xf32> to vector<16xf32>
        %get3A_266 = arith.constant 3 : i32
        %get3A_267 = arith.index_cast %get3A_266 : i32 to index
        %get3A_268 = arith.index_cast %add3A_260 : i32 to index
        %get3A_269 = tpu.vector_load %arg9[%get3A_267, %get3A_268] {strides = array<i32>} : memref<8x2048xf32, #tpu.memory_space<vmem>>, vector<1x16xf32>,
        %get3A_270 = vector.shape_cast %get3A_269 : vector<1x16xf32> to vector<16xf32>
        %add3A_271 = arith.addf %get3A_265, %get3A_270 : vector<16xf32>
        %swap3A_272 = arith.constant 3 : i32
        %swap3A_273 = arith.index_cast %swap3A_272 : i32 to index
        %swap3A_274 = arith.index_cast %add3A_260 : i32 to index
        %swap3A_275 = tpu.vector_load %arg8[%swap3A_273, %swap3A_274] {strides = array<i32>} : memref<8x2048xf32, #tpu.memory_space<vmem>>, vector<1x16xf32>,
        %swap3A_276 = vector.shape_cast %swap3A_275 : vector<1x16xf32> to vector<16xf32>
        %swap3A_277 = vector.shape_cast %add3A_271 : vector<16xf32> to vector<1x16xf32>
        tpu.vector_store %arg8[%swap3A_273, %swap3A_274], %swap3A_277 {strides = array<i32>} : memref<8x2048xf32, #tpu.memory_space<vmem>>, vector<1x16xf32>,
        %add3A_278 = arith.constant 48 : i32
        %add3A_279 = arith.addi %mul3A_222, %add3A_278 : i32
        %get3A_280 = arith.constant 3 : i32
        %get3A_281 = arith.index_cast %get3A_280 : i32 to index
        %get3A_282 = arith.index_cast %add3A_279 : i32 to index
        %get3A_283 = tpu.vector_load %arg8[%get3A_281, %get3A_282] {strides = array<i32>} : memref<8x2048xf32, #tpu.memory_space<vmem>>, vector<1x16xf32>,
        %get3A_284 = vector.shape_cast %get3A_283 : vector<1x16xf32> to vector<16xf32>
        %get3A_285 = arith.constant 3 : i32
        %get3A_286 = arith.index_cast %get3A_285 : i32 to index
        %get3A_287 = arith.index_cast %add3A_279 : i32 to index
        %get3A_288 = tpu.vector_load %arg9[%get3A_286, %get3A_287] {strides = array<i32>} : memref<8x2048xf32, #tpu.memory_space<vmem>>, vector<1x16xf32>,
        %get3A_289 = vector.shape_cast %get3A_288 : vector<1x16xf32> to vector<16xf32>
        %add3A_290 = arith.addf %get3A_284, %get3A_289 : vector<16xf32>
        %swap3A_291 = arith.constant 3 : i32
        %swap3A_292 = arith.index_cast %swap3A_291 : i32 to index
        %swap3A_293 = arith.index_cast %add3A_279 : i32 to index
        %swap3A_294 = tpu.vector_load %arg8[%swap3A_292, %swap3A_293] {strides = array<i32>} : memref<8x2048xf32, #tpu.memory_space<vmem>>, vector<1x16xf32>,
        %swap3A_295 = vector.shape_cast %swap3A_294 : vector<1x16xf32> to vector<16xf32>
        %swap3A_296 = vector.shape_cast %add3A_290 : vector<16xf32> to vector<1x16xf32>
        tpu.vector_store %arg8[%swap3A_292, %swap3A_293], %swap3A_296 {strides = array<i32>} : memref<8x2048xf32, #tpu.memory_space<vmem>>, vector<1x16xf32>,
        %add3A_297 = arith.constant 64 : i32
        %add3A_298 = arith.addi %mul3A_222, %add3A_297 : i32
        %get3A_299 = arith.constant 3 : i32
        %get3A_300 = arith.index_cast %get3A_299 : i32 to index
        %get3A_301 = arith.index_cast %add3A_298 : i32 to index
        %get3A_302 = tpu.vector_load %arg8[%get3A_300, %get3A_301] {strides = array<i32>} : memref<8x2048xf32, #tpu.memory_space<vmem>>, vector<1x16xf32>,
        %get3A_303 = vector.shape_cast %get3A_302 : vector<1x16xf32> to vector<16xf32>
        %get3A_304 = arith.constant 3 : i32
        %get3A_305 = arith.index_cast %get3A_304 : i32 to index
        %get3A_306 = arith.index_cast %add3A_298 : i32 to index
        %get3A_307 = tpu.vector_load %arg9[%get3A_305, %get3A_306] {strides = array<i32>} : memref<8x2048xf32, #tpu.memory_space<vmem>>, vector<1x16xf32>,
        %get3A_308 = vector.shape_cast %get3A_307 : vector<1x16xf32> to vector<16xf32>
        %add3A_309 = arith.addf %get3A_303, %get3A_308 : vector<16xf32>
        %swap3A_310 = arith.constant 3 : i32
        %swap3A_311 = arith.index_cast %swap3A_310 : i32 to index
        %swap3A_312 = arith.index_cast %add3A_298 : i32 to index
        %swap3A_313 = tpu.vector_load %arg8[%swap3A_311, %swap3A_312] {strides = array<i32>} : memref<8x2048xf32, #tpu.memory_space<vmem>>, vector<1x16xf32>,
        %swap3A_314 = vector.shape_cast %swap3A_313 : vector<1x16xf32> to vector<16xf32>
        %swap3A_315 = vector.shape_cast %add3A_309 : vector<16xf32> to vector<1x16xf32>
        tpu.vector_store %arg8[%swap3A_311, %swap3A_312], %swap3A_315 {strides = array<i32>} : memref<8x2048xf32, #tpu.memory_space<vmem>>, vector<1x16xf32>,
        %add3A_316 = arith.constant 80 : i32
        %add3A_317 = arith.addi %mul3A_222, %add3A_316 : i32
        %get3A_318 = arith.constant 3 : i32
        %get3A_319 = arith.index_cast %get3A_318 : i32 to index
        %get3A_320 = arith.index_cast %add3A_317 : i32 to index
        %get3A_321 = tpu.vector_load %arg8[%get3A_319, %get3A_320] {strides = array<i32>} : memref<8x2048xf32, #tpu.memory_space<vmem>>, vector<1x16xf32>,
        %get3A_322 = vector.shape_cast %get3A_321 : vector<1x16xf32> to vector<16xf32>
        %get3A_323 = arith.constant 3 : i32
        %get3A_324 = arith.index_cast %get3A_323 : i32 to index
        %get3A_325 = arith.index_cast %add3A_317 : i32 to index
        %get3A_326 = tpu.vector_load %arg9[%get3A_324, %get3A_325] {strides = array<i32>} : memref<8x2048xf32, #tpu.memory_space<vmem>>, vector<1x16xf32>,
        %get3A_327 = vector.shape_cast %get3A_326 : vector<1x16xf32> to vector<16xf32>
        %add3A_328 = arith.addf %get3A_322, %get3A_327 : vector<16xf32>
        %swap3A_329 = arith.constant 3 : i32
        %swap3A_330 = arith.index_cast %swap3A_329 : i32 to index
        %swap3A_331 = arith.index_cast %add3A_317 : i32 to index
        %swap3A_332 = tpu.vector_load %arg8[%swap3A_330, %swap3A_331] {strides = array<i32>} : memref<8x2048xf32, #tpu.memory_space<vmem>>, vector<1x16xf32>,
        %swap3A_333 = vector.shape_cast %swap3A_332 : vector<1x16xf32> to vector<16xf32>
        %swap3A_334 = vector.shape_cast %add3A_328 : vector<16xf32> to vector<1x16xf32>
        tpu.vector_store %arg8[%swap3A_330, %swap3A_331], %swap3A_334 {strides = array<i32>} : memref<8x2048xf32, #tpu.memory_space<vmem>>, vector<1x16xf32>,
        %add3A_335 = arith.constant 96 : i32
        %add3A_336 = arith.addi %mul3A_222, %add3A_335 : i32
        %get3A_337 = arith.constant 3 : i32
        %get3A_338 = arith.index_cast %get3A_337 : i32 to index
        %get3A_339 = arith.index_cast %add3A_336 : i32 to index
        %get3A_340 = tpu.vector_load %arg8[%get3A_338, %get3A_339] {strides = array<i32>} : memref<8x2048xf32, #tpu.memory_space<vmem>>, vector<1x16xf32>,
        %get3A_341 = vector.shape_cast %get3A_340 : vector<1x16xf32> to vector<16xf32>
        %get3A_342 = arith.constant 3 : i32
        %get3A_343 = arith.index_cast %get3A_342 : i32 to index
        %get3A_344 = arith.index_cast %add3A_336 : i32 to index
        %get3A_345 = tpu.vector_load %arg9[%get3A_343, %get3A_344] {strides = array<i32>} : memref<8x2048xf32, #tpu.memory_space<vmem>>, vector<1x16xf32>,
        %get3A_346 = vector.shape_cast %get3A_345 : vector<1x16xf32> to vector<16xf32>
        %add3A_347 = arith.addf %get3A_341, %get3A_346 : vector<16xf32>
        %swap3A_348 = arith.constant 3 : i32
        %swap3A_349 = arith.index_cast %swap3A_348 : i32 to index
        %swap3A_350 = arith.index_cast %add3A_336 : i32 to index
        %swap3A_351 = tpu.vector_load %arg8[%swap3A_349, %swap3A_350] {strides = array<i32>} : memref<8x2048xf32, #tpu.memory_space<vmem>>, vector<1x16xf32>,
        %swap3A_352 = vector.shape_cast %swap3A_351 : vector<1x16xf32> to vector<16xf32>
        %swap3A_353 = vector.shape_cast %add3A_347 : vector<16xf32> to vector<1x16xf32>
        tpu.vector_store %arg8[%swap3A_349, %swap3A_350], %swap3A_353 {strides = array<i32>} : memref<8x2048xf32, #tpu.memory_space<vmem>>, vector<1x16xf32>,
        %add3A_354 = arith.constant 112 : i32
        %add3A_355 = arith.addi %mul3A_222, %add3A_354 : i32
        %get3A_356 = arith.constant 3 : i32
        %get3A_357 = arith.index_cast %get3A_356 : i32 to index
        %get3A_358 = arith.index_cast %add3A_355 : i32 to index
        %get3A_359 = tpu.vector_load %arg8[%get3A_357, %get3A_358] {strides = array<i32>} : memref<8x2048xf32, #tpu.memory_space<vmem>>, vector<1x16xf32>,
        %get3A_360 = vector.shape_cast %get3A_359 : vector<1x16xf32> to vector<16xf32>
        %get3A_361 = arith.constant 3 : i32
        %get3A_362 = arith.index_cast %get3A_361 : i32 to index
        %get3A_363 = arith.index_cast %add3A_355 : i32 to index
        %get3A_364 = tpu.vector_load %arg9[%get3A_362, %get3A_363] {strides = array<i32>} : memref<8x2048xf32, #tpu.memory_space<vmem>>, vector<1x16xf32>,
        %get3A_365 = vector.shape_cast %get3A_364 : vector<1x16xf32> to vector<16xf32>
        %add3A_366 = arith.addf %get3A_360, %get3A_365 : vector<16xf32>
        %swap3A_367 = arith.constant 3 : i32
        %swap3A_368 = arith.index_cast %swap3A_367 : i32 to index
        %swap3A_369 = arith.index_cast %add3A_355 : i32 to index
        %swap3A_370 = tpu.vector_load %arg8[%swap3A_368, %swap3A_369] {strides = array<i32>} : memref<8x2048xf32, #tpu.memory_space<vmem>>, vector<1x16xf32>,
        %swap3A_371 = vector.shape_cast %swap3A_370 : vector<1x16xf32> to vector<16xf32>
        %swap3A_372 = vector.shape_cast %add3A_366 : vector<16xf32> to vector<1x16xf32>
        tpu.vector_store %arg8[%swap3A_368, %swap3A_369], %swap3A_372 {strides = array<i32>} : memref<8x2048xf32, #tpu.memory_space<vmem>>, vector<1x16xf32>,
        %scan3A_373 = arith.constant 0 : i32
        scf.yield %scan3A_373 : i32
      }
      %scan3A_98 = arith.constant 16 : i32
      %scan3A_99 = arith.constant 0 : i32
      %scan3A_100 = arith.constant 0 : i32
      %scan3A_101 = arith.constant 16 : i32
      %scan3A_102 = arith.addi %scan3A_100, %scan3A_101 : i32
      %scan3A_103 = arith.constant 1 : i32
      %scan3A_104 = scf.for %scan3A_219 = %scan3A_100 to %scan3A_102 step %scan3A_103 iter_args(%scan3A_220 = %scan3A_99) -> (i32)  : i32 {
        %mul3A_221 = arith.constant 128 : i32
        %mul3A_222 = arith.muli %scan3A_219, %mul3A_221 : i32
        %add3A_223 = arith.constant 0 : i32
        %add3A_224 = arith.addi %mul3A_222, %add3A_223 : i32
        %get3A = arith.constant 4 : i32
        %get3A_225 = arith.index_cast %get3A : i32 to index
        %get3A_226 = arith.index_cast %add3A_224 : i32 to index
        %get3A_227 = tpu.vector_load %arg8[%get3A_225, %get3A_226] {strides = array<i32>} : memref<8x2048xf32, #tpu.memory_space<vmem>>, vector<1x16xf32>,
        %get3A_228 = vector.shape_cast %get3A_227 : vector<1x16xf32> to vector<16xf32>
        %get3A_229 = arith.constant 4 : i32
        %get3A_230 = arith.index_cast %get3A_229 : i32 to index
        %get3A_231 = arith.index_cast %add3A_224 : i32 to index
        %get3A_232 = tpu.vector_load %arg9[%get3A_230, %get3A_231] {strides = array<i32>} : memref<8x2048xf32, #tpu.memory_space<vmem>>, vector<1x16xf32>,
        %get3A_233 = vector.shape_cast %get3A_232 : vector<1x16xf32> to vector<16xf32>
        %add3A_234 = arith.addf %get3A_228, %get3A_233 : vector<16xf32>
        %swap3A = arith.constant 4 : i32
        %swap3A_235 = arith.index_cast %swap3A : i32 to index
        %swap3A_236 = arith.index_cast %add3A_224 : i32 to index
        %swap3A_237 = tpu.vector_load %arg8[%swap3A_235, %swap3A_236] {strides = array<i32>} : memref<8x2048xf32, #tpu.memory_space<vmem>>, vector<1x16xf32>,
        %swap3A_238 = vector.shape_cast %swap3A_237 : vector<1x16xf32> to vector<16xf32>
        %swap3A_239 = vector.shape_cast %add3A_234 : vector<16xf32> to vector<1x16xf32>
        tpu.vector_store %arg8[%swap3A_235, %swap3A_236], %swap3A_239 {strides = array<i32>} : memref<8x2048xf32, #tpu.memory_space<vmem>>, vector<1x16xf32>,
        %add3A_240 = arith.constant 16 : i32
        %add3A_241 = arith.addi %mul3A_222, %add3A_240 : i32
        %get3A_242 = arith.constant 4 : i32
        %get3A_243 = arith.index_cast %get3A_242 : i32 to index
        %get3A_244 = arith.index_cast %add3A_241 : i32 to index
        %get3A_245 = tpu.vector_load %arg8[%get3A_243, %get3A_244] {strides = array<i32>} : memref<8x2048xf32, #tpu.memory_space<vmem>>, vector<1x16xf32>,
        %get3A_246 = vector.shape_cast %get3A_245 : vector<1x16xf32> to vector<16xf32>
        %get3A_247 = arith.constant 4 : i32
        %get3A_248 = arith.index_cast %get3A_247 : i32 to index
        %get3A_249 = arith.index_cast %add3A_241 : i32 to index
        %get3A_250 = tpu.vector_load %arg9[%get3A_248, %get3A_249] {strides = array<i32>} : memref<8x2048xf32, #tpu.memory_space<vmem>>, vector<1x16xf32>,
        %get3A_251 = vector.shape_cast %get3A_250 : vector<1x16xf32> to vector<16xf32>
        %add3A_252 = arith.addf %get3A_246, %get3A_251 : vector<16xf32>
        %swap3A_253 = arith.constant 4 : i32
        %swap3A_254 = arith.index_cast %swap3A_253 : i32 to index
        %swap3A_255 = arith.index_cast %add3A_241 : i32 to index
        %swap3A_256 = tpu.vector_load %arg8[%swap3A_254, %swap3A_255] {strides = array<i32>} : memref<8x2048xf32, #tpu.memory_space<vmem>>, vector<1x16xf32>,
        %swap3A_257 = vector.shape_cast %swap3A_256 : vector<1x16xf32> to vector<16xf32>
        %swap3A_258 = vector.shape_cast %add3A_252 : vector<16xf32> to vector<1x16xf32>
        tpu.vector_store %arg8[%swap3A_254, %swap3A_255], %swap3A_258 {strides = array<i32>} : memref<8x2048xf32, #tpu.memory_space<vmem>>, vector<1x16xf32>,
        %add3A_259 = arith.constant 32 : i32
        %add3A_260 = arith.addi %mul3A_222, %add3A_259 : i32
        %get3A_261 = arith.constant 4 : i32
        %get3A_262 = arith.index_cast %get3A_261 : i32 to index
        %get3A_263 = arith.index_cast %add3A_260 : i32 to index
        %get3A_264 = tpu.vector_load %arg8[%get3A_262, %get3A_263] {strides = array<i32>} : memref<8x2048xf32, #tpu.memory_space<vmem>>, vector<1x16xf32>,
        %get3A_265 = vector.shape_cast %get3A_264 : vector<1x16xf32> to vector<16xf32>
        %get3A_266 = arith.constant 4 : i32
        %get3A_267 = arith.index_cast %get3A_266 : i32 to index
        %get3A_268 = arith.index_cast %add3A_260 : i32 to index
        %get3A_269 = tpu.vector_load %arg9[%get3A_267, %get3A_268] {strides = array<i32>} : memref<8x2048xf32, #tpu.memory_space<vmem>>, vector<1x16xf32>,
        %get3A_270 = vector.shape_cast %get3A_269 : vector<1x16xf32> to vector<16xf32>
        %add3A_271 = arith.addf %get3A_265, %get3A_270 : vector<16xf32>
        %swap3A_272 = arith.constant 4 : i32
        %swap3A_273 = arith.index_cast %swap3A_272 : i32 to index
        %swap3A_274 = arith.index_cast %add3A_260 : i32 to index
        %swap3A_275 = tpu.vector_load %arg8[%swap3A_273, %swap3A_274] {strides = array<i32>} : memref<8x2048xf32, #tpu.memory_space<vmem>>, vector<1x16xf32>,
        %swap3A_276 = vector.shape_cast %swap3A_275 : vector<1x16xf32> to vector<16xf32>
        %swap3A_277 = vector.shape_cast %add3A_271 : vector<16xf32> to vector<1x16xf32>
        tpu.vector_store %arg8[%swap3A_273, %swap3A_274], %swap3A_277 {strides = array<i32>} : memref<8x2048xf32, #tpu.memory_space<vmem>>, vector<1x16xf32>,
        %add3A_278 = arith.constant 48 : i32
        %add3A_279 = arith.addi %mul3A_222, %add3A_278 : i32
        %get3A_280 = arith.constant 4 : i32
        %get3A_281 = arith.index_cast %get3A_280 : i32 to index
        %get3A_282 = arith.index_cast %add3A_279 : i32 to index
        %get3A_283 = tpu.vector_load %arg8[%get3A_281, %get3A_282] {strides = array<i32>} : memref<8x2048xf32, #tpu.memory_space<vmem>>, vector<1x16xf32>,
        %get3A_284 = vector.shape_cast %get3A_283 : vector<1x16xf32> to vector<16xf32>
        %get3A_285 = arith.constant 4 : i32
        %get3A_286 = arith.index_cast %get3A_285 : i32 to index
        %get3A_287 = arith.index_cast %add3A_279 : i32 to index
        %get3A_288 = tpu.vector_load %arg9[%get3A_286, %get3A_287] {strides = array<i32>} : memref<8x2048xf32, #tpu.memory_space<vmem>>, vector<1x16xf32>,
        %get3A_289 = vector.shape_cast %get3A_288 : vector<1x16xf32> to vector<16xf32>
        %add3A_290 = arith.addf %get3A_284, %get3A_289 : vector<16xf32>
        %swap3A_291 = arith.constant 4 : i32
        %swap3A_292 = arith.index_cast %swap3A_291 : i32 to index
        %swap3A_293 = arith.index_cast %add3A_279 : i32 to index
        %swap3A_294 = tpu.vector_load %arg8[%swap3A_292, %swap3A_293] {strides = array<i32>} : memref<8x2048xf32, #tpu.memory_space<vmem>>, vector<1x16xf32>,
        %swap3A_295 = vector.shape_cast %swap3A_294 : vector<1x16xf32> to vector<16xf32>
        %swap3A_296 = vector.shape_cast %add3A_290 : vector<16xf32> to vector<1x16xf32>
        tpu.vector_store %arg8[%swap3A_292, %swap3A_293], %swap3A_296 {strides = array<i32>} : memref<8x2048xf32, #tpu.memory_space<vmem>>, vector<1x16xf32>,
        %add3A_297 = arith.constant 64 : i32
        %add3A_298 = arith.addi %mul3A_222, %add3A_297 : i32
        %get3A_299 = arith.constant 4 : i32
        %get3A_300 = arith.index_cast %get3A_299 : i32 to index
        %get3A_301 = arith.index_cast %add3A_298 : i32 to index
        %get3A_302 = tpu.vector_load %arg8[%get3A_300, %get3A_301] {strides = array<i32>} : memref<8x2048xf32, #tpu.memory_space<vmem>>, vector<1x16xf32>,
        %get3A_303 = vector.shape_cast %get3A_302 : vector<1x16xf32> to vector<16xf32>
        %get3A_304 = arith.constant 4 : i32
        %get3A_305 = arith.index_cast %get3A_304 : i32 to index
        %get3A_306 = arith.index_cast %add3A_298 : i32 to index
        %get3A_307 = tpu.vector_load %arg9[%get3A_305, %get3A_306] {strides = array<i32>} : memref<8x2048xf32, #tpu.memory_space<vmem>>, vector<1x16xf32>,
        %get3A_308 = vector.shape_cast %get3A_307 : vector<1x16xf32> to vector<16xf32>
        %add3A_309 = arith.addf %get3A_303, %get3A_308 : vector<16xf32>
        %swap3A_310 = arith.constant 4 : i32
        %swap3A_311 = arith.index_cast %swap3A_310 : i32 to index
        %swap3A_312 = arith.index_cast %add3A_298 : i32 to index
        %swap3A_313 = tpu.vector_load %arg8[%swap3A_311, %swap3A_312] {strides = array<i32>} : memref<8x2048xf32, #tpu.memory_space<vmem>>, vector<1x16xf32>,
        %swap3A_314 = vector.shape_cast %swap3A_313 : vector<1x16xf32> to vector<16xf32>
        %swap3A_315 = vector.shape_cast %add3A_309 : vector<16xf32> to vector<1x16xf32>
        tpu.vector_store %arg8[%swap3A_311, %swap3A_312], %swap3A_315 {strides = array<i32>} : memref<8x2048xf32, #tpu.memory_space<vmem>>, vector<1x16xf32>,
        %add3A_316 = arith.constant 80 : i32
        %add3A_317 = arith.addi %mul3A_222, %add3A_316 : i32
        %get3A_318 = arith.constant 4 : i32
        %get3A_319 = arith.index_cast %get3A_318 : i32 to index
        %get3A_320 = arith.index_cast %add3A_317 : i32 to index
        %get3A_321 = tpu.vector_load %arg8[%get3A_319, %get3A_320] {strides = array<i32>} : memref<8x2048xf32, #tpu.memory_space<vmem>>, vector<1x16xf32>,
        %get3A_322 = vector.shape_cast %get3A_321 : vector<1x16xf32> to vector<16xf32>
        %get3A_323 = arith.constant 4 : i32
        %get3A_324 = arith.index_cast %get3A_323 : i32 to index
        %get3A_325 = arith.index_cast %add3A_317 : i32 to index
        %get3A_326 = tpu.vector_load %arg9[%get3A_324, %get3A_325] {strides = array<i32>} : memref<8x2048xf32, #tpu.memory_space<vmem>>, vector<1x16xf32>,
        %get3A_327 = vector.shape_cast %get3A_326 : vector<1x16xf32> to vector<16xf32>
        %add3A_328 = arith.addf %get3A_322, %get3A_327 : vector<16xf32>
        %swap3A_329 = arith.constant 4 : i32
        %swap3A_330 = arith.index_cast %swap3A_329 : i32 to index
        %swap3A_331 = arith.index_cast %add3A_317 : i32 to index
        %swap3A_332 = tpu.vector_load %arg8[%swap3A_330, %swap3A_331] {strides = array<i32>} : memref<8x2048xf32, #tpu.memory_space<vmem>>, vector<1x16xf32>,
        %swap3A_333 = vector.shape_cast %swap3A_332 : vector<1x16xf32> to vector<16xf32>
        %swap3A_334 = vector.shape_cast %add3A_328 : vector<16xf32> to vector<1x16xf32>
        tpu.vector_store %arg8[%swap3A_330, %swap3A_331], %swap3A_334 {strides = array<i32>} : memref<8x2048xf32, #tpu.memory_space<vmem>>, vector<1x16xf32>,
        %add3A_335 = arith.constant 96 : i32
        %add3A_336 = arith.addi %mul3A_222, %add3A_335 : i32
        %get3A_337 = arith.constant 4 : i32
        %get3A_338 = arith.index_cast %get3A_337 : i32 to index
        %get3A_339 = arith.index_cast %add3A_336 : i32 to index
        %get3A_340 = tpu.vector_load %arg8[%get3A_338, %get3A_339] {strides = array<i32>} : memref<8x2048xf32, #tpu.memory_space<vmem>>, vector<1x16xf32>,
        %get3A_341 = vector.shape_cast %get3A_340 : vector<1x16xf32> to vector<16xf32>
        %get3A_342 = arith.constant 4 : i32
        %get3A_343 = arith.index_cast %get3A_342 : i32 to index
        %get3A_344 = arith.index_cast %add3A_336 : i32 to index
        %get3A_345 = tpu.vector_load %arg9[%get3A_343, %get3A_344] {strides = array<i32>} : memref<8x2048xf32, #tpu.memory_space<vmem>>, vector<1x16xf32>,
        %get3A_346 = vector.shape_cast %get3A_345 : vector<1x16xf32> to vector<16xf32>
        %add3A_347 = arith.addf %get3A_341, %get3A_346 : vector<16xf32>
        %swap3A_348 = arith.constant 4 : i32
        %swap3A_349 = arith.index_cast %swap3A_348 : i32 to index
        %swap3A_350 = arith.index_cast %add3A_336 : i32 to index
        %swap3A_351 = tpu.vector_load %arg8[%swap3A_349, %swap3A_350] {strides = array<i32>} : memref<8x2048xf32, #tpu.memory_space<vmem>>, vector<1x16xf32>,
        %swap3A_352 = vector.shape_cast %swap3A_351 : vector<1x16xf32> to vector<16xf32>
        %swap3A_353 = vector.shape_cast %add3A_347 : vector<16xf32> to vector<1x16xf32>
        tpu.vector_store %arg8[%swap3A_349, %swap3A_350], %swap3A_353 {strides = array<i32>} : memref<8x2048xf32, #tpu.memory_space<vmem>>, vector<1x16xf32>,
        %add3A_354 = arith.constant 112 : i32
        %add3A_355 = arith.addi %mul3A_222, %add3A_354 : i32
        %get3A_356 = arith.constant 4 : i32
        %get3A_357 = arith.index_cast %get3A_356 : i32 to index
        %get3A_358 = arith.index_cast %add3A_355 : i32 to index
        %get3A_359 = tpu.vector_load %arg8[%get3A_357, %get3A_358] {strides = array<i32>} : memref<8x2048xf32, #tpu.memory_space<vmem>>, vector<1x16xf32>,
        %get3A_360 = vector.shape_cast %get3A_359 : vector<1x16xf32> to vector<16xf32>
        %get3A_361 = arith.constant 4 : i32
        %get3A_362 = arith.index_cast %get3A_361 : i32 to index
        %get3A_363 = arith.index_cast %add3A_355 : i32 to index
        %get3A_364 = tpu.vector_load %arg9[%get3A_362, %get3A_363] {strides = array<i32>} : memref<8x2048xf32, #tpu.memory_space<vmem>>, vector<1x16xf32>,
        %get3A_365 = vector.shape_cast %get3A_364 : vector<1x16xf32> to vector<16xf32>
        %add3A_366 = arith.addf %get3A_360, %get3A_365 : vector<16xf32>
        %swap3A_367 = arith.constant 4 : i32
        %swap3A_368 = arith.index_cast %swap3A_367 : i32 to index
        %swap3A_369 = arith.index_cast %add3A_355 : i32 to index
        %swap3A_370 = tpu.vector_load %arg8[%swap3A_368, %swap3A_369] {strides = array<i32>} : memref<8x2048xf32, #tpu.memory_space<vmem>>, vector<1x16xf32>,
        %swap3A_371 = vector.shape_cast %swap3A_370 : vector<1x16xf32> to vector<16xf32>
        %swap3A_372 = vector.shape_cast %add3A_366 : vector<16xf32> to vector<1x16xf32>
        tpu.vector_store %arg8[%swap3A_368, %swap3A_369], %swap3A_372 {strides = array<i32>} : memref<8x2048xf32, #tpu.memory_space<vmem>>, vector<1x16xf32>,
        %scan3A_373 = arith.constant 0 : i32
        scf.yield %scan3A_373 : i32
      }
      %scan3A_105 = arith.constant 16 : i32
      %scan3A_106 = arith.constant 0 : i32
      %scan3A_107 = arith.constant 0 : i32
      %scan3A_108 = arith.constant 16 : i32
      %scan3A_109 = arith.addi %scan3A_107, %scan3A_108 : i32
      %scan3A_110 = arith.constant 1 : i32
      %scan3A_111 = scf.for %scan3A_219 = %scan3A_107 to %scan3A_109 step %scan3A_110 iter_args(%scan3A_220 = %scan3A_106) -> (i32)  : i32 {
        %mul3A_221 = arith.constant 128 : i32
        %mul3A_222 = arith.muli %scan3A_219, %mul3A_221 : i32
        %add3A_223 = arith.constant 0 : i32
        %add3A_224 = arith.addi %mul3A_222, %add3A_223 : i32
        %get3A = arith.constant 5 : i32
        %get3A_225 = arith.index_cast %get3A : i32 to index
        %get3A_226 = arith.index_cast %add3A_224 : i32 to index
        %get3A_227 = tpu.vector_load %arg8[%get3A_225, %get3A_226] {strides = array<i32>} : memref<8x2048xf32, #tpu.memory_space<vmem>>, vector<1x16xf32>,
        %get3A_228 = vector.shape_cast %get3A_227 : vector<1x16xf32> to vector<16xf32>
        %get3A_229 = arith.constant 5 : i32
        %get3A_230 = arith.index_cast %get3A_229 : i32 to index
        %get3A_231 = arith.index_cast %add3A_224 : i32 to index
        %get3A_232 = tpu.vector_load %arg9[%get3A_230, %get3A_231] {strides = array<i32>} : memref<8x2048xf32, #tpu.memory_space<vmem>>, vector<1x16xf32>,
        %get3A_233 = vector.shape_cast %get3A_232 : vector<1x16xf32> to vector<16xf32>
        %add3A_234 = arith.addf %get3A_228, %get3A_233 : vector<16xf32>
        %swap3A = arith.constant 5 : i32
        %swap3A_235 = arith.index_cast %swap3A : i32 to index
        %swap3A_236 = arith.index_cast %add3A_224 : i32 to index
        %swap3A_237 = tpu.vector_load %arg8[%swap3A_235, %swap3A_236] {strides = array<i32>} : memref<8x2048xf32, #tpu.memory_space<vmem>>, vector<1x16xf32>,
        %swap3A_238 = vector.shape_cast %swap3A_237 : vector<1x16xf32> to vector<16xf32>
        %swap3A_239 = vector.shape_cast %add3A_234 : vector<16xf32> to vector<1x16xf32>
        tpu.vector_store %arg8[%swap3A_235, %swap3A_236], %swap3A_239 {strides = array<i32>} : memref<8x2048xf32, #tpu.memory_space<vmem>>, vector<1x16xf32>,
        %add3A_240 = arith.constant 16 : i32
        %add3A_241 = arith.addi %mul3A_222, %add3A_240 : i32
        %get3A_242 = arith.constant 5 : i32
        %get3A_243 = arith.index_cast %get3A_242 : i32 to index
        %get3A_244 = arith.index_cast %add3A_241 : i32 to index
        %get3A_245 = tpu.vector_load %arg8[%get3A_243, %get3A_244] {strides = array<i32>} : memref<8x2048xf32, #tpu.memory_space<vmem>>, vector<1x16xf32>,
        %get3A_246 = vector.shape_cast %get3A_245 : vector<1x16xf32> to vector<16xf32>
        %get3A_247 = arith.constant 5 : i32
        %get3A_248 = arith.index_cast %get3A_247 : i32 to index
        %get3A_249 = arith.index_cast %add3A_241 : i32 to index
        %get3A_250 = tpu.vector_load %arg9[%get3A_248, %get3A_249] {strides = array<i32>} : memref<8x2048xf32, #tpu.memory_space<vmem>>, vector<1x16xf32>,
        %get3A_251 = vector.shape_cast %get3A_250 : vector<1x16xf32> to vector<16xf32>
        %add3A_252 = arith.addf %get3A_246, %get3A_251 : vector<16xf32>
        %swap3A_253 = arith.constant 5 : i32
        %swap3A_254 = arith.index_cast %swap3A_253 : i32 to index
        %swap3A_255 = arith.index_cast %add3A_241 : i32 to index
        %swap3A_256 = tpu.vector_load %arg8[%swap3A_254, %swap3A_255] {strides = array<i32>} : memref<8x2048xf32, #tpu.memory_space<vmem>>, vector<1x16xf32>,
        %swap3A_257 = vector.shape_cast %swap3A_256 : vector<1x16xf32> to vector<16xf32>
        %swap3A_258 = vector.shape_cast %add3A_252 : vector<16xf32> to vector<1x16xf32>
        tpu.vector_store %arg8[%swap3A_254, %swap3A_255], %swap3A_258 {strides = array<i32>} : memref<8x2048xf32, #tpu.memory_space<vmem>>, vector<1x16xf32>,
        %add3A_259 = arith.constant 32 : i32
        %add3A_260 = arith.addi %mul3A_222, %add3A_259 : i32
        %get3A_261 = arith.constant 5 : i32
        %get3A_262 = arith.index_cast %get3A_261 : i32 to index
        %get3A_263 = arith.index_cast %add3A_260 : i32 to index
        %get3A_264 = tpu.vector_load %arg8[%get3A_262, %get3A_263] {strides = array<i32>} : memref<8x2048xf32, #tpu.memory_space<vmem>>, vector<1x16xf32>,
        %get3A_265 = vector.shape_cast %get3A_264 : vector<1x16xf32> to vector<16xf32>
        %get3A_266 = arith.constant 5 : i32
        %get3A_267 = arith.index_cast %get3A_266 : i32 to index
        %get3A_268 = arith.index_cast %add3A_260 : i32 to index
        %get3A_269 = tpu.vector_load %arg9[%get3A_267, %get3A_268] {strides = array<i32>} : memref<8x2048xf32, #tpu.memory_space<vmem>>, vector<1x16xf32>,
        %get3A_270 = vector.shape_cast %get3A_269 : vector<1x16xf32> to vector<16xf32>
        %add3A_271 = arith.addf %get3A_265, %get3A_270 : vector<16xf32>
        %swap3A_272 = arith.constant 5 : i32
        %swap3A_273 = arith.index_cast %swap3A_272 : i32 to index
        %swap3A_274 = arith.index_cast %add3A_260 : i32 to index
        %swap3A_275 = tpu.vector_load %arg8[%swap3A_273, %swap3A_274] {strides = array<i32>} : memref<8x2048xf32, #tpu.memory_space<vmem>>, vector<1x16xf32>,
        %swap3A_276 = vector.shape_cast %swap3A_275 : vector<1x16xf32> to vector<16xf32>
        %swap3A_277 = vector.shape_cast %add3A_271 : vector<16xf32> to vector<1x16xf32>
        tpu.vector_store %arg8[%swap3A_273, %swap3A_274], %swap3A_277 {strides = array<i32>} : memref<8x2048xf32, #tpu.memory_space<vmem>>, vector<1x16xf32>,
        %add3A_278 = arith.constant 48 : i32
        %add3A_279 = arith.addi %mul3A_222, %add3A_278 : i32
        %get3A_280 = arith.constant 5 : i32
        %get3A_281 = arith.index_cast %get3A_280 : i32 to index
        %get3A_282 = arith.index_cast %add3A_279 : i32 to index
        %get3A_283 = tpu.vector_load %arg8[%get3A_281, %get3A_282] {strides = array<i32>} : memref<8x2048xf32, #tpu.memory_space<vmem>>, vector<1x16xf32>,
        %get3A_284 = vector.shape_cast %get3A_283 : vector<1x16xf32> to vector<16xf32>
        %get3A_285 = arith.constant 5 : i32
        %get3A_286 = arith.index_cast %get3A_285 : i32 to index
        %get3A_287 = arith.index_cast %add3A_279 : i32 to index
        %get3A_288 = tpu.vector_load %arg9[%get3A_286, %get3A_287] {strides = array<i32>} : memref<8x2048xf32, #tpu.memory_space<vmem>>, vector<1x16xf32>,
        %get3A_289 = vector.shape_cast %get3A_288 : vector<1x16xf32> to vector<16xf32>
        %add3A_290 = arith.addf %get3A_284, %get3A_289 : vector<16xf32>
        %swap3A_291 = arith.constant 5 : i32
        %swap3A_292 = arith.index_cast %swap3A_291 : i32 to index
        %swap3A_293 = arith.index_cast %add3A_279 : i32 to index
        %swap3A_294 = tpu.vector_load %arg8[%swap3A_292, %swap3A_293] {strides = array<i32>} : memref<8x2048xf32, #tpu.memory_space<vmem>>, vector<1x16xf32>,
        %swap3A_295 = vector.shape_cast %swap3A_294 : vector<1x16xf32> to vector<16xf32>
        %swap3A_296 = vector.shape_cast %add3A_290 : vector<16xf32> to vector<1x16xf32>
        tpu.vector_store %arg8[%swap3A_292, %swap3A_293], %swap3A_296 {strides = array<i32>} : memref<8x2048xf32, #tpu.memory_space<vmem>>, vector<1x16xf32>,
        %add3A_297 = arith.constant 64 : i32
        %add3A_298 = arith.addi %mul3A_222, %add3A_297 : i32
        %get3A_299 = arith.constant 5 : i32
        %get3A_300 = arith.index_cast %get3A_299 : i32 to index
        %get3A_301 = arith.index_cast %add3A_298 : i32 to index
        %get3A_302 = tpu.vector_load %arg8[%get3A_300, %get3A_301] {strides = array<i32>} : memref<8x2048xf32, #tpu.memory_space<vmem>>, vector<1x16xf32>,
        %get3A_303 = vector.shape_cast %get3A_302 : vector<1x16xf32> to vector<16xf32>
        %get3A_304 = arith.constant 5 : i32
        %get3A_305 = arith.index_cast %get3A_304 : i32 to index
        %get3A_306 = arith.index_cast %add3A_298 : i32 to index
        %get3A_307 = tpu.vector_load %arg9[%get3A_305, %get3A_306] {strides = array<i32>} : memref<8x2048xf32, #tpu.memory_space<vmem>>, vector<1x16xf32>,
        %get3A_308 = vector.shape_cast %get3A_307 : vector<1x16xf32> to vector<16xf32>
        %add3A_309 = arith.addf %get3A_303, %get3A_308 : vector<16xf32>
        %swap3A_310 = arith.constant 5 : i32
        %swap3A_311 = arith.index_cast %swap3A_310 : i32 to index
        %swap3A_312 = arith.index_cast %add3A_298 : i32 to index
        %swap3A_313 = tpu.vector_load %arg8[%swap3A_311, %swap3A_312] {strides = array<i32>} : memref<8x2048xf32, #tpu.memory_space<vmem>>, vector<1x16xf32>,
        %swap3A_314 = vector.shape_cast %swap3A_313 : vector<1x16xf32> to vector<16xf32>
        %swap3A_315 = vector.shape_cast %add3A_309 : vector<16xf32> to vector<1x16xf32>
        tpu.vector_store %arg8[%swap3A_311, %swap3A_312], %swap3A_315 {strides = array<i32>} : memref<8x2048xf32, #tpu.memory_space<vmem>>, vector<1x16xf32>,
        %add3A_316 = arith.constant 80 : i32
        %add3A_317 = arith.addi %mul3A_222, %add3A_316 : i32
        %get3A_318 = arith.constant 5 : i32
        %get3A_319 = arith.index_cast %get3A_318 : i32 to index
        %get3A_320 = arith.index_cast %add3A_317 : i32 to index
        %get3A_321 = tpu.vector_load %arg8[%get3A_319, %get3A_320] {strides = array<i32>} : memref<8x2048xf32, #tpu.memory_space<vmem>>, vector<1x16xf32>,
        %get3A_322 = vector.shape_cast %get3A_321 : vector<1x16xf32> to vector<16xf32>
        %get3A_323 = arith.constant 5 : i32
        %get3A_324 = arith.index_cast %get3A_323 : i32 to index
        %get3A_325 = arith.index_cast %add3A_317 : i32 to index
        %get3A_326 = tpu.vector_load %arg9[%get3A_324, %get3A_325] {strides = array<i32>} : memref<8x2048xf32, #tpu.memory_space<vmem>>, vector<1x16xf32>,
        %get3A_327 = vector.shape_cast %get3A_326 : vector<1x16xf32> to vector<16xf32>
        %add3A_328 = arith.addf %get3A_322, %get3A_327 : vector<16xf32>
        %swap3A_329 = arith.constant 5 : i32
        %swap3A_330 = arith.index_cast %swap3A_329 : i32 to index
        %swap3A_331 = arith.index_cast %add3A_317 : i32 to index
        %swap3A_332 = tpu.vector_load %arg8[%swap3A_330, %swap3A_331] {strides = array<i32>} : memref<8x2048xf32, #tpu.memory_space<vmem>>, vector<1x16xf32>,
        %swap3A_333 = vector.shape_cast %swap3A_332 : vector<1x16xf32> to vector<16xf32>
        %swap3A_334 = vector.shape_cast %add3A_328 : vector<16xf32> to vector<1x16xf32>
        tpu.vector_store %arg8[%swap3A_330, %swap3A_331], %swap3A_334 {strides = array<i32>} : memref<8x2048xf32, #tpu.memory_space<vmem>>, vector<1x16xf32>,
        %add3A_335 = arith.constant 96 : i32
        %add3A_336 = arith.addi %mul3A_222, %add3A_335 : i32
        %get3A_337 = arith.constant 5 : i32
        %get3A_338 = arith.index_cast %get3A_337 : i32 to index
        %get3A_339 = arith.index_cast %add3A_336 : i32 to index
        %get3A_340 = tpu.vector_load %arg8[%get3A_338, %get3A_339] {strides = array<i32>} : memref<8x2048xf32, #tpu.memory_space<vmem>>, vector<1x16xf32>,
        %get3A_341 = vector.shape_cast %get3A_340 : vector<1x16xf32> to vector<16xf32>
        %get3A_342 = arith.constant 5 : i32
        %get3A_343 = arith.index_cast %get3A_342 : i32 to index
        %get3A_344 = arith.index_cast %add3A_336 : i32 to index
        %get3A_345 = tpu.vector_load %arg9[%get3A_343, %get3A_344] {strides = array<i32>} : memref<8x2048xf32, #tpu.memory_space<vmem>>, vector<1x16xf32>,
        %get3A_346 = vector.shape_cast %get3A_345 : vector<1x16xf32> to vector<16xf32>
        %add3A_347 = arith.addf %get3A_341, %get3A_346 : vector<16xf32>
        %swap3A_348 = arith.constant 5 : i32
        %swap3A_349 = arith.index_cast %swap3A_348 : i32 to index
        %swap3A_350 = arith.index_cast %add3A_336 : i32 to index
        %swap3A_351 = tpu.vector_load %arg8[%swap3A_349, %swap3A_350] {strides = array<i32>} : memref<8x2048xf32, #tpu.memory_space<vmem>>, vector<1x16xf32>,
        %swap3A_352 = vector.shape_cast %swap3A_351 : vector<1x16xf32> to vector<16xf32>
        %swap3A_353 = vector.shape_cast %add3A_347 : vector<16xf32> to vector<1x16xf32>
        tpu.vector_store %arg8[%swap3A_349, %swap3A_350], %swap3A_353 {strides = array<i32>} : memref<8x2048xf32, #tpu.memory_space<vmem>>, vector<1x16xf32>,
        %add3A_354 = arith.constant 112 : i32
        %add3A_355 = arith.addi %mul3A_222, %add3A_354 : i32
        %get3A_356 = arith.constant 5 : i32
        %get3A_357 = arith.index_cast %get3A_356 : i32 to index
        %get3A_358 = arith.index_cast %add3A_355 : i32 to index
        %get3A_359 = tpu.vector_load %arg8[%get3A_357, %get3A_358] {strides = array<i32>} : memref<8x2048xf32, #tpu.memory_space<vmem>>, vector<1x16xf32>,
        %get3A_360 = vector.shape_cast %get3A_359 : vector<1x16xf32> to vector<16xf32>
        %get3A_361 = arith.constant 5 : i32
        %get3A_362 = arith.index_cast %get3A_361 : i32 to index
        %get3A_363 = arith.index_cast %add3A_355 : i32 to index
        %get3A_364 = tpu.vector_load %arg9[%get3A_362, %get3A_363] {strides = array<i32>} : memref<8x2048xf32, #tpu.memory_space<vmem>>, vector<1x16xf32>,
        %get3A_365 = vector.shape_cast %get3A_364 : vector<1x16xf32> to vector<16xf32>
        %add3A_366 = arith.addf %get3A_360, %get3A_365 : vector<16xf32>
        %swap3A_367 = arith.constant 5 : i32
        %swap3A_368 = arith.index_cast %swap3A_367 : i32 to index
        %swap3A_369 = arith.index_cast %add3A_355 : i32 to index
        %swap3A_370 = tpu.vector_load %arg8[%swap3A_368, %swap3A_369] {strides = array<i32>} : memref<8x2048xf32, #tpu.memory_space<vmem>>, vector<1x16xf32>,
        %swap3A_371 = vector.shape_cast %swap3A_370 : vector<1x16xf32> to vector<16xf32>
        %swap3A_372 = vector.shape_cast %add3A_366 : vector<16xf32> to vector<1x16xf32>
        tpu.vector_store %arg8[%swap3A_368, %swap3A_369], %swap3A_372 {strides = array<i32>} : memref<8x2048xf32, #tpu.memory_space<vmem>>, vector<1x16xf32>,
        %scan3A_373 = arith.constant 0 : i32
        scf.yield %scan3A_373 : i32
      }
      %scan3A_112 = arith.constant 16 : i32
      %scan3A_113 = arith.constant 0 : i32
      %scan3A_114 = arith.constant 0 : i32
      %scan3A_115 = arith.constant 16 : i32
      %scan3A_116 = arith.addi %scan3A_114, %scan3A_115 : i32
      %scan3A_117 = arith.constant 1 : i32
      %scan3A_118 = scf.for %scan3A_219 = %scan3A_114 to %scan3A_116 step %scan3A_117 iter_args(%scan3A_220 = %scan3A_113) -> (i32)  : i32 {
        %mul3A_221 = arith.constant 128 : i32
        %mul3A_222 = arith.muli %scan3A_219, %mul3A_221 : i32
        %add3A_223 = arith.constant 0 : i32
        %add3A_224 = arith.addi %mul3A_222, %add3A_223 : i32
        %get3A = arith.constant 6 : i32
        %get3A_225 = arith.index_cast %get3A : i32 to index
        %get3A_226 = arith.index_cast %add3A_224 : i32 to index
        %get3A_227 = tpu.vector_load %arg8[%get3A_225, %get3A_226] {strides = array<i32>} : memref<8x2048xf32, #tpu.memory_space<vmem>>, vector<1x16xf32>,
        %get3A_228 = vector.shape_cast %get3A_227 : vector<1x16xf32> to vector<16xf32>
        %get3A_229 = arith.constant 6 : i32
        %get3A_230 = arith.index_cast %get3A_229 : i32 to index
        %get3A_231 = arith.index_cast %add3A_224 : i32 to index
        %get3A_232 = tpu.vector_load %arg9[%get3A_230, %get3A_231] {strides = array<i32>} : memref<8x2048xf32, #tpu.memory_space<vmem>>, vector<1x16xf32>,
        %get3A_233 = vector.shape_cast %get3A_232 : vector<1x16xf32> to vector<16xf32>
        %add3A_234 = arith.addf %get3A_228, %get3A_233 : vector<16xf32>
        %swap3A = arith.constant 6 : i32
        %swap3A_235 = arith.index_cast %swap3A : i32 to index
        %swap3A_236 = arith.index_cast %add3A_224 : i32 to index
        %swap3A_237 = tpu.vector_load %arg8[%swap3A_235, %swap3A_236] {strides = array<i32>} : memref<8x2048xf32, #tpu.memory_space<vmem>>, vector<1x16xf32>,
        %swap3A_238 = vector.shape_cast %swap3A_237 : vector<1x16xf32> to vector<16xf32>
        %swap3A_239 = vector.shape_cast %add3A_234 : vector<16xf32> to vector<1x16xf32>
        tpu.vector_store %arg8[%swap3A_235, %swap3A_236], %swap3A_239 {strides = array<i32>} : memref<8x2048xf32, #tpu.memory_space<vmem>>, vector<1x16xf32>,
        %add3A_240 = arith.constant 16 : i32
        %add3A_241 = arith.addi %mul3A_222, %add3A_240 : i32
        %get3A_242 = arith.constant 6 : i32
        %get3A_243 = arith.index_cast %get3A_242 : i32 to index
        %get3A_244 = arith.index_cast %add3A_241 : i32 to index
        %get3A_245 = tpu.vector_load %arg8[%get3A_243, %get3A_244] {strides = array<i32>} : memref<8x2048xf32, #tpu.memory_space<vmem>>, vector<1x16xf32>,
        %get3A_246 = vector.shape_cast %get3A_245 : vector<1x16xf32> to vector<16xf32>
        %get3A_247 = arith.constant 6 : i32
        %get3A_248 = arith.index_cast %get3A_247 : i32 to index
        %get3A_249 = arith.index_cast %add3A_241 : i32 to index
        %get3A_250 = tpu.vector_load %arg9[%get3A_248, %get3A_249] {strides = array<i32>} : memref<8x2048xf32, #tpu.memory_space<vmem>>, vector<1x16xf32>,
        %get3A_251 = vector.shape_cast %get3A_250 : vector<1x16xf32> to vector<16xf32>
        %add3A_252 = arith.addf %get3A_246, %get3A_251 : vector<16xf32>
        %swap3A_253 = arith.constant 6 : i32
        %swap3A_254 = arith.index_cast %swap3A_253 : i32 to index
        %swap3A_255 = arith.index_cast %add3A_241 : i32 to index
        %swap3A_256 = tpu.vector_load %arg8[%swap3A_254, %swap3A_255] {strides = array<i32>} : memref<8x2048xf32, #tpu.memory_space<vmem>>, vector<1x16xf32>,
        %swap3A_257 = vector.shape_cast %swap3A_256 : vector<1x16xf32> to vector<16xf32>
        %swap3A_258 = vector.shape_cast %add3A_252 : vector<16xf32> to vector<1x16xf32>
        tpu.vector_store %arg8[%swap3A_254, %swap3A_255], %swap3A_258 {strides = array<i32>} : memref<8x2048xf32, #tpu.memory_space<vmem>>, vector<1x16xf32>,
        %add3A_259 = arith.constant 32 : i32
        %add3A_260 = arith.addi %mul3A_222, %add3A_259 : i32
        %get3A_261 = arith.constant 6 : i32
        %get3A_262 = arith.index_cast %get3A_261 : i32 to index
        %get3A_263 = arith.index_cast %add3A_260 : i32 to index
        %get3A_264 = tpu.vector_load %arg8[%get3A_262, %get3A_263] {strides = array<i32>} : memref<8x2048xf32, #tpu.memory_space<vmem>>, vector<1x16xf32>,
        %get3A_265 = vector.shape_cast %get3A_264 : vector<1x16xf32> to vector<16xf32>
        %get3A_266 = arith.constant 6 : i32
        %get3A_267 = arith.index_cast %get3A_266 : i32 to index
        %get3A_268 = arith.index_cast %add3A_260 : i32 to index
        %get3A_269 = tpu.vector_load %arg9[%get3A_267, %get3A_268] {strides = array<i32>} : memref<8x2048xf32, #tpu.memory_space<vmem>>, vector<1x16xf32>,
        %get3A_270 = vector.shape_cast %get3A_269 : vector<1x16xf32> to vector<16xf32>
        %add3A_271 = arith.addf %get3A_265, %get3A_270 : vector<16xf32>
        %swap3A_272 = arith.constant 6 : i32
        %swap3A_273 = arith.index_cast %swap3A_272 : i32 to index
        %swap3A_274 = arith.index_cast %add3A_260 : i32 to index
        %swap3A_275 = tpu.vector_load %arg8[%swap3A_273, %swap3A_274] {strides = array<i32>} : memref<8x2048xf32, #tpu.memory_space<vmem>>, vector<1x16xf32>,
        %swap3A_276 = vector.shape_cast %swap3A_275 : vector<1x16xf32> to vector<16xf32>
        %swap3A_277 = vector.shape_cast %add3A_271 : vector<16xf32> to vector<1x16xf32>
        tpu.vector_store %arg8[%swap3A_273, %swap3A_274], %swap3A_277 {strides = array<i32>} : memref<8x2048xf32, #tpu.memory_space<vmem>>, vector<1x16xf32>,
        %add3A_278 = arith.constant 48 : i32
        %add3A_279 = arith.addi %mul3A_222, %add3A_278 : i32
        %get3A_280 = arith.constant 6 : i32
        %get3A_281 = arith.index_cast %get3A_280 : i32 to index
        %get3A_282 = arith.index_cast %add3A_279 : i32 to index
        %get3A_283 = tpu.vector_load %arg8[%get3A_281, %get3A_282] {strides = array<i32>} : memref<8x2048xf32, #tpu.memory_space<vmem>>, vector<1x16xf32>,
        %get3A_284 = vector.shape_cast %get3A_283 : vector<1x16xf32> to vector<16xf32>
        %get3A_285 = arith.constant 6 : i32
        %get3A_286 = arith.index_cast %get3A_285 : i32 to index
        %get3A_287 = arith.index_cast %add3A_279 : i32 to index
        %get3A_288 = tpu.vector_load %arg9[%get3A_286, %get3A_287] {strides = array<i32>} : memref<8x2048xf32, #tpu.memory_space<vmem>>, vector<1x16xf32>,
        %get3A_289 = vector.shape_cast %get3A_288 : vector<1x16xf32> to vector<16xf32>
        %add3A_290 = arith.addf %get3A_284, %get3A_289 : vector<16xf32>
        %swap3A_291 = arith.constant 6 : i32
        %swap3A_292 = arith.index_cast %swap3A_291 : i32 to index
        %swap3A_293 = arith.index_cast %add3A_279 : i32 to index
        %swap3A_294 = tpu.vector_load %arg8[%swap3A_292, %swap3A_293] {strides = array<i32>} : memref<8x2048xf32, #tpu.memory_space<vmem>>, vector<1x16xf32>,
        %swap3A_295 = vector.shape_cast %swap3A_294 : vector<1x16xf32> to vector<16xf32>
        %swap3A_296 = vector.shape_cast %add3A_290 : vector<16xf32> to vector<1x16xf32>
        tpu.vector_store %arg8[%swap3A_292, %swap3A_293], %swap3A_296 {strides = array<i32>} : memref<8x2048xf32, #tpu.memory_space<vmem>>, vector<1x16xf32>,
        %add3A_297 = arith.constant 64 : i32
        %add3A_298 = arith.addi %mul3A_222, %add3A_297 : i32
        %get3A_299 = arith.constant 6 : i32
        %get3A_300 = arith.index_cast %get3A_299 : i32 to index
        %get3A_301 = arith.index_cast %add3A_298 : i32 to index
        %get3A_302 = tpu.vector_load %arg8[%get3A_300, %get3A_301] {strides = array<i32>} : memref<8x2048xf32, #tpu.memory_space<vmem>>, vector<1x16xf32>,
        %get3A_303 = vector.shape_cast %get3A_302 : vector<1x16xf32> to vector<16xf32>
        %get3A_304 = arith.constant 6 : i32
        %get3A_305 = arith.index_cast %get3A_304 : i32 to index
        %get3A_306 = arith.index_cast %add3A_298 : i32 to index
        %get3A_307 = tpu.vector_load %arg9[%get3A_305, %get3A_306] {strides = array<i32>} : memref<8x2048xf32, #tpu.memory_space<vmem>>, vector<1x16xf32>,
        %get3A_308 = vector.shape_cast %get3A_307 : vector<1x16xf32> to vector<16xf32>
        %add3A_309 = arith.addf %get3A_303, %get3A_308 : vector<16xf32>
        %swap3A_310 = arith.constant 6 : i32
        %swap3A_311 = arith.index_cast %swap3A_310 : i32 to index
        %swap3A_312 = arith.index_cast %add3A_298 : i32 to index
        %swap3A_313 = tpu.vector_load %arg8[%swap3A_311, %swap3A_312] {strides = array<i32>} : memref<8x2048xf32, #tpu.memory_space<vmem>>, vector<1x16xf32>,
        %swap3A_314 = vector.shape_cast %swap3A_313 : vector<1x16xf32> to vector<16xf32>
        %swap3A_315 = vector.shape_cast %add3A_309 : vector<16xf32> to vector<1x16xf32>
        tpu.vector_store %arg8[%swap3A_311, %swap3A_312], %swap3A_315 {strides = array<i32>} : memref<8x2048xf32, #tpu.memory_space<vmem>>, vector<1x16xf32>,
        %add3A_316 = arith.constant 80 : i32
        %add3A_317 = arith.addi %mul3A_222, %add3A_316 : i32
        %get3A_318 = arith.constant 6 : i32
        %get3A_319 = arith.index_cast %get3A_318 : i32 to index
        %get3A_320 = arith.index_cast %add3A_317 : i32 to index
        %get3A_321 = tpu.vector_load %arg8[%get3A_319, %get3A_320] {strides = array<i32>} : memref<8x2048xf32, #tpu.memory_space<vmem>>, vector<1x16xf32>,
        %get3A_322 = vector.shape_cast %get3A_321 : vector<1x16xf32> to vector<16xf32>
        %get3A_323 = arith.constant 6 : i32
        %get3A_324 = arith.index_cast %get3A_323 : i32 to index
        %get3A_325 = arith.index_cast %add3A_317 : i32 to index
        %get3A_326 = tpu.vector_load %arg9[%get3A_324, %get3A_325] {strides = array<i32>} : memref<8x2048xf32, #tpu.memory_space<vmem>>, vector<1x16xf32>,
        %get3A_327 = vector.shape_cast %get3A_326 : vector<1x16xf32> to vector<16xf32>
        %add3A_328 = arith.addf %get3A_322, %get3A_327 : vector<16xf32>
        %swap3A_329 = arith.constant 6 : i32
        %swap3A_330 = arith.index_cast %swap3A_329 : i32 to index
        %swap3A_331 = arith.index_cast %add3A_317 : i32 to index
        %swap3A_332 = tpu.vector_load %arg8[%swap3A_330, %swap3A_331] {strides = array<i32>} : memref<8x2048xf32, #tpu.memory_space<vmem>>, vector<1x16xf32>,
        %swap3A_333 = vector.shape_cast %swap3A_332 : vector<1x16xf32> to vector<16xf32>
        %swap3A_334 = vector.shape_cast %add3A_328 : vector<16xf32> to vector<1x16xf32>
        tpu.vector_store %arg8[%swap3A_330, %swap3A_331], %swap3A_334 {strides = array<i32>} : memref<8x2048xf32, #tpu.memory_space<vmem>>, vector<1x16xf32>,
        %add3A_335 = arith.constant 96 : i32
        %add3A_336 = arith.addi %mul3A_222, %add3A_335 : i32
        %get3A_337 = arith.constant 6 : i32
        %get3A_338 = arith.index_cast %get3A_337 : i32 to index
        %get3A_339 = arith.index_cast %add3A_336 : i32 to index
        %get3A_340 = tpu.vector_load %arg8[%get3A_338, %get3A_339] {strides = array<i32>} : memref<8x2048xf32, #tpu.memory_space<vmem>>, vector<1x16xf32>,
        %get3A_341 = vector.shape_cast %get3A_340 : vector<1x16xf32> to vector<16xf32>
        %get3A_342 = arith.constant 6 : i32
        %get3A_343 = arith.index_cast %get3A_342 : i32 to index
        %get3A_344 = arith.index_cast %add3A_336 : i32 to index
        %get3A_345 = tpu.vector_load %arg9[%get3A_343, %get3A_344] {strides = array<i32>} : memref<8x2048xf32, #tpu.memory_space<vmem>>, vector<1x16xf32>,
        %get3A_346 = vector.shape_cast %get3A_345 : vector<1x16xf32> to vector<16xf32>
        %add3A_347 = arith.addf %get3A_341, %get3A_346 : vector<16xf32>
        %swap3A_348 = arith.constant 6 : i32
        %swap3A_349 = arith.index_cast %swap3A_348 : i32 to index
        %swap3A_350 = arith.index_cast %add3A_336 : i32 to index
        %swap3A_351 = tpu.vector_load %arg8[%swap3A_349, %swap3A_350] {strides = array<i32>} : memref<8x2048xf32, #tpu.memory_space<vmem>>, vector<1x16xf32>,
        %swap3A_352 = vector.shape_cast %swap3A_351 : vector<1x16xf32> to vector<16xf32>
        %swap3A_353 = vector.shape_cast %add3A_347 : vector<16xf32> to vector<1x16xf32>
        tpu.vector_store %arg8[%swap3A_349, %swap3A_350], %swap3A_353 {strides = array<i32>} : memref<8x2048xf32, #tpu.memory_space<vmem>>, vector<1x16xf32>,
        %add3A_354 = arith.constant 112 : i32
        %add3A_355 = arith.addi %mul3A_222, %add3A_354 : i32
        %get3A_356 = arith.constant 6 : i32
        %get3A_357 = arith.index_cast %get3A_356 : i32 to index
        %get3A_358 = arith.index_cast %add3A_355 : i32 to index
        %get3A_359 = tpu.vector_load %arg8[%get3A_357, %get3A_358] {strides = array<i32>} : memref<8x2048xf32, #tpu.memory_space<vmem>>, vector<1x16xf32>,
        %get3A_360 = vector.shape_cast %get3A_359 : vector<1x16xf32> to vector<16xf32>
        %get3A_361 = arith.constant 6 : i32
        %get3A_362 = arith.index_cast %get3A_361 : i32 to index
        %get3A_363 = arith.index_cast %add3A_355 : i32 to index
        %get3A_364 = tpu.vector_load %arg9[%get3A_362, %get3A_363] {strides = array<i32>} : memref<8x2048xf32, #tpu.memory_space<vmem>>, vector<1x16xf32>,
        %get3A_365 = vector.shape_cast %get3A_364 : vector<1x16xf32> to vector<16xf32>
        %add3A_366 = arith.addf %get3A_360, %get3A_365 : vector<16xf32>
        %swap3A_367 = arith.constant 6 : i32
        %swap3A_368 = arith.index_cast %swap3A_367 : i32 to index
        %swap3A_369 = arith.index_cast %add3A_355 : i32 to index
        %swap3A_370 = tpu.vector_load %arg8[%swap3A_368, %swap3A_369] {strides = array<i32>} : memref<8x2048xf32, #tpu.memory_space<vmem>>, vector<1x16xf32>,
        %swap3A_371 = vector.shape_cast %swap3A_370 : vector<1x16xf32> to vector<16xf32>
        %swap3A_372 = vector.shape_cast %add3A_366 : vector<16xf32> to vector<1x16xf32>
        tpu.vector_store %arg8[%swap3A_368, %swap3A_369], %swap3A_372 {strides = array<i32>} : memref<8x2048xf32, #tpu.memory_space<vmem>>, vector<1x16xf32>,
        %scan3A_373 = arith.constant 0 : i32
        scf.yield %scan3A_373 : i32
      }
      %scan3A_119 = arith.constant 16 : i32
      %scan3A_120 = arith.constant 0 : i32
      %scan3A_121 = arith.constant 0 : i32
      %scan3A_122 = arith.constant 16 : i32
      %scan3A_123 = arith.addi %scan3A_121, %scan3A_122 : i32
      %scan3A_124 = arith.constant 1 : i32
      %scan3A_125 = scf.for %scan3A_219 = %scan3A_121 to %scan3A_123 step %scan3A_124 iter_args(%scan3A_220 = %scan3A_120) -> (i32)  : i32 {
        %mul3A_221 = arith.constant 128 : i32
        %mul3A_222 = arith.muli %scan3A_219, %mul3A_221 : i32
        %add3A_223 = arith.constant 0 : i32
        %add3A_224 = arith.addi %mul3A_222, %add3A_223 : i32
        %get3A = arith.constant 7 : i32
        %get3A_225 = arith.index_cast %get3A : i32 to index
        %get3A_226 = arith.index_cast %add3A_224 : i32 to index
        %get3A_227 = tpu.vector_load %arg8[%get3A_225, %get3A_226] {strides = array<i32>} : memref<8x2048xf32, #tpu.memory_space<vmem>>, vector<1x16xf32>,
        %get3A_228 = vector.shape_cast %get3A_227 : vector<1x16xf32> to vector<16xf32>
        %get3A_229 = arith.constant 7 : i32
        %get3A_230 = arith.index_cast %get3A_229 : i32 to index
        %get3A_231 = arith.index_cast %add3A_224 : i32 to index
        %get3A_232 = tpu.vector_load %arg9[%get3A_230, %get3A_231] {strides = array<i32>} : memref<8x2048xf32, #tpu.memory_space<vmem>>, vector<1x16xf32>,
        %get3A_233 = vector.shape_cast %get3A_232 : vector<1x16xf32> to vector<16xf32>
        %add3A_234 = arith.addf %get3A_228, %get3A_233 : vector<16xf32>
        %swap3A = arith.constant 7 : i32
        %swap3A_235 = arith.index_cast %swap3A : i32 to index
        %swap3A_236 = arith.index_cast %add3A_224 : i32 to index
        %swap3A_237 = tpu.vector_load %arg8[%swap3A_235, %swap3A_236] {strides = array<i32>} : memref<8x2048xf32, #tpu.memory_space<vmem>>, vector<1x16xf32>,
        %swap3A_238 = vector.shape_cast %swap3A_237 : vector<1x16xf32> to vector<16xf32>
        %swap3A_239 = vector.shape_cast %add3A_234 : vector<16xf32> to vector<1x16xf32>
        tpu.vector_store %arg8[%swap3A_235, %swap3A_236], %swap3A_239 {strides = array<i32>} : memref<8x2048xf32, #tpu.memory_space<vmem>>, vector<1x16xf32>,
        %add3A_240 = arith.constant 16 : i32
        %add3A_241 = arith.addi %mul3A_222, %add3A_240 : i32
        %get3A_242 = arith.constant 7 : i32
        %get3A_243 = arith.index_cast %get3A_242 : i32 to index
        %get3A_244 = arith.index_cast %add3A_241 : i32 to index
        %get3A_245 = tpu.vector_load %arg8[%get3A_243, %get3A_244] {strides = array<i32>} : memref<8x2048xf32, #tpu.memory_space<vmem>>, vector<1x16xf32>,
        %get3A_246 = vector.shape_cast %get3A_245 : vector<1x16xf32> to vector<16xf32>
        %get3A_247 = arith.constant 7 : i32
        %get3A_248 = arith.index_cast %get3A_247 : i32 to index
        %get3A_249 = arith.index_cast %add3A_241 : i32 to index
        %get3A_250 = tpu.vector_load %arg9[%get3A_248, %get3A_249] {strides = array<i32>} : memref<8x2048xf32, #tpu.memory_space<vmem>>, vector<1x16xf32>,
        %get3A_251 = vector.shape_cast %get3A_250 : vector<1x16xf32> to vector<16xf32>
        %add3A_252 = arith.addf %get3A_246, %get3A_251 : vector<16xf32>
        %swap3A_253 = arith.constant 7 : i32
        %swap3A_254 = arith.index_cast %swap3A_253 : i32 to index
        %swap3A_255 = arith.index_cast %add3A_241 : i32 to index
        %swap3A_256 = tpu.vector_load %arg8[%swap3A_254, %swap3A_255] {strides = array<i32>} : memref<8x2048xf32, #tpu.memory_space<vmem>>, vector<1x16xf32>,
        %swap3A_257 = vector.shape_cast %swap3A_256 : vector<1x16xf32> to vector<16xf32>
        %swap3A_258 = vector.shape_cast %add3A_252 : vector<16xf32> to vector<1x16xf32>
        tpu.vector_store %arg8[%swap3A_254, %swap3A_255], %swap3A_258 {strides = array<i32>} : memref<8x2048xf32, #tpu.memory_space<vmem>>, vector<1x16xf32>,
        %add3A_259 = arith.constant 32 : i32
        %add3A_260 = arith.addi %mul3A_222, %add3A_259 : i32
        %get3A_261 = arith.constant 7 : i32
        %get3A_262 = arith.index_cast %get3A_261 : i32 to index
        %get3A_263 = arith.index_cast %add3A_260 : i32 to index
        %get3A_264 = tpu.vector_load %arg8[%get3A_262, %get3A_263] {strides = array<i32>} : memref<8x2048xf32, #tpu.memory_space<vmem>>, vector<1x16xf32>,
        %get3A_265 = vector.shape_cast %get3A_264 : vector<1x16xf32> to vector<16xf32>
        %get3A_266 = arith.constant 7 : i32
        %get3A_267 = arith.index_cast %get3A_266 : i32 to index
        %get3A_268 = arith.index_cast %add3A_260 : i32 to index
        %get3A_269 = tpu.vector_load %arg9[%get3A_267, %get3A_268] {strides = array<i32>} : memref<8x2048xf32, #tpu.memory_space<vmem>>, vector<1x16xf32>,
        %get3A_270 = vector.shape_cast %get3A_269 : vector<1x16xf32> to vector<16xf32>
        %add3A_271 = arith.addf %get3A_265, %get3A_270 : vector<16xf32>
        %swap3A_272 = arith.constant 7 : i32
        %swap3A_273 = arith.index_cast %swap3A_272 : i32 to index
        %swap3A_274 = arith.index_cast %add3A_260 : i32 to index
        %swap3A_275 = tpu.vector_load %arg8[%swap3A_273, %swap3A_274] {strides = array<i32>} : memref<8x2048xf32, #tpu.memory_space<vmem>>, vector<1x16xf32>,
        %swap3A_276 = vector.shape_cast %swap3A_275 : vector<1x16xf32> to vector<16xf32>
        %swap3A_277 = vector.shape_cast %add3A_271 : vector<16xf32> to vector<1x16xf32>
        tpu.vector_store %arg8[%swap3A_273, %swap3A_274], %swap3A_277 {strides = array<i32>} : memref<8x2048xf32, #tpu.memory_space<vmem>>, vector<1x16xf32>,
        %add3A_278 = arith.constant 48 : i32
        %add3A_279 = arith.addi %mul3A_222, %add3A_278 : i32
        %get3A_280 = arith.constant 7 : i32
        %get3A_281 = arith.index_cast %get3A_280 : i32 to index
        %get3A_282 = arith.index_cast %add3A_279 : i32 to index
        %get3A_283 = tpu.vector_load %arg8[%get3A_281, %get3A_282] {strides = array<i32>} : memref<8x2048xf32, #tpu.memory_space<vmem>>, vector<1x16xf32>,
        %get3A_284 = vector.shape_cast %get3A_283 : vector<1x16xf32> to vector<16xf32>
        %get3A_285 = arith.constant 7 : i32
        %get3A_286 = arith.index_cast %get3A_285 : i32 to index
        %get3A_287 = arith.index_cast %add3A_279 : i32 to index
        %get3A_288 = tpu.vector_load %arg9[%get3A_286, %get3A_287] {strides = array<i32>} : memref<8x2048xf32, #tpu.memory_space<vmem>>, vector<1x16xf32>,
        %get3A_289 = vector.shape_cast %get3A_288 : vector<1x16xf32> to vector<16xf32>
        %add3A_290 = arith.addf %get3A_284, %get3A_289 : vector<16xf32>
        %swap3A_291 = arith.constant 7 : i32
        %swap3A_292 = arith.index_cast %swap3A_291 : i32 to index
        %swap3A_293 = arith.index_cast %add3A_279 : i32 to index
        %swap3A_294 = tpu.vector_load %arg8[%swap3A_292, %swap3A_293] {strides = array<i32>} : memref<8x2048xf32, #tpu.memory_space<vmem>>, vector<1x16xf32>,
        %swap3A_295 = vector.shape_cast %swap3A_294 : vector<1x16xf32> to vector<16xf32>
        %swap3A_296 = vector.shape_cast %add3A_290 : vector<16xf32> to vector<1x16xf32>
        tpu.vector_store %arg8[%swap3A_292, %swap3A_293], %swap3A_296 {strides = array<i32>} : memref<8x2048xf32, #tpu.memory_space<vmem>>, vector<1x16xf32>,
        %add3A_297 = arith.constant 64 : i32
        %add3A_298 = arith.addi %mul3A_222, %add3A_297 : i32
        %get3A_299 = arith.constant 7 : i32
        %get3A_300 = arith.index_cast %get3A_299 : i32 to index
        %get3A_301 = arith.index_cast %add3A_298 : i32 to index
        %get3A_302 = tpu.vector_load %arg8[%get3A_300, %get3A_301] {strides = array<i32>} : memref<8x2048xf32, #tpu.memory_space<vmem>>, vector<1x16xf32>,
        %get3A_303 = vector.shape_cast %get3A_302 : vector<1x16xf32> to vector<16xf32>
        %get3A_304 = arith.constant 7 : i32
        %get3A_305 = arith.index_cast %get3A_304 : i32 to index
        %get3A_306 = arith.index_cast %add3A_298 : i32 to index
        %get3A_307 = tpu.vector_load %arg9[%get3A_305, %get3A_306] {strides = array<i32>} : memref<8x2048xf32, #tpu.memory_space<vmem>>, vector<1x16xf32>,
        %get3A_308 = vector.shape_cast %get3A_307 : vector<1x16xf32> to vector<16xf32>
        %add3A_309 = arith.addf %get3A_303, %get3A_308 : vector<16xf32>
        %swap3A_310 = arith.constant 7 : i32
        %swap3A_311 = arith.index_cast %swap3A_310 : i32 to index
        %swap3A_312 = arith.index_cast %add3A_298 : i32 to index
        %swap3A_313 = tpu.vector_load %arg8[%swap3A_311, %swap3A_312] {strides = array<i32>} : memref<8x2048xf32, #tpu.memory_space<vmem>>, vector<1x16xf32>,
        %swap3A_314 = vector.shape_cast %swap3A_313 : vector<1x16xf32> to vector<16xf32>
        %swap3A_315 = vector.shape_cast %add3A_309 : vector<16xf32> to vector<1x16xf32>
        tpu.vector_store %arg8[%swap3A_311, %swap3A_312], %swap3A_315 {strides = array<i32>} : memref<8x2048xf32, #tpu.memory_space<vmem>>, vector<1x16xf32>,
        %add3A_316 = arith.constant 80 : i32
        %add3A_317 = arith.addi %mul3A_222, %add3A_316 : i32
        %get3A_318 = arith.constant 7 : i32
        %get3A_319 = arith.index_cast %get3A_318 : i32 to index
        %get3A_320 = arith.index_cast %add3A_317 : i32 to index
        %get3A_321 = tpu.vector_load %arg8[%get3A_319, %get3A_320] {strides = array<i32>} : memref<8x2048xf32, #tpu.memory_space<vmem>>, vector<1x16xf32>,
        %get3A_322 = vector.shape_cast %get3A_321 : vector<1x16xf32> to vector<16xf32>
        %get3A_323 = arith.constant 7 : i32
        %get3A_324 = arith.index_cast %get3A_323 : i32 to index
        %get3A_325 = arith.index_cast %add3A_317 : i32 to index
        %get3A_326 = tpu.vector_load %arg9[%get3A_324, %get3A_325] {strides = array<i32>} : memref<8x2048xf32, #tpu.memory_space<vmem>>, vector<1x16xf32>,
        %get3A_327 = vector.shape_cast %get3A_326 : vector<1x16xf32> to vector<16xf32>
        %add3A_328 = arith.addf %get3A_322, %get3A_327 : vector<16xf32>
        %swap3A_329 = arith.constant 7 : i32
        %swap3A_330 = arith.index_cast %swap3A_329 : i32 to index
        %swap3A_331 = arith.index_cast %add3A_317 : i32 to index
        %swap3A_332 = tpu.vector_load %arg8[%swap3A_330, %swap3A_331] {strides = array<i32>} : memref<8x2048xf32, #tpu.memory_space<vmem>>, vector<1x16xf32>,
        %swap3A_333 = vector.shape_cast %swap3A_332 : vector<1x16xf32> to vector<16xf32>
        %swap3A_334 = vector.shape_cast %add3A_328 : vector<16xf32> to vector<1x16xf32>
        tpu.vector_store %arg8[%swap3A_330, %swap3A_331], %swap3A_334 {strides = array<i32>} : memref<8x2048xf32, #tpu.memory_space<vmem>>, vector<1x16xf32>,
        %add3A_335 = arith.constant 96 : i32
        %add3A_336 = arith.addi %mul3A_222, %add3A_335 : i32
        %get3A_337 = arith.constant 7 : i32
        %get3A_338 = arith.index_cast %get3A_337 : i32 to index
        %get3A_339 = arith.index_cast %add3A_336 : i32 to index
        %get3A_340 = tpu.vector_load %arg8[%get3A_338, %get3A_339] {strides = array<i32>} : memref<8x2048xf32, #tpu.memory_space<vmem>>, vector<1x16xf32>,
        %get3A_341 = vector.shape_cast %get3A_340 : vector<1x16xf32> to vector<16xf32>
        %get3A_342 = arith.constant 7 : i32
        %get3A_343 = arith.index_cast %get3A_342 : i32 to index
        %get3A_344 = arith.index_cast %add3A_336 : i32 to index
        %get3A_345 = tpu.vector_load %arg9[%get3A_343, %get3A_344] {strides = array<i32>} : memref<8x2048xf32, #tpu.memory_space<vmem>>, vector<1x16xf32>,
        %get3A_346 = vector.shape_cast %get3A_345 : vector<1x16xf32> to vector<16xf32>
        %add3A_347 = arith.addf %get3A_341, %get3A_346 : vector<16xf32>
        %swap3A_348 = arith.constant 7 : i32
        %swap3A_349 = arith.index_cast %swap3A_348 : i32 to index
        %swap3A_350 = arith.index_cast %add3A_336 : i32 to index
        %swap3A_351 = tpu.vector_load %arg8[%swap3A_349, %swap3A_350] {strides = array<i32>} : memref<8x2048xf32, #tpu.memory_space<vmem>>, vector<1x16xf32>,
        %swap3A_352 = vector.shape_cast %swap3A_351 : vector<1x16xf32> to vector<16xf32>
        %swap3A_353 = vector.shape_cast %add3A_347 : vector<16xf32> to vector<1x16xf32>
        tpu.vector_store %arg8[%swap3A_349, %swap3A_350], %swap3A_353 {strides = array<i32>} : memref<8x2048xf32, #tpu.memory_space<vmem>>, vector<1x16xf32>,
        %add3A_354 = arith.constant 112 : i32
        %add3A_355 = arith.addi %mul3A_222, %add3A_354 : i32
        %get3A_356 = arith.constant 7 : i32
        %get3A_357 = arith.index_cast %get3A_356 : i32 to index
        %get3A_358 = arith.index_cast %add3A_355 : i32 to index
        %get3A_359 = tpu.vector_load %arg8[%get3A_357, %get3A_358] {strides = array<i32>} : memref<8x2048xf32, #tpu.memory_space<vmem>>, vector<1x16xf32>,
        %get3A_360 = vector.shape_cast %get3A_359 : vector<1x16xf32> to vector<16xf32>
        %get3A_361 = arith.constant 7 : i32
        %get3A_362 = arith.index_cast %get3A_361 : i32 to index
        %get3A_363 = arith.index_cast %add3A_355 : i32 to index
        %get3A_364 = tpu.vector_load %arg9[%get3A_362, %get3A_363] {strides = array<i32>} : memref<8x2048xf32, #tpu.memory_space<vmem>>, vector<1x16xf32>,
        %get3A_365 = vector.shape_cast %get3A_364 : vector<1x16xf32> to vector<16xf32>
        %add3A_366 = arith.addf %get3A_360, %get3A_365 : vector<16xf32>
        %swap3A_367 = arith.constant 7 : i32
        %swap3A_368 = arith.index_cast %swap3A_367 : i32 to index
        %swap3A_369 = arith.index_cast %add3A_355 : i32 to index
        %swap3A_370 = tpu.vector_load %arg8[%swap3A_368, %swap3A_369] {strides = array<i32>} : memref<8x2048xf32, #tpu.memory_space<vmem>>, vector<1x16xf32>,
        %swap3A_371 = vector.shape_cast %swap3A_370 : vector<1x16xf32> to vector<16xf32>
        %swap3A_372 = vector.shape_cast %add3A_366 : vector<16xf32> to vector<1x16xf32>
        tpu.vector_store %arg8[%swap3A_368, %swap3A_369], %swap3A_372 {strides = array<i32>} : memref<8x2048xf32, #tpu.memory_space<vmem>>, vector<1x16xf32>,
        %scan3A_373 = arith.constant 0 : i32
        scf.yield %scan3A_373 : i32
      }
      %scan3A_126 = arith.constant 16 : i32
      %mul3A_127 = arith.constant 8 : i32
      %mul3A_128 = arith.muli %mul3A_52, %mul3A_127 : i32
      %add3A_129 = arith.addi %mul3A_4, %mul3A_128 : i32
      %dma_start3A_130 = arith.constant 0 : i32
      %dma_start3A_131 = tpu.memref_slice %arg5[%add3A_129, %dma_start3A_130] : memref<8192x2048xf32, #tpu.memory_space<hbm>> -> memref<8x2048xf32, #tpu.memory_space<hbm>>
      %dma_start3A_132 = arith.constant 0 : i32
      %dma_start3A_133 = tpu.memref_slice %arg5[%add3A_129, %dma_start3A_132] : memref<8192x2048xf32, #tpu.memory_space<hbm>> -> memref<8x2048xf32, #tpu.memory_space<hbm>>
      tpu.enqueue_dma source(%arg8 : memref<8x2048xf32, #tpu.memory_space<vmem>>) target(%dma_start3A_133 : memref<8x2048xf32, #tpu.memory_space<hbm>>) target_semaphore(%arg16 : memref<!tpu.dma_semaphore, #tpu.memory_space<semaphore_mem>>)
      %lt3A = arith.constant 15 : i32
      %lt3A_134 = arith.cmpi slt, %scan3A_49, %lt3A : i32
      %convert_element_type3A = arith.extui %lt3A_134 : i1 to i32
      %cond3A = arith.constant 0 : i32
      %cond3A_135 = arith.cmpi ne, %convert_element_type3A, %cond3A : i32
      scf.if %cond3A_135 {
        %mul3A_219 = arith.constant 8 : i32
        %mul3A_220 = arith.muli %mul3A_52, %mul3A_219 : i32
        %add3A_221 = arith.addi %mul3A_4, %mul3A_220 : i32
        %dma_wait3A_222 = arith.constant 0 : i32
        %dma_wait3A_223 = tpu.memref_slice %arg5[%add3A_221, %dma_wait3A_222] : memref<8192x2048xf32, #tpu.memory_space<hbm>> -> memref<8x2048xf32, #tpu.memory_space<hbm>>
        %dma_wait3A_224 = arith.constant 0 : i32
        %dma_wait3A_225 = tpu.memref_slice %arg5[%add3A_221, %dma_wait3A_224] : memref<8192x2048xf32, #tpu.memory_space<hbm>> -> memref<8x2048xf32, #tpu.memory_space<hbm>>
        tpu.wait_dma2 semaphore(%arg16 : memref<!tpu.dma_semaphore, #tpu.memory_space<semaphore_mem>>) src(%arg8 : memref<8x2048xf32, #tpu.memory_space<vmem>>) dst(%dma_wait3A_225 : memref<8x2048xf32, #tpu.memory_space<hbm>>)
        %add3A_226 = arith.constant 2 : i32
        %add3A_227 = arith.addi %mul3A_52, %add3A_226 : i32
        %dma_start3A_228 = arith.constant 0 : i32
        %dma_start3A_229 = tpu.memref_slice %arg6[%add3A_227, %dma_start3A_228] : memref<32x8xi32, #tpu.memory_space<vmem>> -> memref<1x8xi32, #tpu.memory_space<vmem>>
        %dma_start3A_230 = tpu.memref_squeeze %dma_start3A_229 : memref<1x8xi32, #tpu.memory_space<vmem>> -> memref<8xi32, #tpu.memory_space<vmem>>
        %dma_start3A_231 = arith.constant 0 : i32
        %dma_start3A_232 = arith.constant 0 : i32
        %dma_start3A_233 = tpu.memref_slice %arg2[%dma_start3A_231, %dma_start3A_232] : memref<16384x2048xf32, #tpu.memory_space<hbm>> -> memref<16384x2048xf32, #tpu.memory_space<hbm>>
        tpu.enqueue_indirect_dma source(%dma_start3A_233 : memref<16384x2048xf32, #tpu.memory_space<hbm>>) target(%arg8 : memref<8x2048xf32, #tpu.memory_space<vmem>>) offsets(%dma_start3A_230 : memref<8xi32, #tpu.memory_space<vmem>>) semaphore(%arg12 : memref<!tpu.dma_semaphore, #tpu.memory_space<semaphore_mem>>)
        %dma_start3A_234 = arith.constant 0 : i32
        %dma_start3A_235 = tpu.memref_slice %arg7[%add3A_227, %dma_start3A_234] : memref<32x8xi32, #tpu.memory_space<vmem>> -> memref<1x8xi32, #tpu.memory_space<vmem>>
        %dma_start3A_236 = tpu.memref_squeeze %dma_start3A_235 : memref<1x8xi32, #tpu.memory_space<vmem>> -> memref<8xi32, #tpu.memory_space<vmem>>
        %dma_start3A_237 = arith.constant 0 : i32
        %dma_start3A_238 = arith.constant 0 : i32
        %dma_start3A_239 = tpu.memref_slice %arg2[%dma_start3A_237, %dma_start3A_238] : memref<16384x2048xf32, #tpu.memory_space<hbm>> -> memref<16384x2048xf32, #tpu.memory_space<hbm>>
        tpu.enqueue_indirect_dma source(%dma_start3A_239 : memref<16384x2048xf32, #tpu.memory_space<hbm>>) target(%arg9 : memref<8x2048xf32, #tpu.memory_space<vmem>>) offsets(%dma_start3A_236 : memref<8xi32, #tpu.memory_space<vmem>>) semaphore(%arg13 : memref<!tpu.dma_semaphore, #tpu.memory_space<semaphore_mem>>)
      } else {
      }
      %dma_wait3A_136 = arith.constant 0 : i32
      %dma_wait3A_137 = arith.constant 0 : i32
      %dma_wait3A_138 = tpu.memref_slice %arg6[%dma_wait3A_136, %dma_wait3A_137] : memref<32x8xi32, #tpu.memory_space<vmem>> -> memref<1x8xi32, #tpu.memory_space<vmem>>
      %dma_wait3A_139 = tpu.memref_squeeze %dma_wait3A_138 : memref<1x8xi32, #tpu.memory_space<vmem>> -> memref<8xi32, #tpu.memory_space<vmem>>
      %dma_wait3A_140 = arith.constant 0 : i32
      %dma_wait3A_141 = arith.constant 0 : i32
      %dma_wait3A_142 = tpu.memref_slice %arg2[%dma_wait3A_140, %dma_wait3A_141] : memref<16384x2048xf32, #tpu.memory_space<hbm>> -> memref<16384x2048xf32, #tpu.memory_space<hbm>>
      tpu.wait_indirect_dma semaphore(%arg14 : memref<!tpu.dma_semaphore, #tpu.memory_space<semaphore_mem>>) src(%dma_wait3A_142 : memref<16384x2048xf32, #tpu.memory_space<hbm>>) dst(%arg10 : memref<8x2048xf32, #tpu.memory_space<vmem>>)
      %dma_wait3A_143 = arith.constant 0 : i32
      %dma_wait3A_144 = arith.constant 0 : i32
      %dma_wait3A_145 = tpu.memref_slice %arg7[%dma_wait3A_143, %dma_wait3A_144] : memref<32x8xi32, #tpu.memory_space<vmem>> -> memref<1x8xi32, #tpu.memory_space<vmem>>
      %dma_wait3A_146 = tpu.memref_squeeze %dma_wait3A_145 : memref<1x8xi32, #tpu.memory_space<vmem>> -> memref<8xi32, #tpu.memory_space<vmem>>
      %dma_wait3A_147 = arith.constant 0 : i32
      %dma_wait3A_148 = arith.constant 0 : i32
      %dma_wait3A_149 = tpu.memref_slice %arg2[%dma_wait3A_147, %dma_wait3A_148] : memref<16384x2048xf32, #tpu.memory_space<hbm>> -> memref<16384x2048xf32, #tpu.memory_space<hbm>>
      tpu.wait_indirect_dma semaphore(%arg15 : memref<!tpu.dma_semaphore, #tpu.memory_space<semaphore_mem>>) src(%dma_wait3A_149 : memref<16384x2048xf32, #tpu.memory_space<hbm>>) dst(%arg11 : memref<8x2048xf32, #tpu.memory_space<vmem>>)
      %scan3A_150 = arith.constant 0 : i32
      %scan3A_151 = arith.constant 0 : i32
      %scan3A_152 = arith.constant 16 : i32
      %scan3A_153 = arith.addi %scan3A_151, %scan3A_152 : i32
      %scan3A_154 = arith.constant 1 : i32
      %scan3A_155 = scf.for %scan3A_219 = %scan3A_151 to %scan3A_153 step %scan3A_154 iter_args(%scan3A_220 = %scan3A_150) -> (i32)  : i32 {
        %mul3A_221 = arith.constant 128 : i32
        %mul3A_222 = arith.muli %scan3A_219, %mul3A_221 : i32
        %add3A_223 = arith.constant 0 : i32
        %add3A_224 = arith.addi %mul3A_222, %add3A_223 : i32
        %get3A = arith.constant 0 : i32
        %get3A_225 = arith.index_cast %get3A : i32 to index
        %get3A_226 = arith.index_cast %add3A_224 : i32 to index
        %get3A_227 = tpu.vector_load %arg10[%get3A_225, %get3A_226] {strides = array<i32>} : memref<8x2048xf32, #tpu.memory_space<vmem>>, vector<1x16xf32>,
        %get3A_228 = vector.shape_cast %get3A_227 : vector<1x16xf32> to vector<16xf32>
        %get3A_229 = arith.constant 0 : i32
        %get3A_230 = arith.index_cast %get3A_229 : i32 to index
        %get3A_231 = arith.index_cast %add3A_224 : i32 to index
        %get3A_232 = tpu.vector_load %arg11[%get3A_230, %get3A_231] {strides = array<i32>} : memref<8x2048xf32, #tpu.memory_space<vmem>>, vector<1x16xf32>,
        %get3A_233 = vector.shape_cast %get3A_232 : vector<1x16xf32> to vector<16xf32>
        %add3A_234 = arith.addf %get3A_228, %get3A_233 : vector<16xf32>
        %swap3A = arith.constant 0 : i32
        %swap3A_235 = arith.index_cast %swap3A : i32 to index
        %swap3A_236 = arith.index_cast %add3A_224 : i32 to index
        %swap3A_237 = tpu.vector_load %arg10[%swap3A_235, %swap3A_236] {strides = array<i32>} : memref<8x2048xf32, #tpu.memory_space<vmem>>, vector<1x16xf32>,
        %swap3A_238 = vector.shape_cast %swap3A_237 : vector<1x16xf32> to vector<16xf32>
        %swap3A_239 = vector.shape_cast %add3A_234 : vector<16xf32> to vector<1x16xf32>
        tpu.vector_store %arg10[%swap3A_235, %swap3A_236], %swap3A_239 {strides = array<i32>} : memref<8x2048xf32, #tpu.memory_space<vmem>>, vector<1x16xf32>,
        %add3A_240 = arith.constant 16 : i32
        %add3A_241 = arith.addi %mul3A_222, %add3A_240 : i32
        %get3A_242 = arith.constant 0 : i32
        %get3A_243 = arith.index_cast %get3A_242 : i32 to index
        %get3A_244 = arith.index_cast %add3A_241 : i32 to index
        %get3A_245 = tpu.vector_load %arg10[%get3A_243, %get3A_244] {strides = array<i32>} : memref<8x2048xf32, #tpu.memory_space<vmem>>, vector<1x16xf32>,
        %get3A_246 = vector.shape_cast %get3A_245 : vector<1x16xf32> to vector<16xf32>
        %get3A_247 = arith.constant 0 : i32
        %get3A_248 = arith.index_cast %get3A_247 : i32 to index
        %get3A_249 = arith.index_cast %add3A_241 : i32 to index
        %get3A_250 = tpu.vector_load %arg11[%get3A_248, %get3A_249] {strides = array<i32>} : memref<8x2048xf32, #tpu.memory_space<vmem>>, vector<1x16xf32>,
        %get3A_251 = vector.shape_cast %get3A_250 : vector<1x16xf32> to vector<16xf32>
        %add3A_252 = arith.addf %get3A_246, %get3A_251 : vector<16xf32>
        %swap3A_253 = arith.constant 0 : i32
        %swap3A_254 = arith.index_cast %swap3A_253 : i32 to index
        %swap3A_255 = arith.index_cast %add3A_241 : i32 to index
        %swap3A_256 = tpu.vector_load %arg10[%swap3A_254, %swap3A_255] {strides = array<i32>} : memref<8x2048xf32, #tpu.memory_space<vmem>>, vector<1x16xf32>,
        %swap3A_257 = vector.shape_cast %swap3A_256 : vector<1x16xf32> to vector<16xf32>
        %swap3A_258 = vector.shape_cast %add3A_252 : vector<16xf32> to vector<1x16xf32>
        tpu.vector_store %arg10[%swap3A_254, %swap3A_255], %swap3A_258 {strides = array<i32>} : memref<8x2048xf32, #tpu.memory_space<vmem>>, vector<1x16xf32>,
        %add3A_259 = arith.constant 32 : i32
        %add3A_260 = arith.addi %mul3A_222, %add3A_259 : i32
        %get3A_261 = arith.constant 0 : i32
        %get3A_262 = arith.index_cast %get3A_261 : i32 to index
        %get3A_263 = arith.index_cast %add3A_260 : i32 to index
        %get3A_264 = tpu.vector_load %arg10[%get3A_262, %get3A_263] {strides = array<i32>} : memref<8x2048xf32, #tpu.memory_space<vmem>>, vector<1x16xf32>,
        %get3A_265 = vector.shape_cast %get3A_264 : vector<1x16xf32> to vector<16xf32>
        %get3A_266 = arith.constant 0 : i32
        %get3A_267 = arith.index_cast %get3A_266 : i32 to index
        %get3A_268 = arith.index_cast %add3A_260 : i32 to index
        %get3A_269 = tpu.vector_load %arg11[%get3A_267, %get3A_268] {strides = array<i32>} : memref<8x2048xf32, #tpu.memory_space<vmem>>, vector<1x16xf32>,
        %get3A_270 = vector.shape_cast %get3A_269 : vector<1x16xf32> to vector<16xf32>
        %add3A_271 = arith.addf %get3A_265, %get3A_270 : vector<16xf32>
        %swap3A_272 = arith.constant 0 : i32
        %swap3A_273 = arith.index_cast %swap3A_272 : i32 to index
        %swap3A_274 = arith.index_cast %add3A_260 : i32 to index
        %swap3A_275 = tpu.vector_load %arg10[%swap3A_273, %swap3A_274] {strides = array<i32>} : memref<8x2048xf32, #tpu.memory_space<vmem>>, vector<1x16xf32>,
        %swap3A_276 = vector.shape_cast %swap3A_275 : vector<1x16xf32> to vector<16xf32>
        %swap3A_277 = vector.shape_cast %add3A_271 : vector<16xf32> to vector<1x16xf32>
        tpu.vector_store %arg10[%swap3A_273, %swap3A_274], %swap3A_277 {strides = array<i32>} : memref<8x2048xf32, #tpu.memory_space<vmem>>, vector<1x16xf32>,
        %add3A_278 = arith.constant 48 : i32
        %add3A_279 = arith.addi %mul3A_222, %add3A_278 : i32
        %get3A_280 = arith.constant 0 : i32
        %get3A_281 = arith.index_cast %get3A_280 : i32 to index
        %get3A_282 = arith.index_cast %add3A_279 : i32 to index
        %get3A_283 = tpu.vector_load %arg10[%get3A_281, %get3A_282] {strides = array<i32>} : memref<8x2048xf32, #tpu.memory_space<vmem>>, vector<1x16xf32>,
        %get3A_284 = vector.shape_cast %get3A_283 : vector<1x16xf32> to vector<16xf32>
        %get3A_285 = arith.constant 0 : i32
        %get3A_286 = arith.index_cast %get3A_285 : i32 to index
        %get3A_287 = arith.index_cast %add3A_279 : i32 to index
        %get3A_288 = tpu.vector_load %arg11[%get3A_286, %get3A_287] {strides = array<i32>} : memref<8x2048xf32, #tpu.memory_space<vmem>>, vector<1x16xf32>,
        %get3A_289 = vector.shape_cast %get3A_288 : vector<1x16xf32> to vector<16xf32>
        %add3A_290 = arith.addf %get3A_284, %get3A_289 : vector<16xf32>
        %swap3A_291 = arith.constant 0 : i32
        %swap3A_292 = arith.index_cast %swap3A_291 : i32 to index
        %swap3A_293 = arith.index_cast %add3A_279 : i32 to index
        %swap3A_294 = tpu.vector_load %arg10[%swap3A_292, %swap3A_293] {strides = array<i32>} : memref<8x2048xf32, #tpu.memory_space<vmem>>, vector<1x16xf32>,
        %swap3A_295 = vector.shape_cast %swap3A_294 : vector<1x16xf32> to vector<16xf32>
        %swap3A_296 = vector.shape_cast %add3A_290 : vector<16xf32> to vector<1x16xf32>
        tpu.vector_store %arg10[%swap3A_292, %swap3A_293], %swap3A_296 {strides = array<i32>} : memref<8x2048xf32, #tpu.memory_space<vmem>>, vector<1x16xf32>,
        %add3A_297 = arith.constant 64 : i32
        %add3A_298 = arith.addi %mul3A_222, %add3A_297 : i32
        %get3A_299 = arith.constant 0 : i32
        %get3A_300 = arith.index_cast %get3A_299 : i32 to index
        %get3A_301 = arith.index_cast %add3A_298 : i32 to index
        %get3A_302 = tpu.vector_load %arg10[%get3A_300, %get3A_301] {strides = array<i32>} : memref<8x2048xf32, #tpu.memory_space<vmem>>, vector<1x16xf32>,
        %get3A_303 = vector.shape_cast %get3A_302 : vector<1x16xf32> to vector<16xf32>
        %get3A_304 = arith.constant 0 : i32
        %get3A_305 = arith.index_cast %get3A_304 : i32 to index
        %get3A_306 = arith.index_cast %add3A_298 : i32 to index
        %get3A_307 = tpu.vector_load %arg11[%get3A_305, %get3A_306] {strides = array<i32>} : memref<8x2048xf32, #tpu.memory_space<vmem>>, vector<1x16xf32>,
        %get3A_308 = vector.shape_cast %get3A_307 : vector<1x16xf32> to vector<16xf32>
        %add3A_309 = arith.addf %get3A_303, %get3A_308 : vector<16xf32>
        %swap3A_310 = arith.constant 0 : i32
        %swap3A_311 = arith.index_cast %swap3A_310 : i32 to index
        %swap3A_312 = arith.index_cast %add3A_298 : i32 to index
        %swap3A_313 = tpu.vector_load %arg10[%swap3A_311, %swap3A_312] {strides = array<i32>} : memref<8x2048xf32, #tpu.memory_space<vmem>>, vector<1x16xf32>,
        %swap3A_314 = vector.shape_cast %swap3A_313 : vector<1x16xf32> to vector<16xf32>
        %swap3A_315 = vector.shape_cast %add3A_309 : vector<16xf32> to vector<1x16xf32>
        tpu.vector_store %arg10[%swap3A_311, %swap3A_312], %swap3A_315 {strides = array<i32>} : memref<8x2048xf32, #tpu.memory_space<vmem>>, vector<1x16xf32>,
        %add3A_316 = arith.constant 80 : i32
        %add3A_317 = arith.addi %mul3A_222, %add3A_316 : i32
        %get3A_318 = arith.constant 0 : i32
        %get3A_319 = arith.index_cast %get3A_318 : i32 to index
        %get3A_320 = arith.index_cast %add3A_317 : i32 to index
        %get3A_321 = tpu.vector_load %arg10[%get3A_319, %get3A_320] {strides = array<i32>} : memref<8x2048xf32, #tpu.memory_space<vmem>>, vector<1x16xf32>,
        %get3A_322 = vector.shape_cast %get3A_321 : vector<1x16xf32> to vector<16xf32>
        %get3A_323 = arith.constant 0 : i32
        %get3A_324 = arith.index_cast %get3A_323 : i32 to index
        %get3A_325 = arith.index_cast %add3A_317 : i32 to index
        %get3A_326 = tpu.vector_load %arg11[%get3A_324, %get3A_325] {strides = array<i32>} : memref<8x2048xf32, #tpu.memory_space<vmem>>, vector<1x16xf32>,
        %get3A_327 = vector.shape_cast %get3A_326 : vector<1x16xf32> to vector<16xf32>
        %add3A_328 = arith.addf %get3A_322, %get3A_327 : vector<16xf32>
        %swap3A_329 = arith.constant 0 : i32
        %swap3A_330 = arith.index_cast %swap3A_329 : i32 to index
        %swap3A_331 = arith.index_cast %add3A_317 : i32 to index
        %swap3A_332 = tpu.vector_load %arg10[%swap3A_330, %swap3A_331] {strides = array<i32>} : memref<8x2048xf32, #tpu.memory_space<vmem>>, vector<1x16xf32>,
        %swap3A_333 = vector.shape_cast %swap3A_332 : vector<1x16xf32> to vector<16xf32>
        %swap3A_334 = vector.shape_cast %add3A_328 : vector<16xf32> to vector<1x16xf32>
        tpu.vector_store %arg10[%swap3A_330, %swap3A_331], %swap3A_334 {strides = array<i32>} : memref<8x2048xf32, #tpu.memory_space<vmem>>, vector<1x16xf32>,
        %add3A_335 = arith.constant 96 : i32
        %add3A_336 = arith.addi %mul3A_222, %add3A_335 : i32
        %get3A_337 = arith.constant 0 : i32
        %get3A_338 = arith.index_cast %get3A_337 : i32 to index
        %get3A_339 = arith.index_cast %add3A_336 : i32 to index
        %get3A_340 = tpu.vector_load %arg10[%get3A_338, %get3A_339] {strides = array<i32>} : memref<8x2048xf32, #tpu.memory_space<vmem>>, vector<1x16xf32>,
        %get3A_341 = vector.shape_cast %get3A_340 : vector<1x16xf32> to vector<16xf32>
        %get3A_342 = arith.constant 0 : i32
        %get3A_343 = arith.index_cast %get3A_342 : i32 to index
        %get3A_344 = arith.index_cast %add3A_336 : i32 to index
        %get3A_345 = tpu.vector_load %arg11[%get3A_343, %get3A_344] {strides = array<i32>} : memref<8x2048xf32, #tpu.memory_space<vmem>>, vector<1x16xf32>,
        %get3A_346 = vector.shape_cast %get3A_345 : vector<1x16xf32> to vector<16xf32>
        %add3A_347 = arith.addf %get3A_341, %get3A_346 : vector<16xf32>
        %swap3A_348 = arith.constant 0 : i32
        %swap3A_349 = arith.index_cast %swap3A_348 : i32 to index
        %swap3A_350 = arith.index_cast %add3A_336 : i32 to index
        %swap3A_351 = tpu.vector_load %arg10[%swap3A_349, %swap3A_350] {strides = array<i32>} : memref<8x2048xf32, #tpu.memory_space<vmem>>, vector<1x16xf32>,
        %swap3A_352 = vector.shape_cast %swap3A_351 : vector<1x16xf32> to vector<16xf32>
        %swap3A_353 = vector.shape_cast %add3A_347 : vector<16xf32> to vector<1x16xf32>
        tpu.vector_store %arg10[%swap3A_349, %swap3A_350], %swap3A_353 {strides = array<i32>} : memref<8x2048xf32, #tpu.memory_space<vmem>>, vector<1x16xf32>,
        %add3A_354 = arith.constant 112 : i32
        %add3A_355 = arith.addi %mul3A_222, %add3A_354 : i32
        %get3A_356 = arith.constant 0 : i32
        %get3A_357 = arith.index_cast %get3A_356 : i32 to index
        %get3A_358 = arith.index_cast %add3A_355 : i32 to index
        %get3A_359 = tpu.vector_load %arg10[%get3A_357, %get3A_358] {strides = array<i32>} : memref<8x2048xf32, #tpu.memory_space<vmem>>, vector<1x16xf32>,
        %get3A_360 = vector.shape_cast %get3A_359 : vector<1x16xf32> to vector<16xf32>
        %get3A_361 = arith.constant 0 : i32
        %get3A_362 = arith.index_cast %get3A_361 : i32 to index
        %get3A_363 = arith.index_cast %add3A_355 : i32 to index
        %get3A_364 = tpu.vector_load %arg11[%get3A_362, %get3A_363] {strides = array<i32>} : memref<8x2048xf32, #tpu.memory_space<vmem>>, vector<1x16xf32>,
        %get3A_365 = vector.shape_cast %get3A_364 : vector<1x16xf32> to vector<16xf32>
        %add3A_366 = arith.addf %get3A_360, %get3A_365 : vector<16xf32>
        %swap3A_367 = arith.constant 0 : i32
        %swap3A_368 = arith.index_cast %swap3A_367 : i32 to index
        %swap3A_369 = arith.index_cast %add3A_355 : i32 to index
        %swap3A_370 = tpu.vector_load %arg10[%swap3A_368, %swap3A_369] {strides = array<i32>} : memref<8x2048xf32, #tpu.memory_space<vmem>>, vector<1x16xf32>,
        %swap3A_371 = vector.shape_cast %swap3A_370 : vector<1x16xf32> to vector<16xf32>
        %swap3A_372 = vector.shape_cast %add3A_366 : vector<16xf32> to vector<1x16xf32>
        tpu.vector_store %arg10[%swap3A_368, %swap3A_369], %swap3A_372 {strides = array<i32>} : memref<8x2048xf32, #tpu.memory_space<vmem>>, vector<1x16xf32>,
        %scan3A_373 = arith.constant 0 : i32
        scf.yield %scan3A_373 : i32
      }
      %scan3A_156 = arith.constant 16 : i32
      %scan3A_157 = arith.constant 0 : i32
      %scan3A_158 = arith.constant 0 : i32
      %scan3A_159 = arith.constant 16 : i32
      %scan3A_160 = arith.addi %scan3A_158, %scan3A_159 : i32
      %scan3A_161 = arith.constant 1 : i32
      %scan3A_162 = scf.for %scan3A_219 = %scan3A_158 to %scan3A_160 step %scan3A_161 iter_args(%scan3A_220 = %scan3A_157) -> (i32)  : i32 {
        %mul3A_221 = arith.constant 128 : i32
        %mul3A_222 = arith.muli %scan3A_219, %mul3A_221 : i32
        %add3A_223 = arith.constant 0 : i32
        %add3A_224 = arith.addi %mul3A_222, %add3A_223 : i32
        %get3A = arith.constant 1 : i32
        %get3A_225 = arith.index_cast %get3A : i32 to index
        %get3A_226 = arith.index_cast %add3A_224 : i32 to index
        %get3A_227 = tpu.vector_load %arg10[%get3A_225, %get3A_226] {strides = array<i32>} : memref<8x2048xf32, #tpu.memory_space<vmem>>, vector<1x16xf32>,
        %get3A_228 = vector.shape_cast %get3A_227 : vector<1x16xf32> to vector<16xf32>
        %get3A_229 = arith.constant 1 : i32
        %get3A_230 = arith.index_cast %get3A_229 : i32 to index
        %get3A_231 = arith.index_cast %add3A_224 : i32 to index
        %get3A_232 = tpu.vector_load %arg11[%get3A_230, %get3A_231] {strides = array<i32>} : memref<8x2048xf32, #tpu.memory_space<vmem>>, vector<1x16xf32>,
        %get3A_233 = vector.shape_cast %get3A_232 : vector<1x16xf32> to vector<16xf32>
        %add3A_234 = arith.addf %get3A_228, %get3A_233 : vector<16xf32>
        %swap3A = arith.constant 1 : i32
        %swap3A_235 = arith.index_cast %swap3A : i32 to index
        %swap3A_236 = arith.index_cast %add3A_224 : i32 to index
        %swap3A_237 = tpu.vector_load %arg10[%swap3A_235, %swap3A_236] {strides = array<i32>} : memref<8x2048xf32, #tpu.memory_space<vmem>>, vector<1x16xf32>,
        %swap3A_238 = vector.shape_cast %swap3A_237 : vector<1x16xf32> to vector<16xf32>
        %swap3A_239 = vector.shape_cast %add3A_234 : vector<16xf32> to vector<1x16xf32>
        tpu.vector_store %arg10[%swap3A_235, %swap3A_236], %swap3A_239 {strides = array<i32>} : memref<8x2048xf32, #tpu.memory_space<vmem>>, vector<1x16xf32>,
        %add3A_240 = arith.constant 16 : i32
        %add3A_241 = arith.addi %mul3A_222, %add3A_240 : i32
        %get3A_242 = arith.constant 1 : i32
        %get3A_243 = arith.index_cast %get3A_242 : i32 to index
        %get3A_244 = arith.index_cast %add3A_241 : i32 to index
        %get3A_245 = tpu.vector_load %arg10[%get3A_243, %get3A_244] {strides = array<i32>} : memref<8x2048xf32, #tpu.memory_space<vmem>>, vector<1x16xf32>,
        %get3A_246 = vector.shape_cast %get3A_245 : vector<1x16xf32> to vector<16xf32>
        %get3A_247 = arith.constant 1 : i32
        %get3A_248 = arith.index_cast %get3A_247 : i32 to index
        %get3A_249 = arith.index_cast %add3A_241 : i32 to index
        %get3A_250 = tpu.vector_load %arg11[%get3A_248, %get3A_249] {strides = array<i32>} : memref<8x2048xf32, #tpu.memory_space<vmem>>, vector<1x16xf32>,
        %get3A_251 = vector.shape_cast %get3A_250 : vector<1x16xf32> to vector<16xf32>
        %add3A_252 = arith.addf %get3A_246, %get3A_251 : vector<16xf32>
        %swap3A_253 = arith.constant 1 : i32
        %swap3A_254 = arith.index_cast %swap3A_253 : i32 to index
        %swap3A_255 = arith.index_cast %add3A_241 : i32 to index
        %swap3A_256 = tpu.vector_load %arg10[%swap3A_254, %swap3A_255] {strides = array<i32>} : memref<8x2048xf32, #tpu.memory_space<vmem>>, vector<1x16xf32>,
        %swap3A_257 = vector.shape_cast %swap3A_256 : vector<1x16xf32> to vector<16xf32>
        %swap3A_258 = vector.shape_cast %add3A_252 : vector<16xf32> to vector<1x16xf32>
        tpu.vector_store %arg10[%swap3A_254, %swap3A_255], %swap3A_258 {strides = array<i32>} : memref<8x2048xf32, #tpu.memory_space<vmem>>, vector<1x16xf32>,
        %add3A_259 = arith.constant 32 : i32
        %add3A_260 = arith.addi %mul3A_222, %add3A_259 : i32
        %get3A_261 = arith.constant 1 : i32
        %get3A_262 = arith.index_cast %get3A_261 : i32 to index
        %get3A_263 = arith.index_cast %add3A_260 : i32 to index
        %get3A_264 = tpu.vector_load %arg10[%get3A_262, %get3A_263] {strides = array<i32>} : memref<8x2048xf32, #tpu.memory_space<vmem>>, vector<1x16xf32>,
        %get3A_265 = vector.shape_cast %get3A_264 : vector<1x16xf32> to vector<16xf32>
        %get3A_266 = arith.constant 1 : i32
        %get3A_267 = arith.index_cast %get3A_266 : i32 to index
        %get3A_268 = arith.index_cast %add3A_260 : i32 to index
        %get3A_269 = tpu.vector_load %arg11[%get3A_267, %get3A_268] {strides = array<i32>} : memref<8x2048xf32, #tpu.memory_space<vmem>>, vector<1x16xf32>,
        %get3A_270 = vector.shape_cast %get3A_269 : vector<1x16xf32> to vector<16xf32>
        %add3A_271 = arith.addf %get3A_265, %get3A_270 : vector<16xf32>
        %swap3A_272 = arith.constant 1 : i32
        %swap3A_273 = arith.index_cast %swap3A_272 : i32 to index
        %swap3A_274 = arith.index_cast %add3A_260 : i32 to index
        %swap3A_275 = tpu.vector_load %arg10[%swap3A_273, %swap3A_274] {strides = array<i32>} : memref<8x2048xf32, #tpu.memory_space<vmem>>, vector<1x16xf32>,
        %swap3A_276 = vector.shape_cast %swap3A_275 : vector<1x16xf32> to vector<16xf32>
        %swap3A_277 = vector.shape_cast %add3A_271 : vector<16xf32> to vector<1x16xf32>
        tpu.vector_store %arg10[%swap3A_273, %swap3A_274], %swap3A_277 {strides = array<i32>} : memref<8x2048xf32, #tpu.memory_space<vmem>>, vector<1x16xf32>,
        %add3A_278 = arith.constant 48 : i32
        %add3A_279 = arith.addi %mul3A_222, %add3A_278 : i32
        %get3A_280 = arith.constant 1 : i32
        %get3A_281 = arith.index_cast %get3A_280 : i32 to index
        %get3A_282 = arith.index_cast %add3A_279 : i32 to index
        %get3A_283 = tpu.vector_load %arg10[%get3A_281, %get3A_282] {strides = array<i32>} : memref<8x2048xf32, #tpu.memory_space<vmem>>, vector<1x16xf32>,
        %get3A_284 = vector.shape_cast %get3A_283 : vector<1x16xf32> to vector<16xf32>
        %get3A_285 = arith.constant 1 : i32
        %get3A_286 = arith.index_cast %get3A_285 : i32 to index
        %get3A_287 = arith.index_cast %add3A_279 : i32 to index
        %get3A_288 = tpu.vector_load %arg11[%get3A_286, %get3A_287] {strides = array<i32>} : memref<8x2048xf32, #tpu.memory_space<vmem>>, vector<1x16xf32>,
        %get3A_289 = vector.shape_cast %get3A_288 : vector<1x16xf32> to vector<16xf32>
        %add3A_290 = arith.addf %get3A_284, %get3A_289 : vector<16xf32>
        %swap3A_291 = arith.constant 1 : i32
        %swap3A_292 = arith.index_cast %swap3A_291 : i32 to index
        %swap3A_293 = arith.index_cast %add3A_279 : i32 to index
        %swap3A_294 = tpu.vector_load %arg10[%swap3A_292, %swap3A_293] {strides = array<i32>} : memref<8x2048xf32, #tpu.memory_space<vmem>>, vector<1x16xf32>,
        %swap3A_295 = vector.shape_cast %swap3A_294 : vector<1x16xf32> to vector<16xf32>
        %swap3A_296 = vector.shape_cast %add3A_290 : vector<16xf32> to vector<1x16xf32>
        tpu.vector_store %arg10[%swap3A_292, %swap3A_293], %swap3A_296 {strides = array<i32>} : memref<8x2048xf32, #tpu.memory_space<vmem>>, vector<1x16xf32>,
        %add3A_297 = arith.constant 64 : i32
        %add3A_298 = arith.addi %mul3A_222, %add3A_297 : i32
        %get3A_299 = arith.constant 1 : i32
        %get3A_300 = arith.index_cast %get3A_299 : i32 to index
        %get3A_301 = arith.index_cast %add3A_298 : i32 to index
        %get3A_302 = tpu.vector_load %arg10[%get3A_300, %get3A_301] {strides = array<i32>} : memref<8x2048xf32, #tpu.memory_space<vmem>>, vector<1x16xf32>,
        %get3A_303 = vector.shape_cast %get3A_302 : vector<1x16xf32> to vector<16xf32>
        %get3A_304 = arith.constant 1 : i32
        %get3A_305 = arith.index_cast %get3A_304 : i32 to index
        %get3A_306 = arith.index_cast %add3A_298 : i32 to index
        %get3A_307 = tpu.vector_load %arg11[%get3A_305, %get3A_306] {strides = array<i32>} : memref<8x2048xf32, #tpu.memory_space<vmem>>, vector<1x16xf32>,
        %get3A_308 = vector.shape_cast %get3A_307 : vector<1x16xf32> to vector<16xf32>
        %add3A_309 = arith.addf %get3A_303, %get3A_308 : vector<16xf32>
        %swap3A_310 = arith.constant 1 : i32
        %swap3A_311 = arith.index_cast %swap3A_310 : i32 to index
        %swap3A_312 = arith.index_cast %add3A_298 : i32 to index
        %swap3A_313 = tpu.vector_load %arg10[%swap3A_311, %swap3A_312] {strides = array<i32>} : memref<8x2048xf32, #tpu.memory_space<vmem>>, vector<1x16xf32>,
        %swap3A_314 = vector.shape_cast %swap3A_313 : vector<1x16xf32> to vector<16xf32>
        %swap3A_315 = vector.shape_cast %add3A_309 : vector<16xf32> to vector<1x16xf32>
        tpu.vector_store %arg10[%swap3A_311, %swap3A_312], %swap3A_315 {strides = array<i32>} : memref<8x2048xf32, #tpu.memory_space<vmem>>, vector<1x16xf32>,
        %add3A_316 = arith.constant 80 : i32
        %add3A_317 = arith.addi %mul3A_222, %add3A_316 : i32
        %get3A_318 = arith.constant 1 : i32
        %get3A_319 = arith.index_cast %get3A_318 : i32 to index
        %get3A_320 = arith.index_cast %add3A_317 : i32 to index
        %get3A_321 = tpu.vector_load %arg10[%get3A_319, %get3A_320] {strides = array<i32>} : memref<8x2048xf32, #tpu.memory_space<vmem>>, vector<1x16xf32>,
        %get3A_322 = vector.shape_cast %get3A_321 : vector<1x16xf32> to vector<16xf32>
        %get3A_323 = arith.constant 1 : i32
        %get3A_324 = arith.index_cast %get3A_323 : i32 to index
        %get3A_325 = arith.index_cast %add3A_317 : i32 to index
        %get3A_326 = tpu.vector_load %arg11[%get3A_324, %get3A_325] {strides = array<i32>} : memref<8x2048xf32, #tpu.memory_space<vmem>>, vector<1x16xf32>,
        %get3A_327 = vector.shape_cast %get3A_326 : vector<1x16xf32> to vector<16xf32>
        %add3A_328 = arith.addf %get3A_322, %get3A_327 : vector<16xf32>
        %swap3A_329 = arith.constant 1 : i32
        %swap3A_330 = arith.index_cast %swap3A_329 : i32 to index
        %swap3A_331 = arith.index_cast %add3A_317 : i32 to index
        %swap3A_332 = tpu.vector_load %arg10[%swap3A_330, %swap3A_331] {strides = array<i32>} : memref<8x2048xf32, #tpu.memory_space<vmem>>, vector<1x16xf32>,
        %swap3A_333 = vector.shape_cast %swap3A_332 : vector<1x16xf32> to vector<16xf32>
        %swap3A_334 = vector.shape_cast %add3A_328 : vector<16xf32> to vector<1x16xf32>
        tpu.vector_store %arg10[%swap3A_330, %swap3A_331], %swap3A_334 {strides = array<i32>} : memref<8x2048xf32, #tpu.memory_space<vmem>>, vector<1x16xf32>,
        %add3A_335 = arith.constant 96 : i32
        %add3A_336 = arith.addi %mul3A_222, %add3A_335 : i32
        %get3A_337 = arith.constant 1 : i32
        %get3A_338 = arith.index_cast %get3A_337 : i32 to index
        %get3A_339 = arith.index_cast %add3A_336 : i32 to index
        %get3A_340 = tpu.vector_load %arg10[%get3A_338, %get3A_339] {strides = array<i32>} : memref<8x2048xf32, #tpu.memory_space<vmem>>, vector<1x16xf32>,
        %get3A_341 = vector.shape_cast %get3A_340 : vector<1x16xf32> to vector<16xf32>
        %get3A_342 = arith.constant 1 : i32
        %get3A_343 = arith.index_cast %get3A_342 : i32 to index
        %get3A_344 = arith.index_cast %add3A_336 : i32 to index
        %get3A_345 = tpu.vector_load %arg11[%get3A_343, %get3A_344] {strides = array<i32>} : memref<8x2048xf32, #tpu.memory_space<vmem>>, vector<1x16xf32>,
        %get3A_346 = vector.shape_cast %get3A_345 : vector<1x16xf32> to vector<16xf32>
        %add3A_347 = arith.addf %get3A_341, %get3A_346 : vector<16xf32>
        %swap3A_348 = arith.constant 1 : i32
        %swap3A_349 = arith.index_cast %swap3A_348 : i32 to index
        %swap3A_350 = arith.index_cast %add3A_336 : i32 to index
        %swap3A_351 = tpu.vector_load %arg10[%swap3A_349, %swap3A_350] {strides = array<i32>} : memref<8x2048xf32, #tpu.memory_space<vmem>>, vector<1x16xf32>,
        %swap3A_352 = vector.shape_cast %swap3A_351 : vector<1x16xf32> to vector<16xf32>
        %swap3A_353 = vector.shape_cast %add3A_347 : vector<16xf32> to vector<1x16xf32>
        tpu.vector_store %arg10[%swap3A_349, %swap3A_350], %swap3A_353 {strides = array<i32>} : memref<8x2048xf32, #tpu.memory_space<vmem>>, vector<1x16xf32>,
        %add3A_354 = arith.constant 112 : i32
        %add3A_355 = arith.addi %mul3A_222, %add3A_354 : i32
        %get3A_356 = arith.constant 1 : i32
        %get3A_357 = arith.index_cast %get3A_356 : i32 to index
        %get3A_358 = arith.index_cast %add3A_355 : i32 to index
        %get3A_359 = tpu.vector_load %arg10[%get3A_357, %get3A_358] {strides = array<i32>} : memref<8x2048xf32, #tpu.memory_space<vmem>>, vector<1x16xf32>,
        %get3A_360 = vector.shape_cast %get3A_359 : vector<1x16xf32> to vector<16xf32>
        %get3A_361 = arith.constant 1 : i32
        %get3A_362 = arith.index_cast %get3A_361 : i32 to index
        %get3A_363 = arith.index_cast %add3A_355 : i32 to index
        %get3A_364 = tpu.vector_load %arg11[%get3A_362, %get3A_363] {strides = array<i32>} : memref<8x2048xf32, #tpu.memory_space<vmem>>, vector<1x16xf32>,
        %get3A_365 = vector.shape_cast %get3A_364 : vector<1x16xf32> to vector<16xf32>
        %add3A_366 = arith.addf %get3A_360, %get3A_365 : vector<16xf32>
        %swap3A_367 = arith.constant 1 : i32
        %swap3A_368 = arith.index_cast %swap3A_367 : i32 to index
        %swap3A_369 = arith.index_cast %add3A_355 : i32 to index
        %swap3A_370 = tpu.vector_load %arg10[%swap3A_368, %swap3A_369] {strides = array<i32>} : memref<8x2048xf32, #tpu.memory_space<vmem>>, vector<1x16xf32>,
        %swap3A_371 = vector.shape_cast %swap3A_370 : vector<1x16xf32> to vector<16xf32>
        %swap3A_372 = vector.shape_cast %add3A_366 : vector<16xf32> to vector<1x16xf32>
        tpu.vector_store %arg10[%swap3A_368, %swap3A_369], %swap3A_372 {strides = array<i32>} : memref<8x2048xf32, #tpu.memory_space<vmem>>, vector<1x16xf32>,
        %scan3A_373 = arith.constant 0 : i32
        scf.yield %scan3A_373 : i32
      }
      %scan3A_163 = arith.constant 16 : i32
      %scan3A_164 = arith.constant 0 : i32
      %scan3A_165 = arith.constant 0 : i32
      %scan3A_166 = arith.constant 16 : i32
      %scan3A_167 = arith.addi %scan3A_165, %scan3A_166 : i32
      %scan3A_168 = arith.constant 1 : i32
      %scan3A_169 = scf.for %scan3A_219 = %scan3A_165 to %scan3A_167 step %scan3A_168 iter_args(%scan3A_220 = %scan3A_164) -> (i32)  : i32 {
        %mul3A_221 = arith.constant 128 : i32
        %mul3A_222 = arith.muli %scan3A_219, %mul3A_221 : i32
        %add3A_223 = arith.constant 0 : i32
        %add3A_224 = arith.addi %mul3A_222, %add3A_223 : i32
        %get3A = arith.constant 2 : i32
        %get3A_225 = arith.index_cast %get3A : i32 to index
        %get3A_226 = arith.index_cast %add3A_224 : i32 to index
        %get3A_227 = tpu.vector_load %arg10[%get3A_225, %get3A_226] {strides = array<i32>} : memref<8x2048xf32, #tpu.memory_space<vmem>>, vector<1x16xf32>,
        %get3A_228 = vector.shape_cast %get3A_227 : vector<1x16xf32> to vector<16xf32>
        %get3A_229 = arith.constant 2 : i32
        %get3A_230 = arith.index_cast %get3A_229 : i32 to index
        %get3A_231 = arith.index_cast %add3A_224 : i32 to index
        %get3A_232 = tpu.vector_load %arg11[%get3A_230, %get3A_231] {strides = array<i32>} : memref<8x2048xf32, #tpu.memory_space<vmem>>, vector<1x16xf32>,
        %get3A_233 = vector.shape_cast %get3A_232 : vector<1x16xf32> to vector<16xf32>
        %add3A_234 = arith.addf %get3A_228, %get3A_233 : vector<16xf32>
        %swap3A = arith.constant 2 : i32
        %swap3A_235 = arith.index_cast %swap3A : i32 to index
        %swap3A_236 = arith.index_cast %add3A_224 : i32 to index
        %swap3A_237 = tpu.vector_load %arg10[%swap3A_235, %swap3A_236] {strides = array<i32>} : memref<8x2048xf32, #tpu.memory_space<vmem>>, vector<1x16xf32>,
        %swap3A_238 = vector.shape_cast %swap3A_237 : vector<1x16xf32> to vector<16xf32>
        %swap3A_239 = vector.shape_cast %add3A_234 : vector<16xf32> to vector<1x16xf32>
        tpu.vector_store %arg10[%swap3A_235, %swap3A_236], %swap3A_239 {strides = array<i32>} : memref<8x2048xf32, #tpu.memory_space<vmem>>, vector<1x16xf32>,
        %add3A_240 = arith.constant 16 : i32
        %add3A_241 = arith.addi %mul3A_222, %add3A_240 : i32
        %get3A_242 = arith.constant 2 : i32
        %get3A_243 = arith.index_cast %get3A_242 : i32 to index
        %get3A_244 = arith.index_cast %add3A_241 : i32 to index
        %get3A_245 = tpu.vector_load %arg10[%get3A_243, %get3A_244] {strides = array<i32>} : memref<8x2048xf32, #tpu.memory_space<vmem>>, vector<1x16xf32>,
        %get3A_246 = vector.shape_cast %get3A_245 : vector<1x16xf32> to vector<16xf32>
        %get3A_247 = arith.constant 2 : i32
        %get3A_248 = arith.index_cast %get3A_247 : i32 to index
        %get3A_249 = arith.index_cast %add3A_241 : i32 to index
        %get3A_250 = tpu.vector_load %arg11[%get3A_248, %get3A_249] {strides = array<i32>} : memref<8x2048xf32, #tpu.memory_space<vmem>>, vector<1x16xf32>,
        %get3A_251 = vector.shape_cast %get3A_250 : vector<1x16xf32> to vector<16xf32>
        %add3A_252 = arith.addf %get3A_246, %get3A_251 : vector<16xf32>
        %swap3A_253 = arith.constant 2 : i32
        %swap3A_254 = arith.index_cast %swap3A_253 : i32 to index
        %swap3A_255 = arith.index_cast %add3A_241 : i32 to index
        %swap3A_256 = tpu.vector_load %arg10[%swap3A_254, %swap3A_255] {strides = array<i32>} : memref<8x2048xf32, #tpu.memory_space<vmem>>, vector<1x16xf32>,
        %swap3A_257 = vector.shape_cast %swap3A_256 : vector<1x16xf32> to vector<16xf32>
        %swap3A_258 = vector.shape_cast %add3A_252 : vector<16xf32> to vector<1x16xf32>
        tpu.vector_store %arg10[%swap3A_254, %swap3A_255], %swap3A_258 {strides = array<i32>} : memref<8x2048xf32, #tpu.memory_space<vmem>>, vector<1x16xf32>,
        %add3A_259 = arith.constant 32 : i32
        %add3A_260 = arith.addi %mul3A_222, %add3A_259 : i32
        %get3A_261 = arith.constant 2 : i32
        %get3A_262 = arith.index_cast %get3A_261 : i32 to index
        %get3A_263 = arith.index_cast %add3A_260 : i32 to index
        %get3A_264 = tpu.vector_load %arg10[%get3A_262, %get3A_263] {strides = array<i32>} : memref<8x2048xf32, #tpu.memory_space<vmem>>, vector<1x16xf32>,
        %get3A_265 = vector.shape_cast %get3A_264 : vector<1x16xf32> to vector<16xf32>
        %get3A_266 = arith.constant 2 : i32
        %get3A_267 = arith.index_cast %get3A_266 : i32 to index
        %get3A_268 = arith.index_cast %add3A_260 : i32 to index
        %get3A_269 = tpu.vector_load %arg11[%get3A_267, %get3A_268] {strides = array<i32>} : memref<8x2048xf32, #tpu.memory_space<vmem>>, vector<1x16xf32>,
        %get3A_270 = vector.shape_cast %get3A_269 : vector<1x16xf32> to vector<16xf32>
        %add3A_271 = arith.addf %get3A_265, %get3A_270 : vector<16xf32>
        %swap3A_272 = arith.constant 2 : i32
        %swap3A_273 = arith.index_cast %swap3A_272 : i32 to index
        %swap3A_274 = arith.index_cast %add3A_260 : i32 to index
        %swap3A_275 = tpu.vector_load %arg10[%swap3A_273, %swap3A_274] {strides = array<i32>} : memref<8x2048xf32, #tpu.memory_space<vmem>>, vector<1x16xf32>,
        %swap3A_276 = vector.shape_cast %swap3A_275 : vector<1x16xf32> to vector<16xf32>
        %swap3A_277 = vector.shape_cast %add3A_271 : vector<16xf32> to vector<1x16xf32>
        tpu.vector_store %arg10[%swap3A_273, %swap3A_274], %swap3A_277 {strides = array<i32>} : memref<8x2048xf32, #tpu.memory_space<vmem>>, vector<1x16xf32>,
        %add3A_278 = arith.constant 48 : i32
        %add3A_279 = arith.addi %mul3A_222, %add3A_278 : i32
        %get3A_280 = arith.constant 2 : i32
        %get3A_281 = arith.index_cast %get3A_280 : i32 to index
        %get3A_282 = arith.index_cast %add3A_279 : i32 to index
        %get3A_283 = tpu.vector_load %arg10[%get3A_281, %get3A_282] {strides = array<i32>} : memref<8x2048xf32, #tpu.memory_space<vmem>>, vector<1x16xf32>,
        %get3A_284 = vector.shape_cast %get3A_283 : vector<1x16xf32> to vector<16xf32>
        %get3A_285 = arith.constant 2 : i32
        %get3A_286 = arith.index_cast %get3A_285 : i32 to index
        %get3A_287 = arith.index_cast %add3A_279 : i32 to index
        %get3A_288 = tpu.vector_load %arg11[%get3A_286, %get3A_287] {strides = array<i32>} : memref<8x2048xf32, #tpu.memory_space<vmem>>, vector<1x16xf32>,
        %get3A_289 = vector.shape_cast %get3A_288 : vector<1x16xf32> to vector<16xf32>
        %add3A_290 = arith.addf %get3A_284, %get3A_289 : vector<16xf32>
        %swap3A_291 = arith.constant 2 : i32
        %swap3A_292 = arith.index_cast %swap3A_291 : i32 to index
        %swap3A_293 = arith.index_cast %add3A_279 : i32 to index
        %swap3A_294 = tpu.vector_load %arg10[%swap3A_292, %swap3A_293] {strides = array<i32>} : memref<8x2048xf32, #tpu.memory_space<vmem>>, vector<1x16xf32>,
        %swap3A_295 = vector.shape_cast %swap3A_294 : vector<1x16xf32> to vector<16xf32>
        %swap3A_296 = vector.shape_cast %add3A_290 : vector<16xf32> to vector<1x16xf32>
        tpu.vector_store %arg10[%swap3A_292, %swap3A_293], %swap3A_296 {strides = array<i32>} : memref<8x2048xf32, #tpu.memory_space<vmem>>, vector<1x16xf32>,
        %add3A_297 = arith.constant 64 : i32
        %add3A_298 = arith.addi %mul3A_222, %add3A_297 : i32
        %get3A_299 = arith.constant 2 : i32
        %get3A_300 = arith.index_cast %get3A_299 : i32 to index
        %get3A_301 = arith.index_cast %add3A_298 : i32 to index
        %get3A_302 = tpu.vector_load %arg10[%get3A_300, %get3A_301] {strides = array<i32>} : memref<8x2048xf32, #tpu.memory_space<vmem>>, vector<1x16xf32>,
        %get3A_303 = vector.shape_cast %get3A_302 : vector<1x16xf32> to vector<16xf32>
        %get3A_304 = arith.constant 2 : i32
        %get3A_305 = arith.index_cast %get3A_304 : i32 to index
        %get3A_306 = arith.index_cast %add3A_298 : i32 to index
        %get3A_307 = tpu.vector_load %arg11[%get3A_305, %get3A_306] {strides = array<i32>} : memref<8x2048xf32, #tpu.memory_space<vmem>>, vector<1x16xf32>,
        %get3A_308 = vector.shape_cast %get3A_307 : vector<1x16xf32> to vector<16xf32>
        %add3A_309 = arith.addf %get3A_303, %get3A_308 : vector<16xf32>
        %swap3A_310 = arith.constant 2 : i32
        %swap3A_311 = arith.index_cast %swap3A_310 : i32 to index
        %swap3A_312 = arith.index_cast %add3A_298 : i32 to index
        %swap3A_313 = tpu.vector_load %arg10[%swap3A_311, %swap3A_312] {strides = array<i32>} : memref<8x2048xf32, #tpu.memory_space<vmem>>, vector<1x16xf32>,
        %swap3A_314 = vector.shape_cast %swap3A_313 : vector<1x16xf32> to vector<16xf32>
        %swap3A_315 = vector.shape_cast %add3A_309 : vector<16xf32> to vector<1x16xf32>
        tpu.vector_store %arg10[%swap3A_311, %swap3A_312], %swap3A_315 {strides = array<i32>} : memref<8x2048xf32, #tpu.memory_space<vmem>>, vector<1x16xf32>,
        %add3A_316 = arith.constant 80 : i32
        %add3A_317 = arith.addi %mul3A_222, %add3A_316 : i32
        %get3A_318 = arith.constant 2 : i32
        %get3A_319 = arith.index_cast %get3A_318 : i32 to index
        %get3A_320 = arith.index_cast %add3A_317 : i32 to index
        %get3A_321 = tpu.vector_load %arg10[%get3A_319, %get3A_320] {strides = array<i32>} : memref<8x2048xf32, #tpu.memory_space<vmem>>, vector<1x16xf32>,
        %get3A_322 = vector.shape_cast %get3A_321 : vector<1x16xf32> to vector<16xf32>
        %get3A_323 = arith.constant 2 : i32
        %get3A_324 = arith.index_cast %get3A_323 : i32 to index
        %get3A_325 = arith.index_cast %add3A_317 : i32 to index
        %get3A_326 = tpu.vector_load %arg11[%get3A_324, %get3A_325] {strides = array<i32>} : memref<8x2048xf32, #tpu.memory_space<vmem>>, vector<1x16xf32>,
        %get3A_327 = vector.shape_cast %get3A_326 : vector<1x16xf32> to vector<16xf32>
        %add3A_328 = arith.addf %get3A_322, %get3A_327 : vector<16xf32>
        %swap3A_329 = arith.constant 2 : i32
        %swap3A_330 = arith.index_cast %swap3A_329 : i32 to index
        %swap3A_331 = arith.index_cast %add3A_317 : i32 to index
        %swap3A_332 = tpu.vector_load %arg10[%swap3A_330, %swap3A_331] {strides = array<i32>} : memref<8x2048xf32, #tpu.memory_space<vmem>>, vector<1x16xf32>,
        %swap3A_333 = vector.shape_cast %swap3A_332 : vector<1x16xf32> to vector<16xf32>
        %swap3A_334 = vector.shape_cast %add3A_328 : vector<16xf32> to vector<1x16xf32>
        tpu.vector_store %arg10[%swap3A_330, %swap3A_331], %swap3A_334 {strides = array<i32>} : memref<8x2048xf32, #tpu.memory_space<vmem>>, vector<1x16xf32>,
        %add3A_335 = arith.constant 96 : i32
        %add3A_336 = arith.addi %mul3A_222, %add3A_335 : i32
        %get3A_337 = arith.constant 2 : i32
        %get3A_338 = arith.index_cast %get3A_337 : i32 to index
        %get3A_339 = arith.index_cast %add3A_336 : i32 to index
        %get3A_340 = tpu.vector_load %arg10[%get3A_338, %get3A_339] {strides = array<i32>} : memref<8x2048xf32, #tpu.memory_space<vmem>>, vector<1x16xf32>,
        %get3A_341 = vector.shape_cast %get3A_340 : vector<1x16xf32> to vector<16xf32>
        %get3A_342 = arith.constant 2 : i32
        %get3A_343 = arith.index_cast %get3A_342 : i32 to index
        %get3A_344 = arith.index_cast %add3A_336 : i32 to index
        %get3A_345 = tpu.vector_load %arg11[%get3A_343, %get3A_344] {strides = array<i32>} : memref<8x2048xf32, #tpu.memory_space<vmem>>, vector<1x16xf32>,
        %get3A_346 = vector.shape_cast %get3A_345 : vector<1x16xf32> to vector<16xf32>
        %add3A_347 = arith.addf %get3A_341, %get3A_346 : vector<16xf32>
        %swap3A_348 = arith.constant 2 : i32
        %swap3A_349 = arith.index_cast %swap3A_348 : i32 to index
        %swap3A_350 = arith.index_cast %add3A_336 : i32 to index
        %swap3A_351 = tpu.vector_load %arg10[%swap3A_349, %swap3A_350] {strides = array<i32>} : memref<8x2048xf32, #tpu.memory_space<vmem>>, vector<1x16xf32>,
        %swap3A_352 = vector.shape_cast %swap3A_351 : vector<1x16xf32> to vector<16xf32>
        %swap3A_353 = vector.shape_cast %add3A_347 : vector<16xf32> to vector<1x16xf32>
        tpu.vector_store %arg10[%swap3A_349, %swap3A_350], %swap3A_353 {strides = array<i32>} : memref<8x2048xf32, #tpu.memory_space<vmem>>, vector<1x16xf32>,
        %add3A_354 = arith.constant 112 : i32
        %add3A_355 = arith.addi %mul3A_222, %add3A_354 : i32
        %get3A_356 = arith.constant 2 : i32
        %get3A_357 = arith.index_cast %get3A_356 : i32 to index
        %get3A_358 = arith.index_cast %add3A_355 : i32 to index
        %get3A_359 = tpu.vector_load %arg10[%get3A_357, %get3A_358] {strides = array<i32>} : memref<8x2048xf32, #tpu.memory_space<vmem>>, vector<1x16xf32>,
        %get3A_360 = vector.shape_cast %get3A_359 : vector<1x16xf32> to vector<16xf32>
        %get3A_361 = arith.constant 2 : i32
        %get3A_362 = arith.index_cast %get3A_361 : i32 to index
        %get3A_363 = arith.index_cast %add3A_355 : i32 to index
        %get3A_364 = tpu.vector_load %arg11[%get3A_362, %get3A_363] {strides = array<i32>} : memref<8x2048xf32, #tpu.memory_space<vmem>>, vector<1x16xf32>,
        %get3A_365 = vector.shape_cast %get3A_364 : vector<1x16xf32> to vector<16xf32>
        %add3A_366 = arith.addf %get3A_360, %get3A_365 : vector<16xf32>
        %swap3A_367 = arith.constant 2 : i32
        %swap3A_368 = arith.index_cast %swap3A_367 : i32 to index
        %swap3A_369 = arith.index_cast %add3A_355 : i32 to index
        %swap3A_370 = tpu.vector_load %arg10[%swap3A_368, %swap3A_369] {strides = array<i32>} : memref<8x2048xf32, #tpu.memory_space<vmem>>, vector<1x16xf32>,
        %swap3A_371 = vector.shape_cast %swap3A_370 : vector<1x16xf32> to vector<16xf32>
        %swap3A_372 = vector.shape_cast %add3A_366 : vector<16xf32> to vector<1x16xf32>
        tpu.vector_store %arg10[%swap3A_368, %swap3A_369], %swap3A_372 {strides = array<i32>} : memref<8x2048xf32, #tpu.memory_space<vmem>>, vector<1x16xf32>,
        %scan3A_373 = arith.constant 0 : i32
        scf.yield %scan3A_373 : i32
      }
      %scan3A_170 = arith.constant 16 : i32
      %scan3A_171 = arith.constant 0 : i32
      %scan3A_172 = arith.constant 0 : i32
      %scan3A_173 = arith.constant 16 : i32
      %scan3A_174 = arith.addi %scan3A_172, %scan3A_173 : i32
      %scan3A_175 = arith.constant 1 : i32
      %scan3A_176 = scf.for %scan3A_219 = %scan3A_172 to %scan3A_174 step %scan3A_175 iter_args(%scan3A_220 = %scan3A_171) -> (i32)  : i32 {
        %mul3A_221 = arith.constant 128 : i32
        %mul3A_222 = arith.muli %scan3A_219, %mul3A_221 : i32
        %add3A_223 = arith.constant 0 : i32
        %add3A_224 = arith.addi %mul3A_222, %add3A_223 : i32
        %get3A = arith.constant 3 : i32
        %get3A_225 = arith.index_cast %get3A : i32 to index
        %get3A_226 = arith.index_cast %add3A_224 : i32 to index
        %get3A_227 = tpu.vector_load %arg10[%get3A_225, %get3A_226] {strides = array<i32>} : memref<8x2048xf32, #tpu.memory_space<vmem>>, vector<1x16xf32>,
        %get3A_228 = vector.shape_cast %get3A_227 : vector<1x16xf32> to vector<16xf32>
        %get3A_229 = arith.constant 3 : i32
        %get3A_230 = arith.index_cast %get3A_229 : i32 to index
        %get3A_231 = arith.index_cast %add3A_224 : i32 to index
        %get3A_232 = tpu.vector_load %arg11[%get3A_230, %get3A_231] {strides = array<i32>} : memref<8x2048xf32, #tpu.memory_space<vmem>>, vector<1x16xf32>,
        %get3A_233 = vector.shape_cast %get3A_232 : vector<1x16xf32> to vector<16xf32>
        %add3A_234 = arith.addf %get3A_228, %get3A_233 : vector<16xf32>
        %swap3A = arith.constant 3 : i32
        %swap3A_235 = arith.index_cast %swap3A : i32 to index
        %swap3A_236 = arith.index_cast %add3A_224 : i32 to index
        %swap3A_237 = tpu.vector_load %arg10[%swap3A_235, %swap3A_236] {strides = array<i32>} : memref<8x2048xf32, #tpu.memory_space<vmem>>, vector<1x16xf32>,
        %swap3A_238 = vector.shape_cast %swap3A_237 : vector<1x16xf32> to vector<16xf32>
        %swap3A_239 = vector.shape_cast %add3A_234 : vector<16xf32> to vector<1x16xf32>
        tpu.vector_store %arg10[%swap3A_235, %swap3A_236], %swap3A_239 {strides = array<i32>} : memref<8x2048xf32, #tpu.memory_space<vmem>>, vector<1x16xf32>,
        %add3A_240 = arith.constant 16 : i32
        %add3A_241 = arith.addi %mul3A_222, %add3A_240 : i32
        %get3A_242 = arith.constant 3 : i32
        %get3A_243 = arith.index_cast %get3A_242 : i32 to index
        %get3A_244 = arith.index_cast %add3A_241 : i32 to index
        %get3A_245 = tpu.vector_load %arg10[%get3A_243, %get3A_244] {strides = array<i32>} : memref<8x2048xf32, #tpu.memory_space<vmem>>, vector<1x16xf32>,
        %get3A_246 = vector.shape_cast %get3A_245 : vector<1x16xf32> to vector<16xf32>
        %get3A_247 = arith.constant 3 : i32
        %get3A_248 = arith.index_cast %get3A_247 : i32 to index
        %get3A_249 = arith.index_cast %add3A_241 : i32 to index
        %get3A_250 = tpu.vector_load %arg11[%get3A_248, %get3A_249] {strides = array<i32>} : memref<8x2048xf32, #tpu.memory_space<vmem>>, vector<1x16xf32>,
        %get3A_251 = vector.shape_cast %get3A_250 : vector<1x16xf32> to vector<16xf32>
        %add3A_252 = arith.addf %get3A_246, %get3A_251 : vector<16xf32>
        %swap3A_253 = arith.constant 3 : i32
        %swap3A_254 = arith.index_cast %swap3A_253 : i32 to index
        %swap3A_255 = arith.index_cast %add3A_241 : i32 to index
        %swap3A_256 = tpu.vector_load %arg10[%swap3A_254, %swap3A_255] {strides = array<i32>} : memref<8x2048xf32, #tpu.memory_space<vmem>>, vector<1x16xf32>,
        %swap3A_257 = vector.shape_cast %swap3A_256 : vector<1x16xf32> to vector<16xf32>
        %swap3A_258 = vector.shape_cast %add3A_252 : vector<16xf32> to vector<1x16xf32>
        tpu.vector_store %arg10[%swap3A_254, %swap3A_255], %swap3A_258 {strides = array<i32>} : memref<8x2048xf32, #tpu.memory_space<vmem>>, vector<1x16xf32>,
        %add3A_259 = arith.constant 32 : i32
        %add3A_260 = arith.addi %mul3A_222, %add3A_259 : i32
        %get3A_261 = arith.constant 3 : i32
        %get3A_262 = arith.index_cast %get3A_261 : i32 to index
        %get3A_263 = arith.index_cast %add3A_260 : i32 to index
        %get3A_264 = tpu.vector_load %arg10[%get3A_262, %get3A_263] {strides = array<i32>} : memref<8x2048xf32, #tpu.memory_space<vmem>>, vector<1x16xf32>,
        %get3A_265 = vector.shape_cast %get3A_264 : vector<1x16xf32> to vector<16xf32>
        %get3A_266 = arith.constant 3 : i32
        %get3A_267 = arith.index_cast %get3A_266 : i32 to index
        %get3A_268 = arith.index_cast %add3A_260 : i32 to index
        %get3A_269 = tpu.vector_load %arg11[%get3A_267, %get3A_268] {strides = array<i32>} : memref<8x2048xf32, #tpu.memory_space<vmem>>, vector<1x16xf32>,
        %get3A_270 = vector.shape_cast %get3A_269 : vector<1x16xf32> to vector<16xf32>
        %add3A_271 = arith.addf %get3A_265, %get3A_270 : vector<16xf32>
        %swap3A_272 = arith.constant 3 : i32
        %swap3A_273 = arith.index_cast %swap3A_272 : i32 to index
        %swap3A_274 = arith.index_cast %add3A_260 : i32 to index
        %swap3A_275 = tpu.vector_load %arg10[%swap3A_273, %swap3A_274] {strides = array<i32>} : memref<8x2048xf32, #tpu.memory_space<vmem>>, vector<1x16xf32>,
        %swap3A_276 = vector.shape_cast %swap3A_275 : vector<1x16xf32> to vector<16xf32>
        %swap3A_277 = vector.shape_cast %add3A_271 : vector<16xf32> to vector<1x16xf32>
        tpu.vector_store %arg10[%swap3A_273, %swap3A_274], %swap3A_277 {strides = array<i32>} : memref<8x2048xf32, #tpu.memory_space<vmem>>, vector<1x16xf32>,
        %add3A_278 = arith.constant 48 : i32
        %add3A_279 = arith.addi %mul3A_222, %add3A_278 : i32
        %get3A_280 = arith.constant 3 : i32
        %get3A_281 = arith.index_cast %get3A_280 : i32 to index
        %get3A_282 = arith.index_cast %add3A_279 : i32 to index
        %get3A_283 = tpu.vector_load %arg10[%get3A_281, %get3A_282] {strides = array<i32>} : memref<8x2048xf32, #tpu.memory_space<vmem>>, vector<1x16xf32>,
        %get3A_284 = vector.shape_cast %get3A_283 : vector<1x16xf32> to vector<16xf32>
        %get3A_285 = arith.constant 3 : i32
        %get3A_286 = arith.index_cast %get3A_285 : i32 to index
        %get3A_287 = arith.index_cast %add3A_279 : i32 to index
        %get3A_288 = tpu.vector_load %arg11[%get3A_286, %get3A_287] {strides = array<i32>} : memref<8x2048xf32, #tpu.memory_space<vmem>>, vector<1x16xf32>,
        %get3A_289 = vector.shape_cast %get3A_288 : vector<1x16xf32> to vector<16xf32>
        %add3A_290 = arith.addf %get3A_284, %get3A_289 : vector<16xf32>
        %swap3A_291 = arith.constant 3 : i32
        %swap3A_292 = arith.index_cast %swap3A_291 : i32 to index
        %swap3A_293 = arith.index_cast %add3A_279 : i32 to index
        %swap3A_294 = tpu.vector_load %arg10[%swap3A_292, %swap3A_293] {strides = array<i32>} : memref<8x2048xf32, #tpu.memory_space<vmem>>, vector<1x16xf32>,
        %swap3A_295 = vector.shape_cast %swap3A_294 : vector<1x16xf32> to vector<16xf32>
        %swap3A_296 = vector.shape_cast %add3A_290 : vector<16xf32> to vector<1x16xf32>
        tpu.vector_store %arg10[%swap3A_292, %swap3A_293], %swap3A_296 {strides = array<i32>} : memref<8x2048xf32, #tpu.memory_space<vmem>>, vector<1x16xf32>,
        %add3A_297 = arith.constant 64 : i32
        %add3A_298 = arith.addi %mul3A_222, %add3A_297 : i32
        %get3A_299 = arith.constant 3 : i32
        %get3A_300 = arith.index_cast %get3A_299 : i32 to index
        %get3A_301 = arith.index_cast %add3A_298 : i32 to index
        %get3A_302 = tpu.vector_load %arg10[%get3A_300, %get3A_301] {strides = array<i32>} : memref<8x2048xf32, #tpu.memory_space<vmem>>, vector<1x16xf32>,
        %get3A_303 = vector.shape_cast %get3A_302 : vector<1x16xf32> to vector<16xf32>
        %get3A_304 = arith.constant 3 : i32
        %get3A_305 = arith.index_cast %get3A_304 : i32 to index
        %get3A_306 = arith.index_cast %add3A_298 : i32 to index
        %get3A_307 = tpu.vector_load %arg11[%get3A_305, %get3A_306] {strides = array<i32>} : memref<8x2048xf32, #tpu.memory_space<vmem>>, vector<1x16xf32>,
        %get3A_308 = vector.shape_cast %get3A_307 : vector<1x16xf32> to vector<16xf32>
        %add3A_309 = arith.addf %get3A_303, %get3A_308 : vector<16xf32>
        %swap3A_310 = arith.constant 3 : i32
        %swap3A_311 = arith.index_cast %swap3A_310 : i32 to index
        %swap3A_312 = arith.index_cast %add3A_298 : i32 to index
        %swap3A_313 = tpu.vector_load %arg10[%swap3A_311, %swap3A_312] {strides = array<i32>} : memref<8x2048xf32, #tpu.memory_space<vmem>>, vector<1x16xf32>,
        %swap3A_314 = vector.shape_cast %swap3A_313 : vector<1x16xf32> to vector<16xf32>
        %swap3A_315 = vector.shape_cast %add3A_309 : vector<16xf32> to vector<1x16xf32>
        tpu.vector_store %arg10[%swap3A_311, %swap3A_312], %swap3A_315 {strides = array<i32>} : memref<8x2048xf32, #tpu.memory_space<vmem>>, vector<1x16xf32>,
        %add3A_316 = arith.constant 80 : i32
        %add3A_317 = arith.addi %mul3A_222, %add3A_316 : i32
        %get3A_318 = arith.constant 3 : i32
        %get3A_319 = arith.index_cast %get3A_318 : i32 to index
        %get3A_320 = arith.index_cast %add3A_317 : i32 to index
        %get3A_321 = tpu.vector_load %arg10[%get3A_319, %get3A_320] {strides = array<i32>} : memref<8x2048xf32, #tpu.memory_space<vmem>>, vector<1x16xf32>,
        %get3A_322 = vector.shape_cast %get3A_321 : vector<1x16xf32> to vector<16xf32>
        %get3A_323 = arith.constant 3 : i32
        %get3A_324 = arith.index_cast %get3A_323 : i32 to index
        %get3A_325 = arith.index_cast %add3A_317 : i32 to index
        %get3A_326 = tpu.vector_load %arg11[%get3A_324, %get3A_325] {strides = array<i32>} : memref<8x2048xf32, #tpu.memory_space<vmem>>, vector<1x16xf32>,
        %get3A_327 = vector.shape_cast %get3A_326 : vector<1x16xf32> to vector<16xf32>
        %add3A_328 = arith.addf %get3A_322, %get3A_327 : vector<16xf32>
        %swap3A_329 = arith.constant 3 : i32
        %swap3A_330 = arith.index_cast %swap3A_329 : i32 to index
        %swap3A_331 = arith.index_cast %add3A_317 : i32 to index
        %swap3A_332 = tpu.vector_load %arg10[%swap3A_330, %swap3A_331] {strides = array<i32>} : memref<8x2048xf32, #tpu.memory_space<vmem>>, vector<1x16xf32>,
        %swap3A_333 = vector.shape_cast %swap3A_332 : vector<1x16xf32> to vector<16xf32>
        %swap3A_334 = vector.shape_cast %add3A_328 : vector<16xf32> to vector<1x16xf32>
        tpu.vector_store %arg10[%swap3A_330, %swap3A_331], %swap3A_334 {strides = array<i32>} : memref<8x2048xf32, #tpu.memory_space<vmem>>, vector<1x16xf32>,
        %add3A_335 = arith.constant 96 : i32
        %add3A_336 = arith.addi %mul3A_222, %add3A_335 : i32
        %get3A_337 = arith.constant 3 : i32
        %get3A_338 = arith.index_cast %get3A_337 : i32 to index
        %get3A_339 = arith.index_cast %add3A_336 : i32 to index
        %get3A_340 = tpu.vector_load %arg10[%get3A_338, %get3A_339] {strides = array<i32>} : memref<8x2048xf32, #tpu.memory_space<vmem>>, vector<1x16xf32>,
        %get3A_341 = vector.shape_cast %get3A_340 : vector<1x16xf32> to vector<16xf32>
        %get3A_342 = arith.constant 3 : i32
        %get3A_343 = arith.index_cast %get3A_342 : i32 to index
        %get3A_344 = arith.index_cast %add3A_336 : i32 to index
        %get3A_345 = tpu.vector_load %arg11[%get3A_343, %get3A_344] {strides = array<i32>} : memref<8x2048xf32, #tpu.memory_space<vmem>>, vector<1x16xf32>,
        %get3A_346 = vector.shape_cast %get3A_345 : vector<1x16xf32> to vector<16xf32>
        %add3A_347 = arith.addf %get3A_341, %get3A_346 : vector<16xf32>
        %swap3A_348 = arith.constant 3 : i32
        %swap3A_349 = arith.index_cast %swap3A_348 : i32 to index
        %swap3A_350 = arith.index_cast %add3A_336 : i32 to index
        %swap3A_351 = tpu.vector_load %arg10[%swap3A_349, %swap3A_350] {strides = array<i32>} : memref<8x2048xf32, #tpu.memory_space<vmem>>, vector<1x16xf32>,
        %swap3A_352 = vector.shape_cast %swap3A_351 : vector<1x16xf32> to vector<16xf32>
        %swap3A_353 = vector.shape_cast %add3A_347 : vector<16xf32> to vector<1x16xf32>
        tpu.vector_store %arg10[%swap3A_349, %swap3A_350], %swap3A_353 {strides = array<i32>} : memref<8x2048xf32, #tpu.memory_space<vmem>>, vector<1x16xf32>,
        %add3A_354 = arith.constant 112 : i32
        %add3A_355 = arith.addi %mul3A_222, %add3A_354 : i32
        %get3A_356 = arith.constant 3 : i32
        %get3A_357 = arith.index_cast %get3A_356 : i32 to index
        %get3A_358 = arith.index_cast %add3A_355 : i32 to index
        %get3A_359 = tpu.vector_load %arg10[%get3A_357, %get3A_358] {strides = array<i32>} : memref<8x2048xf32, #tpu.memory_space<vmem>>, vector<1x16xf32>,
        %get3A_360 = vector.shape_cast %get3A_359 : vector<1x16xf32> to vector<16xf32>
        %get3A_361 = arith.constant 3 : i32
        %get3A_362 = arith.index_cast %get3A_361 : i32 to index
        %get3A_363 = arith.index_cast %add3A_355 : i32 to index
        %get3A_364 = tpu.vector_load %arg11[%get3A_362, %get3A_363] {strides = array<i32>} : memref<8x2048xf32, #tpu.memory_space<vmem>>, vector<1x16xf32>,
        %get3A_365 = vector.shape_cast %get3A_364 : vector<1x16xf32> to vector<16xf32>
        %add3A_366 = arith.addf %get3A_360, %get3A_365 : vector<16xf32>
        %swap3A_367 = arith.constant 3 : i32
        %swap3A_368 = arith.index_cast %swap3A_367 : i32 to index
        %swap3A_369 = arith.index_cast %add3A_355 : i32 to index
        %swap3A_370 = tpu.vector_load %arg10[%swap3A_368, %swap3A_369] {strides = array<i32>} : memref<8x2048xf32, #tpu.memory_space<vmem>>, vector<1x16xf32>,
        %swap3A_371 = vector.shape_cast %swap3A_370 : vector<1x16xf32> to vector<16xf32>
        %swap3A_372 = vector.shape_cast %add3A_366 : vector<16xf32> to vector<1x16xf32>
        tpu.vector_store %arg10[%swap3A_368, %swap3A_369], %swap3A_372 {strides = array<i32>} : memref<8x2048xf32, #tpu.memory_space<vmem>>, vector<1x16xf32>,
        %scan3A_373 = arith.constant 0 : i32
        scf.yield %scan3A_373 : i32
      }
      %scan3A_177 = arith.constant 16 : i32
      %scan3A_178 = arith.constant 0 : i32
      %scan3A_179 = arith.constant 0 : i32
      %scan3A_180 = arith.constant 16 : i32
      %scan3A_181 = arith.addi %scan3A_179, %scan3A_180 : i32
      %scan3A_182 = arith.constant 1 : i32
      %scan3A_183 = scf.for %scan3A_219 = %scan3A_179 to %scan3A_181 step %scan3A_182 iter_args(%scan3A_220 = %scan3A_178) -> (i32)  : i32 {
        %mul3A_221 = arith.constant 128 : i32
        %mul3A_222 = arith.muli %scan3A_219, %mul3A_221 : i32
        %add3A_223 = arith.constant 0 : i32
        %add3A_224 = arith.addi %mul3A_222, %add3A_223 : i32
        %get3A = arith.constant 4 : i32
        %get3A_225 = arith.index_cast %get3A : i32 to index
        %get3A_226 = arith.index_cast %add3A_224 : i32 to index
        %get3A_227 = tpu.vector_load %arg10[%get3A_225, %get3A_226] {strides = array<i32>} : memref<8x2048xf32, #tpu.memory_space<vmem>>, vector<1x16xf32>,
        %get3A_228 = vector.shape_cast %get3A_227 : vector<1x16xf32> to vector<16xf32>
        %get3A_229 = arith.constant 4 : i32
        %get3A_230 = arith.index_cast %get3A_229 : i32 to index
        %get3A_231 = arith.index_cast %add3A_224 : i32 to index
        %get3A_232 = tpu.vector_load %arg11[%get3A_230, %get3A_231] {strides = array<i32>} : memref<8x2048xf32, #tpu.memory_space<vmem>>, vector<1x16xf32>,
        %get3A_233 = vector.shape_cast %get3A_232 : vector<1x16xf32> to vector<16xf32>
        %add3A_234 = arith.addf %get3A_228, %get3A_233 : vector<16xf32>
        %swap3A = arith.constant 4 : i32
        %swap3A_235 = arith.index_cast %swap3A : i32 to index
        %swap3A_236 = arith.index_cast %add3A_224 : i32 to index
        %swap3A_237 = tpu.vector_load %arg10[%swap3A_235, %swap3A_236] {strides = array<i32>} : memref<8x2048xf32, #tpu.memory_space<vmem>>, vector<1x16xf32>,
        %swap3A_238 = vector.shape_cast %swap3A_237 : vector<1x16xf32> to vector<16xf32>
        %swap3A_239 = vector.shape_cast %add3A_234 : vector<16xf32> to vector<1x16xf32>
        tpu.vector_store %arg10[%swap3A_235, %swap3A_236], %swap3A_239 {strides = array<i32>} : memref<8x2048xf32, #tpu.memory_space<vmem>>, vector<1x16xf32>,
        %add3A_240 = arith.constant 16 : i32
        %add3A_241 = arith.addi %mul3A_222, %add3A_240 : i32
        %get3A_242 = arith.constant 4 : i32
        %get3A_243 = arith.index_cast %get3A_242 : i32 to index
        %get3A_244 = arith.index_cast %add3A_241 : i32 to index
        %get3A_245 = tpu.vector_load %arg10[%get3A_243, %get3A_244] {strides = array<i32>} : memref<8x2048xf32, #tpu.memory_space<vmem>>, vector<1x16xf32>,
        %get3A_246 = vector.shape_cast %get3A_245 : vector<1x16xf32> to vector<16xf32>
        %get3A_247 = arith.constant 4 : i32
        %get3A_248 = arith.index_cast %get3A_247 : i32 to index
        %get3A_249 = arith.index_cast %add3A_241 : i32 to index
        %get3A_250 = tpu.vector_load %arg11[%get3A_248, %get3A_249] {strides = array<i32>} : memref<8x2048xf32, #tpu.memory_space<vmem>>, vector<1x16xf32>,
        %get3A_251 = vector.shape_cast %get3A_250 : vector<1x16xf32> to vector<16xf32>
        %add3A_252 = arith.addf %get3A_246, %get3A_251 : vector<16xf32>
        %swap3A_253 = arith.constant 4 : i32
        %swap3A_254 = arith.index_cast %swap3A_253 : i32 to index
        %swap3A_255 = arith.index_cast %add3A_241 : i32 to index
        %swap3A_256 = tpu.vector_load %arg10[%swap3A_254, %swap3A_255] {strides = array<i32>} : memref<8x2048xf32, #tpu.memory_space<vmem>>, vector<1x16xf32>,
        %swap3A_257 = vector.shape_cast %swap3A_256 : vector<1x16xf32> to vector<16xf32>
        %swap3A_258 = vector.shape_cast %add3A_252 : vector<16xf32> to vector<1x16xf32>
        tpu.vector_store %arg10[%swap3A_254, %swap3A_255], %swap3A_258 {strides = array<i32>} : memref<8x2048xf32, #tpu.memory_space<vmem>>, vector<1x16xf32>,
        %add3A_259 = arith.constant 32 : i32
        %add3A_260 = arith.addi %mul3A_222, %add3A_259 : i32
        %get3A_261 = arith.constant 4 : i32
        %get3A_262 = arith.index_cast %get3A_261 : i32 to index
        %get3A_263 = arith.index_cast %add3A_260 : i32 to index
        %get3A_264 = tpu.vector_load %arg10[%get3A_262, %get3A_263] {strides = array<i32>} : memref<8x2048xf32, #tpu.memory_space<vmem>>, vector<1x16xf32>,
        %get3A_265 = vector.shape_cast %get3A_264 : vector<1x16xf32> to vector<16xf32>
        %get3A_266 = arith.constant 4 : i32
        %get3A_267 = arith.index_cast %get3A_266 : i32 to index
        %get3A_268 = arith.index_cast %add3A_260 : i32 to index
        %get3A_269 = tpu.vector_load %arg11[%get3A_267, %get3A_268] {strides = array<i32>} : memref<8x2048xf32, #tpu.memory_space<vmem>>, vector<1x16xf32>,
        %get3A_270 = vector.shape_cast %get3A_269 : vector<1x16xf32> to vector<16xf32>
        %add3A_271 = arith.addf %get3A_265, %get3A_270 : vector<16xf32>
        %swap3A_272 = arith.constant 4 : i32
        %swap3A_273 = arith.index_cast %swap3A_272 : i32 to index
        %swap3A_274 = arith.index_cast %add3A_260 : i32 to index
        %swap3A_275 = tpu.vector_load %arg10[%swap3A_273, %swap3A_274] {strides = array<i32>} : memref<8x2048xf32, #tpu.memory_space<vmem>>, vector<1x16xf32>,
        %swap3A_276 = vector.shape_cast %swap3A_275 : vector<1x16xf32> to vector<16xf32>
        %swap3A_277 = vector.shape_cast %add3A_271 : vector<16xf32> to vector<1x16xf32>
        tpu.vector_store %arg10[%swap3A_273, %swap3A_274], %swap3A_277 {strides = array<i32>} : memref<8x2048xf32, #tpu.memory_space<vmem>>, vector<1x16xf32>,
        %add3A_278 = arith.constant 48 : i32
        %add3A_279 = arith.addi %mul3A_222, %add3A_278 : i32
        %get3A_280 = arith.constant 4 : i32
        %get3A_281 = arith.index_cast %get3A_280 : i32 to index
        %get3A_282 = arith.index_cast %add3A_279 : i32 to index
        %get3A_283 = tpu.vector_load %arg10[%get3A_281, %get3A_282] {strides = array<i32>} : memref<8x2048xf32, #tpu.memory_space<vmem>>, vector<1x16xf32>,
        %get3A_284 = vector.shape_cast %get3A_283 : vector<1x16xf32> to vector<16xf32>
        %get3A_285 = arith.constant 4 : i32
        %get3A_286 = arith.index_cast %get3A_285 : i32 to index
        %get3A_287 = arith.index_cast %add3A_279 : i32 to index
        %get3A_288 = tpu.vector_load %arg11[%get3A_286, %get3A_287] {strides = array<i32>} : memref<8x2048xf32, #tpu.memory_space<vmem>>, vector<1x16xf32>,
        %get3A_289 = vector.shape_cast %get3A_288 : vector<1x16xf32> to vector<16xf32>
        %add3A_290 = arith.addf %get3A_284, %get3A_289 : vector<16xf32>
        %swap3A_291 = arith.constant 4 : i32
        %swap3A_292 = arith.index_cast %swap3A_291 : i32 to index
        %swap3A_293 = arith.index_cast %add3A_279 : i32 to index
        %swap3A_294 = tpu.vector_load %arg10[%swap3A_292, %swap3A_293] {strides = array<i32>} : memref<8x2048xf32, #tpu.memory_space<vmem>>, vector<1x16xf32>,
        %swap3A_295 = vector.shape_cast %swap3A_294 : vector<1x16xf32> to vector<16xf32>
        %swap3A_296 = vector.shape_cast %add3A_290 : vector<16xf32> to vector<1x16xf32>
        tpu.vector_store %arg10[%swap3A_292, %swap3A_293], %swap3A_296 {strides = array<i32>} : memref<8x2048xf32, #tpu.memory_space<vmem>>, vector<1x16xf32>,
        %add3A_297 = arith.constant 64 : i32
        %add3A_298 = arith.addi %mul3A_222, %add3A_297 : i32
        %get3A_299 = arith.constant 4 : i32
        %get3A_300 = arith.index_cast %get3A_299 : i32 to index
        %get3A_301 = arith.index_cast %add3A_298 : i32 to index
        %get3A_302 = tpu.vector_load %arg10[%get3A_300, %get3A_301] {strides = array<i32>} : memref<8x2048xf32, #tpu.memory_space<vmem>>, vector<1x16xf32>,
        %get3A_303 = vector.shape_cast %get3A_302 : vector<1x16xf32> to vector<16xf32>
        %get3A_304 = arith.constant 4 : i32
        %get3A_305 = arith.index_cast %get3A_304 : i32 to index
        %get3A_306 = arith.index_cast %add3A_298 : i32 to index
        %get3A_307 = tpu.vector_load %arg11[%get3A_305, %get3A_306] {strides = array<i32>} : memref<8x2048xf32, #tpu.memory_space<vmem>>, vector<1x16xf32>,
        %get3A_308 = vector.shape_cast %get3A_307 : vector<1x16xf32> to vector<16xf32>
        %add3A_309 = arith.addf %get3A_303, %get3A_308 : vector<16xf32>
        %swap3A_310 = arith.constant 4 : i32
        %swap3A_311 = arith.index_cast %swap3A_310 : i32 to index
        %swap3A_312 = arith.index_cast %add3A_298 : i32 to index
        %swap3A_313 = tpu.vector_load %arg10[%swap3A_311, %swap3A_312] {strides = array<i32>} : memref<8x2048xf32, #tpu.memory_space<vmem>>, vector<1x16xf32>,
        %swap3A_314 = vector.shape_cast %swap3A_313 : vector<1x16xf32> to vector<16xf32>
        %swap3A_315 = vector.shape_cast %add3A_309 : vector<16xf32> to vector<1x16xf32>
        tpu.vector_store %arg10[%swap3A_311, %swap3A_312], %swap3A_315 {strides = array<i32>} : memref<8x2048xf32, #tpu.memory_space<vmem>>, vector<1x16xf32>,
        %add3A_316 = arith.constant 80 : i32
        %add3A_317 = arith.addi %mul3A_222, %add3A_316 : i32
        %get3A_318 = arith.constant 4 : i32
        %get3A_319 = arith.index_cast %get3A_318 : i32 to index
        %get3A_320 = arith.index_cast %add3A_317 : i32 to index
        %get3A_321 = tpu.vector_load %arg10[%get3A_319, %get3A_320] {strides = array<i32>} : memref<8x2048xf32, #tpu.memory_space<vmem>>, vector<1x16xf32>,
        %get3A_322 = vector.shape_cast %get3A_321 : vector<1x16xf32> to vector<16xf32>
        %get3A_323 = arith.constant 4 : i32
        %get3A_324 = arith.index_cast %get3A_323 : i32 to index
        %get3A_325 = arith.index_cast %add3A_317 : i32 to index
        %get3A_326 = tpu.vector_load %arg11[%get3A_324, %get3A_325] {strides = array<i32>} : memref<8x2048xf32, #tpu.memory_space<vmem>>, vector<1x16xf32>,
        %get3A_327 = vector.shape_cast %get3A_326 : vector<1x16xf32> to vector<16xf32>
        %add3A_328 = arith.addf %get3A_322, %get3A_327 : vector<16xf32>
        %swap3A_329 = arith.constant 4 : i32
        %swap3A_330 = arith.index_cast %swap3A_329 : i32 to index
        %swap3A_331 = arith.index_cast %add3A_317 : i32 to index
        %swap3A_332 = tpu.vector_load %arg10[%swap3A_330, %swap3A_331] {strides = array<i32>} : memref<8x2048xf32, #tpu.memory_space<vmem>>, vector<1x16xf32>,
        %swap3A_333 = vector.shape_cast %swap3A_332 : vector<1x16xf32> to vector<16xf32>
        %swap3A_334 = vector.shape_cast %add3A_328 : vector<16xf32> to vector<1x16xf32>
        tpu.vector_store %arg10[%swap3A_330, %swap3A_331], %swap3A_334 {strides = array<i32>} : memref<8x2048xf32, #tpu.memory_space<vmem>>, vector<1x16xf32>,
        %add3A_335 = arith.constant 96 : i32
        %add3A_336 = arith.addi %mul3A_222, %add3A_335 : i32
        %get3A_337 = arith.constant 4 : i32
        %get3A_338 = arith.index_cast %get3A_337 : i32 to index
        %get3A_339 = arith.index_cast %add3A_336 : i32 to index
        %get3A_340 = tpu.vector_load %arg10[%get3A_338, %get3A_339] {strides = array<i32>} : memref<8x2048xf32, #tpu.memory_space<vmem>>, vector<1x16xf32>,
        %get3A_341 = vector.shape_cast %get3A_340 : vector<1x16xf32> to vector<16xf32>
        %get3A_342 = arith.constant 4 : i32
        %get3A_343 = arith.index_cast %get3A_342 : i32 to index
        %get3A_344 = arith.index_cast %add3A_336 : i32 to index
        %get3A_345 = tpu.vector_load %arg11[%get3A_343, %get3A_344] {strides = array<i32>} : memref<8x2048xf32, #tpu.memory_space<vmem>>, vector<1x16xf32>,
        %get3A_346 = vector.shape_cast %get3A_345 : vector<1x16xf32> to vector<16xf32>
        %add3A_347 = arith.addf %get3A_341, %get3A_346 : vector<16xf32>
        %swap3A_348 = arith.constant 4 : i32
        %swap3A_349 = arith.index_cast %swap3A_348 : i32 to index
        %swap3A_350 = arith.index_cast %add3A_336 : i32 to index
        %swap3A_351 = tpu.vector_load %arg10[%swap3A_349, %swap3A_350] {strides = array<i32>} : memref<8x2048xf32, #tpu.memory_space<vmem>>, vector<1x16xf32>,
        %swap3A_352 = vector.shape_cast %swap3A_351 : vector<1x16xf32> to vector<16xf32>
        %swap3A_353 = vector.shape_cast %add3A_347 : vector<16xf32> to vector<1x16xf32>
        tpu.vector_store %arg10[%swap3A_349, %swap3A_350], %swap3A_353 {strides = array<i32>} : memref<8x2048xf32, #tpu.memory_space<vmem>>, vector<1x16xf32>,
        %add3A_354 = arith.constant 112 : i32
        %add3A_355 = arith.addi %mul3A_222, %add3A_354 : i32
        %get3A_356 = arith.constant 4 : i32
        %get3A_357 = arith.index_cast %get3A_356 : i32 to index
        %get3A_358 = arith.index_cast %add3A_355 : i32 to index
        %get3A_359 = tpu.vector_load %arg10[%get3A_357, %get3A_358] {strides = array<i32>} : memref<8x2048xf32, #tpu.memory_space<vmem>>, vector<1x16xf32>,
        %get3A_360 = vector.shape_cast %get3A_359 : vector<1x16xf32> to vector<16xf32>
        %get3A_361 = arith.constant 4 : i32
        %get3A_362 = arith.index_cast %get3A_361 : i32 to index
        %get3A_363 = arith.index_cast %add3A_355 : i32 to index
        %get3A_364 = tpu.vector_load %arg11[%get3A_362, %get3A_363] {strides = array<i32>} : memref<8x2048xf32, #tpu.memory_space<vmem>>, vector<1x16xf32>,
        %get3A_365 = vector.shape_cast %get3A_364 : vector<1x16xf32> to vector<16xf32>
        %add3A_366 = arith.addf %get3A_360, %get3A_365 : vector<16xf32>
        %swap3A_367 = arith.constant 4 : i32
        %swap3A_368 = arith.index_cast %swap3A_367 : i32 to index
        %swap3A_369 = arith.index_cast %add3A_355 : i32 to index
        %swap3A_370 = tpu.vector_load %arg10[%swap3A_368, %swap3A_369] {strides = array<i32>} : memref<8x2048xf32, #tpu.memory_space<vmem>>, vector<1x16xf32>,
        %swap3A_371 = vector.shape_cast %swap3A_370 : vector<1x16xf32> to vector<16xf32>
        %swap3A_372 = vector.shape_cast %add3A_366 : vector<16xf32> to vector<1x16xf32>
        tpu.vector_store %arg10[%swap3A_368, %swap3A_369], %swap3A_372 {strides = array<i32>} : memref<8x2048xf32, #tpu.memory_space<vmem>>, vector<1x16xf32>,
        %scan3A_373 = arith.constant 0 : i32
        scf.yield %scan3A_373 : i32
      }
      %scan3A_184 = arith.constant 16 : i32
      %scan3A_185 = arith.constant 0 : i32
      %scan3A_186 = arith.constant 0 : i32
      %scan3A_187 = arith.constant 16 : i32
      %scan3A_188 = arith.addi %scan3A_186, %scan3A_187 : i32
      %scan3A_189 = arith.constant 1 : i32
      %scan3A_190 = scf.for %scan3A_219 = %scan3A_186 to %scan3A_188 step %scan3A_189 iter_args(%scan3A_220 = %scan3A_185) -> (i32)  : i32 {
        %mul3A_221 = arith.constant 128 : i32
        %mul3A_222 = arith.muli %scan3A_219, %mul3A_221 : i32
        %add3A_223 = arith.constant 0 : i32
        %add3A_224 = arith.addi %mul3A_222, %add3A_223 : i32
        %get3A = arith.constant 5 : i32
        %get3A_225 = arith.index_cast %get3A : i32 to index
        %get3A_226 = arith.index_cast %add3A_224 : i32 to index
        %get3A_227 = tpu.vector_load %arg10[%get3A_225, %get3A_226] {strides = array<i32>} : memref<8x2048xf32, #tpu.memory_space<vmem>>, vector<1x16xf32>,
        %get3A_228 = vector.shape_cast %get3A_227 : vector<1x16xf32> to vector<16xf32>
        %get3A_229 = arith.constant 5 : i32
        %get3A_230 = arith.index_cast %get3A_229 : i32 to index
        %get3A_231 = arith.index_cast %add3A_224 : i32 to index
        %get3A_232 = tpu.vector_load %arg11[%get3A_230, %get3A_231] {strides = array<i32>} : memref<8x2048xf32, #tpu.memory_space<vmem>>, vector<1x16xf32>,
        %get3A_233 = vector.shape_cast %get3A_232 : vector<1x16xf32> to vector<16xf32>
        %add3A_234 = arith.addf %get3A_228, %get3A_233 : vector<16xf32>
        %swap3A = arith.constant 5 : i32
        %swap3A_235 = arith.index_cast %swap3A : i32 to index
        %swap3A_236 = arith.index_cast %add3A_224 : i32 to index
        %swap3A_237 = tpu.vector_load %arg10[%swap3A_235, %swap3A_236] {strides = array<i32>} : memref<8x2048xf32, #tpu.memory_space<vmem>>, vector<1x16xf32>,
        %swap3A_238 = vector.shape_cast %swap3A_237 : vector<1x16xf32> to vector<16xf32>
        %swap3A_239 = vector.shape_cast %add3A_234 : vector<16xf32> to vector<1x16xf32>
        tpu.vector_store %arg10[%swap3A_235, %swap3A_236], %swap3A_239 {strides = array<i32>} : memref<8x2048xf32, #tpu.memory_space<vmem>>, vector<1x16xf32>,
        %add3A_240 = arith.constant 16 : i32
        %add3A_241 = arith.addi %mul3A_222, %add3A_240 : i32
        %get3A_242 = arith.constant 5 : i32
        %get3A_243 = arith.index_cast %get3A_242 : i32 to index
        %get3A_244 = arith.index_cast %add3A_241 : i32 to index
        %get3A_245 = tpu.vector_load %arg10[%get3A_243, %get3A_244] {strides = array<i32>} : memref<8x2048xf32, #tpu.memory_space<vmem>>, vector<1x16xf32>,
        %get3A_246 = vector.shape_cast %get3A_245 : vector<1x16xf32> to vector<16xf32>
        %get3A_247 = arith.constant 5 : i32
        %get3A_248 = arith.index_cast %get3A_247 : i32 to index
        %get3A_249 = arith.index_cast %add3A_241 : i32 to index
        %get3A_250 = tpu.vector_load %arg11[%get3A_248, %get3A_249] {strides = array<i32>} : memref<8x2048xf32, #tpu.memory_space<vmem>>, vector<1x16xf32>,
        %get3A_251 = vector.shape_cast %get3A_250 : vector<1x16xf32> to vector<16xf32>
        %add3A_252 = arith.addf %get3A_246, %get3A_251 : vector<16xf32>
        %swap3A_253 = arith.constant 5 : i32
        %swap3A_254 = arith.index_cast %swap3A_253 : i32 to index
        %swap3A_255 = arith.index_cast %add3A_241 : i32 to index
        %swap3A_256 = tpu.vector_load %arg10[%swap3A_254, %swap3A_255] {strides = array<i32>} : memref<8x2048xf32, #tpu.memory_space<vmem>>, vector<1x16xf32>,
        %swap3A_257 = vector.shape_cast %swap3A_256 : vector<1x16xf32> to vector<16xf32>
        %swap3A_258 = vector.shape_cast %add3A_252 : vector<16xf32> to vector<1x16xf32>
        tpu.vector_store %arg10[%swap3A_254, %swap3A_255], %swap3A_258 {strides = array<i32>} : memref<8x2048xf32, #tpu.memory_space<vmem>>, vector<1x16xf32>,
        %add3A_259 = arith.constant 32 : i32
        %add3A_260 = arith.addi %mul3A_222, %add3A_259 : i32
        %get3A_261 = arith.constant 5 : i32
        %get3A_262 = arith.index_cast %get3A_261 : i32 to index
        %get3A_263 = arith.index_cast %add3A_260 : i32 to index
        %get3A_264 = tpu.vector_load %arg10[%get3A_262, %get3A_263] {strides = array<i32>} : memref<8x2048xf32, #tpu.memory_space<vmem>>, vector<1x16xf32>,
        %get3A_265 = vector.shape_cast %get3A_264 : vector<1x16xf32> to vector<16xf32>
        %get3A_266 = arith.constant 5 : i32
        %get3A_267 = arith.index_cast %get3A_266 : i32 to index
        %get3A_268 = arith.index_cast %add3A_260 : i32 to index
        %get3A_269 = tpu.vector_load %arg11[%get3A_267, %get3A_268] {strides = array<i32>} : memref<8x2048xf32, #tpu.memory_space<vmem>>, vector<1x16xf32>,
        %get3A_270 = vector.shape_cast %get3A_269 : vector<1x16xf32> to vector<16xf32>
        %add3A_271 = arith.addf %get3A_265, %get3A_270 : vector<16xf32>
        %swap3A_272 = arith.constant 5 : i32
        %swap3A_273 = arith.index_cast %swap3A_272 : i32 to index
        %swap3A_274 = arith.index_cast %add3A_260 : i32 to index
        %swap3A_275 = tpu.vector_load %arg10[%swap3A_273, %swap3A_274] {strides = array<i32>} : memref<8x2048xf32, #tpu.memory_space<vmem>>, vector<1x16xf32>,
        %swap3A_276 = vector.shape_cast %swap3A_275 : vector<1x16xf32> to vector<16xf32>
        %swap3A_277 = vector.shape_cast %add3A_271 : vector<16xf32> to vector<1x16xf32>
        tpu.vector_store %arg10[%swap3A_273, %swap3A_274], %swap3A_277 {strides = array<i32>} : memref<8x2048xf32, #tpu.memory_space<vmem>>, vector<1x16xf32>,
        %add3A_278 = arith.constant 48 : i32
        %add3A_279 = arith.addi %mul3A_222, %add3A_278 : i32
        %get3A_280 = arith.constant 5 : i32
        %get3A_281 = arith.index_cast %get3A_280 : i32 to index
        %get3A_282 = arith.index_cast %add3A_279 : i32 to index
        %get3A_283 = tpu.vector_load %arg10[%get3A_281, %get3A_282] {strides = array<i32>} : memref<8x2048xf32, #tpu.memory_space<vmem>>, vector<1x16xf32>,
        %get3A_284 = vector.shape_cast %get3A_283 : vector<1x16xf32> to vector<16xf32>
        %get3A_285 = arith.constant 5 : i32
        %get3A_286 = arith.index_cast %get3A_285 : i32 to index
        %get3A_287 = arith.index_cast %add3A_279 : i32 to index
        %get3A_288 = tpu.vector_load %arg11[%get3A_286, %get3A_287] {strides = array<i32>} : memref<8x2048xf32, #tpu.memory_space<vmem>>, vector<1x16xf32>,
        %get3A_289 = vector.shape_cast %get3A_288 : vector<1x16xf32> to vector<16xf32>
        %add3A_290 = arith.addf %get3A_284, %get3A_289 : vector<16xf32>
        %swap3A_291 = arith.constant 5 : i32
        %swap3A_292 = arith.index_cast %swap3A_291 : i32 to index
        %swap3A_293 = arith.index_cast %add3A_279 : i32 to index
        %swap3A_294 = tpu.vector_load %arg10[%swap3A_292, %swap3A_293] {strides = array<i32>} : memref<8x2048xf32, #tpu.memory_space<vmem>>, vector<1x16xf32>,
        %swap3A_295 = vector.shape_cast %swap3A_294 : vector<1x16xf32> to vector<16xf32>
        %swap3A_296 = vector.shape_cast %add3A_290 : vector<16xf32> to vector<1x16xf32>
        tpu.vector_store %arg10[%swap3A_292, %swap3A_293], %swap3A_296 {strides = array<i32>} : memref<8x2048xf32, #tpu.memory_space<vmem>>, vector<1x16xf32>,
        %add3A_297 = arith.constant 64 : i32
        %add3A_298 = arith.addi %mul3A_222, %add3A_297 : i32
        %get3A_299 = arith.constant 5 : i32
        %get3A_300 = arith.index_cast %get3A_299 : i32 to index
        %get3A_301 = arith.index_cast %add3A_298 : i32 to index
        %get3A_302 = tpu.vector_load %arg10[%get3A_300, %get3A_301] {strides = array<i32>} : memref<8x2048xf32, #tpu.memory_space<vmem>>, vector<1x16xf32>,
        %get3A_303 = vector.shape_cast %get3A_302 : vector<1x16xf32> to vector<16xf32>
        %get3A_304 = arith.constant 5 : i32
        %get3A_305 = arith.index_cast %get3A_304 : i32 to index
        %get3A_306 = arith.index_cast %add3A_298 : i32 to index
        %get3A_307 = tpu.vector_load %arg11[%get3A_305, %get3A_306] {strides = array<i32>} : memref<8x2048xf32, #tpu.memory_space<vmem>>, vector<1x16xf32>,
        %get3A_308 = vector.shape_cast %get3A_307 : vector<1x16xf32> to vector<16xf32>
        %add3A_309 = arith.addf %get3A_303, %get3A_308 : vector<16xf32>
        %swap3A_310 = arith.constant 5 : i32
        %swap3A_311 = arith.index_cast %swap3A_310 : i32 to index
        %swap3A_312 = arith.index_cast %add3A_298 : i32 to index
        %swap3A_313 = tpu.vector_load %arg10[%swap3A_311, %swap3A_312] {strides = array<i32>} : memref<8x2048xf32, #tpu.memory_space<vmem>>, vector<1x16xf32>,
        %swap3A_314 = vector.shape_cast %swap3A_313 : vector<1x16xf32> to vector<16xf32>
        %swap3A_315 = vector.shape_cast %add3A_309 : vector<16xf32> to vector<1x16xf32>
        tpu.vector_store %arg10[%swap3A_311, %swap3A_312], %swap3A_315 {strides = array<i32>} : memref<8x2048xf32, #tpu.memory_space<vmem>>, vector<1x16xf32>,
        %add3A_316 = arith.constant 80 : i32
        %add3A_317 = arith.addi %mul3A_222, %add3A_316 : i32
        %get3A_318 = arith.constant 5 : i32
        %get3A_319 = arith.index_cast %get3A_318 : i32 to index
        %get3A_320 = arith.index_cast %add3A_317 : i32 to index
        %get3A_321 = tpu.vector_load %arg10[%get3A_319, %get3A_320] {strides = array<i32>} : memref<8x2048xf32, #tpu.memory_space<vmem>>, vector<1x16xf32>,
        %get3A_322 = vector.shape_cast %get3A_321 : vector<1x16xf32> to vector<16xf32>
        %get3A_323 = arith.constant 5 : i32
        %get3A_324 = arith.index_cast %get3A_323 : i32 to index
        %get3A_325 = arith.index_cast %add3A_317 : i32 to index
        %get3A_326 = tpu.vector_load %arg11[%get3A_324, %get3A_325] {strides = array<i32>} : memref<8x2048xf32, #tpu.memory_space<vmem>>, vector<1x16xf32>,
        %get3A_327 = vector.shape_cast %get3A_326 : vector<1x16xf32> to vector<16xf32>
        %add3A_328 = arith.addf %get3A_322, %get3A_327 : vector<16xf32>
        %swap3A_329 = arith.constant 5 : i32
        %swap3A_330 = arith.index_cast %swap3A_329 : i32 to index
        %swap3A_331 = arith.index_cast %add3A_317 : i32 to index
        %swap3A_332 = tpu.vector_load %arg10[%swap3A_330, %swap3A_331] {strides = array<i32>} : memref<8x2048xf32, #tpu.memory_space<vmem>>, vector<1x16xf32>,
        %swap3A_333 = vector.shape_cast %swap3A_332 : vector<1x16xf32> to vector<16xf32>
        %swap3A_334 = vector.shape_cast %add3A_328 : vector<16xf32> to vector<1x16xf32>
        tpu.vector_store %arg10[%swap3A_330, %swap3A_331], %swap3A_334 {strides = array<i32>} : memref<8x2048xf32, #tpu.memory_space<vmem>>, vector<1x16xf32>,
        %add3A_335 = arith.constant 96 : i32
        %add3A_336 = arith.addi %mul3A_222, %add3A_335 : i32
        %get3A_337 = arith.constant 5 : i32
        %get3A_338 = arith.index_cast %get3A_337 : i32 to index
        %get3A_339 = arith.index_cast %add3A_336 : i32 to index
        %get3A_340 = tpu.vector_load %arg10[%get3A_338, %get3A_339] {strides = array<i32>} : memref<8x2048xf32, #tpu.memory_space<vmem>>, vector<1x16xf32>,
        %get3A_341 = vector.shape_cast %get3A_340 : vector<1x16xf32> to vector<16xf32>
        %get3A_342 = arith.constant 5 : i32
        %get3A_343 = arith.index_cast %get3A_342 : i32 to index
        %get3A_344 = arith.index_cast %add3A_336 : i32 to index
        %get3A_345 = tpu.vector_load %arg11[%get3A_343, %get3A_344] {strides = array<i32>} : memref<8x2048xf32, #tpu.memory_space<vmem>>, vector<1x16xf32>,
        %get3A_346 = vector.shape_cast %get3A_345 : vector<1x16xf32> to vector<16xf32>
        %add3A_347 = arith.addf %get3A_341, %get3A_346 : vector<16xf32>
        %swap3A_348 = arith.constant 5 : i32
        %swap3A_349 = arith.index_cast %swap3A_348 : i32 to index
        %swap3A_350 = arith.index_cast %add3A_336 : i32 to index
        %swap3A_351 = tpu.vector_load %arg10[%swap3A_349, %swap3A_350] {strides = array<i32>} : memref<8x2048xf32, #tpu.memory_space<vmem>>, vector<1x16xf32>,
        %swap3A_352 = vector.shape_cast %swap3A_351 : vector<1x16xf32> to vector<16xf32>
        %swap3A_353 = vector.shape_cast %add3A_347 : vector<16xf32> to vector<1x16xf32>
        tpu.vector_store %arg10[%swap3A_349, %swap3A_350], %swap3A_353 {strides = array<i32>} : memref<8x2048xf32, #tpu.memory_space<vmem>>, vector<1x16xf32>,
        %add3A_354 = arith.constant 112 : i32
        %add3A_355 = arith.addi %mul3A_222, %add3A_354 : i32
        %get3A_356 = arith.constant 5 : i32
        %get3A_357 = arith.index_cast %get3A_356 : i32 to index
        %get3A_358 = arith.index_cast %add3A_355 : i32 to index
        %get3A_359 = tpu.vector_load %arg10[%get3A_357, %get3A_358] {strides = array<i32>} : memref<8x2048xf32, #tpu.memory_space<vmem>>, vector<1x16xf32>,
        %get3A_360 = vector.shape_cast %get3A_359 : vector<1x16xf32> to vector<16xf32>
        %get3A_361 = arith.constant 5 : i32
        %get3A_362 = arith.index_cast %get3A_361 : i32 to index
        %get3A_363 = arith.index_cast %add3A_355 : i32 to index
        %get3A_364 = tpu.vector_load %arg11[%get3A_362, %get3A_363] {strides = array<i32>} : memref<8x2048xf32, #tpu.memory_space<vmem>>, vector<1x16xf32>,
        %get3A_365 = vector.shape_cast %get3A_364 : vector<1x16xf32> to vector<16xf32>
        %add3A_366 = arith.addf %get3A_360, %get3A_365 : vector<16xf32>
        %swap3A_367 = arith.constant 5 : i32
        %swap3A_368 = arith.index_cast %swap3A_367 : i32 to index
        %swap3A_369 = arith.index_cast %add3A_355 : i32 to index
        %swap3A_370 = tpu.vector_load %arg10[%swap3A_368, %swap3A_369] {strides = array<i32>} : memref<8x2048xf32, #tpu.memory_space<vmem>>, vector<1x16xf32>,
        %swap3A_371 = vector.shape_cast %swap3A_370 : vector<1x16xf32> to vector<16xf32>
        %swap3A_372 = vector.shape_cast %add3A_366 : vector<16xf32> to vector<1x16xf32>
        tpu.vector_store %arg10[%swap3A_368, %swap3A_369], %swap3A_372 {strides = array<i32>} : memref<8x2048xf32, #tpu.memory_space<vmem>>, vector<1x16xf32>,
        %scan3A_373 = arith.constant 0 : i32
        scf.yield %scan3A_373 : i32
      }
      %scan3A_191 = arith.constant 16 : i32
      %scan3A_192 = arith.constant 0 : i32
      %scan3A_193 = arith.constant 0 : i32
      %scan3A_194 = arith.constant 16 : i32
      %scan3A_195 = arith.addi %scan3A_193, %scan3A_194 : i32
      %scan3A_196 = arith.constant 1 : i32
      %scan3A_197 = scf.for %scan3A_219 = %scan3A_193 to %scan3A_195 step %scan3A_196 iter_args(%scan3A_220 = %scan3A_192) -> (i32)  : i32 {
        %mul3A_221 = arith.constant 128 : i32
        %mul3A_222 = arith.muli %scan3A_219, %mul3A_221 : i32
        %add3A_223 = arith.constant 0 : i32
        %add3A_224 = arith.addi %mul3A_222, %add3A_223 : i32
        %get3A = arith.constant 6 : i32
        %get3A_225 = arith.index_cast %get3A : i32 to index
        %get3A_226 = arith.index_cast %add3A_224 : i32 to index
        %get3A_227 = tpu.vector_load %arg10[%get3A_225, %get3A_226] {strides = array<i32>} : memref<8x2048xf32, #tpu.memory_space<vmem>>, vector<1x16xf32>,
        %get3A_228 = vector.shape_cast %get3A_227 : vector<1x16xf32> to vector<16xf32>
        %get3A_229 = arith.constant 6 : i32
        %get3A_230 = arith.index_cast %get3A_229 : i32 to index
        %get3A_231 = arith.index_cast %add3A_224 : i32 to index
        %get3A_232 = tpu.vector_load %arg11[%get3A_230, %get3A_231] {strides = array<i32>} : memref<8x2048xf32, #tpu.memory_space<vmem>>, vector<1x16xf32>,
        %get3A_233 = vector.shape_cast %get3A_232 : vector<1x16xf32> to vector<16xf32>
        %add3A_234 = arith.addf %get3A_228, %get3A_233 : vector<16xf32>
        %swap3A = arith.constant 6 : i32
        %swap3A_235 = arith.index_cast %swap3A : i32 to index
        %swap3A_236 = arith.index_cast %add3A_224 : i32 to index
        %swap3A_237 = tpu.vector_load %arg10[%swap3A_235, %swap3A_236] {strides = array<i32>} : memref<8x2048xf32, #tpu.memory_space<vmem>>, vector<1x16xf32>,
        %swap3A_238 = vector.shape_cast %swap3A_237 : vector<1x16xf32> to vector<16xf32>
        %swap3A_239 = vector.shape_cast %add3A_234 : vector<16xf32> to vector<1x16xf32>
        tpu.vector_store %arg10[%swap3A_235, %swap3A_236], %swap3A_239 {strides = array<i32>} : memref<8x2048xf32, #tpu.memory_space<vmem>>, vector<1x16xf32>,
        %add3A_240 = arith.constant 16 : i32
        %add3A_241 = arith.addi %mul3A_222, %add3A_240 : i32
        %get3A_242 = arith.constant 6 : i32
        %get3A_243 = arith.index_cast %get3A_242 : i32 to index
        %get3A_244 = arith.index_cast %add3A_241 : i32 to index
        %get3A_245 = tpu.vector_load %arg10[%get3A_243, %get3A_244] {strides = array<i32>} : memref<8x2048xf32, #tpu.memory_space<vmem>>, vector<1x16xf32>,
        %get3A_246 = vector.shape_cast %get3A_245 : vector<1x16xf32> to vector<16xf32>
        %get3A_247 = arith.constant 6 : i32
        %get3A_248 = arith.index_cast %get3A_247 : i32 to index
        %get3A_249 = arith.index_cast %add3A_241 : i32 to index
        %get3A_250 = tpu.vector_load %arg11[%get3A_248, %get3A_249] {strides = array<i32>} : memref<8x2048xf32, #tpu.memory_space<vmem>>, vector<1x16xf32>,
        %get3A_251 = vector.shape_cast %get3A_250 : vector<1x16xf32> to vector<16xf32>
        %add3A_252 = arith.addf %get3A_246, %get3A_251 : vector<16xf32>
        %swap3A_253 = arith.constant 6 : i32
        %swap3A_254 = arith.index_cast %swap3A_253 : i32 to index
        %swap3A_255 = arith.index_cast %add3A_241 : i32 to index
        %swap3A_256 = tpu.vector_load %arg10[%swap3A_254, %swap3A_255] {strides = array<i32>} : memref<8x2048xf32, #tpu.memory_space<vmem>>, vector<1x16xf32>,
        %swap3A_257 = vector.shape_cast %swap3A_256 : vector<1x16xf32> to vector<16xf32>
        %swap3A_258 = vector.shape_cast %add3A_252 : vector<16xf32> to vector<1x16xf32>
        tpu.vector_store %arg10[%swap3A_254, %swap3A_255], %swap3A_258 {strides = array<i32>} : memref<8x2048xf32, #tpu.memory_space<vmem>>, vector<1x16xf32>,
        %add3A_259 = arith.constant 32 : i32
        %add3A_260 = arith.addi %mul3A_222, %add3A_259 : i32
        %get3A_261 = arith.constant 6 : i32
        %get3A_262 = arith.index_cast %get3A_261 : i32 to index
        %get3A_263 = arith.index_cast %add3A_260 : i32 to index
        %get3A_264 = tpu.vector_load %arg10[%get3A_262, %get3A_263] {strides = array<i32>} : memref<8x2048xf32, #tpu.memory_space<vmem>>, vector<1x16xf32>,
        %get3A_265 = vector.shape_cast %get3A_264 : vector<1x16xf32> to vector<16xf32>
        %get3A_266 = arith.constant 6 : i32
        %get3A_267 = arith.index_cast %get3A_266 : i32 to index
        %get3A_268 = arith.index_cast %add3A_260 : i32 to index
        %get3A_269 = tpu.vector_load %arg11[%get3A_267, %get3A_268] {strides = array<i32>} : memref<8x2048xf32, #tpu.memory_space<vmem>>, vector<1x16xf32>,
        %get3A_270 = vector.shape_cast %get3A_269 : vector<1x16xf32> to vector<16xf32>
        %add3A_271 = arith.addf %get3A_265, %get3A_270 : vector<16xf32>
        %swap3A_272 = arith.constant 6 : i32
        %swap3A_273 = arith.index_cast %swap3A_272 : i32 to index
        %swap3A_274 = arith.index_cast %add3A_260 : i32 to index
        %swap3A_275 = tpu.vector_load %arg10[%swap3A_273, %swap3A_274] {strides = array<i32>} : memref<8x2048xf32, #tpu.memory_space<vmem>>, vector<1x16xf32>,
        %swap3A_276 = vector.shape_cast %swap3A_275 : vector<1x16xf32> to vector<16xf32>
        %swap3A_277 = vector.shape_cast %add3A_271 : vector<16xf32> to vector<1x16xf32>
        tpu.vector_store %arg10[%swap3A_273, %swap3A_274], %swap3A_277 {strides = array<i32>} : memref<8x2048xf32, #tpu.memory_space<vmem>>, vector<1x16xf32>,
        %add3A_278 = arith.constant 48 : i32
        %add3A_279 = arith.addi %mul3A_222, %add3A_278 : i32
        %get3A_280 = arith.constant 6 : i32
        %get3A_281 = arith.index_cast %get3A_280 : i32 to index
        %get3A_282 = arith.index_cast %add3A_279 : i32 to index
        %get3A_283 = tpu.vector_load %arg10[%get3A_281, %get3A_282] {strides = array<i32>} : memref<8x2048xf32, #tpu.memory_space<vmem>>, vector<1x16xf32>,
        %get3A_284 = vector.shape_cast %get3A_283 : vector<1x16xf32> to vector<16xf32>
        %get3A_285 = arith.constant 6 : i32
        %get3A_286 = arith.index_cast %get3A_285 : i32 to index
        %get3A_287 = arith.index_cast %add3A_279 : i32 to index
        %get3A_288 = tpu.vector_load %arg11[%get3A_286, %get3A_287] {strides = array<i32>} : memref<8x2048xf32, #tpu.memory_space<vmem>>, vector<1x16xf32>,
        %get3A_289 = vector.shape_cast %get3A_288 : vector<1x16xf32> to vector<16xf32>
        %add3A_290 = arith.addf %get3A_284, %get3A_289 : vector<16xf32>
        %swap3A_291 = arith.constant 6 : i32
        %swap3A_292 = arith.index_cast %swap3A_291 : i32 to index
        %swap3A_293 = arith.index_cast %add3A_279 : i32 to index
        %swap3A_294 = tpu.vector_load %arg10[%swap3A_292, %swap3A_293] {strides = array<i32>} : memref<8x2048xf32, #tpu.memory_space<vmem>>, vector<1x16xf32>,
        %swap3A_295 = vector.shape_cast %swap3A_294 : vector<1x16xf32> to vector<16xf32>
        %swap3A_296 = vector.shape_cast %add3A_290 : vector<16xf32> to vector<1x16xf32>
        tpu.vector_store %arg10[%swap3A_292, %swap3A_293], %swap3A_296 {strides = array<i32>} : memref<8x2048xf32, #tpu.memory_space<vmem>>, vector<1x16xf32>,
        %add3A_297 = arith.constant 64 : i32
        %add3A_298 = arith.addi %mul3A_222, %add3A_297 : i32
        %get3A_299 = arith.constant 6 : i32
        %get3A_300 = arith.index_cast %get3A_299 : i32 to index
        %get3A_301 = arith.index_cast %add3A_298 : i32 to index
        %get3A_302 = tpu.vector_load %arg10[%get3A_300, %get3A_301] {strides = array<i32>} : memref<8x2048xf32, #tpu.memory_space<vmem>>, vector<1x16xf32>,
        %get3A_303 = vector.shape_cast %get3A_302 : vector<1x16xf32> to vector<16xf32>
        %get3A_304 = arith.constant 6 : i32
        %get3A_305 = arith.index_cast %get3A_304 : i32 to index
        %get3A_306 = arith.index_cast %add3A_298 : i32 to index
        %get3A_307 = tpu.vector_load %arg11[%get3A_305, %get3A_306] {strides = array<i32>} : memref<8x2048xf32, #tpu.memory_space<vmem>>, vector<1x16xf32>,
        %get3A_308 = vector.shape_cast %get3A_307 : vector<1x16xf32> to vector<16xf32>
        %add3A_309 = arith.addf %get3A_303, %get3A_308 : vector<16xf32>
        %swap3A_310 = arith.constant 6 : i32
        %swap3A_311 = arith.index_cast %swap3A_310 : i32 to index
        %swap3A_312 = arith.index_cast %add3A_298 : i32 to index
        %swap3A_313 = tpu.vector_load %arg10[%swap3A_311, %swap3A_312] {strides = array<i32>} : memref<8x2048xf32, #tpu.memory_space<vmem>>, vector<1x16xf32>,
        %swap3A_314 = vector.shape_cast %swap3A_313 : vector<1x16xf32> to vector<16xf32>
        %swap3A_315 = vector.shape_cast %add3A_309 : vector<16xf32> to vector<1x16xf32>
        tpu.vector_store %arg10[%swap3A_311, %swap3A_312], %swap3A_315 {strides = array<i32>} : memref<8x2048xf32, #tpu.memory_space<vmem>>, vector<1x16xf32>,
        %add3A_316 = arith.constant 80 : i32
        %add3A_317 = arith.addi %mul3A_222, %add3A_316 : i32
        %get3A_318 = arith.constant 6 : i32
        %get3A_319 = arith.index_cast %get3A_318 : i32 to index
        %get3A_320 = arith.index_cast %add3A_317 : i32 to index
        %get3A_321 = tpu.vector_load %arg10[%get3A_319, %get3A_320] {strides = array<i32>} : memref<8x2048xf32, #tpu.memory_space<vmem>>, vector<1x16xf32>,
        %get3A_322 = vector.shape_cast %get3A_321 : vector<1x16xf32> to vector<16xf32>
        %get3A_323 = arith.constant 6 : i32
        %get3A_324 = arith.index_cast %get3A_323 : i32 to index
        %get3A_325 = arith.index_cast %add3A_317 : i32 to index
        %get3A_326 = tpu.vector_load %arg11[%get3A_324, %get3A_325] {strides = array<i32>} : memref<8x2048xf32, #tpu.memory_space<vmem>>, vector<1x16xf32>,
        %get3A_327 = vector.shape_cast %get3A_326 : vector<1x16xf32> to vector<16xf32>
        %add3A_328 = arith.addf %get3A_322, %get3A_327 : vector<16xf32>
        %swap3A_329 = arith.constant 6 : i32
        %swap3A_330 = arith.index_cast %swap3A_329 : i32 to index
        %swap3A_331 = arith.index_cast %add3A_317 : i32 to index
        %swap3A_332 = tpu.vector_load %arg10[%swap3A_330, %swap3A_331] {strides = array<i32>} : memref<8x2048xf32, #tpu.memory_space<vmem>>, vector<1x16xf32>,
        %swap3A_333 = vector.shape_cast %swap3A_332 : vector<1x16xf32> to vector<16xf32>
        %swap3A_334 = vector.shape_cast %add3A_328 : vector<16xf32> to vector<1x16xf32>
        tpu.vector_store %arg10[%swap3A_330, %swap3A_331], %swap3A_334 {strides = array<i32>} : memref<8x2048xf32, #tpu.memory_space<vmem>>, vector<1x16xf32>,
        %add3A_335 = arith.constant 96 : i32
        %add3A_336 = arith.addi %mul3A_222, %add3A_335 : i32
        %get3A_337 = arith.constant 6 : i32
        %get3A_338 = arith.index_cast %get3A_337 : i32 to index
        %get3A_339 = arith.index_cast %add3A_336 : i32 to index
        %get3A_340 = tpu.vector_load %arg10[%get3A_338, %get3A_339] {strides = array<i32>} : memref<8x2048xf32, #tpu.memory_space<vmem>>, vector<1x16xf32>,
        %get3A_341 = vector.shape_cast %get3A_340 : vector<1x16xf32> to vector<16xf32>
        %get3A_342 = arith.constant 6 : i32
        %get3A_343 = arith.index_cast %get3A_342 : i32 to index
        %get3A_344 = arith.index_cast %add3A_336 : i32 to index
        %get3A_345 = tpu.vector_load %arg11[%get3A_343, %get3A_344] {strides = array<i32>} : memref<8x2048xf32, #tpu.memory_space<vmem>>, vector<1x16xf32>,
        %get3A_346 = vector.shape_cast %get3A_345 : vector<1x16xf32> to vector<16xf32>
        %add3A_347 = arith.addf %get3A_341, %get3A_346 : vector<16xf32>
        %swap3A_348 = arith.constant 6 : i32
        %swap3A_349 = arith.index_cast %swap3A_348 : i32 to index
        %swap3A_350 = arith.index_cast %add3A_336 : i32 to index
        %swap3A_351 = tpu.vector_load %arg10[%swap3A_349, %swap3A_350] {strides = array<i32>} : memref<8x2048xf32, #tpu.memory_space<vmem>>, vector<1x16xf32>,
        %swap3A_352 = vector.shape_cast %swap3A_351 : vector<1x16xf32> to vector<16xf32>
        %swap3A_353 = vector.shape_cast %add3A_347 : vector<16xf32> to vector<1x16xf32>
        tpu.vector_store %arg10[%swap3A_349, %swap3A_350], %swap3A_353 {strides = array<i32>} : memref<8x2048xf32, #tpu.memory_space<vmem>>, vector<1x16xf32>,
        %add3A_354 = arith.constant 112 : i32
        %add3A_355 = arith.addi %mul3A_222, %add3A_354 : i32
        %get3A_356 = arith.constant 6 : i32
        %get3A_357 = arith.index_cast %get3A_356 : i32 to index
        %get3A_358 = arith.index_cast %add3A_355 : i32 to index
        %get3A_359 = tpu.vector_load %arg10[%get3A_357, %get3A_358] {strides = array<i32>} : memref<8x2048xf32, #tpu.memory_space<vmem>>, vector<1x16xf32>,
        %get3A_360 = vector.shape_cast %get3A_359 : vector<1x16xf32> to vector<16xf32>
        %get3A_361 = arith.constant 6 : i32
        %get3A_362 = arith.index_cast %get3A_361 : i32 to index
        %get3A_363 = arith.index_cast %add3A_355 : i32 to index
        %get3A_364 = tpu.vector_load %arg11[%get3A_362, %get3A_363] {strides = array<i32>} : memref<8x2048xf32, #tpu.memory_space<vmem>>, vector<1x16xf32>,
        %get3A_365 = vector.shape_cast %get3A_364 : vector<1x16xf32> to vector<16xf32>
        %add3A_366 = arith.addf %get3A_360, %get3A_365 : vector<16xf32>
        %swap3A_367 = arith.constant 6 : i32
        %swap3A_368 = arith.index_cast %swap3A_367 : i32 to index
        %swap3A_369 = arith.index_cast %add3A_355 : i32 to index
        %swap3A_370 = tpu.vector_load %arg10[%swap3A_368, %swap3A_369] {strides = array<i32>} : memref<8x2048xf32, #tpu.memory_space<vmem>>, vector<1x16xf32>,
        %swap3A_371 = vector.shape_cast %swap3A_370 : vector<1x16xf32> to vector<16xf32>
        %swap3A_372 = vector.shape_cast %add3A_366 : vector<16xf32> to vector<1x16xf32>
        tpu.vector_store %arg10[%swap3A_368, %swap3A_369], %swap3A_372 {strides = array<i32>} : memref<8x2048xf32, #tpu.memory_space<vmem>>, vector<1x16xf32>,
        %scan3A_373 = arith.constant 0 : i32
        scf.yield %scan3A_373 : i32
      }
      %scan3A_198 = arith.constant 16 : i32
      %scan3A_199 = arith.constant 0 : i32
      %scan3A_200 = arith.constant 0 : i32
      %scan3A_201 = arith.constant 16 : i32
      %scan3A_202 = arith.addi %scan3A_200, %scan3A_201 : i32
      %scan3A_203 = arith.constant 1 : i32
      %scan3A_204 = scf.for %scan3A_219 = %scan3A_200 to %scan3A_202 step %scan3A_203 iter_args(%scan3A_220 = %scan3A_199) -> (i32)  : i32 {
        %mul3A_221 = arith.constant 128 : i32
        %mul3A_222 = arith.muli %scan3A_219, %mul3A_221 : i32
        %add3A_223 = arith.constant 0 : i32
        %add3A_224 = arith.addi %mul3A_222, %add3A_223 : i32
        %get3A = arith.constant 7 : i32
        %get3A_225 = arith.index_cast %get3A : i32 to index
        %get3A_226 = arith.index_cast %add3A_224 : i32 to index
        %get3A_227 = tpu.vector_load %arg10[%get3A_225, %get3A_226] {strides = array<i32>} : memref<8x2048xf32, #tpu.memory_space<vmem>>, vector<1x16xf32>,
        %get3A_228 = vector.shape_cast %get3A_227 : vector<1x16xf32> to vector<16xf32>
        %get3A_229 = arith.constant 7 : i32
        %get3A_230 = arith.index_cast %get3A_229 : i32 to index
        %get3A_231 = arith.index_cast %add3A_224 : i32 to index
        %get3A_232 = tpu.vector_load %arg11[%get3A_230, %get3A_231] {strides = array<i32>} : memref<8x2048xf32, #tpu.memory_space<vmem>>, vector<1x16xf32>,
        %get3A_233 = vector.shape_cast %get3A_232 : vector<1x16xf32> to vector<16xf32>
        %add3A_234 = arith.addf %get3A_228, %get3A_233 : vector<16xf32>
        %swap3A = arith.constant 7 : i32
        %swap3A_235 = arith.index_cast %swap3A : i32 to index
        %swap3A_236 = arith.index_cast %add3A_224 : i32 to index
        %swap3A_237 = tpu.vector_load %arg10[%swap3A_235, %swap3A_236] {strides = array<i32>} : memref<8x2048xf32, #tpu.memory_space<vmem>>, vector<1x16xf32>,
        %swap3A_238 = vector.shape_cast %swap3A_237 : vector<1x16xf32> to vector<16xf32>
        %swap3A_239 = vector.shape_cast %add3A_234 : vector<16xf32> to vector<1x16xf32>
        tpu.vector_store %arg10[%swap3A_235, %swap3A_236], %swap3A_239 {strides = array<i32>} : memref<8x2048xf32, #tpu.memory_space<vmem>>, vector<1x16xf32>,
        %add3A_240 = arith.constant 16 : i32
        %add3A_241 = arith.addi %mul3A_222, %add3A_240 : i32
        %get3A_242 = arith.constant 7 : i32
        %get3A_243 = arith.index_cast %get3A_242 : i32 to index
        %get3A_244 = arith.index_cast %add3A_241 : i32 to index
        %get3A_245 = tpu.vector_load %arg10[%get3A_243, %get3A_244] {strides = array<i32>} : memref<8x2048xf32, #tpu.memory_space<vmem>>, vector<1x16xf32>,
        %get3A_246 = vector.shape_cast %get3A_245 : vector<1x16xf32> to vector<16xf32>
        %get3A_247 = arith.constant 7 : i32
        %get3A_248 = arith.index_cast %get3A_247 : i32 to index
        %get3A_249 = arith.index_cast %add3A_241 : i32 to index
        %get3A_250 = tpu.vector_load %arg11[%get3A_248, %get3A_249] {strides = array<i32>} : memref<8x2048xf32, #tpu.memory_space<vmem>>, vector<1x16xf32>,
        %get3A_251 = vector.shape_cast %get3A_250 : vector<1x16xf32> to vector<16xf32>
        %add3A_252 = arith.addf %get3A_246, %get3A_251 : vector<16xf32>
        %swap3A_253 = arith.constant 7 : i32
        %swap3A_254 = arith.index_cast %swap3A_253 : i32 to index
        %swap3A_255 = arith.index_cast %add3A_241 : i32 to index
        %swap3A_256 = tpu.vector_load %arg10[%swap3A_254, %swap3A_255] {strides = array<i32>} : memref<8x2048xf32, #tpu.memory_space<vmem>>, vector<1x16xf32>,
        %swap3A_257 = vector.shape_cast %swap3A_256 : vector<1x16xf32> to vector<16xf32>
        %swap3A_258 = vector.shape_cast %add3A_252 : vector<16xf32> to vector<1x16xf32>
        tpu.vector_store %arg10[%swap3A_254, %swap3A_255], %swap3A_258 {strides = array<i32>} : memref<8x2048xf32, #tpu.memory_space<vmem>>, vector<1x16xf32>,
        %add3A_259 = arith.constant 32 : i32
        %add3A_260 = arith.addi %mul3A_222, %add3A_259 : i32
        %get3A_261 = arith.constant 7 : i32
        %get3A_262 = arith.index_cast %get3A_261 : i32 to index
        %get3A_263 = arith.index_cast %add3A_260 : i32 to index
        %get3A_264 = tpu.vector_load %arg10[%get3A_262, %get3A_263] {strides = array<i32>} : memref<8x2048xf32, #tpu.memory_space<vmem>>, vector<1x16xf32>,
        %get3A_265 = vector.shape_cast %get3A_264 : vector<1x16xf32> to vector<16xf32>
        %get3A_266 = arith.constant 7 : i32
        %get3A_267 = arith.index_cast %get3A_266 : i32 to index
        %get3A_268 = arith.index_cast %add3A_260 : i32 to index
        %get3A_269 = tpu.vector_load %arg11[%get3A_267, %get3A_268] {strides = array<i32>} : memref<8x2048xf32, #tpu.memory_space<vmem>>, vector<1x16xf32>,
        %get3A_270 = vector.shape_cast %get3A_269 : vector<1x16xf32> to vector<16xf32>
        %add3A_271 = arith.addf %get3A_265, %get3A_270 : vector<16xf32>
        %swap3A_272 = arith.constant 7 : i32
        %swap3A_273 = arith.index_cast %swap3A_272 : i32 to index
        %swap3A_274 = arith.index_cast %add3A_260 : i32 to index
        %swap3A_275 = tpu.vector_load %arg10[%swap3A_273, %swap3A_274] {strides = array<i32>} : memref<8x2048xf32, #tpu.memory_space<vmem>>, vector<1x16xf32>,
        %swap3A_276 = vector.shape_cast %swap3A_275 : vector<1x16xf32> to vector<16xf32>
        %swap3A_277 = vector.shape_cast %add3A_271 : vector<16xf32> to vector<1x16xf32>
        tpu.vector_store %arg10[%swap3A_273, %swap3A_274], %swap3A_277 {strides = array<i32>} : memref<8x2048xf32, #tpu.memory_space<vmem>>, vector<1x16xf32>,
        %add3A_278 = arith.constant 48 : i32
        %add3A_279 = arith.addi %mul3A_222, %add3A_278 : i32
        %get3A_280 = arith.constant 7 : i32
        %get3A_281 = arith.index_cast %get3A_280 : i32 to index
        %get3A_282 = arith.index_cast %add3A_279 : i32 to index
        %get3A_283 = tpu.vector_load %arg10[%get3A_281, %get3A_282] {strides = array<i32>} : memref<8x2048xf32, #tpu.memory_space<vmem>>, vector<1x16xf32>,
        %get3A_284 = vector.shape_cast %get3A_283 : vector<1x16xf32> to vector<16xf32>
        %get3A_285 = arith.constant 7 : i32
        %get3A_286 = arith.index_cast %get3A_285 : i32 to index
        %get3A_287 = arith.index_cast %add3A_279 : i32 to index
        %get3A_288 = tpu.vector_load %arg11[%get3A_286, %get3A_287] {strides = array<i32>} : memref<8x2048xf32, #tpu.memory_space<vmem>>, vector<1x16xf32>,
        %get3A_289 = vector.shape_cast %get3A_288 : vector<1x16xf32> to vector<16xf32>
        %add3A_290 = arith.addf %get3A_284, %get3A_289 : vector<16xf32>
        %swap3A_291 = arith.constant 7 : i32
        %swap3A_292 = arith.index_cast %swap3A_291 : i32 to index
        %swap3A_293 = arith.index_cast %add3A_279 : i32 to index
        %swap3A_294 = tpu.vector_load %arg10[%swap3A_292, %swap3A_293] {strides = array<i32>} : memref<8x2048xf32, #tpu.memory_space<vmem>>, vector<1x16xf32>,
        %swap3A_295 = vector.shape_cast %swap3A_294 : vector<1x16xf32> to vector<16xf32>
        %swap3A_296 = vector.shape_cast %add3A_290 : vector<16xf32> to vector<1x16xf32>
        tpu.vector_store %arg10[%swap3A_292, %swap3A_293], %swap3A_296 {strides = array<i32>} : memref<8x2048xf32, #tpu.memory_space<vmem>>, vector<1x16xf32>,
        %add3A_297 = arith.constant 64 : i32
        %add3A_298 = arith.addi %mul3A_222, %add3A_297 : i32
        %get3A_299 = arith.constant 7 : i32
        %get3A_300 = arith.index_cast %get3A_299 : i32 to index
        %get3A_301 = arith.index_cast %add3A_298 : i32 to index
        %get3A_302 = tpu.vector_load %arg10[%get3A_300, %get3A_301] {strides = array<i32>} : memref<8x2048xf32, #tpu.memory_space<vmem>>, vector<1x16xf32>,
        %get3A_303 = vector.shape_cast %get3A_302 : vector<1x16xf32> to vector<16xf32>
        %get3A_304 = arith.constant 7 : i32
        %get3A_305 = arith.index_cast %get3A_304 : i32 to index
        %get3A_306 = arith.index_cast %add3A_298 : i32 to index
        %get3A_307 = tpu.vector_load %arg11[%get3A_305, %get3A_306] {strides = array<i32>} : memref<8x2048xf32, #tpu.memory_space<vmem>>, vector<1x16xf32>,
        %get3A_308 = vector.shape_cast %get3A_307 : vector<1x16xf32> to vector<16xf32>
        %add3A_309 = arith.addf %get3A_303, %get3A_308 : vector<16xf32>
        %swap3A_310 = arith.constant 7 : i32
        %swap3A_311 = arith.index_cast %swap3A_310 : i32 to index
        %swap3A_312 = arith.index_cast %add3A_298 : i32 to index
        %swap3A_313 = tpu.vector_load %arg10[%swap3A_311, %swap3A_312] {strides = array<i32>} : memref<8x2048xf32, #tpu.memory_space<vmem>>, vector<1x16xf32>,
        %swap3A_314 = vector.shape_cast %swap3A_313 : vector<1x16xf32> to vector<16xf32>
        %swap3A_315 = vector.shape_cast %add3A_309 : vector<16xf32> to vector<1x16xf32>
        tpu.vector_store %arg10[%swap3A_311, %swap3A_312], %swap3A_315 {strides = array<i32>} : memref<8x2048xf32, #tpu.memory_space<vmem>>, vector<1x16xf32>,
        %add3A_316 = arith.constant 80 : i32
        %add3A_317 = arith.addi %mul3A_222, %add3A_316 : i32
        %get3A_318 = arith.constant 7 : i32
        %get3A_319 = arith.index_cast %get3A_318 : i32 to index
        %get3A_320 = arith.index_cast %add3A_317 : i32 to index
        %get3A_321 = tpu.vector_load %arg10[%get3A_319, %get3A_320] {strides = array<i32>} : memref<8x2048xf32, #tpu.memory_space<vmem>>, vector<1x16xf32>,
        %get3A_322 = vector.shape_cast %get3A_321 : vector<1x16xf32> to vector<16xf32>
        %get3A_323 = arith.constant 7 : i32
        %get3A_324 = arith.index_cast %get3A_323 : i32 to index
        %get3A_325 = arith.index_cast %add3A_317 : i32 to index
        %get3A_326 = tpu.vector_load %arg11[%get3A_324, %get3A_325] {strides = array<i32>} : memref<8x2048xf32, #tpu.memory_space<vmem>>, vector<1x16xf32>,
        %get3A_327 = vector.shape_cast %get3A_326 : vector<1x16xf32> to vector<16xf32>
        %add3A_328 = arith.addf %get3A_322, %get3A_327 : vector<16xf32>
        %swap3A_329 = arith.constant 7 : i32
        %swap3A_330 = arith.index_cast %swap3A_329 : i32 to index
        %swap3A_331 = arith.index_cast %add3A_317 : i32 to index
        %swap3A_332 = tpu.vector_load %arg10[%swap3A_330, %swap3A_331] {strides = array<i32>} : memref<8x2048xf32, #tpu.memory_space<vmem>>, vector<1x16xf32>,
        %swap3A_333 = vector.shape_cast %swap3A_332 : vector<1x16xf32> to vector<16xf32>
        %swap3A_334 = vector.shape_cast %add3A_328 : vector<16xf32> to vector<1x16xf32>
        tpu.vector_store %arg10[%swap3A_330, %swap3A_331], %swap3A_334 {strides = array<i32>} : memref<8x2048xf32, #tpu.memory_space<vmem>>, vector<1x16xf32>,
        %add3A_335 = arith.constant 96 : i32
        %add3A_336 = arith.addi %mul3A_222, %add3A_335 : i32
        %get3A_337 = arith.constant 7 : i32
        %get3A_338 = arith.index_cast %get3A_337 : i32 to index
        %get3A_339 = arith.index_cast %add3A_336 : i32 to index
        %get3A_340 = tpu.vector_load %arg10[%get3A_338, %get3A_339] {strides = array<i32>} : memref<8x2048xf32, #tpu.memory_space<vmem>>, vector<1x16xf32>,
        %get3A_341 = vector.shape_cast %get3A_340 : vector<1x16xf32> to vector<16xf32>
        %get3A_342 = arith.constant 7 : i32
        %get3A_343 = arith.index_cast %get3A_342 : i32 to index
        %get3A_344 = arith.index_cast %add3A_336 : i32 to index
        %get3A_345 = tpu.vector_load %arg11[%get3A_343, %get3A_344] {strides = array<i32>} : memref<8x2048xf32, #tpu.memory_space<vmem>>, vector<1x16xf32>,
        %get3A_346 = vector.shape_cast %get3A_345 : vector<1x16xf32> to vector<16xf32>
        %add3A_347 = arith.addf %get3A_341, %get3A_346 : vector<16xf32>
        %swap3A_348 = arith.constant 7 : i32
        %swap3A_349 = arith.index_cast %swap3A_348 : i32 to index
        %swap3A_350 = arith.index_cast %add3A_336 : i32 to index
        %swap3A_351 = tpu.vector_load %arg10[%swap3A_349, %swap3A_350] {strides = array<i32>} : memref<8x2048xf32, #tpu.memory_space<vmem>>, vector<1x16xf32>,
        %swap3A_352 = vector.shape_cast %swap3A_351 : vector<1x16xf32> to vector<16xf32>
        %swap3A_353 = vector.shape_cast %add3A_347 : vector<16xf32> to vector<1x16xf32>
        tpu.vector_store %arg10[%swap3A_349, %swap3A_350], %swap3A_353 {strides = array<i32>} : memref<8x2048xf32, #tpu.memory_space<vmem>>, vector<1x16xf32>,
        %add3A_354 = arith.constant 112 : i32
        %add3A_355 = arith.addi %mul3A_222, %add3A_354 : i32
        %get3A_356 = arith.constant 7 : i32
        %get3A_357 = arith.index_cast %get3A_356 : i32 to index
        %get3A_358 = arith.index_cast %add3A_355 : i32 to index
        %get3A_359 = tpu.vector_load %arg10[%get3A_357, %get3A_358] {strides = array<i32>} : memref<8x2048xf32, #tpu.memory_space<vmem>>, vector<1x16xf32>,
        %get3A_360 = vector.shape_cast %get3A_359 : vector<1x16xf32> to vector<16xf32>
        %get3A_361 = arith.constant 7 : i32
        %get3A_362 = arith.index_cast %get3A_361 : i32 to index
        %get3A_363 = arith.index_cast %add3A_355 : i32 to index
        %get3A_364 = tpu.vector_load %arg11[%get3A_362, %get3A_363] {strides = array<i32>} : memref<8x2048xf32, #tpu.memory_space<vmem>>, vector<1x16xf32>,
        %get3A_365 = vector.shape_cast %get3A_364 : vector<1x16xf32> to vector<16xf32>
        %add3A_366 = arith.addf %get3A_360, %get3A_365 : vector<16xf32>
        %swap3A_367 = arith.constant 7 : i32
        %swap3A_368 = arith.index_cast %swap3A_367 : i32 to index
        %swap3A_369 = arith.index_cast %add3A_355 : i32 to index
        %swap3A_370 = tpu.vector_load %arg10[%swap3A_368, %swap3A_369] {strides = array<i32>} : memref<8x2048xf32, #tpu.memory_space<vmem>>, vector<1x16xf32>,
        %swap3A_371 = vector.shape_cast %swap3A_370 : vector<1x16xf32> to vector<16xf32>
        %swap3A_372 = vector.shape_cast %add3A_366 : vector<16xf32> to vector<1x16xf32>
        tpu.vector_store %arg10[%swap3A_368, %swap3A_369], %swap3A_372 {strides = array<i32>} : memref<8x2048xf32, #tpu.memory_space<vmem>>, vector<1x16xf32>,
        %scan3A_373 = arith.constant 0 : i32
        scf.yield %scan3A_373 : i32
      }
      %scan3A_205 = arith.constant 16 : i32
      %mul3A_206 = arith.constant 8 : i32
      %mul3A_207 = arith.muli %add3A_56, %mul3A_206 : i32
      %add3A_208 = arith.addi %mul3A_4, %mul3A_207 : i32
      %dma_start3A_209 = arith.constant 0 : i32
      %dma_start3A_210 = tpu.memref_slice %arg5[%add3A_208, %dma_start3A_209] : memref<8192x2048xf32, #tpu.memory_space<hbm>> -> memref<8x2048xf32, #tpu.memory_space<hbm>>
      %dma_start3A_211 = arith.constant 0 : i32
      %dma_start3A_212 = tpu.memref_slice %arg5[%add3A_208, %dma_start3A_211] : memref<8192x2048xf32, #tpu.memory_space<hbm>> -> memref<8x2048xf32, #tpu.memory_space<hbm>>
      tpu.enqueue_dma source(%arg10 : memref<8x2048xf32, #tpu.memory_space<vmem>>) target(%dma_start3A_212 : memref<8x2048xf32, #tpu.memory_space<hbm>>) target_semaphore(%arg17 : memref<!tpu.dma_semaphore, #tpu.memory_space<semaphore_mem>>)
      %lt3A_213 = arith.constant 15 : i32
      %lt3A_214 = arith.cmpi slt, %scan3A_49, %lt3A_213 : i32
      %convert_element_type3A_215 = arith.extui %lt3A_214 : i1 to i32
      %cond3A_216 = arith.constant 0 : i32
      %cond3A_217 = arith.cmpi ne, %convert_element_type3A_215, %cond3A_216 : i32
      scf.if %cond3A_217 {
        %mul3A_219 = arith.constant 8 : i32
        %mul3A_220 = arith.muli %add3A_56, %mul3A_219 : i32
        %add3A_221 = arith.addi %mul3A_4, %mul3A_220 : i32
        %dma_wait3A_222 = arith.constant 0 : i32
        %dma_wait3A_223 = tpu.memref_slice %arg5[%add3A_221, %dma_wait3A_222] : memref<8192x2048xf32, #tpu.memory_space<hbm>> -> memref<8x2048xf32, #tpu.memory_space<hbm>>
        %dma_wait3A_224 = arith.constant 0 : i32
        %dma_wait3A_225 = tpu.memref_slice %arg5[%add3A_221, %dma_wait3A_224] : memref<8192x2048xf32, #tpu.memory_space<hbm>> -> memref<8x2048xf32, #tpu.memory_space<hbm>>
        tpu.wait_dma2 semaphore(%arg17 : memref<!tpu.dma_semaphore, #tpu.memory_space<semaphore_mem>>) src(%arg10 : memref<8x2048xf32, #tpu.memory_space<vmem>>) dst(%dma_wait3A_225 : memref<8x2048xf32, #tpu.memory_space<hbm>>)
        %add3A_226 = arith.constant 2 : i32
        %add3A_227 = arith.addi %add3A_56, %add3A_226 : i32
        %dma_start3A_228 = arith.constant 0 : i32
        %dma_start3A_229 = tpu.memref_slice %arg6[%add3A_227, %dma_start3A_228] : memref<32x8xi32, #tpu.memory_space<vmem>> -> memref<1x8xi32, #tpu.memory_space<vmem>>
        %dma_start3A_230 = tpu.memref_squeeze %dma_start3A_229 : memref<1x8xi32, #tpu.memory_space<vmem>> -> memref<8xi32, #tpu.memory_space<vmem>>
        %dma_start3A_231 = arith.constant 0 : i32
        %dma_start3A_232 = arith.constant 0 : i32
        %dma_start3A_233 = tpu.memref_slice %arg2[%dma_start3A_231, %dma_start3A_232] : memref<16384x2048xf32, #tpu.memory_space<hbm>> -> memref<16384x2048xf32, #tpu.memory_space<hbm>>
        tpu.enqueue_indirect_dma source(%dma_start3A_233 : memref<16384x2048xf32, #tpu.memory_space<hbm>>) target(%arg10 : memref<8x2048xf32, #tpu.memory_space<vmem>>) offsets(%dma_start3A_230 : memref<8xi32, #tpu.memory_space<vmem>>) semaphore(%arg14 : memref<!tpu.dma_semaphore, #tpu.memory_space<semaphore_mem>>)
        %dma_start3A_234 = arith.constant 0 : i32
        %dma_start3A_235 = tpu.memref_slice %arg7[%add3A_227, %dma_start3A_234] : memref<32x8xi32, #tpu.memory_space<vmem>> -> memref<1x8xi32, #tpu.memory_space<vmem>>
        %dma_start3A_236 = tpu.memref_squeeze %dma_start3A_235 : memref<1x8xi32, #tpu.memory_space<vmem>> -> memref<8xi32, #tpu.memory_space<vmem>>
        %dma_start3A_237 = arith.constant 0 : i32
        %dma_start3A_238 = arith.constant 0 : i32
        %dma_start3A_239 = tpu.memref_slice %arg2[%dma_start3A_237, %dma_start3A_238] : memref<16384x2048xf32, #tpu.memory_space<hbm>> -> memref<16384x2048xf32, #tpu.memory_space<hbm>>
        tpu.enqueue_indirect_dma source(%dma_start3A_239 : memref<16384x2048xf32, #tpu.memory_space<hbm>>) target(%arg11 : memref<8x2048xf32, #tpu.memory_space<vmem>>) offsets(%dma_start3A_236 : memref<8xi32, #tpu.memory_space<vmem>>) semaphore(%arg15 : memref<!tpu.dma_semaphore, #tpu.memory_space<semaphore_mem>>)
      } else {
      }
      %scan3A_218 = arith.constant 0 : i32
      scf.yield %scan3A_218 : i32
    }
    %scan3A_37 = arith.constant 16 : i32
    %add3A_38 = arith.constant 240 : i32
    %add3A_39 = arith.addi %mul3A_4, %add3A_38 : i32
    %dma_wait3A = arith.constant 0 : i32
    %dma_wait3A_40 = tpu.memref_slice %arg5[%add3A_39, %dma_wait3A] : memref<8192x2048xf32, #tpu.memory_space<hbm>> -> memref<8x2048xf32, #tpu.memory_space<hbm>>
    %dma_wait3A_41 = arith.constant 0 : i32
    %dma_wait3A_42 = tpu.memref_slice %arg5[%add3A_39, %dma_wait3A_41] : memref<8192x2048xf32, #tpu.memory_space<hbm>> -> memref<8x2048xf32, #tpu.memory_space<hbm>>
    tpu.wait_dma2 semaphore(%arg16 : memref<!tpu.dma_semaphore, #tpu.memory_space<semaphore_mem>>) src(%arg8 : memref<8x2048xf32, #tpu.memory_space<vmem>>) dst(%dma_wait3A_42 : memref<8x2048xf32, #tpu.memory_space<hbm>>)
    %add3A_43 = arith.constant 248 : i32
    %add3A_44 = arith.addi %mul3A_4, %add3A_43 : i32
    %dma_wait3A_45 = arith.constant 0 : i32
    %dma_wait3A_46 = tpu.memref_slice %arg5[%add3A_44, %dma_wait3A_45] : memref<8192x2048xf32, #tpu.memory_space<hbm>> -> memref<8x2048xf32, #tpu.memory_space<hbm>>
    %dma_wait3A_47 = arith.constant 0 : i32
    %dma_wait3A_48 = tpu.memref_slice %arg5[%add3A_44, %dma_wait3A_47] : memref<8192x2048xf32, #tpu.memory_space<hbm>> -> memref<8x2048xf32, #tpu.memory_space<hbm>>
    tpu.wait_dma2 semaphore(%arg17 : memref<!tpu.dma_semaphore, #tpu.memory_space<semaphore_mem>>) src(%arg10 : memref<8x2048xf32, #tpu.memory_space<vmem>>) dst(%dma_wait3A_48 : memref<8x2048xf32, #tpu.memory_space<hbm>>)
    return
  }
}

#map = affine_map<(d0, d1) -> (0, 0)>
#map1 = affine_map<(d0, d1) -> (0)>
module attributes {stable_mosaic.version = 14 : i64} {
  func.func @k(%arg0: i32, %arg1: i32, %arg2: memref<8192x2048xf32, #tpu.memory_space<hbm>>, %arg3: memref<1024x8xi32, #tpu.memory_space<hbm>>, %arg4: memref<1024x8xi32, #tpu.memory_space<hbm>>, %arg5: memref<1024x8xf32, #tpu.memory_space<hbm>>, %arg6: memref<1024x8xf32, #tpu.memory_space<hbm>>, %arg7: memref<16384x2048xf32, #tpu.memory_space<hbm>>, %arg8: memref<16384xf32, #tpu.memory_space<hbm>>, %arg9: memref<32x8xi32, #tpu.memory_space<vmem>>, %arg10: memref<32x8xi32, #tpu.memory_space<vmem>>, %arg11: memref<32x8xf32, #tpu.memory_space<vmem>>, %arg12: memref<32x8xf32, #tpu.memory_space<vmem>>, %arg13: memref<8x2048xf32, #tpu.memory_space<vmem>>, %arg14: memref<8x2048xf32, #tpu.memory_space<vmem>>, %arg15: memref<!tpu.dma_semaphore, #tpu.memory_space<semaphore_mem>>, %arg16: memref<!tpu.dma_semaphore, #tpu.memory_space<semaphore_mem>>, %arg17: memref<!tpu.dma_semaphore, #tpu.memory_space<semaphore_mem>>, %arg18: memref<!tpu.dma_semaphore, #tpu.memory_space<semaphore_mem>>, %arg19: memref<!tpu.dma_semaphore, #tpu.memory_space<semaphore_mem>>, %arg20: memref<!tpu.dma_semaphore, #tpu.memory_space<semaphore_mem>>, %arg21: memref<!tpu.dma_semaphore, #tpu.memory_space<semaphore_mem>>, %arg22: memref<!tpu.dma_semaphore, #tpu.memory_space<semaphore_mem>>, %arg23: memref<!tpu.dma_semaphore, #tpu.memory_space<semaphore_mem>>, %arg24: memref<!tpu.dma_semaphore, #tpu.memory_space<semaphore_mem>>) attributes {dimension_semantics = [#tpu.dimension_semantics<core_parallel>, #tpu.dimension_semantics<subcore_parallel>], iteration_bounds = array<i64: 2, 16>, scalar_prefetch = 0 : i64, scratch_operands = 16 : i64, tpu.core_type = #tpu.core_type<sc_vector_subcore>, window_params = [{transform_indices = #map}, {transform_indices = #map}, {transform_indices = #map}, {transform_indices = #map}, {transform_indices = #map}, {transform_indices = #map}, {transform_indices = #map1}]} {
    %mul3A = arith.constant 2 : i32
    %mul3A_0 = arith.muli %arg1, %mul3A : i32
    %add3A = arith.addi %mul3A_0, %arg0 : i32
    %mul3A_1 = arith.constant 32 : i32
    %mul3A_2 = arith.muli %add3A, %mul3A_1 : i32
    %mul3A_3 = arith.constant 256 : i32
    %mul3A_4 = arith.muli %add3A, %mul3A_3 : i32
    "tpu.region"() ({
      %run_scoped3A = tpu.sem_alloc : memref<!tpu.dma_semaphore, #tpu.memory_space<semaphore_mem>>
      %dma_start3A_89 = arith.constant 0 : i32
      %dma_start3A_90 = tpu.memref_slice %arg3[%mul3A_2, %dma_start3A_89] : memref<1024x8xi32, #tpu.memory_space<hbm>> -> memref<32x8xi32, #tpu.memory_space<hbm>>
      %dma_start3A_91 = arith.constant 0 : i32
      %dma_start3A_92 = tpu.memref_slice %arg3[%mul3A_2, %dma_start3A_91] : memref<1024x8xi32, #tpu.memory_space<hbm>> -> memref<32x8xi32, #tpu.memory_space<hbm>>
      tpu.enqueue_dma source(%dma_start3A_92 : memref<32x8xi32, #tpu.memory_space<hbm>>) target(%arg9 : memref<32x8xi32, #tpu.memory_space<vmem>>) target_semaphore(%run_scoped3A : memref<!tpu.dma_semaphore, #tpu.memory_space<semaphore_mem>>)
      %dma_wait3A_93 = arith.constant 0 : i32
      %dma_wait3A_94 = tpu.memref_slice %arg3[%mul3A_2, %dma_wait3A_93] : memref<1024x8xi32, #tpu.memory_space<hbm>> -> memref<32x8xi32, #tpu.memory_space<hbm>>
      %dma_wait3A_95 = arith.constant 0 : i32
      %dma_wait3A_96 = tpu.memref_slice %arg3[%mul3A_2, %dma_wait3A_95] : memref<1024x8xi32, #tpu.memory_space<hbm>> -> memref<32x8xi32, #tpu.memory_space<hbm>>
      tpu.wait_dma2 semaphore(%run_scoped3A : memref<!tpu.dma_semaphore, #tpu.memory_space<semaphore_mem>>) src(%dma_wait3A_96 : memref<32x8xi32, #tpu.memory_space<hbm>>) dst(%arg9 : memref<32x8xi32, #tpu.memory_space<vmem>>)
      tpu.yield
    }) : () -> ()
    "tpu.region"() ({
      %run_scoped3A = tpu.sem_alloc : memref<!tpu.dma_semaphore, #tpu.memory_space<semaphore_mem>>
      %dma_start3A_89 = arith.constant 0 : i32
      %dma_start3A_90 = tpu.memref_slice %arg4[%mul3A_2, %dma_start3A_89] : memref<1024x8xi32, #tpu.memory_space<hbm>> -> memref<32x8xi32, #tpu.memory_space<hbm>>
      %dma_start3A_91 = arith.constant 0 : i32
      %dma_start3A_92 = tpu.memref_slice %arg4[%mul3A_2, %dma_start3A_91] : memref<1024x8xi32, #tpu.memory_space<hbm>> -> memref<32x8xi32, #tpu.memory_space<hbm>>
      tpu.enqueue_dma source(%dma_start3A_92 : memref<32x8xi32, #tpu.memory_space<hbm>>) target(%arg10 : memref<32x8xi32, #tpu.memory_space<vmem>>) target_semaphore(%run_scoped3A : memref<!tpu.dma_semaphore, #tpu.memory_space<semaphore_mem>>)
      %dma_wait3A_93 = arith.constant 0 : i32
      %dma_wait3A_94 = tpu.memref_slice %arg4[%mul3A_2, %dma_wait3A_93] : memref<1024x8xi32, #tpu.memory_space<hbm>> -> memref<32x8xi32, #tpu.memory_space<hbm>>
      %dma_wait3A_95 = arith.constant 0 : i32
      %dma_wait3A_96 = tpu.memref_slice %arg4[%mul3A_2, %dma_wait3A_95] : memref<1024x8xi32, #tpu.memory_space<hbm>> -> memref<32x8xi32, #tpu.memory_space<hbm>>
      tpu.wait_dma2 semaphore(%run_scoped3A : memref<!tpu.dma_semaphore, #tpu.memory_space<semaphore_mem>>) src(%dma_wait3A_96 : memref<32x8xi32, #tpu.memory_space<hbm>>) dst(%arg10 : memref<32x8xi32, #tpu.memory_space<vmem>>)
      tpu.yield
    }) : () -> ()
    "tpu.region"() ({
      %run_scoped3A = tpu.sem_alloc : memref<!tpu.dma_semaphore, #tpu.memory_space<semaphore_mem>>
      %dma_start3A_89 = arith.constant 0 : i32
      %dma_start3A_90 = tpu.memref_slice %arg5[%mul3A_2, %dma_start3A_89] : memref<1024x8xf32, #tpu.memory_space<hbm>> -> memref<32x8xf32, #tpu.memory_space<hbm>>
      %dma_start3A_91 = arith.constant 0 : i32
      %dma_start3A_92 = tpu.memref_slice %arg5[%mul3A_2, %dma_start3A_91] : memref<1024x8xf32, #tpu.memory_space<hbm>> -> memref<32x8xf32, #tpu.memory_space<hbm>>
      tpu.enqueue_dma source(%dma_start3A_92 : memref<32x8xf32, #tpu.memory_space<hbm>>) target(%arg11 : memref<32x8xf32, #tpu.memory_space<vmem>>) target_semaphore(%run_scoped3A : memref<!tpu.dma_semaphore, #tpu.memory_space<semaphore_mem>>)
      %dma_wait3A_93 = arith.constant 0 : i32
      %dma_wait3A_94 = tpu.memref_slice %arg5[%mul3A_2, %dma_wait3A_93] : memref<1024x8xf32, #tpu.memory_space<hbm>> -> memref<32x8xf32, #tpu.memory_space<hbm>>
      %dma_wait3A_95 = arith.constant 0 : i32
      %dma_wait3A_96 = tpu.memref_slice %arg5[%mul3A_2, %dma_wait3A_95] : memref<1024x8xf32, #tpu.memory_space<hbm>> -> memref<32x8xf32, #tpu.memory_space<hbm>>
      tpu.wait_dma2 semaphore(%run_scoped3A : memref<!tpu.dma_semaphore, #tpu.memory_space<semaphore_mem>>) src(%dma_wait3A_96 : memref<32x8xf32, #tpu.memory_space<hbm>>) dst(%arg11 : memref<32x8xf32, #tpu.memory_space<vmem>>)
      tpu.yield
    }) : () -> ()
    "tpu.region"() ({
      %run_scoped3A = tpu.sem_alloc : memref<!tpu.dma_semaphore, #tpu.memory_space<semaphore_mem>>
      %dma_start3A_89 = arith.constant 0 : i32
      %dma_start3A_90 = tpu.memref_slice %arg6[%mul3A_2, %dma_start3A_89] : memref<1024x8xf32, #tpu.memory_space<hbm>> -> memref<32x8xf32, #tpu.memory_space<hbm>>
      %dma_start3A_91 = arith.constant 0 : i32
      %dma_start3A_92 = tpu.memref_slice %arg6[%mul3A_2, %dma_start3A_91] : memref<1024x8xf32, #tpu.memory_space<hbm>> -> memref<32x8xf32, #tpu.memory_space<hbm>>
      tpu.enqueue_dma source(%dma_start3A_92 : memref<32x8xf32, #tpu.memory_space<hbm>>) target(%arg12 : memref<32x8xf32, #tpu.memory_space<vmem>>) target_semaphore(%run_scoped3A : memref<!tpu.dma_semaphore, #tpu.memory_space<semaphore_mem>>)
      %dma_wait3A_93 = arith.constant 0 : i32
      %dma_wait3A_94 = tpu.memref_slice %arg6[%mul3A_2, %dma_wait3A_93] : memref<1024x8xf32, #tpu.memory_space<hbm>> -> memref<32x8xf32, #tpu.memory_space<hbm>>
      %dma_wait3A_95 = arith.constant 0 : i32
      %dma_wait3A_96 = tpu.memref_slice %arg6[%mul3A_2, %dma_wait3A_95] : memref<1024x8xf32, #tpu.memory_space<hbm>> -> memref<32x8xf32, #tpu.memory_space<hbm>>
      tpu.wait_dma2 semaphore(%run_scoped3A : memref<!tpu.dma_semaphore, #tpu.memory_space<semaphore_mem>>) src(%dma_wait3A_96 : memref<32x8xf32, #tpu.memory_space<hbm>>) dst(%arg12 : memref<32x8xf32, #tpu.memory_space<vmem>>)
      tpu.yield
    }) : () -> ()
    %add3A_5 = arith.constant 0 : i32
    %add3A_6 = arith.addi %mul3A_4, %add3A_5 : i32
    %dma_start3A = arith.constant 0 : i32
    %dma_start3A_7 = tpu.memref_slice %arg2[%add3A_6, %dma_start3A] : memref<8192x2048xf32, #tpu.memory_space<hbm>> -> memref<8x2048xf32, #tpu.memory_space<hbm>>
    %dma_start3A_8 = arith.constant 0 : i32
    %dma_start3A_9 = tpu.memref_slice %arg2[%add3A_6, %dma_start3A_8] : memref<8192x2048xf32, #tpu.memory_space<hbm>> -> memref<8x2048xf32, #tpu.memory_space<hbm>>
    tpu.enqueue_dma source(%dma_start3A_9 : memref<8x2048xf32, #tpu.memory_space<hbm>>) target(%arg13 : memref<8x2048xf32, #tpu.memory_space<vmem>>) target_semaphore(%arg15 : memref<!tpu.dma_semaphore, #tpu.memory_space<semaphore_mem>>)
    %add3A_10 = arith.constant 8 : i32
    %add3A_11 = arith.addi %mul3A_4, %add3A_10 : i32
    %dma_start3A_12 = arith.constant 0 : i32
    %dma_start3A_13 = tpu.memref_slice %arg2[%add3A_11, %dma_start3A_12] : memref<8192x2048xf32, #tpu.memory_space<hbm>> -> memref<8x2048xf32, #tpu.memory_space<hbm>>
    %dma_start3A_14 = arith.constant 0 : i32
    %dma_start3A_15 = tpu.memref_slice %arg2[%add3A_11, %dma_start3A_14] : memref<8192x2048xf32, #tpu.memory_space<hbm>> -> memref<8x2048xf32, #tpu.memory_space<hbm>>
    tpu.enqueue_dma source(%dma_start3A_15 : memref<8x2048xf32, #tpu.memory_space<hbm>>) target(%arg14 : memref<8x2048xf32, #tpu.memory_space<vmem>>) target_semaphore(%arg16 : memref<!tpu.dma_semaphore, #tpu.memory_space<semaphore_mem>>)
    %scan3A = arith.constant 0 : i32
    %scan3A_16 = arith.constant 0 : i32
    %scan3A_17 = arith.constant 16 : i32
    %scan3A_18 = arith.addi %scan3A_16, %scan3A_17 : i32
    %scan3A_19 = arith.constant 1 : i32
    %scan3A_20 = scf.for %scan3A_89 = %scan3A_16 to %scan3A_18 step %scan3A_19 iter_args(%scan3A_90 = %scan3A) -> (i32)  : i32 {
      %mul3A_91 = arith.constant 2 : i32
      %mul3A_92 = arith.muli %mul3A_91, %scan3A_89 : i32
      %mul3A_93 = arith.constant 2 : i32
      %mul3A_94 = arith.muli %mul3A_93, %scan3A_89 : i32
      %add3A_95 = arith.constant 1 : i32
      %add3A_96 = arith.addi %mul3A_94, %add3A_95 : i32
      %dma_wait3A_97 = arith.constant 0 : i32
      %dma_wait3A_98 = arith.constant 0 : i32
      %dma_wait3A_99 = tpu.memref_slice %arg2[%dma_wait3A_97, %dma_wait3A_98] : memref<8192x2048xf32, #tpu.memory_space<hbm>> -> memref<8x2048xf32, #tpu.memory_space<hbm>>
      %dma_wait3A_100 = arith.constant 0 : i32
      %dma_wait3A_101 = arith.constant 0 : i32
      %dma_wait3A_102 = tpu.memref_slice %arg2[%dma_wait3A_100, %dma_wait3A_101] : memref<8192x2048xf32, #tpu.memory_space<hbm>> -> memref<8x2048xf32, #tpu.memory_space<hbm>>
      tpu.wait_dma2 semaphore(%arg15 : memref<!tpu.dma_semaphore, #tpu.memory_space<semaphore_mem>>) src(%dma_wait3A_102 : memref<8x2048xf32, #tpu.memory_space<hbm>>) dst(%arg13 : memref<8x2048xf32, #tpu.memory_space<vmem>>)
      %dma_start3A_103 = arith.constant 0 : i32
      %dma_start3A_104 = tpu.memref_slice %arg9[%mul3A_92, %dma_start3A_103] : memref<32x8xi32, #tpu.memory_space<vmem>> -> memref<1x8xi32, #tpu.memory_space<vmem>>
      %dma_start3A_105 = tpu.memref_squeeze %dma_start3A_104 : memref<1x8xi32, #tpu.memory_space<vmem>> -> memref<8xi32, #tpu.memory_space<vmem>>
      %dma_start3A_106 = arith.constant 0 : i32
      %dma_start3A_107 = arith.constant 0 : i32
      %dma_start3A_108 = tpu.memref_slice %arg7[%dma_start3A_106, %dma_start3A_107] : memref<16384x2048xf32, #tpu.memory_space<hbm>> -> memref<16384x2048xf32, #tpu.memory_space<hbm>>
      tpu.enqueue_indirect_dma source(%arg13 : memref<8x2048xf32, #tpu.memory_space<vmem>>) target(%dma_start3A_108 : memref<16384x2048xf32, #tpu.memory_space<hbm>>) offsets(%dma_start3A_105 : memref<8xi32, #tpu.memory_space<vmem>>) semaphore(%arg17 : memref<!tpu.dma_semaphore, #tpu.memory_space<semaphore_mem>>)
      %dma_start3A_109 = arith.constant 0 : i32
      %dma_start3A_110 = tpu.memref_slice %arg10[%mul3A_92, %dma_start3A_109] : memref<32x8xi32, #tpu.memory_space<vmem>> -> memref<1x8xi32, #tpu.memory_space<vmem>>
      %dma_start3A_111 = tpu.memref_squeeze %dma_start3A_110 : memref<1x8xi32, #tpu.memory_space<vmem>> -> memref<8xi32, #tpu.memory_space<vmem>>
      %dma_start3A_112 = arith.constant 0 : i32
      %dma_start3A_113 = arith.constant 0 : i32
      %dma_start3A_114 = tpu.memref_slice %arg7[%dma_start3A_112, %dma_start3A_113] : memref<16384x2048xf32, #tpu.memory_space<hbm>> -> memref<16384x2048xf32, #tpu.memory_space<hbm>>
      tpu.enqueue_indirect_dma source(%arg13 : memref<8x2048xf32, #tpu.memory_space<vmem>>) target(%dma_start3A_114 : memref<16384x2048xf32, #tpu.memory_space<hbm>>) offsets(%dma_start3A_111 : memref<8xi32, #tpu.memory_space<vmem>>) semaphore(%arg18 : memref<!tpu.dma_semaphore, #tpu.memory_space<semaphore_mem>>)
      %dma_start3A_115 = arith.constant 0 : i32
      %dma_start3A_116 = tpu.memref_slice %arg11[%mul3A_92, %dma_start3A_115] : memref<32x8xf32, #tpu.memory_space<vmem>> -> memref<1x8xf32, #tpu.memory_space<vmem>>
      %dma_start3A_117 = tpu.memref_squeeze %dma_start3A_116 : memref<1x8xf32, #tpu.memory_space<vmem>> -> memref<8xf32, #tpu.memory_space<vmem>>
      %dma_start3A_118 = arith.constant 0 : i32
      %dma_start3A_119 = tpu.memref_slice %arg9[%mul3A_92, %dma_start3A_118] : memref<32x8xi32, #tpu.memory_space<vmem>> -> memref<1x8xi32, #tpu.memory_space<vmem>>
      %dma_start3A_120 = tpu.memref_squeeze %dma_start3A_119 : memref<1x8xi32, #tpu.memory_space<vmem>> -> memref<8xi32, #tpu.memory_space<vmem>>
      %dma_start3A_121 = arith.constant 0 : i32
      %dma_start3A_122 = tpu.memref_slice %arg8[%dma_start3A_121] : memref<16384xf32, #tpu.memory_space<hbm>> -> memref<16384xf32, #tpu.memory_space<hbm>>
      tpu.enqueue_indirect_dma source(%dma_start3A_117 : memref<8xf32, #tpu.memory_space<vmem>>) target(%dma_start3A_122 : memref<16384xf32, #tpu.memory_space<hbm>>) offsets(%dma_start3A_120 : memref<8xi32, #tpu.memory_space<vmem>>) semaphore(%arg21 : memref<!tpu.dma_semaphore, #tpu.memory_space<semaphore_mem>>)
      %dma_start3A_123 = arith.constant 0 : i32
      %dma_start3A_124 = tpu.memref_slice %arg12[%mul3A_92, %dma_start3A_123] : memref<32x8xf32, #tpu.memory_space<vmem>> -> memref<1x8xf32, #tpu.memory_space<vmem>>
      %dma_start3A_125 = tpu.memref_squeeze %dma_start3A_124 : memref<1x8xf32, #tpu.memory_space<vmem>> -> memref<8xf32, #tpu.memory_space<vmem>>
      %dma_start3A_126 = arith.constant 0 : i32
      %dma_start3A_127 = tpu.memref_slice %arg10[%mul3A_92, %dma_start3A_126] : memref<32x8xi32, #tpu.memory_space<vmem>> -> memref<1x8xi32, #tpu.memory_space<vmem>>
      %dma_start3A_128 = tpu.memref_squeeze %dma_start3A_127 : memref<1x8xi32, #tpu.memory_space<vmem>> -> memref<8xi32, #tpu.memory_space<vmem>>
      %dma_start3A_129 = arith.constant 0 : i32
      %dma_start3A_130 = tpu.memref_slice %arg8[%dma_start3A_129] : memref<16384xf32, #tpu.memory_space<hbm>> -> memref<16384xf32, #tpu.memory_space<hbm>>
      tpu.enqueue_indirect_dma source(%dma_start3A_125 : memref<8xf32, #tpu.memory_space<vmem>>) target(%dma_start3A_130 : memref<16384xf32, #tpu.memory_space<hbm>>) offsets(%dma_start3A_128 : memref<8xi32, #tpu.memory_space<vmem>>) semaphore(%arg22 : memref<!tpu.dma_semaphore, #tpu.memory_space<semaphore_mem>>)
      %lt3A = arith.constant 15 : i32
      %lt3A_131 = arith.cmpi slt, %scan3A_89, %lt3A : i32
      %convert_element_type3A = arith.extui %lt3A_131 : i1 to i32
      %cond3A = arith.constant 0 : i32
      %cond3A_132 = arith.cmpi ne, %convert_element_type3A, %cond3A : i32
      scf.if %cond3A_132 {
        %dma_wait3A_173 = arith.constant 0 : i32
        %dma_wait3A_174 = arith.constant 0 : i32
        %dma_wait3A_175 = tpu.memref_slice %arg9[%dma_wait3A_173, %dma_wait3A_174] : memref<32x8xi32, #tpu.memory_space<vmem>> -> memref<1x8xi32, #tpu.memory_space<vmem>>
        %dma_wait3A_176 = tpu.memref_squeeze %dma_wait3A_175 : memref<1x8xi32, #tpu.memory_space<vmem>> -> memref<8xi32, #tpu.memory_space<vmem>>
        %dma_wait3A_177 = arith.constant 0 : i32
        %dma_wait3A_178 = arith.constant 0 : i32
        %dma_wait3A_179 = tpu.memref_slice %arg7[%dma_wait3A_177, %dma_wait3A_178] : memref<16384x2048xf32, #tpu.memory_space<hbm>> -> memref<16384x2048xf32, #tpu.memory_space<hbm>>
        tpu.wait_indirect_dma semaphore(%arg17 : memref<!tpu.dma_semaphore, #tpu.memory_space<semaphore_mem>>) src(%arg13 : memref<8x2048xf32, #tpu.memory_space<vmem>>) dst(%dma_wait3A_179 : memref<16384x2048xf32, #tpu.memory_space<hbm>>)
        %dma_wait3A_180 = arith.constant 0 : i32
        %dma_wait3A_181 = arith.constant 0 : i32
        %dma_wait3A_182 = tpu.memref_slice %arg10[%dma_wait3A_180, %dma_wait3A_181] : memref<32x8xi32, #tpu.memory_space<vmem>> -> memref<1x8xi32, #tpu.memory_space<vmem>>
        %dma_wait3A_183 = tpu.memref_squeeze %dma_wait3A_182 : memref<1x8xi32, #tpu.memory_space<vmem>> -> memref<8xi32, #tpu.memory_space<vmem>>
        %dma_wait3A_184 = arith.constant 0 : i32
        %dma_wait3A_185 = arith.constant 0 : i32
        %dma_wait3A_186 = tpu.memref_slice %arg7[%dma_wait3A_184, %dma_wait3A_185] : memref<16384x2048xf32, #tpu.memory_space<hbm>> -> memref<16384x2048xf32, #tpu.memory_space<hbm>>
        tpu.wait_indirect_dma semaphore(%arg18 : memref<!tpu.dma_semaphore, #tpu.memory_space<semaphore_mem>>) src(%arg13 : memref<8x2048xf32, #tpu.memory_space<vmem>>) dst(%dma_wait3A_186 : memref<16384x2048xf32, #tpu.memory_space<hbm>>)
        %dma_wait3A_187 = arith.constant 0 : i32
        %dma_wait3A_188 = arith.constant 0 : i32
        %dma_wait3A_189 = arith.constant 0 : i32
        %dma_wait3A_190 = tpu.memref_slice %arg11[%dma_wait3A_187, %dma_wait3A_189] : memref<32x8xf32, #tpu.memory_space<vmem>> -> memref<1x8xf32, #tpu.memory_space<vmem>>
        %dma_wait3A_191 = tpu.memref_squeeze %dma_wait3A_190 : memref<1x8xf32, #tpu.memory_space<vmem>> -> memref<8xf32, #tpu.memory_space<vmem>>
        %dma_wait3A_192 = arith.constant 0 : i32
        %dma_wait3A_193 = tpu.memref_slice %arg9[%dma_wait3A_188, %dma_wait3A_192] : memref<32x8xi32, #tpu.memory_space<vmem>> -> memref<1x8xi32, #tpu.memory_space<vmem>>
        %dma_wait3A_194 = tpu.memref_squeeze %dma_wait3A_193 : memref<1x8xi32, #tpu.memory_space<vmem>> -> memref<8xi32, #tpu.memory_space<vmem>>
        %dma_wait3A_195 = arith.constant 0 : i32
        %dma_wait3A_196 = tpu.memref_slice %arg8[%dma_wait3A_195] : memref<16384xf32, #tpu.memory_space<hbm>> -> memref<16384xf32, #tpu.memory_space<hbm>>
        tpu.wait_indirect_dma semaphore(%arg21 : memref<!tpu.dma_semaphore, #tpu.memory_space<semaphore_mem>>) src(%dma_wait3A_191 : memref<8xf32, #tpu.memory_space<vmem>>) dst(%dma_wait3A_196 : memref<16384xf32, #tpu.memory_space<hbm>>)
        %dma_wait3A_197 = arith.constant 0 : i32
        %dma_wait3A_198 = arith.constant 0 : i32
        %dma_wait3A_199 = arith.constant 0 : i32
        %dma_wait3A_200 = tpu.memref_slice %arg12[%dma_wait3A_197, %dma_wait3A_199] : memref<32x8xf32, #tpu.memory_space<vmem>> -> memref<1x8xf32, #tpu.memory_space<vmem>>
        %dma_wait3A_201 = tpu.memref_squeeze %dma_wait3A_200 : memref<1x8xf32, #tpu.memory_space<vmem>> -> memref<8xf32, #tpu.memory_space<vmem>>
        %dma_wait3A_202 = arith.constant 0 : i32
        %dma_wait3A_203 = tpu.memref_slice %arg10[%dma_wait3A_198, %dma_wait3A_202] : memref<32x8xi32, #tpu.memory_space<vmem>> -> memref<1x8xi32, #tpu.memory_space<vmem>>
        %dma_wait3A_204 = tpu.memref_squeeze %dma_wait3A_203 : memref<1x8xi32, #tpu.memory_space<vmem>> -> memref<8xi32, #tpu.memory_space<vmem>>
        %dma_wait3A_205 = arith.constant 0 : i32
        %dma_wait3A_206 = tpu.memref_slice %arg8[%dma_wait3A_205] : memref<16384xf32, #tpu.memory_space<hbm>> -> memref<16384xf32, #tpu.memory_space<hbm>>
        tpu.wait_indirect_dma semaphore(%arg22 : memref<!tpu.dma_semaphore, #tpu.memory_space<semaphore_mem>>) src(%dma_wait3A_201 : memref<8xf32, #tpu.memory_space<vmem>>) dst(%dma_wait3A_206 : memref<16384xf32, #tpu.memory_space<hbm>>)
        %add3A_207 = arith.constant 2 : i32
        %add3A_208 = arith.addi %mul3A_92, %add3A_207 : i32
        %mul3A_209 = arith.constant 8 : i32
        %mul3A_210 = arith.muli %add3A_208, %mul3A_209 : i32
        %add3A_211 = arith.addi %mul3A_4, %mul3A_210 : i32
        %dma_start3A_212 = arith.constant 0 : i32
        %dma_start3A_213 = tpu.memref_slice %arg2[%add3A_211, %dma_start3A_212] : memref<8192x2048xf32, #tpu.memory_space<hbm>> -> memref<8x2048xf32, #tpu.memory_space<hbm>>
        %dma_start3A_214 = arith.constant 0 : i32
        %dma_start3A_215 = tpu.memref_slice %arg2[%add3A_211, %dma_start3A_214] : memref<8192x2048xf32, #tpu.memory_space<hbm>> -> memref<8x2048xf32, #tpu.memory_space<hbm>>
        tpu.enqueue_dma source(%dma_start3A_215 : memref<8x2048xf32, #tpu.memory_space<hbm>>) target(%arg13 : memref<8x2048xf32, #tpu.memory_space<vmem>>) target_semaphore(%arg15 : memref<!tpu.dma_semaphore, #tpu.memory_space<semaphore_mem>>)
      } else {
      }
      %dma_wait3A_133 = arith.constant 0 : i32
      %dma_wait3A_134 = arith.constant 0 : i32
      %dma_wait3A_135 = tpu.memref_slice %arg2[%dma_wait3A_133, %dma_wait3A_134] : memref<8192x2048xf32, #tpu.memory_space<hbm>> -> memref<8x2048xf32, #tpu.memory_space<hbm>>
      %dma_wait3A_136 = arith.constant 0 : i32
      %dma_wait3A_137 = arith.constant 0 : i32
      %dma_wait3A_138 = tpu.memref_slice %arg2[%dma_wait3A_136, %dma_wait3A_137] : memref<8192x2048xf32, #tpu.memory_space<hbm>> -> memref<8x2048xf32, #tpu.memory_space<hbm>>
      tpu.wait_dma2 semaphore(%arg16 : memref<!tpu.dma_semaphore, #tpu.memory_space<semaphore_mem>>) src(%dma_wait3A_138 : memref<8x2048xf32, #tpu.memory_space<hbm>>) dst(%arg14 : memref<8x2048xf32, #tpu.memory_space<vmem>>)
      %dma_start3A_139 = arith.constant 0 : i32
      %dma_start3A_140 = tpu.memref_slice %arg9[%add3A_96, %dma_start3A_139] : memref<32x8xi32, #tpu.memory_space<vmem>> -> memref<1x8xi32, #tpu.memory_space<vmem>>
      %dma_start3A_141 = tpu.memref_squeeze %dma_start3A_140 : memref<1x8xi32, #tpu.memory_space<vmem>> -> memref<8xi32, #tpu.memory_space<vmem>>
      %dma_start3A_142 = arith.constant 0 : i32
      %dma_start3A_143 = arith.constant 0 : i32
      %dma_start3A_144 = tpu.memref_slice %arg7[%dma_start3A_142, %dma_start3A_143] : memref<16384x2048xf32, #tpu.memory_space<hbm>> -> memref<16384x2048xf32, #tpu.memory_space<hbm>>
      tpu.enqueue_indirect_dma source(%arg14 : memref<8x2048xf32, #tpu.memory_space<vmem>>) target(%dma_start3A_144 : memref<16384x2048xf32, #tpu.memory_space<hbm>>) offsets(%dma_start3A_141 : memref<8xi32, #tpu.memory_space<vmem>>) semaphore(%arg19 : memref<!tpu.dma_semaphore, #tpu.memory_space<semaphore_mem>>)
      %dma_start3A_145 = arith.constant 0 : i32
      %dma_start3A_146 = tpu.memref_slice %arg10[%add3A_96, %dma_start3A_145] : memref<32x8xi32, #tpu.memory_space<vmem>> -> memref<1x8xi32, #tpu.memory_space<vmem>>
      %dma_start3A_147 = tpu.memref_squeeze %dma_start3A_146 : memref<1x8xi32, #tpu.memory_space<vmem>> -> memref<8xi32, #tpu.memory_space<vmem>>
      %dma_start3A_148 = arith.constant 0 : i32
      %dma_start3A_149 = arith.constant 0 : i32
      %dma_start3A_150 = tpu.memref_slice %arg7[%dma_start3A_148, %dma_start3A_149] : memref<16384x2048xf32, #tpu.memory_space<hbm>> -> memref<16384x2048xf32, #tpu.memory_space<hbm>>
      tpu.enqueue_indirect_dma source(%arg14 : memref<8x2048xf32, #tpu.memory_space<vmem>>) target(%dma_start3A_150 : memref<16384x2048xf32, #tpu.memory_space<hbm>>) offsets(%dma_start3A_147 : memref<8xi32, #tpu.memory_space<vmem>>) semaphore(%arg20 : memref<!tpu.dma_semaphore, #tpu.memory_space<semaphore_mem>>)
      %dma_start3A_151 = arith.constant 0 : i32
      %dma_start3A_152 = tpu.memref_slice %arg11[%add3A_96, %dma_start3A_151] : memref<32x8xf32, #tpu.memory_space<vmem>> -> memref<1x8xf32, #tpu.memory_space<vmem>>
      %dma_start3A_153 = tpu.memref_squeeze %dma_start3A_152 : memref<1x8xf32, #tpu.memory_space<vmem>> -> memref<8xf32, #tpu.memory_space<vmem>>
      %dma_start3A_154 = arith.constant 0 : i32
      %dma_start3A_155 = tpu.memref_slice %arg9[%add3A_96, %dma_start3A_154] : memref<32x8xi32, #tpu.memory_space<vmem>> -> memref<1x8xi32, #tpu.memory_space<vmem>>
      %dma_start3A_156 = tpu.memref_squeeze %dma_start3A_155 : memref<1x8xi32, #tpu.memory_space<vmem>> -> memref<8xi32, #tpu.memory_space<vmem>>
      %dma_start3A_157 = arith.constant 0 : i32
      %dma_start3A_158 = tpu.memref_slice %arg8[%dma_start3A_157] : memref<16384xf32, #tpu.memory_space<hbm>> -> memref<16384xf32, #tpu.memory_space<hbm>>
      tpu.enqueue_indirect_dma source(%dma_start3A_153 : memref<8xf32, #tpu.memory_space<vmem>>) target(%dma_start3A_158 : memref<16384xf32, #tpu.memory_space<hbm>>) offsets(%dma_start3A_156 : memref<8xi32, #tpu.memory_space<vmem>>) semaphore(%arg23 : memref<!tpu.dma_semaphore, #tpu.memory_space<semaphore_mem>>)
      %dma_start3A_159 = arith.constant 0 : i32
      %dma_start3A_160 = tpu.memref_slice %arg12[%add3A_96, %dma_start3A_159] : memref<32x8xf32, #tpu.memory_space<vmem>> -> memref<1x8xf32, #tpu.memory_space<vmem>>
      %dma_start3A_161 = tpu.memref_squeeze %dma_start3A_160 : memref<1x8xf32, #tpu.memory_space<vmem>> -> memref<8xf32, #tpu.memory_space<vmem>>
      %dma_start3A_162 = arith.constant 0 : i32
      %dma_start3A_163 = tpu.memref_slice %arg10[%add3A_96, %dma_start3A_162] : memref<32x8xi32, #tpu.memory_space<vmem>> -> memref<1x8xi32, #tpu.memory_space<vmem>>
      %dma_start3A_164 = tpu.memref_squeeze %dma_start3A_163 : memref<1x8xi32, #tpu.memory_space<vmem>> -> memref<8xi32, #tpu.memory_space<vmem>>
      %dma_start3A_165 = arith.constant 0 : i32
      %dma_start3A_166 = tpu.memref_slice %arg8[%dma_start3A_165] : memref<16384xf32, #tpu.memory_space<hbm>> -> memref<16384xf32, #tpu.memory_space<hbm>>
      tpu.enqueue_indirect_dma source(%dma_start3A_161 : memref<8xf32, #tpu.memory_space<vmem>>) target(%dma_start3A_166 : memref<16384xf32, #tpu.memory_space<hbm>>) offsets(%dma_start3A_164 : memref<8xi32, #tpu.memory_space<vmem>>) semaphore(%arg24 : memref<!tpu.dma_semaphore, #tpu.memory_space<semaphore_mem>>)
      %lt3A_167 = arith.constant 15 : i32
      %lt3A_168 = arith.cmpi slt, %scan3A_89, %lt3A_167 : i32
      %convert_element_type3A_169 = arith.extui %lt3A_168 : i1 to i32
      %cond3A_170 = arith.constant 0 : i32
      %cond3A_171 = arith.cmpi ne, %convert_element_type3A_169, %cond3A_170 : i32
      scf.if %cond3A_171 {
        %dma_wait3A_173 = arith.constant 0 : i32
        %dma_wait3A_174 = arith.constant 0 : i32
        %dma_wait3A_175 = tpu.memref_slice %arg9[%dma_wait3A_173, %dma_wait3A_174] : memref<32x8xi32, #tpu.memory_space<vmem>> -> memref<1x8xi32, #tpu.memory_space<vmem>>
        %dma_wait3A_176 = tpu.memref_squeeze %dma_wait3A_175 : memref<1x8xi32, #tpu.memory_space<vmem>> -> memref<8xi32, #tpu.memory_space<vmem>>
        %dma_wait3A_177 = arith.constant 0 : i32
        %dma_wait3A_178 = arith.constant 0 : i32
        %dma_wait3A_179 = tpu.memref_slice %arg7[%dma_wait3A_177, %dma_wait3A_178] : memref<16384x2048xf32, #tpu.memory_space<hbm>> -> memref<16384x2048xf32, #tpu.memory_space<hbm>>
        tpu.wait_indirect_dma semaphore(%arg19 : memref<!tpu.dma_semaphore, #tpu.memory_space<semaphore_mem>>) src(%arg14 : memref<8x2048xf32, #tpu.memory_space<vmem>>) dst(%dma_wait3A_179 : memref<16384x2048xf32, #tpu.memory_space<hbm>>)
        %dma_wait3A_180 = arith.constant 0 : i32
        %dma_wait3A_181 = arith.constant 0 : i32
        %dma_wait3A_182 = tpu.memref_slice %arg10[%dma_wait3A_180, %dma_wait3A_181] : memref<32x8xi32, #tpu.memory_space<vmem>> -> memref<1x8xi32, #tpu.memory_space<vmem>>
        %dma_wait3A_183 = tpu.memref_squeeze %dma_wait3A_182 : memref<1x8xi32, #tpu.memory_space<vmem>> -> memref<8xi32, #tpu.memory_space<vmem>>
        %dma_wait3A_184 = arith.constant 0 : i32
        %dma_wait3A_185 = arith.constant 0 : i32
        %dma_wait3A_186 = tpu.memref_slice %arg7[%dma_wait3A_184, %dma_wait3A_185] : memref<16384x2048xf32, #tpu.memory_space<hbm>> -> memref<16384x2048xf32, #tpu.memory_space<hbm>>
        tpu.wait_indirect_dma semaphore(%arg20 : memref<!tpu.dma_semaphore, #tpu.memory_space<semaphore_mem>>) src(%arg14 : memref<8x2048xf32, #tpu.memory_space<vmem>>) dst(%dma_wait3A_186 : memref<16384x2048xf32, #tpu.memory_space<hbm>>)
        %dma_wait3A_187 = arith.constant 0 : i32
        %dma_wait3A_188 = arith.constant 0 : i32
        %dma_wait3A_189 = arith.constant 0 : i32
        %dma_wait3A_190 = tpu.memref_slice %arg11[%dma_wait3A_187, %dma_wait3A_189] : memref<32x8xf32, #tpu.memory_space<vmem>> -> memref<1x8xf32, #tpu.memory_space<vmem>>
        %dma_wait3A_191 = tpu.memref_squeeze %dma_wait3A_190 : memref<1x8xf32, #tpu.memory_space<vmem>> -> memref<8xf32, #tpu.memory_space<vmem>>
        %dma_wait3A_192 = arith.constant 0 : i32
        %dma_wait3A_193 = tpu.memref_slice %arg9[%dma_wait3A_188, %dma_wait3A_192] : memref<32x8xi32, #tpu.memory_space<vmem>> -> memref<1x8xi32, #tpu.memory_space<vmem>>
        %dma_wait3A_194 = tpu.memref_squeeze %dma_wait3A_193 : memref<1x8xi32, #tpu.memory_space<vmem>> -> memref<8xi32, #tpu.memory_space<vmem>>
        %dma_wait3A_195 = arith.constant 0 : i32
        %dma_wait3A_196 = tpu.memref_slice %arg8[%dma_wait3A_195] : memref<16384xf32, #tpu.memory_space<hbm>> -> memref<16384xf32, #tpu.memory_space<hbm>>
        tpu.wait_indirect_dma semaphore(%arg23 : memref<!tpu.dma_semaphore, #tpu.memory_space<semaphore_mem>>) src(%dma_wait3A_191 : memref<8xf32, #tpu.memory_space<vmem>>) dst(%dma_wait3A_196 : memref<16384xf32, #tpu.memory_space<hbm>>)
        %dma_wait3A_197 = arith.constant 0 : i32
        %dma_wait3A_198 = arith.constant 0 : i32
        %dma_wait3A_199 = arith.constant 0 : i32
        %dma_wait3A_200 = tpu.memref_slice %arg12[%dma_wait3A_197, %dma_wait3A_199] : memref<32x8xf32, #tpu.memory_space<vmem>> -> memref<1x8xf32, #tpu.memory_space<vmem>>
        %dma_wait3A_201 = tpu.memref_squeeze %dma_wait3A_200 : memref<1x8xf32, #tpu.memory_space<vmem>> -> memref<8xf32, #tpu.memory_space<vmem>>
        %dma_wait3A_202 = arith.constant 0 : i32
        %dma_wait3A_203 = tpu.memref_slice %arg10[%dma_wait3A_198, %dma_wait3A_202] : memref<32x8xi32, #tpu.memory_space<vmem>> -> memref<1x8xi32, #tpu.memory_space<vmem>>
        %dma_wait3A_204 = tpu.memref_squeeze %dma_wait3A_203 : memref<1x8xi32, #tpu.memory_space<vmem>> -> memref<8xi32, #tpu.memory_space<vmem>>
        %dma_wait3A_205 = arith.constant 0 : i32
        %dma_wait3A_206 = tpu.memref_slice %arg8[%dma_wait3A_205] : memref<16384xf32, #tpu.memory_space<hbm>> -> memref<16384xf32, #tpu.memory_space<hbm>>
        tpu.wait_indirect_dma semaphore(%arg24 : memref<!tpu.dma_semaphore, #tpu.memory_space<semaphore_mem>>) src(%dma_wait3A_201 : memref<8xf32, #tpu.memory_space<vmem>>) dst(%dma_wait3A_206 : memref<16384xf32, #tpu.memory_space<hbm>>)
        %add3A_207 = arith.constant 2 : i32
        %add3A_208 = arith.addi %add3A_96, %add3A_207 : i32
        %mul3A_209 = arith.constant 8 : i32
        %mul3A_210 = arith.muli %add3A_208, %mul3A_209 : i32
        %add3A_211 = arith.addi %mul3A_4, %mul3A_210 : i32
        %dma_start3A_212 = arith.constant 0 : i32
        %dma_start3A_213 = tpu.memref_slice %arg2[%add3A_211, %dma_start3A_212] : memref<8192x2048xf32, #tpu.memory_space<hbm>> -> memref<8x2048xf32, #tpu.memory_space<hbm>>
        %dma_start3A_214 = arith.constant 0 : i32
        %dma_start3A_215 = tpu.memref_slice %arg2[%add3A_211, %dma_start3A_214] : memref<8192x2048xf32, #tpu.memory_space<hbm>> -> memref<8x2048xf32, #tpu.memory_space<hbm>>
        tpu.enqueue_dma source(%dma_start3A_215 : memref<8x2048xf32, #tpu.memory_space<hbm>>) target(%arg14 : memref<8x2048xf32, #tpu.memory_space<vmem>>) target_semaphore(%arg16 : memref<!tpu.dma_semaphore, #tpu.memory_space<semaphore_mem>>)
      } else {
      }
      %scan3A_172 = arith.constant 0 : i32
      scf.yield %scan3A_172 : i32
    }
    %scan3A_21 = arith.constant 16 : i32
    %dma_wait3A = arith.constant 0 : i32
    %dma_wait3A_22 = arith.constant 0 : i32
    %dma_wait3A_23 = tpu.memref_slice %arg9[%dma_wait3A, %dma_wait3A_22] : memref<32x8xi32, #tpu.memory_space<vmem>> -> memref<1x8xi32, #tpu.memory_space<vmem>>
    %dma_wait3A_24 = tpu.memref_squeeze %dma_wait3A_23 : memref<1x8xi32, #tpu.memory_space<vmem>> -> memref<8xi32, #tpu.memory_space<vmem>>
    %dma_wait3A_25 = arith.constant 0 : i32
    %dma_wait3A_26 = arith.constant 0 : i32
    %dma_wait3A_27 = tpu.memref_slice %arg7[%dma_wait3A_25, %dma_wait3A_26] : memref<16384x2048xf32, #tpu.memory_space<hbm>> -> memref<16384x2048xf32, #tpu.memory_space<hbm>>
    tpu.wait_indirect_dma semaphore(%arg17 : memref<!tpu.dma_semaphore, #tpu.memory_space<semaphore_mem>>) src(%arg13 : memref<8x2048xf32, #tpu.memory_space<vmem>>) dst(%dma_wait3A_27 : memref<16384x2048xf32, #tpu.memory_space<hbm>>)
    %dma_wait3A_28 = arith.constant 0 : i32
    %dma_wait3A_29 = arith.constant 0 : i32
    %dma_wait3A_30 = tpu.memref_slice %arg10[%dma_wait3A_28, %dma_wait3A_29] : memref<32x8xi32, #tpu.memory_space<vmem>> -> memref<1x8xi32, #tpu.memory_space<vmem>>
    %dma_wait3A_31 = tpu.memref_squeeze %dma_wait3A_30 : memref<1x8xi32, #tpu.memory_space<vmem>> -> memref<8xi32, #tpu.memory_space<vmem>>
    %dma_wait3A_32 = arith.constant 0 : i32
    %dma_wait3A_33 = arith.constant 0 : i32
    %dma_wait3A_34 = tpu.memref_slice %arg7[%dma_wait3A_32, %dma_wait3A_33] : memref<16384x2048xf32, #tpu.memory_space<hbm>> -> memref<16384x2048xf32, #tpu.memory_space<hbm>>
    tpu.wait_indirect_dma semaphore(%arg18 : memref<!tpu.dma_semaphore, #tpu.memory_space<semaphore_mem>>) src(%arg13 : memref<8x2048xf32, #tpu.memory_space<vmem>>) dst(%dma_wait3A_34 : memref<16384x2048xf32, #tpu.memory_space<hbm>>)
    %dma_wait3A_35 = arith.constant 0 : i32
    %dma_wait3A_36 = arith.constant 0 : i32
    %dma_wait3A_37 = arith.constant 0 : i32
    %dma_wait3A_38 = tpu.memref_slice %arg11[%dma_wait3A_35, %dma_wait3A_37] : memref<32x8xf32, #tpu.memory_space<vmem>> -> memref<1x8xf32, #tpu.memory_space<vmem>>
    %dma_wait3A_39 = tpu.memref_squeeze %dma_wait3A_38 : memref<1x8xf32, #tpu.memory_space<vmem>> -> memref<8xf32, #tpu.memory_space<vmem>>
    %dma_wait3A_40 = arith.constant 0 : i32
    %dma_wait3A_41 = tpu.memref_slice %arg9[%dma_wait3A_36, %dma_wait3A_40] : memref<32x8xi32, #tpu.memory_space<vmem>> -> memref<1x8xi32, #tpu.memory_space<vmem>>
    %dma_wait3A_42 = tpu.memref_squeeze %dma_wait3A_41 : memref<1x8xi32, #tpu.memory_space<vmem>> -> memref<8xi32, #tpu.memory_space<vmem>>
    %dma_wait3A_43 = arith.constant 0 : i32
    %dma_wait3A_44 = tpu.memref_slice %arg8[%dma_wait3A_43] : memref<16384xf32, #tpu.memory_space<hbm>> -> memref<16384xf32, #tpu.memory_space<hbm>>
    tpu.wait_indirect_dma semaphore(%arg21 : memref<!tpu.dma_semaphore, #tpu.memory_space<semaphore_mem>>) src(%dma_wait3A_39 : memref<8xf32, #tpu.memory_space<vmem>>) dst(%dma_wait3A_44 : memref<16384xf32, #tpu.memory_space<hbm>>)
    %dma_wait3A_45 = arith.constant 0 : i32
    %dma_wait3A_46 = arith.constant 0 : i32
    %dma_wait3A_47 = arith.constant 0 : i32
    %dma_wait3A_48 = tpu.memref_slice %arg12[%dma_wait3A_45, %dma_wait3A_47] : memref<32x8xf32, #tpu.memory_space<vmem>> -> memref<1x8xf32, #tpu.memory_space<vmem>>
    %dma_wait3A_49 = tpu.memref_squeeze %dma_wait3A_48 : memref<1x8xf32, #tpu.memory_space<vmem>> -> memref<8xf32, #tpu.memory_space<vmem>>
    %dma_wait3A_50 = arith.constant 0 : i32
    %dma_wait3A_51 = tpu.memref_slice %arg10[%dma_wait3A_46, %dma_wait3A_50] : memref<32x8xi32, #tpu.memory_space<vmem>> -> memref<1x8xi32, #tpu.memory_space<vmem>>
    %dma_wait3A_52 = tpu.memref_squeeze %dma_wait3A_51 : memref<1x8xi32, #tpu.memory_space<vmem>> -> memref<8xi32, #tpu.memory_space<vmem>>
    %dma_wait3A_53 = arith.constant 0 : i32
    %dma_wait3A_54 = tpu.memref_slice %arg8[%dma_wait3A_53] : memref<16384xf32, #tpu.memory_space<hbm>> -> memref<16384xf32, #tpu.memory_space<hbm>>
    tpu.wait_indirect_dma semaphore(%arg22 : memref<!tpu.dma_semaphore, #tpu.memory_space<semaphore_mem>>) src(%dma_wait3A_49 : memref<8xf32, #tpu.memory_space<vmem>>) dst(%dma_wait3A_54 : memref<16384xf32, #tpu.memory_space<hbm>>)
    %dma_wait3A_55 = arith.constant 0 : i32
    %dma_wait3A_56 = arith.constant 0 : i32
    %dma_wait3A_57 = tpu.memref_slice %arg9[%dma_wait3A_55, %dma_wait3A_56] : memref<32x8xi32, #tpu.memory_space<vmem>> -> memref<1x8xi32, #tpu.memory_space<vmem>>
    %dma_wait3A_58 = tpu.memref_squeeze %dma_wait3A_57 : memref<1x8xi32, #tpu.memory_space<vmem>> -> memref<8xi32, #tpu.memory_space<vmem>>
    %dma_wait3A_59 = arith.constant 0 : i32
    %dma_wait3A_60 = arith.constant 0 : i32
    %dma_wait3A_61 = tpu.memref_slice %arg7[%dma_wait3A_59, %dma_wait3A_60] : memref<16384x2048xf32, #tpu.memory_space<hbm>> -> memref<16384x2048xf32, #tpu.memory_space<hbm>>
    tpu.wait_indirect_dma semaphore(%arg19 : memref<!tpu.dma_semaphore, #tpu.memory_space<semaphore_mem>>) src(%arg14 : memref<8x2048xf32, #tpu.memory_space<vmem>>) dst(%dma_wait3A_61 : memref<16384x2048xf32, #tpu.memory_space<hbm>>)
    %dma_wait3A_62 = arith.constant 0 : i32
    %dma_wait3A_63 = arith.constant 0 : i32
    %dma_wait3A_64 = tpu.memref_slice %arg10[%dma_wait3A_62, %dma_wait3A_63] : memref<32x8xi32, #tpu.memory_space<vmem>> -> memref<1x8xi32, #tpu.memory_space<vmem>>
    %dma_wait3A_65 = tpu.memref_squeeze %dma_wait3A_64 : memref<1x8xi32, #tpu.memory_space<vmem>> -> memref<8xi32, #tpu.memory_space<vmem>>
    %dma_wait3A_66 = arith.constant 0 : i32
    %dma_wait3A_67 = arith.constant 0 : i32
    %dma_wait3A_68 = tpu.memref_slice %arg7[%dma_wait3A_66, %dma_wait3A_67] : memref<16384x2048xf32, #tpu.memory_space<hbm>> -> memref<16384x2048xf32, #tpu.memory_space<hbm>>
    tpu.wait_indirect_dma semaphore(%arg20 : memref<!tpu.dma_semaphore, #tpu.memory_space<semaphore_mem>>) src(%arg14 : memref<8x2048xf32, #tpu.memory_space<vmem>>) dst(%dma_wait3A_68 : memref<16384x2048xf32, #tpu.memory_space<hbm>>)
    %dma_wait3A_69 = arith.constant 0 : i32
    %dma_wait3A_70 = arith.constant 0 : i32
    %dma_wait3A_71 = arith.constant 0 : i32
    %dma_wait3A_72 = tpu.memref_slice %arg11[%dma_wait3A_69, %dma_wait3A_71] : memref<32x8xf32, #tpu.memory_space<vmem>> -> memref<1x8xf32, #tpu.memory_space<vmem>>
    %dma_wait3A_73 = tpu.memref_squeeze %dma_wait3A_72 : memref<1x8xf32, #tpu.memory_space<vmem>> -> memref<8xf32, #tpu.memory_space<vmem>>
    %dma_wait3A_74 = arith.constant 0 : i32
    %dma_wait3A_75 = tpu.memref_slice %arg9[%dma_wait3A_70, %dma_wait3A_74] : memref<32x8xi32, #tpu.memory_space<vmem>> -> memref<1x8xi32, #tpu.memory_space<vmem>>
    %dma_wait3A_76 = tpu.memref_squeeze %dma_wait3A_75 : memref<1x8xi32, #tpu.memory_space<vmem>> -> memref<8xi32, #tpu.memory_space<vmem>>
    %dma_wait3A_77 = arith.constant 0 : i32
    %dma_wait3A_78 = tpu.memref_slice %arg8[%dma_wait3A_77] : memref<16384xf32, #tpu.memory_space<hbm>> -> memref<16384xf32, #tpu.memory_space<hbm>>
    tpu.wait_indirect_dma semaphore(%arg23 : memref<!tpu.dma_semaphore, #tpu.memory_space<semaphore_mem>>) src(%dma_wait3A_73 : memref<8xf32, #tpu.memory_space<vmem>>) dst(%dma_wait3A_78 : memref<16384xf32, #tpu.memory_space<hbm>>)
    %dma_wait3A_79 = arith.constant 0 : i32
    %dma_wait3A_80 = arith.constant 0 : i32
    %dma_wait3A_81 = arith.constant 0 : i32
    %dma_wait3A_82 = tpu.memref_slice %arg12[%dma_wait3A_79, %dma_wait3A_81] : memref<32x8xf32, #tpu.memory_space<vmem>> -> memref<1x8xf32, #tpu.memory_space<vmem>>
    %dma_wait3A_83 = tpu.memref_squeeze %dma_wait3A_82 : memref<1x8xf32, #tpu.memory_space<vmem>> -> memref<8xf32, #tpu.memory_space<vmem>>
    %dma_wait3A_84 = arith.constant 0 : i32
    %dma_wait3A_85 = tpu.memref_slice %arg10[%dma_wait3A_80, %dma_wait3A_84] : memref<32x8xi32, #tpu.memory_space<vmem>> -> memref<1x8xi32, #tpu.memory_space<vmem>>
    %dma_wait3A_86 = tpu.memref_squeeze %dma_wait3A_85 : memref<1x8xi32, #tpu.memory_space<vmem>> -> memref<8xi32, #tpu.memory_space<vmem>>
    %dma_wait3A_87 = arith.constant 0 : i32
    %dma_wait3A_88 = tpu.memref_slice %arg8[%dma_wait3A_87] : memref<16384xf32, #tpu.memory_space<hbm>> -> memref<16384xf32, #tpu.memory_space<hbm>>
    tpu.wait_indirect_dma semaphore(%arg24 : memref<!tpu.dma_semaphore, #tpu.memory_space<semaphore_mem>>) src(%dma_wait3A_83 : memref<8xf32, #tpu.memory_space<vmem>>) dst(%dma_wait3A_88 : memref<16384xf32, #tpu.memory_space<hbm>>)
    return
  }
}

module attributes {stable_mosaic.version = 14 : i64} {
  func.func @_routing_body(%arg0: memref<8192x16xf32, #tpu.memory_space<vmem>>, %arg1: memref<8192x2xf32, #tpu.memory_space<vmem>>, %arg2: memref<8192x2xi32, #tpu.memory_space<vmem>>, %arg3: memref<2x16xi32, #tpu.memory_space<vmem>>) attributes {dimension_semantics = [], scalar_prefetch = 0 : i64, scratch_operands = 0 : i64, tpu.core_type = #tpu.core_type<tc>} {
    %get3A = arith.constant 0 : index
    %get3A_0 = arith.constant 0 : index
    %get3A_1 = vector.load %arg0[%get3A, %get3A_0] : memref<8192x16xf32, #tpu.memory_space<vmem>>, vector<8192x16xf32>
    %iota3A = tpu.iota {dimensions = array<i32: 1>} : vector<8192x16xi32>
    %reduce_max3A = arith.constant dense<0xFF800000> : vector<8192xf32>
    %reduce_max3A_2 = vector.multi_reduction <maximumf>, %get3A_1, %reduce_max3A [1] : vector<8192x16xf32> to vector<8192xf32>
    %broadcast_in_dim3A = vector.shape_cast %reduce_max3A_2 : vector<8192xf32> to vector<8192x1xf32>
    %eq3A = vector.broadcast %broadcast_in_dim3A : vector<8192x1xf32> to vector<8192x16xf32>
    %eq3A_3 = arith.cmpf oeq, %get3A_1, %eq3A : vector<8192x16xf32>
    %jit3A = arith.constant 16 : i32
    %broadcast_in_dim3A_4 = vector.broadcast %jit3A : i32 to vector<8192x16xi32>
    %select_n3A = arith.select %eq3A_3, %iota3A, %broadcast_in_dim3A_4 : vector<8192x16xi1>, vector<8192x16xi32>
    %reduce_min3A = arith.constant dense<2147483647> : vector<8192xi32>
    %reduce_min3A_5 = vector.multi_reduction <minsi>, %select_n3A, %reduce_min3A [1] : vector<8192x16xi32> to vector<8192xi32>
    %broadcast_in_dim3A_6 = vector.shape_cast %reduce_min3A_5 : vector<8192xi32> to vector<8192x1xi32>
    %eq3A_7 = vector.broadcast %broadcast_in_dim3A_6 : vector<8192x1xi32> to vector<8192x16xi32>
    %eq3A_8 = arith.cmpi eq, %iota3A, %eq3A_7 : vector<8192x16xi32>
    %jit3A_9 = arith.constant -3.40282347E+38 : f32
    %broadcast_in_dim3A_10 = vector.broadcast %jit3A_9 : f32 to vector<8192x16xf32>
    %select_n3A_11 = arith.select %eq3A_8, %broadcast_in_dim3A_10, %get3A_1 : vector<8192x16xi1>, vector<8192x16xf32>
    %reduce_max3A_12 = arith.constant dense<0xFF800000> : vector<8192xf32>
    %reduce_max3A_13 = vector.multi_reduction <maximumf>, %select_n3A_11, %reduce_max3A_12 [1] : vector<8192x16xf32> to vector<8192xf32>
    %broadcast_in_dim3A_14 = vector.shape_cast %reduce_max3A_13 : vector<8192xf32> to vector<8192x1xf32>
    %eq3A_15 = vector.broadcast %broadcast_in_dim3A_14 : vector<8192x1xf32> to vector<8192x16xf32>
    %eq3A_16 = arith.cmpf oeq, %select_n3A_11, %eq3A_15 : vector<8192x16xf32>
    %jit3A_17 = arith.constant 16 : i32
    %broadcast_in_dim3A_18 = vector.broadcast %jit3A_17 : i32 to vector<8192x16xi32>
    %select_n3A_19 = arith.select %eq3A_16, %iota3A, %broadcast_in_dim3A_18 : vector<8192x16xi1>, vector<8192x16xi32>
    %reduce_min3A_20 = arith.constant dense<2147483647> : vector<8192xi32>
    %reduce_min3A_21 = vector.multi_reduction <minsi>, %select_n3A_19, %reduce_min3A_20 [1] : vector<8192x16xi32> to vector<8192xi32>
    %broadcast_in_dim3A_22 = vector.shape_cast %reduce_min3A_21 : vector<8192xi32> to vector<8192x1xi32>
    %eq3A_23 = vector.broadcast %broadcast_in_dim3A_22 : vector<8192x1xi32> to vector<8192x16xi32>
    %eq3A_24 = arith.cmpi eq, %iota3A, %eq3A_23 : vector<8192x16xi32>
    %sub3A = arith.subf %broadcast_in_dim3A, %broadcast_in_dim3A_14 : vector<8192x1xf32>
    %logistic3A = arith.negf %sub3A : vector<8192x1xf32>
    %logistic3A_25 = math.exp %logistic3A : vector<8192x1xf32>
    %logistic3A_26 = arith.constant 1.000000e+00 : f32
    %logistic3A_27 = vector.broadcast %logistic3A_26 : f32 to vector<8192x1xf32>
    %logistic3A_28 = arith.addf %logistic3A_27, %logistic3A_25 : vector<8192x1xf32>
    %logistic3A_29 = arith.divf %logistic3A_27, %logistic3A_28 : vector<8192x1xf32>
    %sub3A_30 = arith.subf %broadcast_in_dim3A_14, %broadcast_in_dim3A : vector<8192x1xf32>
    %logistic3A_31 = arith.negf %sub3A_30 : vector<8192x1xf32>
    %logistic3A_32 = math.exp %logistic3A_31 : vector<8192x1xf32>
    %logistic3A_33 = arith.constant 1.000000e+00 : f32
    %logistic3A_34 = vector.broadcast %logistic3A_33 : f32 to vector<8192x1xf32>
    %logistic3A_35 = arith.addf %logistic3A_34, %logistic3A_32 : vector<8192x1xf32>
    %logistic3A_36 = arith.divf %logistic3A_34, %logistic3A_35 : vector<8192x1xf32>
    %or3A = arith.ori %eq3A_8, %eq3A_24 : vector<8192x16xi1>
    %convert_element_type3A = arith.extui %or3A : vector<8192x16xi1> to vector<8192x16xi32>
    %broadcast_in_dim3A_37 = arith.constant 0 : i32
    %broadcast_in_dim3A_38 = vector.broadcast %broadcast_in_dim3A_37 : i32 to vector<1x16xi32>
    %slice3A = vector.extract_strided_slice %convert_element_type3A {offsets = [0, 0], sizes = [8191, 16], strides = [1, 1]} : vector<8192x16xi32> to vector<8191x16xi32>
    %concatenate3A = tpu.concatenate %broadcast_in_dim3A_38, %slice3A in 0 : vector<1x16xi32>, vector<8191x16xi32> -> vector<8192x16xi32>
    %broadcast_in_dim3A_39 = arith.constant 0 : i32
    %broadcast_in_dim3A_40 = vector.broadcast %broadcast_in_dim3A_39 : i32 to vector<1x16xi32>
    %slice3A_41 = vector.extract_strided_slice %concatenate3A {offsets = [0, 0], sizes = [8191, 16], strides = [1, 1]} : vector<8192x16xi32> to vector<8191x16xi32>
    %concatenate3A_42 = tpu.concatenate %broadcast_in_dim3A_40, %slice3A_41 in 0 : vector<1x16xi32>, vector<8191x16xi32> -> vector<8192x16xi32>
    %add3A = arith.addi %concatenate3A, %concatenate3A_42 : vector<8192x16xi32>
    %broadcast_in_dim3A_43 = arith.constant 0 : i32
    %broadcast_in_dim3A_44 = vector.broadcast %broadcast_in_dim3A_43 : i32 to vector<2x16xi32>
    %slice3A_45 = vector.extract_strided_slice %add3A {offsets = [0, 0], sizes = [8190, 16], strides = [1, 1]} : vector<8192x16xi32> to vector<8190x16xi32>
    %concatenate3A_46 = tpu.concatenate %broadcast_in_dim3A_44, %slice3A_45 in 0 : vector<2x16xi32>, vector<8190x16xi32> -> vector<8192x16xi32>
    %add3A_47 = arith.addi %add3A, %concatenate3A_46 : vector<8192x16xi32>
    %broadcast_in_dim3A_48 = arith.constant 0 : i32
    %broadcast_in_dim3A_49 = vector.broadcast %broadcast_in_dim3A_48 : i32 to vector<4x16xi32>
    %slice3A_50 = vector.extract_strided_slice %add3A_47 {offsets = [0, 0], sizes = [8188, 16], strides = [1, 1]} : vector<8192x16xi32> to vector<8188x16xi32>
    %concatenate3A_51 = tpu.concatenate %broadcast_in_dim3A_49, %slice3A_50 in 0 : vector<4x16xi32>, vector<8188x16xi32> -> vector<8192x16xi32>
    %add3A_52 = arith.addi %add3A_47, %concatenate3A_51 : vector<8192x16xi32>
    %broadcast_in_dim3A_53 = arith.constant 0 : i32
    %broadcast_in_dim3A_54 = vector.broadcast %broadcast_in_dim3A_53 : i32 to vector<8x16xi32>
    %slice3A_55 = vector.extract_strided_slice %add3A_52 {offsets = [0, 0], sizes = [8184, 16], strides = [1, 1]} : vector<8192x16xi32> to vector<8184x16xi32>
    %concatenate3A_56 = tpu.concatenate %broadcast_in_dim3A_54, %slice3A_55 in 0 : vector<8x16xi32>, vector<8184x16xi32> -> vector<8192x16xi32>
    %add3A_57 = arith.addi %add3A_52, %concatenate3A_56 : vector<8192x16xi32>
    %broadcast_in_dim3A_58 = arith.constant 0 : i32
    %broadcast_in_dim3A_59 = vector.broadcast %broadcast_in_dim3A_58 : i32 to vector<16x16xi32>
    %slice3A_60 = vector.extract_strided_slice %add3A_57 {offsets = [0, 0], sizes = [8176, 16], strides = [1, 1]} : vector<8192x16xi32> to vector<8176x16xi32>
    %concatenate3A_61 = tpu.concatenate %broadcast_in_dim3A_59, %slice3A_60 in 0 : vector<16x16xi32>, vector<8176x16xi32> -> vector<8192x16xi32>
    %add3A_62 = arith.addi %add3A_57, %concatenate3A_61 : vector<8192x16xi32>
    %broadcast_in_dim3A_63 = arith.constant 0 : i32
    %broadcast_in_dim3A_64 = vector.broadcast %broadcast_in_dim3A_63 : i32 to vector<32x16xi32>
    %slice3A_65 = vector.extract_strided_slice %add3A_62 {offsets = [0, 0], sizes = [8160, 16], strides = [1, 1]} : vector<8192x16xi32> to vector<8160x16xi32>
    %concatenate3A_66 = tpu.concatenate %broadcast_in_dim3A_64, %slice3A_65 in 0 : vector<32x16xi32>, vector<8160x16xi32> -> vector<8192x16xi32>
    %add3A_67 = arith.addi %add3A_62, %concatenate3A_66 : vector<8192x16xi32>
    %broadcast_in_dim3A_68 = arith.constant 0 : i32
    %broadcast_in_dim3A_69 = vector.broadcast %broadcast_in_dim3A_68 : i32 to vector<64x16xi32>
    %slice3A_70 = vector.extract_strided_slice %add3A_67 {offsets = [0, 0], sizes = [8128, 16], strides = [1, 1]} : vector<8192x16xi32> to vector<8128x16xi32>
    %concatenate3A_71 = tpu.concatenate %broadcast_in_dim3A_69, %slice3A_70 in 0 : vector<64x16xi32>, vector<8128x16xi32> -> vector<8192x16xi32>
    %add3A_72 = arith.addi %add3A_67, %concatenate3A_71 : vector<8192x16xi32>
    %broadcast_in_dim3A_73 = arith.constant 0 : i32
    %broadcast_in_dim3A_74 = vector.broadcast %broadcast_in_dim3A_73 : i32 to vector<128x16xi32>
    %slice3A_75 = vector.extract_strided_slice %add3A_72 {offsets = [0, 0], sizes = [8064, 16], strides = [1, 1]} : vector<8192x16xi32> to vector<8064x16xi32>
    %concatenate3A_76 = tpu.concatenate %broadcast_in_dim3A_74, %slice3A_75 in 0 : vector<128x16xi32>, vector<8064x16xi32> -> vector<8192x16xi32>
    %add3A_77 = arith.addi %add3A_72, %concatenate3A_76 : vector<8192x16xi32>
    %broadcast_in_dim3A_78 = arith.constant 0 : i32
    %broadcast_in_dim3A_79 = vector.broadcast %broadcast_in_dim3A_78 : i32 to vector<256x16xi32>
    %slice3A_80 = vector.extract_strided_slice %add3A_77 {offsets = [0, 0], sizes = [7936, 16], strides = [1, 1]} : vector<8192x16xi32> to vector<7936x16xi32>
    %concatenate3A_81 = tpu.concatenate %broadcast_in_dim3A_79, %slice3A_80 in 0 : vector<256x16xi32>, vector<7936x16xi32> -> vector<8192x16xi32>
    %add3A_82 = arith.addi %add3A_77, %concatenate3A_81 : vector<8192x16xi32>
    %broadcast_in_dim3A_83 = arith.constant 0 : i32
    %broadcast_in_dim3A_84 = vector.broadcast %broadcast_in_dim3A_83 : i32 to vector<512x16xi32>
    %slice3A_85 = vector.extract_strided_slice %add3A_82 {offsets = [0, 0], sizes = [7680, 16], strides = [1, 1]} : vector<8192x16xi32> to vector<7680x16xi32>
    %concatenate3A_86 = tpu.concatenate %broadcast_in_dim3A_84, %slice3A_85 in 0 : vector<512x16xi32>, vector<7680x16xi32> -> vector<8192x16xi32>
    %add3A_87 = arith.addi %add3A_82, %concatenate3A_86 : vector<8192x16xi32>
    %broadcast_in_dim3A_88 = arith.constant 0 : i32
    %broadcast_in_dim3A_89 = vector.broadcast %broadcast_in_dim3A_88 : i32 to vector<1024x16xi32>
    %slice3A_90 = vector.extract_strided_slice %add3A_87 {offsets = [0, 0], sizes = [7168, 16], strides = [1, 1]} : vector<8192x16xi32> to vector<7168x16xi32>
    %concatenate3A_91 = tpu.concatenate %broadcast_in_dim3A_89, %slice3A_90 in 0 : vector<1024x16xi32>, vector<7168x16xi32> -> vector<8192x16xi32>
    %add3A_92 = arith.addi %add3A_87, %concatenate3A_91 : vector<8192x16xi32>
    %broadcast_in_dim3A_93 = arith.constant 0 : i32
    %broadcast_in_dim3A_94 = vector.broadcast %broadcast_in_dim3A_93 : i32 to vector<2048x16xi32>
    %slice3A_95 = vector.extract_strided_slice %add3A_92 {offsets = [0, 0], sizes = [6144, 16], strides = [1, 1]} : vector<8192x16xi32> to vector<6144x16xi32>
    %concatenate3A_96 = tpu.concatenate %broadcast_in_dim3A_94, %slice3A_95 in 0 : vector<2048x16xi32>, vector<6144x16xi32> -> vector<8192x16xi32>
    %add3A_97 = arith.addi %add3A_92, %concatenate3A_96 : vector<8192x16xi32>
    %broadcast_in_dim3A_98 = arith.constant 0 : i32
    %broadcast_in_dim3A_99 = vector.broadcast %broadcast_in_dim3A_98 : i32 to vector<4096x16xi32>
    %slice3A_100 = vector.extract_strided_slice %add3A_97 {offsets = [0, 0], sizes = [4096, 16], strides = [1, 1]} : vector<8192x16xi32> to vector<4096x16xi32>
    %concatenate3A_101 = tpu.concatenate %broadcast_in_dim3A_99, %slice3A_100 in 0 : vector<4096x16xi32>, vector<4096x16xi32> -> vector<8192x16xi32>
    %add3A_102 = arith.addi %add3A_97, %concatenate3A_101 : vector<8192x16xi32>
    %slice3A_103 = vector.extract_strided_slice %add3A_102 {offsets = [8191, 0], sizes = [1, 16], strides = [1, 1]} : vector<8192x16xi32> to vector<1x16xi32>
    %slice3A_104 = vector.extract_strided_slice %convert_element_type3A {offsets = [8191, 0], sizes = [1, 16], strides = [1, 1]} : vector<8192x16xi32> to vector<1x16xi32>
    %add3A_105 = arith.addi %slice3A_103, %slice3A_104 : vector<1x16xi32>
    %broadcast_in_dim3A_106 = arith.constant 0 : i32
    %broadcast_in_dim3A_107 = vector.broadcast %broadcast_in_dim3A_106 : i32 to vector<1x1xi32>
    %slice3A_108 = vector.extract_strided_slice %add3A_105 {offsets = [0, 0], sizes = [1, 15], strides = [1, 1]} : vector<1x16xi32> to vector<1x15xi32>
    %concatenate3A_109 = tpu.concatenate %broadcast_in_dim3A_107, %slice3A_108 in 1 : vector<1x1xi32>, vector<1x15xi32> -> vector<1x16xi32>
    %broadcast_in_dim3A_110 = arith.constant 0 : i32
    %broadcast_in_dim3A_111 = vector.broadcast %broadcast_in_dim3A_110 : i32 to vector<1x1xi32>
    %slice3A_112 = vector.extract_strided_slice %concatenate3A_109 {offsets = [0, 0], sizes = [1, 15], strides = [1, 1]} : vector<1x16xi32> to vector<1x15xi32>
    %concatenate3A_113 = tpu.concatenate %broadcast_in_dim3A_111, %slice3A_112 in 1 : vector<1x1xi32>, vector<1x15xi32> -> vector<1x16xi32>
    %add3A_114 = arith.addi %concatenate3A_109, %concatenate3A_113 : vector<1x16xi32>
    %broadcast_in_dim3A_115 = arith.constant 0 : i32
    %broadcast_in_dim3A_116 = vector.broadcast %broadcast_in_dim3A_115 : i32 to vector<1x2xi32>
    %slice3A_117 = vector.extract_strided_slice %add3A_114 {offsets = [0, 0], sizes = [1, 14], strides = [1, 1]} : vector<1x16xi32> to vector<1x14xi32>
    %concatenate3A_118 = tpu.concatenate %broadcast_in_dim3A_116, %slice3A_117 in 1 : vector<1x2xi32>, vector<1x14xi32> -> vector<1x16xi32>
    %add3A_119 = arith.addi %add3A_114, %concatenate3A_118 : vector<1x16xi32>
    %broadcast_in_dim3A_120 = arith.constant 0 : i32
    %broadcast_in_dim3A_121 = vector.broadcast %broadcast_in_dim3A_120 : i32 to vector<1x4xi32>
    %slice3A_122 = vector.extract_strided_slice %add3A_119 {offsets = [0, 0], sizes = [1, 12], strides = [1, 1]} : vector<1x16xi32> to vector<1x12xi32>
    %concatenate3A_123 = tpu.concatenate %broadcast_in_dim3A_121, %slice3A_122 in 1 : vector<1x4xi32>, vector<1x12xi32> -> vector<1x16xi32>
    %add3A_124 = arith.addi %add3A_119, %concatenate3A_123 : vector<1x16xi32>
    %broadcast_in_dim3A_125 = arith.constant 0 : i32
    %broadcast_in_dim3A_126 = vector.broadcast %broadcast_in_dim3A_125 : i32 to vector<1x8xi32>
    %slice3A_127 = vector.extract_strided_slice %add3A_124 {offsets = [0, 0], sizes = [1, 8], strides = [1, 1]} : vector<1x16xi32> to vector<1x8xi32>
    %concatenate3A_128 = tpu.concatenate %broadcast_in_dim3A_126, %slice3A_127 in 1 : vector<1x8xi32>, vector<1x8xi32> -> vector<1x16xi32>
    %add3A_129 = arith.addi %add3A_124, %concatenate3A_128 : vector<1x16xi32>
    %add3A_130 = vector.broadcast %add3A_129 : vector<1x16xi32> to vector<8192x16xi32>
    %add3A_131 = arith.addi %add3A_102, %add3A_130 : vector<8192x16xi32>
    %jit3A_132 = arith.constant 0 : i32
    %broadcast_in_dim3A_133 = vector.broadcast %jit3A_132 : i32 to vector<8192x16xi32>
    %select_n3A_134 = arith.select %eq3A_8, %add3A_131, %broadcast_in_dim3A_133 : vector<8192x16xi1>, vector<8192x16xi32>
    %reduce_sum3A = arith.constant dense<0> : vector<8192xi32>
    %reduce_sum3A_135 = vector.multi_reduction <add>, %select_n3A_134, %reduce_sum3A [1] : vector<8192x16xi32> to vector<8192xi32>
    %broadcast_in_dim3A_136 = vector.shape_cast %reduce_sum3A_135 : vector<8192xi32> to vector<8192x1xi32>
    %jit3A_137 = arith.constant 0 : i32
    %broadcast_in_dim3A_138 = vector.broadcast %jit3A_137 : i32 to vector<8192x16xi32>
    %select_n3A_139 = arith.select %eq3A_24, %add3A_131, %broadcast_in_dim3A_138 : vector<8192x16xi1>, vector<8192x16xi32>
    %reduce_sum3A_140 = arith.constant dense<0> : vector<8192xi32>
    %reduce_sum3A_141 = vector.multi_reduction <add>, %select_n3A_139, %reduce_sum3A_140 [1] : vector<8192x16xi32> to vector<8192xi32>
    %broadcast_in_dim3A_142 = vector.shape_cast %reduce_sum3A_141 : vector<8192xi32> to vector<8192x1xi32>
    %concatenate3A_143 = tpu.concatenate %logistic3A_29, %logistic3A_36 in 1 : vector<8192x1xf32>, vector<8192x1xf32> -> vector<8192x2xf32>
    %swap3A = arith.constant 0 : index
    %swap3A_144 = arith.constant 0 : index
    %swap3A_145 = vector.load %arg1[%swap3A, %swap3A_144] : memref<8192x2xf32, #tpu.memory_space<vmem>>, vector<8192x2xf32>
    tpu.vector_store %arg1[%swap3A, %swap3A_144], %concatenate3A_143 {strides = array<i32>} : memref<8192x2xf32, #tpu.memory_space<vmem>>, vector<8192x2xf32>,
    %concatenate3A_146 = tpu.concatenate %broadcast_in_dim3A_136, %broadcast_in_dim3A_142 in 1 : vector<8192x1xi32>, vector<8192x1xi32> -> vector<8192x2xi32>
    %swap3A_147 = arith.constant 0 : index
    %swap3A_148 = arith.constant 0 : index
    %swap3A_149 = vector.load %arg2[%swap3A_147, %swap3A_148] : memref<8192x2xi32, #tpu.memory_space<vmem>>, vector<8192x2xi32>
    tpu.vector_store %arg2[%swap3A_147, %swap3A_148], %concatenate3A_146 {strides = array<i32>} : memref<8192x2xi32, #tpu.memory_space<vmem>>, vector<8192x2xi32>,
    %add3A_150 = arith.addi %add3A_129, %add3A_105 : vector<1x16xi32>
    %concatenate3A_151 = tpu.concatenate %add3A_129, %add3A_150 in 0 : vector<1x16xi32>, vector<1x16xi32> -> vector<2x16xi32>
    %swap3A_152 = arith.constant 0 : index
    %swap3A_153 = arith.constant 0 : index
    %swap3A_154 = vector.load %arg3[%swap3A_152, %swap3A_153] : memref<2x16xi32, #tpu.memory_space<vmem>>, vector<2x16xi32>
    tpu.vector_store %arg3[%swap3A_152, %swap3A_153], %concatenate3A_151 {strides = array<i32>} : memref<2x16xi32, #tpu.memory_space<vmem>>, vector<2x16xi32>,
    return
  }
}

module attributes {stable_mosaic.version = 14 : i64} {
  func.func @_moe_mm_body(%arg0: i32, %arg1: i32, %arg2: memref<48xi32, #tpu.memory_space<smem>>, %arg3: memref<48xi32, #tpu.memory_space<smem>>, %arg4: memref<2x16xi32, #tpu.memory_space<smem>>, %arg5: memref<512x2048xf32, #tpu.memory_space<vmem>>, %arg6: memref<1x2048x768xf32, #tpu.memory_space<vmem>>, %arg7: memref<1x2048x768xf32, #tpu.memory_space<vmem>>, %arg8: memref<1x768x2048xf32, #tpu.memory_space<vmem>>, %arg9: memref<1x1x512xf32, #tpu.memory_space<vmem>>, %arg10: memref<512x2048xf32, #tpu.memory_space<vmem>>, %arg11: memref<512x2048xf32, #tpu.memory_space<vmem>>) attributes {dimension_semantics = [#tpu.dimension_semantics<arbitrary>, #tpu.dimension_semantics<arbitrary>], iteration_bounds = array<i64: 48, 1>, scalar_prefetch = 3 : i64, scratch_operands = 1 : i64, tpu.core_type = #tpu.core_type<tc>, window_params = [{transform_indices = @transform_0, window_bounds = array<i64: 512, 2048>}, {transform_indices = @transform_1, window_bounds = array<i64: 1, 2048, 768>}, {transform_indices = @transform_2, window_bounds = array<i64: 1, 2048, 768>}, {transform_indices = @transform_3, window_bounds = array<i64: 1, 768, 2048>}, {transform_indices = @transform_4, window_bounds = array<i64: 1, 1, 512>}, {transform_indices = @transform_5, window_bounds = array<i64: 512, 2048>}]} {
    %get3A = arith.index_cast %arg0 : i32 to index
    %get3A_0 = memref.load %arg2[%get3A] : memref<48xi32, #tpu.memory_space<smem>>
    %get3A_1 = arith.index_cast %arg0 : i32 to index
    %get3A_2 = memref.load %arg3[%get3A_1] : memref<48xi32, #tpu.memory_space<smem>>
    %get3A_3 = arith.constant 0 : index
    %get3A_4 = arith.index_cast %get3A_0 : i32 to index
    %get3A_5 = memref.load %arg4[%get3A_3, %get3A_4] : memref<2x16xi32, #tpu.memory_space<smem>>
    %get3A_6 = arith.constant 1 : index
    %get3A_7 = arith.index_cast %get3A_0 : i32 to index
    %get3A_8 = memref.load %arg4[%get3A_6, %get3A_7] : memref<2x16xi32, #tpu.memory_space<smem>>
    %mul3A = arith.constant 512 : i32
    %mul3A_9 = arith.muli %get3A_2, %mul3A : i32
    %iota3A = tpu.iota {dimensions = array<i32: 0>} : vector<512x1xi32>
    %add3A = vector.broadcast %mul3A_9 : i32 to vector<512x1xi32>
    %add3A_10 = arith.addi %add3A, %iota3A : vector<512x1xi32>
    %ge3A = vector.broadcast %get3A_5 : i32 to vector<512x1xi32>
    %ge3A_11 = arith.cmpi sge, %add3A_10, %ge3A : vector<512x1xi32>
    %lt3A = vector.broadcast %get3A_8 : i32 to vector<512x1xi32>
    %lt3A_12 = arith.cmpi slt, %add3A_10, %lt3A : vector<512x1xi32>
    %and3A = arith.andi %ge3A_11, %lt3A_12 : vector<512x1xi1>
    %get3A_13 = arith.constant 0 : index
    %get3A_14 = arith.constant 0 : index
    %get3A_15 = vector.load %arg5[%get3A_13, %get3A_14] : memref<512x2048xf32, #tpu.memory_space<vmem>>, vector<512x2048xf32>
    %convert_element_type3A = arith.truncf %get3A_15 : vector<512x2048xf32> to vector<512x2048xbf16>
    %get3A_16 = arith.constant 0 : index
    %get3A_17 = arith.constant 0 : index
    %get3A_18 = arith.constant 0 : index
    %get3A_19 = vector.load %arg6[%get3A_16, %get3A_17, %get3A_18] : memref<1x2048x768xf32, #tpu.memory_space<vmem>>, vector<1x2048x768xf32>
    %get3A_20 = vector.shape_cast %get3A_19 : vector<1x2048x768xf32> to vector<2048x768xf32>
    %convert_element_type3A_21 = arith.truncf %get3A_20 : vector<2048x768xf32> to vector<2048x768xbf16>
    %dot_general3A = arith.constant dense<0.000000e+00> : vector<512x768xf32>
    %dot_general3A_22 = tpu.matmul %convert_element_type3A, %convert_element_type3A_21, %dot_general3A {dimension_numbers = #tpu.dot_dimension_numbers<[1], [0], [0], [1], [0, 0, 1, 1], [], []>, transpose_lhs_hint = false} : vector<512x2048xbf16>, vector<2048x768xbf16>, vector<512x768xf32> -> vector<512x768xf32>
    %get3A_23 = arith.constant 0 : index
    %get3A_24 = arith.constant 0 : index
    %get3A_25 = arith.constant 0 : index
    %get3A_26 = vector.load %arg7[%get3A_23, %get3A_24, %get3A_25] : memref<1x2048x768xf32, #tpu.memory_space<vmem>>, vector<1x2048x768xf32>
    %get3A_27 = vector.shape_cast %get3A_26 : vector<1x2048x768xf32> to vector<2048x768xf32>
    %convert_element_type3A_28 = arith.truncf %get3A_27 : vector<2048x768xf32> to vector<2048x768xbf16>
    %dot_general3A_29 = arith.constant dense<0.000000e+00> : vector<512x768xf32>
    %dot_general3A_30 = tpu.matmul %convert_element_type3A, %convert_element_type3A_28, %dot_general3A_29 {dimension_numbers = #tpu.dot_dimension_numbers<[1], [0], [0], [1], [0, 0, 1, 1], [], []>, transpose_lhs_hint = false} : vector<512x2048xbf16>, vector<2048x768xbf16>, vector<512x768xf32> -> vector<512x768xf32>
    %logistic3A = arith.negf %dot_general3A_22 : vector<512x768xf32>
    %logistic3A_31 = math.exp %logistic3A : vector<512x768xf32>
    %logistic3A_32 = arith.constant 1.000000e+00 : f32
    %logistic3A_33 = vector.broadcast %logistic3A_32 : f32 to vector<512x768xf32>
    %logistic3A_34 = arith.addf %logistic3A_33, %logistic3A_31 : vector<512x768xf32>
    %logistic3A_35 = arith.divf %logistic3A_33, %logistic3A_34 : vector<512x768xf32>
    %mul3A_36 = arith.mulf %dot_general3A_22, %logistic3A_35 : vector<512x768xf32>
    %mul3A_37 = arith.mulf %mul3A_36, %dot_general3A_30 : vector<512x768xf32>
    %get3A_38 = arith.constant 0 : index
    %get3A_39 = arith.constant 0 : index
    %get3A_40 = arith.constant 0 : index
    %get3A_41 = vector.load %arg9[%get3A_38, %get3A_39, %get3A_40] : memref<1x1x512xf32, #tpu.memory_space<vmem>>, vector<1x1x512xf32>
    %get3A_42 = vector.shape_cast %get3A_41 : vector<1x1x512xf32> to vector<512xf32>
    %reshape3A = vector.shape_cast %get3A_42 : vector<512xf32> to vector<512x1xf32>
    %mul3A_43 = vector.broadcast %reshape3A : vector<512x1xf32> to vector<512x768xf32>
    %mul3A_44 = arith.mulf %mul3A_37, %mul3A_43 : vector<512x768xf32>
    %convert_element_type3A_45 = arith.truncf %mul3A_44 : vector<512x768xf32> to vector<512x768xbf16>
    %get3A_46 = arith.constant 0 : index
    %get3A_47 = arith.constant 0 : index
    %get3A_48 = arith.constant 0 : index
    %get3A_49 = vector.load %arg8[%get3A_46, %get3A_47, %get3A_48] : memref<1x768x2048xf32, #tpu.memory_space<vmem>>, vector<1x768x2048xf32>
    %get3A_50 = vector.shape_cast %get3A_49 : vector<1x768x2048xf32> to vector<768x2048xf32>
    %convert_element_type3A_51 = arith.truncf %get3A_50 : vector<768x2048xf32> to vector<768x2048xbf16>
    %dot_general3A_52 = arith.constant dense<0.000000e+00> : vector<512x2048xf32>
    %dot_general3A_53 = tpu.matmul %convert_element_type3A_45, %convert_element_type3A_51, %dot_general3A_52 {dimension_numbers = #tpu.dot_dimension_numbers<[1], [0], [0], [1], [0, 0, 1, 1], [], []>, transpose_lhs_hint = false} : vector<512x768xbf16>, vector<768x2048xbf16>, vector<512x2048xf32> -> vector<512x2048xf32>
    %eq3A = arith.constant 0 : i32
    %eq3A_54 = arith.cmpi eq, %arg1, %eq3A : i32
    %convert_element_type3A_55 = arith.extui %eq3A_54 : i1 to i32
    %cond3A = arith.constant 0 : i32
    %cond3A_56 = arith.cmpi ne, %convert_element_type3A_55, %cond3A : i32
    scf.if %cond3A_56 {
      %get3A_57 = arith.constant 0 : index
      %get3A_58 = arith.constant 0 : index
      %get3A_59 = vector.load %arg10[%get3A_57, %get3A_58] : memref<512x2048xf32, #tpu.memory_space<vmem>>, vector<512x2048xf32>
      %broadcast_in_dim3A = vector.shape_cast %and3A : vector<512x1xi1> to vector<512x1xi1>
      %broadcast_in_dim3A_60 = vector.broadcast %broadcast_in_dim3A : vector<512x1xi1> to vector<512x2048xi1>
      %select_n3A = arith.select %broadcast_in_dim3A_60, %dot_general3A_53, %get3A_59 : vector<512x2048xi1>, vector<512x2048xf32>
      %swap3A = arith.constant 0 : index
      %swap3A_61 = arith.constant 0 : index
      %swap3A_62 = vector.load %arg10[%swap3A, %swap3A_61] : memref<512x2048xf32, #tpu.memory_space<vmem>>, vector<512x2048xf32>
      tpu.vector_store %arg10[%swap3A, %swap3A_61], %select_n3A {strides = array<i32>} : memref<512x2048xf32, #tpu.memory_space<vmem>>, vector<512x2048xf32>,
    } else {
    }
    return
  }
  func.func @transform_0(%arg0: i32, %arg1: i32, %arg2: memref<48xi32, #tpu.memory_space<smem>>, %arg3: memref<48xi32, #tpu.memory_space<smem>>, %arg4: memref<2x16xi32, #tpu.memory_space<smem>>) -> (i32, i32) {
    %get3A = arith.index_cast %arg0 : i32 to index
    %get3A_0 = memref.load %arg3[%get3A] : memref<48xi32, #tpu.memory_space<smem>>
    %c0_i32 = arith.constant 0 : i32
    %c0_i32_1 = arith.constant 0 : i32
    return %get3A_0, %c0_i32 : i32, i32
  }
  func.func @transform_1(%arg0: i32, %arg1: i32, %arg2: memref<48xi32, #tpu.memory_space<smem>>, %arg3: memref<48xi32, #tpu.memory_space<smem>>, %arg4: memref<2x16xi32, #tpu.memory_space<smem>>) -> (i32, i32, i32) {
    %get3A = arith.index_cast %arg0 : i32 to index
    %get3A_0 = memref.load %arg2[%get3A] : memref<48xi32, #tpu.memory_space<smem>>
    %c0_i32 = arith.constant 0 : i32
    %c0_i32_1 = arith.constant 0 : i32
    return %get3A_0, %c0_i32, %arg1 : i32, i32, i32
  }
  func.func @transform_2(%arg0: i32, %arg1: i32, %arg2: memref<48xi32, #tpu.memory_space<smem>>, %arg3: memref<48xi32, #tpu.memory_space<smem>>, %arg4: memref<2x16xi32, #tpu.memory_space<smem>>) -> (i32, i32, i32) {
    %get3A = arith.index_cast %arg0 : i32 to index
    %get3A_0 = memref.load %arg2[%get3A] : memref<48xi32, #tpu.memory_space<smem>>
    %c0_i32 = arith.constant 0 : i32
    %c0_i32_1 = arith.constant 0 : i32
    return %get3A_0, %c0_i32, %arg1 : i32, i32, i32
  }
  func.func @transform_3(%arg0: i32, %arg1: i32, %arg2: memref<48xi32, #tpu.memory_space<smem>>, %arg3: memref<48xi32, #tpu.memory_space<smem>>, %arg4: memref<2x16xi32, #tpu.memory_space<smem>>) -> (i32, i32, i32) {
    %get3A = arith.index_cast %arg0 : i32 to index
    %get3A_0 = memref.load %arg2[%get3A] : memref<48xi32, #tpu.memory_space<smem>>
    %c0_i32 = arith.constant 0 : i32
    %c0_i32_1 = arith.constant 0 : i32
    return %get3A_0, %arg1, %c0_i32 : i32, i32, i32
  }
  func.func @transform_4(%arg0: i32, %arg1: i32, %arg2: memref<48xi32, #tpu.memory_space<smem>>, %arg3: memref<48xi32, #tpu.memory_space<smem>>, %arg4: memref<2x16xi32, #tpu.memory_space<smem>>) -> (i32, i32, i32) {
    %get3A = arith.index_cast %arg0 : i32 to index
    %get3A_0 = memref.load %arg3[%get3A] : memref<48xi32, #tpu.memory_space<smem>>
    %c0_i32 = arith.constant 0 : i32
    %c0_i32_1 = arith.constant 0 : i32
    %c0_i32_2 = arith.constant 0 : i32
    return %get3A_0, %c0_i32, %c0_i32_1 : i32, i32, i32
  }
  func.func @transform_5(%arg0: i32, %arg1: i32, %arg2: memref<48xi32, #tpu.memory_space<smem>>, %arg3: memref<48xi32, #tpu.memory_space<smem>>, %arg4: memref<2x16xi32, #tpu.memory_space<smem>>) -> (i32, i32) {
    %get3A = arith.index_cast %arg0 : i32 to index
    %get3A_0 = memref.load %arg3[%get3A] : memref<48xi32, #tpu.memory_space<smem>>
    %c0_i32 = arith.constant 0 : i32
    %c0_i32_1 = arith.constant 0 : i32
    return %get3A_0, %c0_i32 : i32, i32
  }
}

</mosaic_0001>

<sc_bundles>
// kernel: kernel.6.cloned.1.call-start
scs
__scs_entry_jumppad:
0x0: {  	(pc) =	sbr.rel $0x88, $3  }
0x1: {  	(tag) =	ssettag $0x0;
	lr =	simm.s32 $0x1  }
0x2: {  	[smem:$0x3F9C] =	sst lr;
	_ =	strace $0xD0000000  }
0x3: {  	_ = 	snop  }
0x4: {  	_ = 	snop  }
0x5: {  	_ = 	snop  }
0x6: {  	_ = 	snop  }
0x7: {  	_ = 	snop  }
__scs_overlays_trampoline_lowered:
0x8: {  	[smem:$0x3FAB] =	sst s0  }
0x9: {  	[smem:$0x3FAC] =	sst s1  }
0xa: {  	[smem:$0x3FAD] =	sst s2  }
0xb: {  	[smem:$0x3FAE] =	sst s3  }
0xc: {  	[smem:$0x3FAF] =	sst s4  }
0xd: {  	[smem:$0x3FB0] =	sst s5  }
0xe: {  	[smem:$0x3FB1] =	sst s6  }
0xf: {  	[smem:$0x3FB2] =	sst s7  }
0x10: {  	[smem:$0x3FB3] =	sst s8  }
0x11: {  	[smem:$0x3FB4] =	sst s9;
	s0 =	simm.s32 @!p0 $0x0  }
0x12: {  	s1 =	sld [smem:$0x3F9A];
	s0 =	simm.s32 @p0 $0x1  }
0x13: {  	[smem:$0x3FB5] =	sst s0;
	s0 =	simm.s32 @!p1 $0x0  }
0x14: {  	s2 =	sld [smem:$0x3F99];
	s0 =	simm.s32 @p1 $0x1  }
0x15: {  	[smem:$0x3FB6] =	sst s0;
	s0 =	simm.s32 @!p2 $0x0  }
0x16: {  	s3 =	sld [smem:$0x3FDB];
	s0 =	simm.s32 @p2 $0x1  }
0x17: {  	s4 =	simm.s32 $0x1BF5;
	[smem:$0x3FB8] =	sst s0  }
0x18: {  	s0 =	sld [smem:$0x3F9B];
	_ =	swait.ge [sflag:s4], $0x0  }
0x19: {  	s7 =	sld [smem:$0x3F9C]  }
0x1a: {  	s8 =	sadd.s32 $0xFFFFE003, lr  }
0x1b: {  	s9 =	sadd.s32 $0xFFFFFEF7, lr;
	s5 =	simm.s32 $0xFFFFFFFF;
	p2 =	slt.u32 s8, $0xFFFFF086  }
0x1c: {  	p1 =	slt.u32 s9, $0xF7A;
	s5 =	simm.s32 @!p2 $0x0  }
0x1d: {  	s5 =	simm.s32 @p1 $0x1;
	p0 =	seq.s32 s7, s2  }
0x1e: {  	s7 =	smul.u32 @!p0 $0xF7A, s2;
	p2 =	seq.s32 @!p0 s5, $0x0  }
0x1f: {  	s9 =	smul.u32 $0xF7A, s1;
	s8 =	simm.s32 @!p0 $0x1BF5;
	p2 =	por !p2, p0  }
0x20: {  	[sflag:s8] =	ssyncset.s32 @!p0 $0xFFFFF086;
	s6 =	sadd.s32 @!p0 s3, s7;
	s7 =	simm.s32 @!p0 $0x108  }
0x21: {  	s3 =	sadd.s32 s3, s9;
	s6 =	sadd.s32 @!p0 $0x88, s6;
	s7 =	simm.s32 @p2 $0x1082  }
0x22: {  	[simem:s7], [sflag:s8] =	dma.local @!p0 [hbm:s6], $0xF7A  }
0x23: {  	s9 =	sor.u32 $0xD0000000, s2;
	s6 =	simm.s32 $0x108;
	_ =	swait.ge @!p0 [sflag:s8], $0x0  }
0x24: {  	s3 =	sadd.s32 $0x88, s3;
	s6 =	simm.s32 @!p1 $0x1082;
	[sflag:s4] =	ssyncset.s32 $0xFFFFF086  }
0x25: {  	[simem:s6], [sflag:s4] =	dma.local [hbm:s3], $0xF7A  }
0x26: {  	[smem:$0x3F9C] =	sst s1;
	(tag) =	ssettag s2;
	_ =	strace s9  }
0x27: {  	s1 =	sld [smem:$0x3FAC]  }
0x28: {  	s2 =	sld [smem:$0x3FAD]  }
0x29: {  	s4 =	sld [smem:$0x3FAF]  }
0x2a: {  	p0 =	seq.s32 s5, $0x0;
	s5 =	sld [smem:$0x3FB0]  }
0x2b: {  	s6 =	sld [smem:$0x3FB1]  }
0x2c: {  	s7 =	sld [smem:$0x3FB2]  }
0x2d: {  	s3 =	simm.s32 $0x108;
	s8 =	sld [smem:$0x3FB3]  }
0x2e: {  	s3 =	simm.s32 @!p0 $0x1082;
	s9 =	sld [smem:$0x3FB4]  }
0x2f: {  	lr =	sadd.s32 s0, s3;
	s0 =	sld [smem:$0x3FAB]  }
0x30: {  	s3 =	sld [smem:$0x3FAE]  }
0x31: {  	[smem:$0x3FB7] =	sst s10  }
0x32: {  	s10 =	sld [smem:$0x3FB5];
	_ =	sdelay $0x3  }
0x33: {  	p0 =	seq.s32 s10, $0x1;
	s10 =	sld [smem:$0x3FB7];
	_ =	sdelay $0x3  }
0x34: {  	[smem:$0x3FB7] =	sst s10  }
0x35: {  	s10 =	sld [smem:$0x3FB6];
	_ =	sdelay $0x3  }
0x36: {  	p1 =	seq.s32 s10, $0x1;
	s10 =	sld [smem:$0x3FB7];
	_ =	sdelay $0x3  }
0x37: {  	[smem:$0x3FB7] =	sst s10  }
0x38: {  	s10 =	sld [smem:$0x3FB8]  }
0x39: {  	_ = 	snop;
	(pc) =	sbr.ind lr, $3  }
0x3a: {  	_ = 	snop  }
0x3b: {  	_ = 	snop  }
0x3c: {  	p2 =	seq.s32 s10, $0x1;
	s10 =	sld [smem:$0x3FB7]  }
0x3d: {  	_ =	shalt  }
0x3e: {  	_ =	shalt  }
0x3f: {  	_ =	shalt  }
0x40: {  	_ =	shalt  }
0x41: {  	_ =	shalt  }
0x42: {  	_ =	shalt  }
0x43: {  	_ =	shalt  }
0x44: {  	_ =	shalt  }
0x45: {  	_ =	shalt  }
0x46: {  	_ =	shalt  }
0x47: {  	_ =	shalt  }
0x48: {  	_ =	shalt  }
0x49: {  	_ =	shalt  }
0x4a: {  	_ =	shalt  }
0x4b: {  	_ =	shalt  }
0x4c: {  	_ =	shalt  }
0x4d: {  	_ =	shalt  }
0x4e: {  	_ =	shalt  }
0x4f: {  	_ =	shalt  }
0x50: {  	_ =	shalt  }
0x51: {  	_ =	shalt  }
0x52: {  	_ =	shalt  }
0x53: {  	_ =	shalt  }
0x54: {  	_ =	shalt  }
0x55: {  	_ =	shalt  }
0x56: {  	_ =	shalt  }
0x57: {  	_ =	shalt  }
0x58: {  	_ =	shalt  }
0x59: {  	_ =	shalt  }
0x5a: {  	_ =	shalt  }
0x5b: {  	_ =	shalt  }
0x5c: {  	_ =	shalt  }
0x5d: {  	_ =	shalt  }
0x5e: {  	_ =	shalt  }
0x5f: {  	_ =	shalt  }
0x60: {  	_ =	shalt  }
0x61: {  	_ =	shalt  }
0x62: {  	_ =	shalt  }
0x63: {  	_ =	shalt  }
0x64: {  	_ =	shalt  }
0x65: {  	_ =	shalt  }
0x66: {  	_ =	shalt  }
0x67: {  	_ =	shalt  }
0x68: {  	_ =	shalt  }
0x69: {  	_ =	shalt  }
0x6a: {  	_ =	shalt  }
0x6b: {  	_ =	shalt  }
0x6c: {  	_ =	shalt  }
0x6d: {  	_ =	shalt  }
0x6e: {  	_ =	shalt  }
0x6f: {  	_ =	shalt  }
0x70: {  	_ =	shalt  }
0x71: {  	_ =	shalt  }
0x72: {  	_ =	shalt  }
0x73: {  	_ =	shalt  }
0x74: {  	_ =	shalt  }
0x75: {  	_ =	shalt  }
0x76: {  	_ =	shalt  }
0x77: {  	_ =	shalt  }
0x78: {  	_ =	shalt  }
0x79: {  	_ =	shalt  }
0x7a: {  	_ =	shalt  }
0x7b: {  	_ =	shalt  }
0x7c: {  	_ =	shalt  }
0x7d: {  	_ =	shalt  }
0x7e: {  	_ =	shalt  }
0x7f: {  	_ =	shalt  }
0x80: {  	_ =	shalt  }
0x81: {  	_ =	shalt  }
0x82: {  	_ =	shalt  }
0x83: {  	_ =	shalt  }
0x84: {  	_ =	shalt  }
0x85: {  	_ =	shalt  }
0x86: {  	_ =	shalt  }
0x87: {  	_ =	shalt  }
.Lfunc_end0:
.L_simem_size_0:
called_computation_lowered:
.L_overlay_start_0:
0x88: {  	s2 =	sld [smem:$0x3FD9]  }
0x89: {  	s3 =	sld [smem:$0x3FFE];
	_ =	sdelay $0x1  }
0x8a: {  	s1 =	srdreg.scid  }
0x8b: {  	s0 =	sand.u32 $0x1, s1  }
0x8c: {  	s17 =	sshll.u32 s0, $0xA;
	s2 =	sadd.s32 s3, s2  }
0x8d: {  	s2 =	sadd.s32 s2, s17  }
0x8e: {  	[smem:$0x3FC3] =	sst s2  }
0x8f: {  	_ = 	snop  }
0x90: {  	s2 =	sld [smem:$0x3FC9]  }
0x91: {  	s18 =	sld [smem:$0x3FD0];
	(tm) =	ssettm $0x1  }
0x92: {  	s4 =	sld [smem:$0x3FFB];
	_ =	sdelay $0x3  }
0x93: {  	_ =	strace s4  }
0x94: {  	s4 =	sld [smem:$0x3FFC];
	_ =	sdelay $0x3  }
0x95: {  	_ =	strace s4  }
0x96: {  	s4 =	sld [smem:$0x3FFD];
	_ =	sdelay $0x3  }
0x97: {  	_ =	strace s4  }
0x98: {  	_ =	strace $0x8FFFFFFF  }
0x99: {  	s19 =	sld [smem:$0x3FDB];
	_ =	sdelay $0x1  }
0x9a: {  	s5 =	simm.s32 $_scs_section_size  }
0x9b: {  	s6 =	simm.s32 $_size__tile_overlayer_lowered;
	s7 =	simm.s32 $_tile_overlayer_lowered  }
0x9c: {  	s22 =	simm.s32 $0x1BFF;
	s21 =	sshll.u32 s7, $0x1;
	s4 =	sadd.s32 s5, s19  }
0x9d: {  	s8 =	simm.s32 $0x0;
	s20 =	sshll.u32 s6, $0x1;
	s6 =	sadd.s32 s21, s4  }
0x9e: {  	[timem:s8], [sflag:s22] =	dma.local [hbm:s6], s20  }
0x9f: {  	_ =	swait.ge [sflag:s22], s20  }
0xa0: {  	s5 =	ssub.s32 $0x0, s20;
	[sflag:s22] =	ssyncset.done $0x0  }
0xa1: {  	[sflag:s22] =	ssyncadd.s32 s5;
	_ =	sdelay $0x1  }
0xa2: {  	s23 =	simm.s32 $0x1B8B  }
0xa3: {  	_ =	swait.ge [sflag:s23], $0x1  }
0xa4: {  	[sflag:s23] =	ssyncset.done $0x0  }
0xa5: {  	s25 =	simm.s32 $0x1B8E;
	s24 =	sld [smem:$0x3FFE];
	[sflag:s23] =	ssyncadd.s32 $0xFFFFFFFF  }
0xa6: {  	s26 =	simm.s32 $execute0_lowered;
	[smem:$0x3FD2] =	sst s25  }
0xa7: {  	s6 =	sshll.u32 s26, $0x1;
	_ =	strace $0x80000046;
	[dreg:$0x1] =	wrdreg $0xFFFFFFFF  }
0xa8: {  	s28 =	simm.s32 $_size_execute0_lowered;
	s4 =	sadd.s32 s4, s6;
	[dreg:$0x0] =	wrdreg $0x0  }
0xa9: {  	s6 =	sshll.u32 s28, $0x1;
	[dreg:$0x2] =	wrdreg s4  }
0xaa: {  	[dreg:$0x3] =	wrdreg s6  }
0xab: {  	[dreg:$0x4] =	wrdreg $0xC0  }
0xac: {  	_ =	task [dreg:s8], $0x5FFFF  }
0xad: {  	[dreg:$0x1] =	wrdreg $0xFFFFFFFF  }
0xae: {  	[dreg:$0x0] =	wrdreg $0x60  }
0xaf: {  	[dreg:$0x2] =	wrdreg s2  }
0xb0: {  	[dreg:$0x3] =	wrdreg s24  }
0xb1: {  	[dreg:$0x4] =	wrdreg s18  }
0xb2: {  	[dreg:$0x5] =	wrdreg $0x9  }
0xb3: {  	_ =	task.clear_ibuf [dreg:s8], $0x6FFFF;
	_ =	strace $0x90000046  }
0xb4: {  	s29 =	simm.s32 $0x9;
	_ =	strace $0x80000048  }
0xb5: {  	_ =	swait.ge [sflag:s29], $0x1  }
0xb6: {  	[sflag:s29] =	ssyncadd.s32 $0xFFFFFFFF  }
0xb7: {  	_ =	strace $0x90000048  }
0xb8: {  	_ =	sfence  }
0xb9: {  	s30 =	sld [smem:$0x0];
	_ =	sdelay $0x2  }
0xba: {  	s31 =	sshll.u32 s1, $0xD;
	s1 =	sshrl.u32 s1, $0x2  }
0xbb: {  	s3 =	sand.u32 $0x4000, s31;
	s1 =	sadd.s32 s1, s30  }
0xbc: {  	s0 =	sor.u32 s3, s0;
	s1 =	sshll.u32 s1, $0x11  }
0xbd: {  	s0 =	sor.u32 s1, s0  }
0xbe: {  	s0 =	sadd.s32 $0x8F2B, s0  }
0xbf: {  	[sflag:s0] =	ssyncadd.remote.s32 $0x1  }
0xc0: {  	_ =	sfence.sel $0xFFFF  }
0xc1: {  	[dreg:$0x0] =	wrdreg $0xFFFFFFFF;
	(pc) =	sbr.abs _section_cstart, $3  }
0xc2: {  	[dreg:$0x1] =	wrdreg $0xFFFFFFFF  }
0xc3: {  	_ =	task.clear_ibuf [dreg:s8], $0x2FFFF;
	_ =	strace $0x9FFFFFFF  }
0xc4: {  	(tm) =	ssettm $0x7FFFFFFF  }
0xc5: {  	_ =	shalt  }
tec
execute0_lowered:
.L_overlay_start_1:
0x0: {  	(tag) =	ssettag $0x1  }
0x1: {  	s0 =	rddreg [dreg:$0x0]  }
0x2: {  	s1 =	rddreg [dreg:$0x1];
	s2 =	srdreg.scid  }
0x3: {  	s15 =	stileid.u32;
	s5 =	rddreg [dreg:$0x2];
	s21 =	simm.s32 $0x4000  }
0x4: {  	s22 =	simm.s32 $0x8;
	s18 =	simm.s32 $0xB800;
	s19 =	simm.s32 $0x5  }
0x5: {  	s20 =	simm.s32 $0x6;
	s28 =	simm.s32 $0x9;
	s6 =	sand.u32 $0x1, s2  }
0x6: {  	s3 =	sshll.u32 s15, $0x1;
	s2 =	simm.s32 $0x0;
	s4 =	sadd.s32 $0x40C200, s1  }
0x7: {  	s12 =	sadd.s32 $0xC400, s1;
	s13 =	sadd.s32 $0xC500, s1;
	s14 =	sadd.s32 $0xC600, s1  }
0x8: {  	s29 =	sshll.u32 s15, $0x11;
	s15 =	sadd.s32 $0xC700, s1;
	s16 =	sadd.s32 $0xC800, s1  }
0x9: {  	s17 =	sadd.s32 $0xC900, s1;
	s7 =	sor.u32 s6, s3;
	[smem:$0x7FF] =	sst s2  }
0xa: {  	s9 =	ssub.s32 $0x2, s6;
	s3 =	sadd.s32 $0xC200, s1;
	s30 =	sshll.u32 s6, $0x10  }
0xb: {  	s8 =	sshll.u32 s7, $0x9;
	_ =	strace $0x80000047;
	s11 =	sshrl.u32 s9, $0x1  }
0xc: {  	s7 =	sshll.u32 s7, $0x10;
	s10 =	sadd.s32 s8, s1;
	s9 =	ssub.s32 s9, s11  }
0xd: {  	s5 =	sadd.s32 s5, s8;
	s26 =	sadd.s32 s0, s7;
	s11 =	sadd.s32 $0xC300, s1  }
0xe: {  	s0 =	sadd.s32 s29, s0;
	s1 =	simm.s32 $0x0;
	[dreg:$0x6] =	wrdreg s5  }
0xf: {  	s23 =	sadd.s32 $0x8200, s10;
	s24 =	sadd.s32 $0x200, s10;
	[dreg:$0x8] =	wrdreg s26  }
0x10: {  	s25 =	sadd.s32 $0x4200, s10;
	s5 =	sadd.s32 $0x800, s26;
	[dreg:$0x4] =	wrdreg s23  }
.Ltmp0:
0x11: {  	s0 =	sadd.s32 s30, s0;
	[dreg:$0x5] =	wrdreg s24;
	(pc) =	sbr.rel .LBB2_1-.Ltmp0, $4  }
0x12: {  	s31 =	smax.u32 s9, $0x1;
	s26 =	simm.s32 $0x1;
	[dreg:$0x7] =	wrdreg s25  }
0x13: {  	v0 =	vlaneseq.u32;
	s10 =	simm.s32 $0x7000;
	s9 =	simm.s32 $0x7800;
	[dreg:$0x9] =	wrdreg s5  }
0x14: {  	v1 =	vshrl.u32 v0, $0x3;
	[dreg:$0xa] =	wrdreg s31;
	s0 =	sadd.s32 $0x1000, s0;
	s25 =	simm.s32 $0x8000  }
0x15: {  	vm0 =	vmmov $0xffff;
	v0 =	vand.u32 $0x7, v0;
	v1 =	vmul.u32 $0x8, v1;
	s23 =	simm.s32 $0x2;
	s24 =	simm.s32 $0xA;
	[dreg:$0xb] =	wrdreg s0  }
.LBB2_4:
0x16: {  	s0 =	simm.s32 $0x3  }
0x17: {  	_ =	swait.ge [sflag:s0], $0x4000  }
0x18: {  	[sflag:s0] =	ssyncset.done $0x0  }
0x19: {  	s29 =	simm.s32 $0x4;
	[sflag:s0] =	ssyncadd.s32 $0xFFFFC000  }
0x1a: {  	_ =	swait.ge [sflag:s29], $0x4000  }
0x1b: {  	[sflag:s29] =	ssyncset.done $0x0  }
0x1c: {  	s30 =	simm.s32 $0x7;
	[sflag:s29] =	ssyncadd.s32 $0xFFFFC000  }
0x1d: {  	_ =	swait.ge [sflag:s30], $0x8  }
0x1e: {  	[sflag:s30] =	ssyncset.done $0x0  }
0x1f: {  	[sflag:s30] =	ssyncadd.s32 $0xFFFFFFF8  }
0x20: {  	_ =	swait.ge [sflag:s22], $0x8  }
0x21: {  	[sflag:s22] =	ssyncset.done $0x0  }
0x22: {  	[sflag:s22] =	ssyncadd.s32 $0xFFFFFFF8  }
0x23: {  	_ =	swait.ge [sflag:s19], $0x4000  }
0x24: {  	[sflag:s19] =	ssyncset.done $0x0  }
0x25: {  	[sflag:s19] =	ssyncadd.s32 $0xFFFFC000  }
0x26: {  	_ =	swait.ge [sflag:s20], $0x4000  }
0x27: {  	[sflag:s20] =	ssyncset.done $0x0  }
0x28: {  	[sflag:s20] =	ssyncadd.s32 $0xFFFFC000  }
0x29: {  	_ =	swait.ge [sflag:s28], $0x8  }
0x2a: {  	[sflag:s28] =	ssyncset.done $0x0  }
0x2b: {  	[sflag:s28] =	ssyncadd.s32 $0xFFFFFFF8  }
0x2c: {  	_ =	swait.ge [sflag:s24], $0x8  }
0x2d: {  	s1 =	rddreg [dreg:$0xc]  }
0x2e: {  	s31 =	rddreg [dreg:$0xa];
	s1 =	sadd.s32 $0x1, s1  }
0x2f: {  	p0 =	sne.s32 s1, s31  }
.Ltmp1:
0x30: {  	_ = 	snop;
	(pc) =	sbr.rel @!p0 .LBB2_5-.Ltmp1, $3  }
0x31: {  	_ =	sdelay $0x1  }
0x32: {  	[sflag:s24] =	ssyncset.done $0x0  }
0x33: {  	[sflag:s24] =	ssyncadd.s32 $0xFFFFFFF8  }
.LBB2_1:
0x34: {  	[dreg:$0xc] =	wrdreg s1  }
0x35: {  	s0 =	rddreg [dreg:$0x4];
	s31 =	simm.s32 $0xB  }
0x36: {  	[tilespmem:s2], [sflag:$0xB] =	stream.linear.gather [hbm4b:s0+s2], $0x1000, $0x38;
	[tilespmem:$0xC000] =	vst v63  }
0x37: {  	_ =	swait.ge [sflag:s31], $0x1000  }
0x38: {  	[sflag:s31] =	ssyncset.done $0x0  }
0x39: {  	s29 =	simm.s32 $0x1000;
	s5 =	rddreg [dreg:$0x5];
	[sflag:s31] =	ssyncadd.s32 $0xFFFFF000  }
0x3a: {  	[tilespmem:s29], [sflag:$0xB] =	stream.linear.gather [hbm4b:s5+s2], $0x1000, $0x38;
	[tilespmem:$0xC000] =	vst v63  }
0x3b: {  	_ =	swait.ge [sflag:s31], $0x1000  }
0x3c: {  	[sflag:s31] =	ssyncset.done $0x0  }
0x3d: {  	s29 =	simm.s32 $0x2000;
	s6 =	rddreg [dreg:$0x6];
	[sflag:s31] =	ssyncadd.s32 $0xFFFFF000  }
0x3e: {  	[tilespmem:s29], [sflag:$0xB] =	stream.linear.gather [hbm4b:s6+s2], $0x1000, $0x38;
	[tilespmem:$0xC000] =	vst v63  }
0x3f: {  	_ =	swait.ge [sflag:s31], $0x1000  }
0x40: {  	[sflag:s31] =	ssyncset.done $0x0  }
0x41: {  	s29 =	simm.s32 $0x3000;
	s7 =	rddreg [dreg:$0x7];
	[sflag:s31] =	ssyncadd.s32 $0xFFFFF000  }
0x42: {  	[tilespmem:s29], [sflag:$0xB] =	stream.linear.gather [hbm4b:s7+s2], $0x1000, $0x38;
	[tilespmem:$0xC000] =	vst v63  }
0x43: {  	_ =	swait.ge [sflag:s31], $0x1000  }
0x44: {  	[sflag:s31] =	ssyncset.done $0x0;
	s8 =	rddreg [dreg:$0x8]  }
0x45: {  	s29 =	rddreg [dreg:$0xb];
	[sflag:s31] =	ssyncadd.s32 $0xFFFFF000  }
0x46: {  	[tilespmem:s21], [sflag:$0x1] =	stream.linear.gather [hbm4b:s8+s2], $0x4000, $0x38;
	[tilespmem:$0xC000] =	vst v63  }
0x47: {  	s30 =	simm.s32 $0x0;
	s31 =	rddreg [dreg:$0x9]  }
0x48: {  	[tilespmem:s25], [sflag:$0x2] =	stream.linear.gather [hbm4b:s31+s2], $0x4000, $0x38;
	[tilespmem:$0xC000] =	vst v63  }
.LBB2_2:
0x49: {  	_ =	swait.ge [sflag:s26], $0x4000  }
0x4a: {  	[sflag:s26] =	ssyncset.done $0x0  }
0x4b: {  	s31 =	sshra.s32 s30, $0x2;
	[sflag:s26] =	ssyncadd.s32 $0xFFFFC000  }
0x4c: {  	v2 =	vld.msk [tilespmem:s31+$0x0], $0xff;
	_ =	sdelay $0x4  }
0x4d: {  	v3 =	vshll.u32 v2, $0x4  }
0x4e: {  	v2 =	vand.u32 $0x7, v2;
	v3 =	vand.u32 $0xFFFFFF80, v3  }
0x4f: {  	v2 =	vor.u32 v2, v3  }
0x50: {  	v2 =	vperm.xlane v2, v0;
	_ =	sdelay $0x1  }
0x51: {  	v2 =	vadd.s32 v1, v2;
	_ =	sdelay $0x3  }
0x52: {  	s0 =	simm.s32 $0x4000  }
0x53: {  	[hbm4b:s3+s2] =	stream.indirect_vreg.scatter [tilespmem:s0], [sflag:$0x3], $0x80, v2, vm0, $0xb8;
	[tilespmem:$0xC000] =	vst v63  }
0x54: {  	s1 =	simm.s32 $0x4800  }
0x55: {  	[hbm4b:s11+s2] =	stream.indirect_vreg.scatter [tilespmem:s1], [sflag:$0x3], $0x80, v2, vm0, $0xb8;
	[tilespmem:$0xC000] =	vst v63  }
0x56: {  	s5 =	simm.s32 $0x5000  }
0x57: {  	[hbm4b:s12+s2] =	stream.indirect_vreg.scatter [tilespmem:s5], [sflag:$0x3], $0x80, v2, vm0, $0xb8;
	[tilespmem:$0xC000] =	vst v63  }
0x58: {  	s6 =	simm.s32 $0x5800  }
0x59: {  	[hbm4b:s13+s2] =	stream.indirect_vreg.scatter [tilespmem:s6], [sflag:$0x3], $0x80, v2, vm0, $0xb8;
	[tilespmem:$0xC000] =	vst v63  }
0x5a: {  	s7 =	simm.s32 $0x6000  }
0x5b: {  	[hbm4b:s14+s2] =	stream.indirect_vreg.scatter [tilespmem:s7], [sflag:$0x3], $0x80, v2, vm0, $0xb8;
	[tilespmem:$0xC000] =	vst v63  }
0x5c: {  	s8 =	simm.s32 $0x6800  }
0x5d: {  	[hbm4b:s15+s2] =	stream.indirect_vreg.scatter [tilespmem:s8], [sflag:$0x3], $0x80, v2, vm0, $0xb8;
	[tilespmem:$0xC000] =	vst v63  }
0x5e: {  	_ = 	snop  }
0x5f: {  	[hbm4b:s16+s2] =	stream.indirect_vreg.scatter [tilespmem:s10], [sflag:$0x3], $0x80, v2, vm0, $0xb8;
	[tilespmem:$0xC000] =	vst v63  }
0x60: {  	_ = 	snop  }
0x61: {  	[hbm4b:s17+s2] =	stream.indirect_vreg.scatter [tilespmem:s9], [sflag:$0x3], $0x80, v2, vm0, $0xb8;
	[tilespmem:$0xC000] =	vst v63  }
0x62: {  	v2 =	vld.msk [tilespmem:s31+$0x1000], $0xff;
	_ =	sdelay $0x4  }
0x63: {  	v3 =	vshll.u32 v2, $0x4  }
0x64: {  	v2 =	vand.u32 $0x7, v2;
	v3 =	vand.u32 $0xFFFFFF80, v3  }
0x65: {  	v2 =	vor.u32 v2, v3  }
0x66: {  	v2 =	vperm.xlane v2, v0;
	_ =	sdelay $0x1  }
0x67: {  	v2 =	vadd.s32 v1, v2;
	_ =	sdelay $0x4  }
0x68: {  	[hbm4b:s3+s2] =	stream.indirect_vreg.scatter [tilespmem:s0], [sflag:$0x4], $0x80, v2, vm0, $0xb8;
	[tilespmem:$0xC000] =	vst v63  }
0x69: {  	_ = 	snop  }
0x6a: {  	[hbm4b:s11+s2] =	stream.indirect_vreg.scatter [tilespmem:s1], [sflag:$0x4], $0x80, v2, vm0, $0xb8;
	[tilespmem:$0xC000] =	vst v63  }
0x6b: {  	_ = 	snop  }
0x6c: {  	[hbm4b:s12+s2] =	stream.indirect_vreg.scatter [tilespmem:s5], [sflag:$0x4], $0x80, v2, vm0, $0xb8;
	[tilespmem:$0xC000] =	vst v63  }
0x6d: {  	_ = 	snop  }
0x6e: {  	[hbm4b:s13+s2] =	stream.indirect_vreg.scatter [tilespmem:s6], [sflag:$0x4], $0x80, v2, vm0, $0xb8;
	[tilespmem:$0xC000] =	vst v63  }
0x6f: {  	_ = 	snop  }
0x70: {  	[hbm4b:s14+s2] =	stream.indirect_vreg.scatter [tilespmem:s7], [sflag:$0x4], $0x80, v2, vm0, $0xb8;
	[tilespmem:$0xC000] =	vst v63  }
0x71: {  	_ = 	snop  }
0x72: {  	[hbm4b:s15+s2] =	stream.indirect_vreg.scatter [tilespmem:s8], [sflag:$0x4], $0x80, v2, vm0, $0xb8;
	[tilespmem:$0xC000] =	vst v63  }
0x73: {  	_ = 	snop  }
0x74: {  	[hbm4b:s16+s2] =	stream.indirect_vreg.scatter [tilespmem:s10], [sflag:$0x4], $0x80, v2, vm0, $0xb8;
	[tilespmem:$0xC000] =	vst v63  }
0x75: {  	_ = 	snop  }
0x76: {  	[hbm4b:s17+s2] =	stream.indirect_vreg.scatter [tilespmem:s9], [sflag:$0x4], $0x80, v2, vm0, $0xb8;
	[tilespmem:$0xC000] =	vst v63  }
0x77: {  	s8 =	sadd.s32 $0x2000, s31  }
0x78: {  	[hbm4b:s4+s22] =	stream.indirect.scatter [tilespmem:s8], [sflag:$0x7], $0x1, s31, s22, $0xb8;
	[tilespmem:$0xC000] =	vst v63  }
0x79: {  	p0 =	seq.s32 s30, $0x3C00;
	s0 =	sadd.s32 $0x1000, s31;
	s5 =	sadd.s32 $0x3000, s31  }
0x7a: {  	[hbm4b:s4+s22] =	stream.indirect.scatter [tilespmem:s5], [sflag:$0x8], $0x1, s0, s22, $0xb8;
	[tilespmem:$0xC000] =	vst v63  }
0x7b: {  	s0 =	simm.s32 @!p0 $0x3  }
0x7c: {  	_ =	swait.ge @!p0 [sflag:s0], $0x4000  }
0x7d: {  	[sflag:s0] =	ssyncset.done @!p0 $0x0  }
0x7e: {  	[sflag:s0] =	ssyncadd.s32 @!p0 $0xFFFFC000;
	s0 =	simm.s32 @!p0 $0x4  }
0x7f: {  	_ =	swait.ge @!p0 [sflag:s0], $0x4000  }
0x80: {  	[sflag:s0] =	ssyncset.done @!p0 $0x0  }
0x81: {  	[sflag:s0] =	ssyncadd.s32 @!p0 $0xFFFFC000;
	s0 =	simm.s32 @!p0 $0x7  }
0x82: {  	_ =	swait.ge @!p0 [sflag:s0], $0x8  }
0x83: {  	[sflag:s0] =	ssyncset.done @!p0 $0x0  }
0x84: {  	[sflag:s0] =	ssyncadd.s32 @!p0 $0xFFFFFFF8;
	s0 =	simm.s32 @!p0 $0x8  }
0x85: {  	_ =	swait.ge @!p0 [sflag:s0], $0x8  }
0x86: {  	[sflag:s0] =	ssyncset.done @!p0 $0x0  }
0x87: {  	s1 =	simm.s32 @!p0 $0x4000;
	[sflag:s0] =	ssyncadd.s32 @!p0 $0xFFFFFFF8;
	s0 =	simm.s32 @!p0 $0x0  }
0x88: {  	[tilespmem:s1], [sflag:$0x1] =	stream.linear.gather @!p0 [hbm4b:s29+s0], $0x4000, $0x38;
	[tilespmem:$0xC000] =	vst v63  }
0x89: {  	_ =	swait.ge [sflag:s23], $0x4000  }
0x8a: {  	[sflag:s23] =	ssyncset.done $0x0  }
0x8b: {  	[sflag:s23] =	ssyncadd.s32 $0xFFFFC000  }
0x8c: {  	v2 =	vld.msk [tilespmem:s31+$0x80], $0xff;
	_ =	sdelay $0x4  }
0x8d: {  	v3 =	vshll.u32 v2, $0x4  }
0x8e: {  	v2 =	vand.u32 $0x7, v2;
	v3 =	vand.u32 $0xFFFFFF80, v3  }
0x8f: {  	v2 =	vor.u32 v2, v3  }
0x90: {  	v2 =	vperm.xlane v2, v0;
	_ =	sdelay $0x1  }
0x91: {  	v2 =	vadd.s32 v1, v2;
	_ =	sdelay $0x4  }
0x92: {  	[hbm4b:s3+s2] =	stream.indirect_vreg.scatter [tilespmem:s25], [sflag:$0x5], $0x80, v2, vm0, $0xb8;
	[tilespmem:$0xC000] =	vst v63  }
0x93: {  	s0 =	simm.s32 $0x8800  }
0x94: {  	[hbm4b:s11+s2] =	stream.indirect_vreg.scatter [tilespmem:s0], [sflag:$0x5], $0x80, v2, vm0, $0xb8;
	[tilespmem:$0xC000] =	vst v63  }
0x95: {  	s1 =	simm.s32 $0x9000  }
0x96: {  	[hbm4b:s12+s2] =	stream.indirect_vreg.scatter [tilespmem:s1], [sflag:$0x5], $0x80, v2, vm0, $0xb8;
	[tilespmem:$0xC000] =	vst v63  }
0x97: {  	s5 =	simm.s32 $0x9800  }
0x98: {  	[hbm4b:s13+s2] =	stream.indirect_vreg.scatter [tilespmem:s5], [sflag:$0x5], $0x80, v2, vm0, $0xb8;
	[tilespmem:$0xC000] =	vst v63  }
0x99: {  	s6 =	simm.s32 $0xA000  }
0x9a: {  	[hbm4b:s14+s2] =	stream.indirect_vreg.scatter [tilespmem:s6], [sflag:$0x5], $0x80, v2, vm0, $0xb8;
	[tilespmem:$0xC000] =	vst v63  }
0x9b: {  	s7 =	simm.s32 $0xA800  }
0x9c: {  	[hbm4b:s15+s2] =	stream.indirect_vreg.scatter [tilespmem:s7], [sflag:$0x5], $0x80, v2, vm0, $0xb8;
	[tilespmem:$0xC000] =	vst v63  }
0x9d: {  	s8 =	simm.s32 $0xB000  }
0x9e: {  	[hbm4b:s16+s2] =	stream.indirect_vreg.scatter [tilespmem:s8], [sflag:$0x5], $0x80, v2, vm0, $0xb8;
	[tilespmem:$0xC000] =	vst v63  }
0x9f: {  	_ = 	snop  }
0xa0: {  	[hbm4b:s17+s2] =	stream.indirect_vreg.scatter [tilespmem:s18], [sflag:$0x5], $0x80, v2, vm0, $0xb8;
	[tilespmem:$0xC000] =	vst v63  }
0xa1: {  	v2 =	vld.msk [tilespmem:s31+$0x1080], $0xff;
	_ =	sdelay $0x4  }
0xa2: {  	v3 =	vshll.u32 v2, $0x4  }
0xa3: {  	v2 =	vand.u32 $0x7, v2;
	v3 =	vand.u32 $0xFFFFFF80, v3  }
0xa4: {  	v2 =	vor.u32 v2, v3  }
0xa5: {  	v2 =	vperm.xlane v2, v0;
	_ =	sdelay $0x1  }
0xa6: {  	v2 =	vadd.s32 v1, v2;
	_ =	sdelay $0x4  }
0xa7: {  	[hbm4b:s3+s2] =	stream.indirect_vreg.scatter [tilespmem:s25], [sflag:$0x6], $0x80, v2, vm0, $0xb8;
	[tilespmem:$0xC000] =	vst v63  }
0xa8: {  	_ = 	snop  }
0xa9: {  	[hbm4b:s11+s2] =	stream.indirect_vreg.scatter [tilespmem:s0], [sflag:$0x6], $0x80, v2, vm0, $0xb8;
	[tilespmem:$0xC000] =	vst v63  }
0xaa: {  	_ = 	snop  }
0xab: {  	[hbm4b:s12+s2] =	stream.indirect_vreg.scatter [tilespmem:s1], [sflag:$0x6], $0x80, v2, vm0, $0xb8;
	[tilespmem:$0xC000] =	vst v63  }
0xac: {  	_ = 	snop  }
0xad: {  	[hbm4b:s13+s2] =	stream.indirect_vreg.scatter [tilespmem:s5], [sflag:$0x6], $0x80, v2, vm0, $0xb8;
	[tilespmem:$0xC000] =	vst v63  }
0xae: {  	_ = 	snop  }
0xaf: {  	[hbm4b:s14+s2] =	stream.indirect_vreg.scatter [tilespmem:s6], [sflag:$0x6], $0x80, v2, vm0, $0xb8;
	[tilespmem:$0xC000] =	vst v63  }
0xb0: {  	_ = 	snop  }
0xb1: {  	[hbm4b:s15+s2] =	stream.indirect_vreg.scatter [tilespmem:s7], [sflag:$0x6], $0x80, v2, vm0, $0xb8;
	[tilespmem:$0xC000] =	vst v63  }
0xb2: {  	_ = 	snop  }
0xb3: {  	[hbm4b:s16+s2] =	stream.indirect_vreg.scatter [tilespmem:s8], [sflag:$0x6], $0x80, v2, vm0, $0xb8;
	[tilespmem:$0xC000] =	vst v63  }
0xb4: {  	_ = 	snop  }
0xb5: {  	[hbm4b:s17+s2] =	stream.indirect_vreg.scatter [tilespmem:s18], [sflag:$0x6], $0x80, v2, vm0, $0xb8;
	[tilespmem:$0xC000] =	vst v63  }
.Ltmp2:
0xb6: {  	_ = 	snop;
	(pc) =	sbr.rel @p0 .LBB2_4-.Ltmp2, $4  }
0xb7: {  	s6 =	sadd.s32 $0x80, s31;
	s7 =	sadd.s32 $0x2080, s31  }
0xb8: {  	[hbm4b:s4+s22] =	stream.indirect.scatter [tilespmem:s7], [sflag:$0x9], $0x1, s6, s22, $0xb8;
	[tilespmem:$0xC000] =	vst v63  }
0xb9: {  	s21 =	simm.s32 $0x4000;
	s8 =	sadd.s32 $0x1080, s31;
	s31 =	sadd.s32 $0x3080, s31  }
0xba: {  	[hbm4b:s4+s22] =	stream.indirect.scatter [tilespmem:s31], [sflag:$0xA], $0x1, s8, s22, $0xb8;
	[tilespmem:$0xC000] =	vst v63  }
0xbb: {  	_ =	swait.ge [sflag:s19], $0x4000  }
0xbc: {  	[sflag:s19] =	ssyncset.done $0x0  }
0xbd: {  	[sflag:s19] =	ssyncadd.s32 $0xFFFFC000  }
0xbe: {  	_ =	swait.ge [sflag:s20], $0x4000  }
0xbf: {  	[sflag:s20] =	ssyncset.done $0x0  }
0xc0: {  	[sflag:s20] =	ssyncadd.s32 $0xFFFFC000  }
0xc1: {  	_ =	swait.ge [sflag:s28], $0x8  }
0xc2: {  	[sflag:s28] =	ssyncset.done $0x0  }
.Ltmp3:
0xc3: {  	[sflag:s28] =	ssyncadd.s32 $0xFFFFFFF8;
	(pc) =	sbr.rel .LBB2_2-.Ltmp3, $4  }
0xc4: {  	_ =	swait.ge [sflag:s24], $0x8  }
0xc5: {  	s0 =	sadd.s32 $0x800, s29;
	[sflag:s24] =	ssyncset.done $0x0  }
0xc6: {  	s30 =	sadd.s32 $0x400, s30;
	s29 =	sadd.s32 $0x1000, s29;
	[sflag:s24] =	ssyncadd.s32 $0xFFFFFFF8  }
0xc7: {  	[tilespmem:s25], [sflag:$0x2] =	stream.linear.gather [hbm4b:s0+s2], $0x4000, $0x38;
	[tilespmem:$0xC000] =	vst v63  }
.LBB2_5:
0xc8: {  	_ =	sfence.sel $0x180000  }
0xc9: {  	[bflag:$0x0] =	sbarrier.arrive $0xFFFF  }
0xca: {  	_ =	strace $0x90000047  }
0xcb: {  	s0 =	stileid.u32;
	[bflag:$0x2] =	sbarrier.arrive $0xFFFF  }
0xcc: {  	p0 =	sne.s32 s0, $0x0;
	s0 =	rddreg [dreg:$0x3]  }
0xcd: {  	s0 =	sadd.s32 @!p0 $0x100000, s0  }
0xce: {  	[sflag:s0] =	ssyncadd.tile.s32 @!p0 $0x1;
	_ =	shalt  }
.Lfunc_end2:
_tile_overlayer_lowered:
.L_overlay_start_2:
0xcf: {  	(tag) =	ssettag $0x2  }
0xd0: {  	s0 =	rddreg [dreg:$0x0];
	s2 =	stileid.u32  }
0xd1: {  	s1 =	rddreg [dreg:$0x1];
	p0 =	sne.s32 s2, $0x0  }
0xd2: {  	s3 =	rddreg [dreg:$0x2];
	[bflag:$0x3] =	sbarrier.arrive $0xFFFF;
	s2 =	simm.s32 @!p0 $0x1C0B  }
0xd3: {  	[timem:s3], [sflag:s2] =	dma.local @!p0 [hbm:s0], s1  }
0xd4: {  	s0 =	simm.s32 @!p0 $0xB  }
0xd5: {  	_ =	swait.ge @!p0 [sflag:s0], s1  }
0xd6: {  	s1 =	ssub.s32 @!p0 $0x0, s1;
	[sflag:s0] =	ssyncset.done @!p0 $0x0  }
0xd7: {  	[sflag:s0] =	ssyncadd.s32 @!p0 s1  }
0xd8: {  	[bflag:$0x3] =	sbarrier.arrive $0xFFFF  }
0xd9: {  	_ =	shalt  }

// kernel: kernel.9.cloned.1.call-start
scs
__scs_entry_jumppad:
0x0: {  	(pc) =	sbr.rel $0x88, $3  }
0x1: {  	(tag) =	ssettag $0x0;
	lr =	simm.s32 $0x1  }
0x2: {  	[smem:$0x3F9C] =	sst lr;
	_ =	strace $0xD0000000  }
0x3: {  	_ = 	snop  }
0x4: {  	_ = 	snop  }
0x5: {  	_ = 	snop  }
0x6: {  	_ = 	snop  }
0x7: {  	_ = 	snop  }
__scs_overlays_trampoline_lowered:
0x8: {  	[smem:$0x3FAB] =	sst s0  }
0x9: {  	[smem:$0x3FAC] =	sst s1  }
0xa: {  	[smem:$0x3FAD] =	sst s2  }
0xb: {  	[smem:$0x3FAE] =	sst s3  }
0xc: {  	[smem:$0x3FAF] =	sst s4  }
0xd: {  	[smem:$0x3FB0] =	sst s5  }
0xe: {  	[smem:$0x3FB1] =	sst s6  }
0xf: {  	[smem:$0x3FB2] =	sst s7  }
0x10: {  	[smem:$0x3FB3] =	sst s8  }
0x11: {  	[smem:$0x3FB4] =	sst s9;
	s0 =	simm.s32 @!p0 $0x0  }
0x12: {  	s1 =	sld [smem:$0x3F9A];
	s0 =	simm.s32 @p0 $0x1  }
0x13: {  	[smem:$0x3FB5] =	sst s0;
	s0 =	simm.s32 @!p1 $0x0  }
0x14: {  	s2 =	sld [smem:$0x3F99];
	s0 =	simm.s32 @p1 $0x1  }
0x15: {  	[smem:$0x3FB6] =	sst s0;
	s0 =	simm.s32 @!p2 $0x0  }
0x16: {  	s3 =	sld [smem:$0x3FDB];
	s0 =	simm.s32 @p2 $0x1  }
0x17: {  	s4 =	simm.s32 $0x1BF5;
	[smem:$0x3FB8] =	sst s0  }
0x18: {  	s0 =	sld [smem:$0x3F9B];
	_ =	swait.ge [sflag:s4], $0x0  }
0x19: {  	s7 =	sld [smem:$0x3F9C]  }
0x1a: {  	s8 =	sadd.s32 $0xFFFFE003, lr  }
0x1b: {  	s9 =	sadd.s32 $0xFFFFFEF7, lr;
	s5 =	simm.s32 $0xFFFFFFFF;
	p2 =	slt.u32 s8, $0xFFFFF086  }
0x1c: {  	p1 =	slt.u32 s9, $0xF7A;
	s5 =	simm.s32 @!p2 $0x0  }
0x1d: {  	s5 =	simm.s32 @p1 $0x1;
	p0 =	seq.s32 s7, s2  }
0x1e: {  	s7 =	smul.u32 @!p0 $0xF7A, s2;
	p2 =	seq.s32 @!p0 s5, $0x0  }
0x1f: {  	s9 =	smul.u32 $0xF7A, s1;
	s8 =	simm.s32 @!p0 $0x1BF5;
	p2 =	por !p2, p0  }
0x20: {  	[sflag:s8] =	ssyncset.s32 @!p0 $0xFFFFF086;
	s6 =	sadd.s32 @!p0 s3, s7;
	s7 =	simm.s32 @!p0 $0x108  }
0x21: {  	s3 =	sadd.s32 s3, s9;
	s6 =	sadd.s32 @!p0 $0x88, s6;
	s7 =	simm.s32 @p2 $0x1082  }
0x22: {  	[simem:s7], [sflag:s8] =	dma.local @!p0 [hbm:s6], $0xF7A  }
0x23: {  	s9 =	sor.u32 $0xD0000000, s2;
	s6 =	simm.s32 $0x108;
	_ =	swait.ge @!p0 [sflag:s8], $0x0  }
0x24: {  	s3 =	sadd.s32 $0x88, s3;
	s6 =	simm.s32 @!p1 $0x1082;
	[sflag:s4] =	ssyncset.s32 $0xFFFFF086  }
0x25: {  	[simem:s6], [sflag:s4] =	dma.local [hbm:s3], $0xF7A  }
0x26: {  	[smem:$0x3F9C] =	sst s1;
	(tag) =	ssettag s2;
	_ =	strace s9  }
0x27: {  	s1 =	sld [smem:$0x3FAC]  }
0x28: {  	s2 =	sld [smem:$0x3FAD]  }
0x29: {  	s4 =	sld [smem:$0x3FAF]  }
0x2a: {  	p0 =	seq.s32 s5, $0x0;
	s5 =	sld [smem:$0x3FB0]  }
0x2b: {  	s6 =	sld [smem:$0x3FB1]  }
0x2c: {  	s7 =	sld [smem:$0x3FB2]  }
0x2d: {  	s3 =	simm.s32 $0x108;
	s8 =	sld [smem:$0x3FB3]  }
0x2e: {  	s3 =	simm.s32 @!p0 $0x1082;
	s9 =	sld [smem:$0x3FB4]  }
0x2f: {  	lr =	sadd.s32 s0, s3;
	s0 =	sld [smem:$0x3FAB]  }
0x30: {  	s3 =	sld [smem:$0x3FAE]  }
0x31: {  	[smem:$0x3FB7] =	sst s10  }
0x32: {  	s10 =	sld [smem:$0x3FB5];
	_ =	sdelay $0x3  }
0x33: {  	p0 =	seq.s32 s10, $0x1;
	s10 =	sld [smem:$0x3FB7];
	_ =	sdelay $0x3  }
0x34: {  	[smem:$0x3FB7] =	sst s10  }
0x35: {  	s10 =	sld [smem:$0x3FB6];
	_ =	sdelay $0x3  }
0x36: {  	p1 =	seq.s32 s10, $0x1;
	s10 =	sld [smem:$0x3FB7];
	_ =	sdelay $0x3  }
0x37: {  	[smem:$0x3FB7] =	sst s10  }
0x38: {  	s10 =	sld [smem:$0x3FB8]  }
0x39: {  	_ = 	snop;
	(pc) =	sbr.ind lr, $3  }
0x3a: {  	_ = 	snop  }
0x3b: {  	_ = 	snop  }
0x3c: {  	p2 =	seq.s32 s10, $0x1;
	s10 =	sld [smem:$0x3FB7]  }
0x3d: {  	_ =	shalt  }
0x3e: {  	_ =	shalt  }
0x3f: {  	_ =	shalt  }
0x40: {  	_ =	shalt  }
0x41: {  	_ =	shalt  }
0x42: {  	_ =	shalt  }
0x43: {  	_ =	shalt  }
0x44: {  	_ =	shalt  }
0x45: {  	_ =	shalt  }
0x46: {  	_ =	shalt  }
0x47: {  	_ =	shalt  }
0x48: {  	_ =	shalt  }
0x49: {  	_ =	shalt  }
0x4a: {  	_ =	shalt  }
0x4b: {  	_ =	shalt  }
0x4c: {  	_ =	shalt  }
0x4d: {  	_ =	shalt  }
0x4e: {  	_ =	shalt  }
0x4f: {  	_ =	shalt  }
0x50: {  	_ =	shalt  }
0x51: {  	_ =	shalt  }
0x52: {  	_ =	shalt  }
0x53: {  	_ =	shalt  }
0x54: {  	_ =	shalt  }
0x55: {  	_ =	shalt  }
0x56: {  	_ =	shalt  }
0x57: {  	_ =	shalt  }
0x58: {  	_ =	shalt  }
0x59: {  	_ =	shalt  }
0x5a: {  	_ =	shalt  }
0x5b: {  	_ =	shalt  }
0x5c: {  	_ =	shalt  }
0x5d: {  	_ =	shalt  }
0x5e: {  	_ =	shalt  }
0x5f: {  	_ =	shalt  }
0x60: {  	_ =	shalt  }
0x61: {  	_ =	shalt  }
0x62: {  	_ =	shalt  }
0x63: {  	_ =	shalt  }
0x64: {  	_ =	shalt  }
0x65: {  	_ =	shalt  }
0x66: {  	_ =	shalt  }
0x67: {  	_ =	shalt  }
0x68: {  	_ =	shalt  }
0x69: {  	_ =	shalt  }
0x6a: {  	_ =	shalt  }
0x6b: {  	_ =	shalt  }
0x6c: {  	_ =	shalt  }
0x6d: {  	_ =	shalt  }
0x6e: {  	_ =	shalt  }
0x6f: {  	_ =	shalt  }
0x70: {  	_ =	shalt  }
0x71: {  	_ =	shalt  }
0x72: {  	_ =	shalt  }
0x73: {  	_ =	shalt  }
0x74: {  	_ =	shalt  }
0x75: {  	_ =	shalt  }
0x76: {  	_ =	shalt  }
0x77: {  	_ =	shalt  }
0x78: {  	_ =	shalt  }
0x79: {  	_ =	shalt  }
0x7a: {  	_ =	shalt  }
0x7b: {  	_ =	shalt  }
0x7c: {  	_ =	shalt  }
0x7d: {  	_ =	shalt  }
0x7e: {  	_ =	shalt  }
0x7f: {  	_ =	shalt  }
0x80: {  	_ =	shalt  }
0x81: {  	_ =	shalt  }
0x82: {  	_ =	shalt  }
0x83: {  	_ =	shalt  }
0x84: {  	_ =	shalt  }
0x85: {  	_ =	shalt  }
0x86: {  	_ =	shalt  }
0x87: {  	_ =	shalt  }
.Lfunc_end0:
.L_simem_size_0:
called_computation.1_lowered:
.L_overlay_start_0:
0x88: {  	s2 =	sld [smem:$0x3FD9]  }
0x89: {  	s3 =	sld [smem:$0x3FFE];
	_ =	sdelay $0x1  }
0x8a: {  	s1 =	srdreg.scid  }
0x8b: {  	s0 =	sand.u32 $0x1, s1  }
0x8c: {  	s17 =	sshll.u32 s0, $0xA;
	s2 =	sadd.s32 s3, s2  }
0x8d: {  	s2 =	sadd.s32 s2, s17  }
0x8e: {  	[smem:$0x3FC3] =	sst s2  }
0x8f: {  	_ = 	snop  }
0x90: {  	s2 =	sld [smem:$0x3FD0];
	(tm) =	ssettm $0x1  }
0x91: {  	s18 =	sld [smem:$0x3FFB];
	_ =	sdelay $0x3  }
0x92: {  	_ =	strace s18  }
0x93: {  	s3 =	sld [smem:$0x3FFC];
	_ =	sdelay $0x3  }
0x94: {  	_ =	strace s3  }
0x95: {  	s3 =	sld [smem:$0x3FFD];
	_ =	sdelay $0x3  }
0x96: {  	_ =	strace s3  }
0x97: {  	_ =	strace $0x8FFFFFFF  }
0x98: {  	s19 =	sld [smem:$0x3FDB];
	_ =	sdelay $0x1  }
0x99: {  	s4 =	simm.s32 $_scs_section_size  }
0x9a: {  	s5 =	simm.s32 $_size__tile_overlayer_lowered;
	s6 =	simm.s32 $_tile_overlayer_lowered  }
0x9b: {  	s22 =	simm.s32 $0x1BFF;
	s21 =	sshll.u32 s6, $0x1;
	s3 =	sadd.s32 s4, s19  }
0x9c: {  	s7 =	simm.s32 $0x0;
	s20 =	sshll.u32 s5, $0x1;
	s5 =	sadd.s32 s21, s3  }
0x9d: {  	[timem:s7], [sflag:s22] =	dma.local [hbm:s5], s20  }
0x9e: {  	_ =	swait.ge [sflag:s22], s20  }
0x9f: {  	s4 =	ssub.s32 $0x0, s20;
	[sflag:s22] =	ssyncset.done $0x0  }
0xa0: {  	[sflag:s22] =	ssyncadd.s32 s4;
	_ =	sdelay $0x1  }
0xa1: {  	s23 =	simm.s32 $0x1B8B  }
0xa2: {  	_ =	swait.ge [sflag:s23], $0x1  }
0xa3: {  	[sflag:s23] =	ssyncset.done $0x0  }
0xa4: {  	s25 =	simm.s32 $0x1B8E;
	s24 =	sld [smem:$0x3FFE];
	[sflag:s23] =	ssyncadd.s32 $0xFFFFFFFF  }
0xa5: {  	s26 =	simm.s32 $execute0_lowered;
	[smem:$0x3FD2] =	sst s25  }
0xa6: {  	s5 =	sshll.u32 s26, $0x1;
	_ =	strace $0x80000049;
	[dreg:$0x1] =	wrdreg $0xFFFFFFFF  }
0xa7: {  	s28 =	simm.s32 $_size_execute0_lowered;
	s3 =	sadd.s32 s3, s5;
	[dreg:$0x0] =	wrdreg $0x0  }
0xa8: {  	s5 =	sshll.u32 s28, $0x1;
	[dreg:$0x2] =	wrdreg s3  }
0xa9: {  	[dreg:$0x3] =	wrdreg s5  }
0xaa: {  	[dreg:$0x4] =	wrdreg $0xC0  }
0xab: {  	_ =	task [dreg:s7], $0x5FFFF  }
0xac: {  	[dreg:$0x1] =	wrdreg $0xFFFFFFFF  }
0xad: {  	[dreg:$0x0] =	wrdreg $0x60  }
0xae: {  	[dreg:$0x2] =	wrdreg s24  }
0xaf: {  	[dreg:$0x3] =	wrdreg s2  }
0xb0: {  	[dreg:$0x4] =	wrdreg $0x9  }
0xb1: {  	_ =	task.clear_ibuf [dreg:s7], $0x5FFFF;
	_ =	strace $0x90000049  }
0xb2: {  	s29 =	simm.s32 $0x9;
	_ =	strace $0x8000004B  }
0xb3: {  	_ =	swait.ge [sflag:s29], $0x1  }
0xb4: {  	[sflag:s29] =	ssyncadd.s32 $0xFFFFFFFF  }
0xb5: {  	_ =	strace $0x9000004B  }
0xb6: {  	_ =	sfence  }
0xb7: {  	s30 =	sld [smem:$0x0];
	_ =	sdelay $0x2  }
0xb8: {  	s31 =	sshll.u32 s1, $0xD;
	s1 =	sshrl.u32 s1, $0x2  }
0xb9: {  	s3 =	sand.u32 $0x4000, s31;
	s1 =	sadd.s32 s1, s30  }
0xba: {  	s0 =	sor.u32 s3, s0;
	s1 =	sshll.u32 s1, $0x11  }
0xbb: {  	s0 =	sor.u32 s1, s0  }
0xbc: {  	s0 =	sadd.s32 $0x8F2B, s0  }
0xbd: {  	[sflag:s0] =	ssyncadd.remote.s32 $0x1  }
0xbe: {  	_ =	sfence.sel $0xFFFF  }
0xbf: {  	[dreg:$0x0] =	wrdreg $0xFFFFFFFF;
	(pc) =	sbr.abs _section_cstart, $3  }
0xc0: {  	[dreg:$0x1] =	wrdreg $0xFFFFFFFF  }
0xc1: {  	_ =	task.clear_ibuf [dreg:s7], $0x2FFFF;
	_ =	strace $0x9FFFFFFF  }
0xc2: {  	(tm) =	ssettm $0x7FFFFFFF  }
0xc3: {  	_ =	shalt  }
tec
execute0_lowered:
.L_overlay_start_1:
0x0: {  	(tag) =	ssettag $0x1  }
0x1: {  	s0 =	rddreg [dreg:$0x0]  }
0x2: {  	s1 =	rddreg [dreg:$0x1]  }
0x3: {  	s3 =	srdreg.scid;
	s4 =	stileid.u32;
	s2 =	simm.s32 $0x0  }
0x4: {  	s17 =	simm.s32 $0x2000;
	s16 =	simm.s32 $0xA000;
	s28 =	simm.s32 $0xF000  }
0x5: {  	s29 =	simm.s32 $0xF800;
	s30 =	simm.s32 $0x10000;
	s31 =	simm.s32 $0x10800  }
0x6: {  	s14 =	simm.s32 $0x3;
	s15 =	simm.s32 $0x4;
	s18 =	simm.s32 $0x6  }
0x7: {  	s20 =	simm.s32 $0x0;
	[smem:$0x7FF] =	sst s2;
	s8 =	sadd.s32 $0x40D100, s0  }
0x8: {  	s3 =	sand.u32 $0x1, s3;
	s9 =	sadd.s32 $0x40D200, s0;
	s10 =	sadd.s32 $0x40D300, s0  }
0x9: {  	s4 =	sshll.u32 s4, $0x1;
	s11 =	sadd.s32 $0x40D400, s0;
	s12 =	sadd.s32 $0x40D500, s0  }
0xa: {  	s4 =	sor.u32 s3, s4;
	_ =	strace $0x8000004A;
	s6 =	ssub.s32 $0x2, s3  }
0xb: {  	s3 =	sadd.s32 $0x40CE00, s0;
	s5 =	sshll.u32 s4, $0x9;
	s24 =	sshrl.u32 s6, $0x1  }
0xc: {  	s4 =	sshll.u32 s4, $0x10;
	s7 =	sadd.s32 s5, s0;
	s6 =	ssub.s32 s6, s24  }
.Ltmp0:
0xd: {  	s5 =	sadd.s32 $0x40CF00, s0;
	s13 =	sadd.s32 s1, s4;
	(pc) =	sbr.rel .LBB2_1-.Ltmp0, $4  }
0xe: {  	s1 =	simm.s32 $0x11800;
	s4 =	simm.s32 $0x1;
	s25 =	sadd.s32 $0x8200, s7  }
0xf: {  	v0 =	vlaneseq.u32;
	s7 =	sadd.s32 $0x200, s7;
	s26 =	smax.u32 s6, $0x1;
	[dreg:$0x3] =	wrdreg s25  }
0x10: {  	v1 =	vshrl.u32 v0, $0x3;
	s6 =	simm.s32 $0x2;
	[dreg:$0x4] =	wrdreg s7;
	s7 =	sadd.s32 $0x40D000, s0  }
0x11: {  	vm0 =	vmmov $0xffff;
	v0 =	vand.u32 $0x7, v0;
	v1 =	vmul.u32 $0x8, v1;
	[dreg:$0x5] =	wrdreg s26;
	s26 =	simm.s32 $0xE800;
	s0 =	simm.s32 $0x11000  }
.LBB2_36:
0x12: {  	s19 =	simm.s32 $0x5  }
0x13: {  	_ =	swait.ge [sflag:s19], $0x4000  }
0x14: {  	[sflag:s19] =	ssyncset.done $0x0  }
0x15: {  	[sflag:s19] =	ssyncadd.s32 $0xFFFFC000  }
0x16: {  	_ =	swait.ge [sflag:s18], $0x4000  }
0x17: {  	s20 =	rddreg [dreg:$0x6]  }
0x18: {  	s25 =	rddreg [dreg:$0x5];
	s20 =	sadd.s32 $0x1, s20  }
0x19: {  	p0 =	sne.s32 s20, s25  }
.Ltmp1:
0x1a: {  	_ = 	snop;
	(pc) =	sbr.rel @!p0 .LBB2_37-.Ltmp1, $3  }
0x1b: {  	_ =	sdelay $0x1  }
0x1c: {  	[sflag:s18] =	ssyncset.done $0x0  }
0x1d: {  	[sflag:s18] =	ssyncadd.s32 $0xFFFFC000  }
.LBB2_1:
0x1e: {  	[dreg:$0x6] =	wrdreg s20  }
0x1f: {  	s19 =	rddreg [dreg:$0x3];
	s24 =	simm.s32 $0x7  }
0x20: {  	[tilespmem:s2], [sflag:$0x7] =	stream.linear.gather [hbm4b:s19+s2], $0x1000, $0x38;
	[tilespmem:$0x12000] =	vst v63  }
0x21: {  	_ =	swait.ge [sflag:s24], $0x1000  }
0x22: {  	[sflag:s24] =	ssyncset.done $0x0  }
0x23: {  	s21 =	simm.s32 $0x1000;
	s25 =	rddreg [dreg:$0x4];
	[sflag:s24] =	ssyncadd.s32 $0xFFFFF000  }
0x24: {  	[tilespmem:s21], [sflag:$0x7] =	stream.linear.gather [hbm4b:s25+s2], $0x1000, $0x38;
	[tilespmem:$0x12000] =	vst v63  }
0x25: {  	_ =	swait.ge [sflag:s24], $0x1000  }
0x26: {  	[sflag:s24] =	ssyncset.done $0x0  }
0x27: {  	[sflag:s24] =	ssyncadd.s32 $0xFFFFF000  }
0x28: {  	v2 =	vld.msk [tilespmem:$0x0], $0xff;
	_ =	sdelay $0x4  }
0x29: {  	v3 =	vshll.u32 v2, $0x4  }
0x2a: {  	v2 =	vand.u32 $0x7, v2;
	v3 =	vand.u32 $0xFFFFFF80, v3  }
0x2b: {  	v2 =	vor.u32 v2, v3  }
0x2c: {  	v2 =	vperm.xlane v2, v0;
	_ =	sdelay $0x1  }
0x2d: {  	v2 =	vadd.s32 v1, v2;
	_ =	sdelay $0x4  }
0x2e: {  	[tilespmem:s17], [sflag:$0x1] =	stream.indirect_vreg.gather [hbm4b:s3+s2], $0x80, v2, vm0, $0xb8;
	[tilespmem:$0x12000] =	vst v63  }
0x2f: {  	s21 =	simm.s32 $0x2800  }
0x30: {  	[tilespmem:s21], [sflag:$0x1] =	stream.indirect_vreg.gather [hbm4b:s5+s2], $0x80, v2, vm0, $0xb8;
	[tilespmem:$0x12000] =	vst v63  }
0x31: {  	s22 =	simm.s32 $0x3000  }
0x32: {  	[tilespmem:s22], [sflag:$0x1] =	stream.indirect_vreg.gather [hbm4b:s7+s2], $0x80, v2, vm0, $0xb8;
	[tilespmem:$0x12000] =	vst v63  }
0x33: {  	s23 =	simm.s32 $0x3800  }
0x34: {  	[tilespmem:s23], [sflag:$0x1] =	stream.indirect_vreg.gather [hbm4b:s8+s2], $0x80, v2, vm0, $0xb8;
	[tilespmem:$0x12000] =	vst v63  }
0x35: {  	s24 =	simm.s32 $0x4000  }
0x36: {  	[tilespmem:s24], [sflag:$0x1] =	stream.indirect_vreg.gather [hbm4b:s9+s2], $0x80, v2, vm0, $0xb8;
	[tilespmem:$0x12000] =	vst v63  }
0x37: {  	s25 =	simm.s32 $0x4800  }
0x38: {  	[tilespmem:s25], [sflag:$0x1] =	stream.indirect_vreg.gather [hbm4b:s10+s2], $0x80, v2, vm0, $0xb8;
	[tilespmem:$0x12000] =	vst v63  }
0x39: {  	s20 =	simm.s32 $0x5000  }
0x3a: {  	[tilespmem:s20], [sflag:$0x1] =	stream.indirect_vreg.gather [hbm4b:s11+s2], $0x80, v2, vm0, $0xb8;
	[tilespmem:$0x12000] =	vst v63  }
0x3b: {  	s21 =	simm.s32 $0x5800  }
0x3c: {  	[tilespmem:s21], [sflag:$0x1] =	stream.indirect_vreg.gather [hbm4b:s12+s2], $0x80, v2, vm0, $0xb8;
	[tilespmem:$0x12000] =	vst v63  }
0x3d: {  	v2 =	vld.msk [tilespmem:$0x1000], $0xff;
	_ =	sdelay $0x4  }
0x3e: {  	v3 =	vshll.u32 v2, $0x4  }
0x3f: {  	v2 =	vand.u32 $0x7, v2;
	v3 =	vand.u32 $0xFFFFFF80, v3  }
0x40: {  	v2 =	vor.u32 v2, v3  }
0x41: {  	v2 =	vperm.xlane v2, v0;
	_ =	sdelay $0x1  }
0x42: {  	v2 =	vadd.s32 v1, v2;
	_ =	sdelay $0x3  }
0x43: {  	s22 =	simm.s32 $0x6000  }
0x44: {  	[tilespmem:s22], [sflag:$0x2] =	stream.indirect_vreg.gather [hbm4b:s3+s2], $0x80, v2, vm0, $0xb8;
	[tilespmem:$0x12000] =	vst v63  }
0x45: {  	s23 =	simm.s32 $0x6800  }
0x46: {  	[tilespmem:s23], [sflag:$0x2] =	stream.indirect_vreg.gather [hbm4b:s5+s2], $0x80, v2, vm0, $0xb8;
	[tilespmem:$0x12000] =	vst v63  }
0x47: {  	s24 =	simm.s32 $0x7000  }
0x48: {  	[tilespmem:s24], [sflag:$0x2] =	stream.indirect_vreg.gather [hbm4b:s7+s2], $0x80, v2, vm0, $0xb8;
	[tilespmem:$0x12000] =	vst v63  }
0x49: {  	s25 =	simm.s32 $0x7800  }
0x4a: {  	[tilespmem:s25], [sflag:$0x2] =	stream.indirect_vreg.gather [hbm4b:s8+s2], $0x80, v2, vm0, $0xb8;
	[tilespmem:$0x12000] =	vst v63  }
0x4b: {  	s20 =	simm.s32 $0x8000  }
0x4c: {  	[tilespmem:s20], [sflag:$0x2] =	stream.indirect_vreg.gather [hbm4b:s9+s2], $0x80, v2, vm0, $0xb8;
	[tilespmem:$0x12000] =	vst v63  }
0x4d: {  	s21 =	simm.s32 $0x8800  }
0x4e: {  	[tilespmem:s21], [sflag:$0x2] =	stream.indirect_vreg.gather [hbm4b:s10+s2], $0x80, v2, vm0, $0xb8;
	[tilespmem:$0x12000] =	vst v63  }
0x4f: {  	s22 =	simm.s32 $0x9000  }
0x50: {  	[tilespmem:s22], [sflag:$0x2] =	stream.indirect_vreg.gather [hbm4b:s11+s2], $0x80, v2, vm0, $0xb8;
	[tilespmem:$0x12000] =	vst v63  }
0x51: {  	s23 =	simm.s32 $0x9800  }
0x52: {  	[tilespmem:s23], [sflag:$0x2] =	stream.indirect_vreg.gather [hbm4b:s12+s2], $0x80, v2, vm0, $0xb8;
	[tilespmem:$0x12000] =	vst v63  }
0x53: {  	v2 =	vld.msk [tilespmem:$0x80], $0xff;
	_ =	sdelay $0x4  }
0x54: {  	v3 =	vshll.u32 v2, $0x4  }
0x55: {  	v2 =	vand.u32 $0x7, v2;
	v3 =	vand.u32 $0xFFFFFF80, v3  }
0x56: {  	v2 =	vor.u32 v2, v3  }
0x57: {  	v2 =	vperm.xlane v2, v0;
	_ =	sdelay $0x1  }
0x58: {  	v2 =	vadd.s32 v1, v2;
	_ =	sdelay $0x4  }
0x59: {  	[tilespmem:s16], [sflag:$0x3] =	stream.indirect_vreg.gather [hbm4b:s3+s2], $0x80, v2, vm0, $0xb8;
	[tilespmem:$0x12000] =	vst v63  }
0x5a: {  	s24 =	simm.s32 $0xA800  }
0x5b: {  	[tilespmem:s24], [sflag:$0x3] =	stream.indirect_vreg.gather [hbm4b:s5+s2], $0x80, v2, vm0, $0xb8;
	[tilespmem:$0x12000] =	vst v63  }
0x5c: {  	s25 =	simm.s32 $0xB000  }
0x5d: {  	[tilespmem:s25], [sflag:$0x3] =	stream.indirect_vreg.gather [hbm4b:s7+s2], $0x80, v2, vm0, $0xb8;
	[tilespmem:$0x12000] =	vst v63  }
0x5e: {  	s20 =	simm.s32 $0xB800  }
0x5f: {  	[tilespmem:s20], [sflag:$0x3] =	stream.indirect_vreg.gather [hbm4b:s8+s2], $0x80, v2, vm0, $0xb8;
	[tilespmem:$0x12000] =	vst v63  }
0x60: {  	s21 =	simm.s32 $0xC000  }
0x61: {  	[tilespmem:s21], [sflag:$0x3] =	stream.indirect_vreg.gather [hbm4b:s9+s2], $0x80, v2, vm0, $0xb8;
	[tilespmem:$0x12000] =	vst v63  }
0x62: {  	s22 =	simm.s32 $0xC800  }
0x63: {  	[tilespmem:s22], [sflag:$0x3] =	stream.indirect_vreg.gather [hbm4b:s10+s2], $0x80, v2, vm0, $0xb8;
	[tilespmem:$0x12000] =	vst v63  }
0x64: {  	s23 =	simm.s32 $0xD000  }
0x65: {  	[tilespmem:s23], [sflag:$0x3] =	stream.indirect_vreg.gather [hbm4b:s11+s2], $0x80, v2, vm0, $0xb8;
	[tilespmem:$0x12000] =	vst v63  }
0x66: {  	s24 =	simm.s32 $0xD800  }
0x67: {  	[tilespmem:s24], [sflag:$0x3] =	stream.indirect_vreg.gather [hbm4b:s12+s2], $0x80, v2, vm0, $0xb8;
	[tilespmem:$0x12000] =	vst v63  }
0x68: {  	v2 =	vld.msk [tilespmem:$0x1080], $0xff;
	_ =	sdelay $0x4  }
0x69: {  	v3 =	vshll.u32 v2, $0x4  }
0x6a: {  	v2 =	vand.u32 $0x7, v2;
	v3 =	vand.u32 $0xFFFFFF80, v3  }
0x6b: {  	v2 =	vor.u32 v2, v3  }
0x6c: {  	v2 =	vperm.xlane v2, v0;
	_ =	sdelay $0x1  }
0x6d: {  	v2 =	vadd.s32 v1, v2;
	_ =	sdelay $0x3  }
0x6e: {  	s25 =	simm.s32 $0xE000  }
0x6f: {  	[tilespmem:s25], [sflag:$0x4] =	stream.indirect_vreg.gather [hbm4b:s3+s2], $0x80, v2, vm0, $0xb8;
	[tilespmem:$0x12000] =	vst v63  }
0x70: {  	_ = 	snop  }
0x71: {  	[tilespmem:s26], [sflag:$0x4] =	stream.indirect_vreg.gather [hbm4b:s5+s2], $0x80, v2, vm0, $0xb8;
	[tilespmem:$0x12000] =	vst v63  }
0x72: {  	_ = 	snop  }
0x73: {  	[tilespmem:s28], [sflag:$0x4] =	stream.indirect_vreg.gather [hbm4b:s7+s2], $0x80, v2, vm0, $0xb8;
	[tilespmem:$0x12000] =	vst v63  }
0x74: {  	_ = 	snop  }
0x75: {  	[tilespmem:s29], [sflag:$0x4] =	stream.indirect_vreg.gather [hbm4b:s8+s2], $0x80, v2, vm0, $0xb8;
	[tilespmem:$0x12000] =	vst v63  }
0x76: {  	_ = 	snop  }
0x77: {  	[tilespmem:s30], [sflag:$0x4] =	stream.indirect_vreg.gather [hbm4b:s9+s2], $0x80, v2, vm0, $0xb8;
	[tilespmem:$0x12000] =	vst v63  }
0x78: {  	_ = 	snop  }
0x79: {  	[tilespmem:s31], [sflag:$0x4] =	stream.indirect_vreg.gather [hbm4b:s10+s2], $0x80, v2, vm0, $0xb8;
	[tilespmem:$0x12000] =	vst v63  }
0x7a: {  	_ = 	snop  }
0x7b: {  	[tilespmem:s0], [sflag:$0x4] =	stream.indirect_vreg.gather [hbm4b:s11+s2], $0x80, v2, vm0, $0xb8;
	[tilespmem:$0x12000] =	vst v63  }
0x7c: {  	s19 =	simm.s32 $0x0  }
0x7d: {  	[tilespmem:s1], [sflag:$0x4] =	stream.indirect_vreg.gather [hbm4b:s12+s2], $0x80, v2, vm0, $0xb8;
	[tilespmem:$0x12000] =	vst v63  }
.LBB2_2:
0x7e: {  	_ =	swait.ge [sflag:s4], $0x4000  }
0x7f: {  	[sflag:s4] =	ssyncset.done $0x0  }
0x80: {  	[sflag:s4] =	ssyncadd.s32 $0xFFFFC000  }
0x81: {  	_ =	swait.ge [sflag:s6], $0x4000  }
0x82: {  	[sflag:s6] =	ssyncset.done $0x0  }
0x83: {  	s20 =	simm.s32 $0x0;
	[sflag:s6] =	ssyncadd.s32 $0xFFFFC000  }
0x84: {  	v9 =	vld [tilespmem:s20+$0x6000]  }
0x85: {  	v13 =	vld [tilespmem:s20+$0x6010]  }
0x86: {  	v7 =	vld [tilespmem:s20+$0x6020]  }
0x87: {  	v6 =	vld [tilespmem:s20+$0x6030]  }
0x88: {  	v5 =	vld [tilespmem:s20+$0x6040]  }
0x89: {  	v4 =	vld [tilespmem:s20+$0x6050]  }
0x8a: {  	v3 =	vld [tilespmem:s20+$0x6060]  }
0x8b: {  	v2 =	vld [tilespmem:s20+$0x6070]  }
0x8c: {  	v14 =	vld [tilespmem:s20+$0x2000]  }
0x8d: {  	v15 =	vld [tilespmem:s20+$0x2010]  }
0x8e: {  	v12 =	vld [tilespmem:s20+$0x2020]  }
0x8f: {  	v11 =	vld [tilespmem:s20+$0x2030]  }
0x90: {  	v10 =	vld [tilespmem:s20+$0x2040]  }
0x91: {  	v8 =	vld [tilespmem:s20+$0x2050];
	v14 =	vadd.f32 v9, v14  }
0x92: {  	s22 =	simm.s32 $0x1000;
	s21 =	simm.s32 $0x0;
	v13 =	vadd.f32 v13, v15;
	v9 =	vld [tilespmem:s20+$0x2060]  }
.LBB2_3:
0x93: {  	s23 =	sshra.s32 s22, $0x2;
	p0 =	sne.s32 s22, $0xF000;
	[tilespmem:s21+$0x2000] =	vst v14;
	v7 =	vadd.f32 v7, v12;
	v12 =	vld [tilespmem:s21+$0x2070]  }
0x94: {  	v14 =	vld [tilespmem:s23+$0x6000];
	[tilespmem:s21+$0x2010] =	vst v13;
	v6 =	vadd.f32 v6, v11  }
0x95: {  	v13 =	vld [tilespmem:s23+$0x6010];
	[tilespmem:s21+$0x2020] =	vst v7;
	v5 =	vadd.f32 v5, v10  }
0x96: {  	v7 =	vld [tilespmem:s23+$0x6020];
	[tilespmem:s21+$0x2030] =	vst v6;
	v4 =	vadd.f32 v4, v8  }
0x97: {  	v6 =	vld [tilespmem:s23+$0x6030];
	[tilespmem:s21+$0x2040] =	vst v5;
	v3 =	vadd.f32 v3, v9  }
0x98: {  	v5 =	vld [tilespmem:s23+$0x6040];
	[tilespmem:s21+$0x2050] =	vst v4;
	v2 =	vadd.f32 v2, v12  }
0x99: {  	v4 =	vld [tilespmem:s23+$0x6050];
	[tilespmem:s21+$0x2060] =	vst v3  }
0x9a: {  	v3 =	vld [tilespmem:s23+$0x6060];
	[tilespmem:s21+$0x2070] =	vst v2;
	s21 =	smov.u32 s23  }
0x9b: {  	v2 =	vld [tilespmem:s21+$0x6070]  }
0x9c: {  	v8 =	vld [tilespmem:s21+$0x2000]  }
0x9d: {  	v9 =	vld [tilespmem:s21+$0x2010]  }
.Ltmp2:
0x9e: {  	v12 =	vld [tilespmem:s21+$0x2020];
	(pc) =	sbr.rel @p0 .LBB2_3-.Ltmp2, $4  }
0x9f: {  	v11 =	vld [tilespmem:s21+$0x2030]  }
0xa0: {  	v10 =	vld [tilespmem:s21+$0x2040]  }
0xa1: {  	v14 =	vadd.f32 v14, v8;
	v8 =	vld [tilespmem:s21+$0x2050]  }
0xa2: {  	s22 =	sadd.s32 $0x1000, s22;
	v13 =	vadd.f32 v13, v9;
	v9 =	vld [tilespmem:s21+$0x2060]  }
0xa3: {  	[tilespmem:s21+$0x2000] =	vst v14;
	v7 =	vadd.f32 v7, v12;
	v12 =	vld [tilespmem:s21+$0x2070]  }
0xa4: {  	[tilespmem:s21+$0x2010] =	vst v13;
	v6 =	vadd.f32 v6, v11  }
0xa5: {  	[tilespmem:s21+$0x2020] =	vst v7;
	v5 =	vadd.f32 v5, v10  }
0xa6: {  	[tilespmem:s21+$0x2030] =	vst v6;
	v4 =	vadd.f32 v4, v8  }
0xa7: {  	[tilespmem:s21+$0x2040] =	vst v5;
	v3 =	vadd.f32 v3, v9  }
0xa8: {  	[tilespmem:s21+$0x2050] =	vst v4;
	v2 =	vadd.f32 v2, v12  }
0xa9: {  	[tilespmem:s21+$0x2060] =	vst v3  }
0xaa: {  	[tilespmem:s21+$0x2070] =	vst v2  }
0xab: {  	v9 =	vld [tilespmem:s20+$0x6080]  }
0xac: {  	v13 =	vld [tilespmem:s20+$0x6090]  }
0xad: {  	v7 =	vld [tilespmem:s20+$0x60A0]  }
0xae: {  	v6 =	vld [tilespmem:s20+$0x60B0]  }
0xaf: {  	v5 =	vld [tilespmem:s20+$0x60C0]  }
0xb0: {  	v4 =	vld [tilespmem:s20+$0x60D0]  }
0xb1: {  	v3 =	vld [tilespmem:s20+$0x60E0]  }
0xb2: {  	v2 =	vld [tilespmem:s20+$0x60F0]  }
0xb3: {  	v14 =	vld [tilespmem:s20+$0x2080]  }
0xb4: {  	v15 =	vld [tilespmem:s20+$0x2090]  }
0xb5: {  	v12 =	vld [tilespmem:s20+$0x20A0]  }
0xb6: {  	v11 =	vld [tilespmem:s20+$0x20B0]  }
0xb7: {  	v10 =	vld [tilespmem:s20+$0x20C0]  }
0xb8: {  	v8 =	vld [tilespmem:s20+$0x20D0];
	v14 =	vadd.f32 v9, v14  }
0xb9: {  	s21 =	simm.s32 $0x1000;
	v13 =	vadd.f32 v13, v15;
	v9 =	vld [tilespmem:s20+$0x20E0]  }
.LBB2_5:
0xba: {  	s22 =	sshra.s32 s21, $0x2;
	p0 =	sne.s32 s21, $0xF000;
	[tilespmem:s20+$0x2080] =	vst v14;
	v7 =	vadd.f32 v7, v12;
	v12 =	vld [tilespmem:s20+$0x20F0]  }
0xbb: {  	v14 =	vld [tilespmem:s22+$0x6080];
	[tilespmem:s20+$0x2090] =	vst v13;
	v6 =	vadd.f32 v6, v11  }
0xbc: {  	v13 =	vld [tilespmem:s22+$0x6090];
	[tilespmem:s20+$0x20A0] =	vst v7;
	v5 =	vadd.f32 v5, v10  }
0xbd: {  	v7 =	vld [tilespmem:s22+$0x60A0];
	[tilespmem:s20+$0x20B0] =	vst v6;
	v4 =	vadd.f32 v4, v8  }
0xbe: {  	v6 =	vld [tilespmem:s22+$0x60B0];
	[tilespmem:s20+$0x20C0] =	vst v5;
	v3 =	vadd.f32 v3, v9  }
0xbf: {  	v5 =	vld [tilespmem:s22+$0x60C0];
	[tilespmem:s20+$0x20D0] =	vst v4;
	v2 =	vadd.f32 v2, v12  }
0xc0: {  	v4 =	vld [tilespmem:s22+$0x60D0];
	[tilespmem:s20+$0x20E0] =	vst v3  }
0xc1: {  	v3 =	vld [tilespmem:s22+$0x60E0];
	[tilespmem:s20+$0x20F0] =	vst v2;
	s20 =	smov.u32 s22  }
0xc2: {  	v2 =	vld [tilespmem:s20+$0x60F0]  }
0xc3: {  	v8 =	vld [tilespmem:s20+$0x2080]  }
0xc4: {  	v9 =	vld [tilespmem:s20+$0x2090]  }
.Ltmp3:
0xc5: {  	v12 =	vld [tilespmem:s20+$0x20A0];
	(pc) =	sbr.rel @p0 .LBB2_5-.Ltmp3, $4  }
0xc6: {  	v11 =	vld [tilespmem:s20+$0x20B0]  }
0xc7: {  	v10 =	vld [tilespmem:s20+$0x20C0]  }
0xc8: {  	v14 =	vadd.f32 v14, v8;
	v8 =	vld [tilespmem:s20+$0x20D0]  }
0xc9: {  	s21 =	sadd.s32 $0x1000, s21;
	v13 =	vadd.f32 v13, v9;
	v9 =	vld [tilespmem:s20+$0x20E0]  }
0xca: {  	[tilespmem:s20+$0x2080] =	vst v14;
	v7 =	vadd.f32 v7, v12;
	v12 =	vld [tilespmem:s20+$0x20F0]  }
0xcb: {  	[tilespmem:s20+$0x2090] =	vst v13;
	v6 =	vadd.f32 v6, v11  }
0xcc: {  	[tilespmem:s20+$0x20A0] =	vst v7;
	v5 =	vadd.f32 v5, v10  }
0xcd: {  	[tilespmem:s20+$0x20B0] =	vst v6;
	v4 =	vadd.f32 v4, v8  }
0xce: {  	[tilespmem:s20+$0x20C0] =	vst v5;
	v3 =	vadd.f32 v3, v9  }
0xcf: {  	[tilespmem:s20+$0x20D0] =	vst v4;
	v2 =	vadd.f32 v2, v12  }
0xd0: {  	[tilespmem:s20+$0x20E0] =	vst v3  }
0xd1: {  	[tilespmem:s20+$0x20F0] =	vst v2;
	s20 =	simm.s32 $0x0  }
0xd2: {  	v9 =	vld [tilespmem:s20+$0x6100]  }
0xd3: {  	v13 =	vld [tilespmem:s20+$0x6110]  }
0xd4: {  	v7 =	vld [tilespmem:s20+$0x6120]  }
0xd5: {  	v6 =	vld [tilespmem:s20+$0x6130]  }
0xd6: {  	v5 =	vld [tilespmem:s20+$0x6140]  }
0xd7: {  	v4 =	vld [tilespmem:s20+$0x6150]  }
0xd8: {  	v3 =	vld [tilespmem:s20+$0x6160]  }
0xd9: {  	v2 =	vld [tilespmem:s20+$0x6170]  }
0xda: {  	v14 =	vld [tilespmem:s20+$0x2100]  }
0xdb: {  	v15 =	vld [tilespmem:s20+$0x2110]  }
0xdc: {  	v12 =	vld [tilespmem:s20+$0x2120]  }
0xdd: {  	v11 =	vld [tilespmem:s20+$0x2130]  }
0xde: {  	v10 =	vld [tilespmem:s20+$0x2140]  }
0xdf: {  	v8 =	vld [tilespmem:s20+$0x2150];
	v14 =	vadd.f32 v9, v14  }
0xe0: {  	s22 =	simm.s32 $0x1000;
	s21 =	simm.s32 $0x0;
	v13 =	vadd.f32 v13, v15;
	v9 =	vld [tilespmem:s20+$0x2160]  }
.LBB2_7:
0xe1: {  	s23 =	sshra.s32 s22, $0x2;
	p0 =	sne.s32 s22, $0xF000;
	[tilespmem:s21+$0x2100] =	vst v14;
	v7 =	vadd.f32 v7, v12;
	v12 =	vld [tilespmem:s21+$0x2170]  }
0xe2: {  	v14 =	vld [tilespmem:s23+$0x6100];
	[tilespmem:s21+$0x2110] =	vst v13;
	v6 =	vadd.f32 v6, v11  }
0xe3: {  	v13 =	vld [tilespmem:s23+$0x6110];
	[tilespmem:s21+$0x2120] =	vst v7;
	v5 =	vadd.f32 v5, v10  }
0xe4: {  	v7 =	vld [tilespmem:s23+$0x6120];
	[tilespmem:s21+$0x2130] =	vst v6;
	v4 =	vadd.f32 v4, v8  }
0xe5: {  	v6 =	vld [tilespmem:s23+$0x6130];
	[tilespmem:s21+$0x2140] =	vst v5;
	v3 =	vadd.f32 v3, v9  }
0xe6: {  	v5 =	vld [tilespmem:s23+$0x6140];
	[tilespmem:s21+$0x2150] =	vst v4;
	v2 =	vadd.f32 v2, v12  }
0xe7: {  	v4 =	vld [tilespmem:s23+$0x6150];
	[tilespmem:s21+$0x2160] =	vst v3  }
0xe8: {  	v3 =	vld [tilespmem:s23+$0x6160];
	[tilespmem:s21+$0x2170] =	vst v2;
	s21 =	smov.u32 s23  }
0xe9: {  	v2 =	vld [tilespmem:s21+$0x6170]  }
0xea: {  	v8 =	vld [tilespmem:s21+$0x2100]  }
0xeb: {  	v9 =	vld [tilespmem:s21+$0x2110]  }
.Ltmp4:
0xec: {  	v12 =	vld [tilespmem:s21+$0x2120];
	(pc) =	sbr.rel @p0 .LBB2_7-.Ltmp4, $4  }
0xed: {  	v11 =	vld [tilespmem:s21+$0x2130]  }
0xee: {  	v10 =	vld [tilespmem:s21+$0x2140]  }
0xef: {  	v14 =	vadd.f32 v14, v8;
	v8 =	vld [tilespmem:s21+$0x2150]  }
0xf0: {  	s22 =	sadd.s32 $0x1000, s22;
	v13 =	vadd.f32 v13, v9;
	v9 =	vld [tilespmem:s21+$0x2160]  }
0xf1: {  	[tilespmem:s21+$0x2100] =	vst v14;
	v7 =	vadd.f32 v7, v12;
	v12 =	vld [tilespmem:s21+$0x2170]  }
0xf2: {  	[tilespmem:s21+$0x2110] =	vst v13;
	v6 =	vadd.f32 v6, v11  }
0xf3: {  	[tilespmem:s21+$0x2120] =	vst v7;
	v5 =	vadd.f32 v5, v10  }
0xf4: {  	[tilespmem:s21+$0x2130] =	vst v6;
	v4 =	vadd.f32 v4, v8  }
0xf5: {  	[tilespmem:s21+$0x2140] =	vst v5;
	v3 =	vadd.f32 v3, v9  }
0xf6: {  	[tilespmem:s21+$0x2150] =	vst v4;
	v2 =	vadd.f32 v2, v12  }
0xf7: {  	[tilespmem:s21+$0x2160] =	vst v3  }
0xf8: {  	[tilespmem:s21+$0x2170] =	vst v2  }
0xf9: {  	v9 =	vld [tilespmem:s20+$0x6180]  }
0xfa: {  	v13 =	vld [tilespmem:s20+$0x6190]  }
0xfb: {  	v7 =	vld [tilespmem:s20+$0x61A0]  }
0xfc: {  	v6 =	vld [tilespmem:s20+$0x61B0]  }
0xfd: {  	v5 =	vld [tilespmem:s20+$0x61C0]  }
0xfe: {  	v4 =	vld [tilespmem:s20+$0x61D0]  }
0xff: {  	v3 =	vld [tilespmem:s20+$0x61E0]  }
0x100: {  	v2 =	vld [tilespmem:s20+$0x61F0]  }
0x101: {  	v14 =	vld [tilespmem:s20+$0x2180]  }
0x102: {  	v15 =	vld [tilespmem:s20+$0x2190]  }
0x103: {  	v12 =	vld [tilespmem:s20+$0x21A0]  }
0x104: {  	v11 =	vld [tilespmem:s20+$0x21B0]  }
0x105: {  	v10 =	vld [tilespmem:s20+$0x21C0]  }
0x106: {  	v8 =	vld [tilespmem:s20+$0x21D0];
	v14 =	vadd.f32 v9, v14  }
0x107: {  	s21 =	simm.s32 $0x1000;
	v13 =	vadd.f32 v13, v15;
	v9 =	vld [tilespmem:s20+$0x21E0]  }
.LBB2_9:
0x108: {  	s22 =	sshra.s32 s21, $0x2;
	p0 =	sne.s32 s21, $0xF000;
	[tilespmem:s20+$0x2180] =	vst v14;
	v7 =	vadd.f32 v7, v12;
	v12 =	vld [tilespmem:s20+$0x21F0]  }
0x109: {  	v14 =	vld [tilespmem:s22+$0x6180];
	[tilespmem:s20+$0x2190] =	vst v13;
	v6 =	vadd.f32 v6, v11  }
0x10a: {  	v13 =	vld [tilespmem:s22+$0x6190];
	[tilespmem:s20+$0x21A0] =	vst v7;
	v5 =	vadd.f32 v5, v10  }
0x10b: {  	v7 =	vld [tilespmem:s22+$0x61A0];
	[tilespmem:s20+$0x21B0] =	vst v6;
	v4 =	vadd.f32 v4, v8  }
0x10c: {  	v6 =	vld [tilespmem:s22+$0x61B0];
	[tilespmem:s20+$0x21C0] =	vst v5;
	v3 =	vadd.f32 v3, v9  }
0x10d: {  	v5 =	vld [tilespmem:s22+$0x61C0];
	[tilespmem:s20+$0x21D0] =	vst v4;
	v2 =	vadd.f32 v2, v12  }
0x10e: {  	v4 =	vld [tilespmem:s22+$0x61D0];
	[tilespmem:s20+$0x21E0] =	vst v3  }
0x10f: {  	v3 =	vld [tilespmem:s22+$0x61E0];
	[tilespmem:s20+$0x21F0] =	vst v2;
	s20 =	smov.u32 s22  }
0x110: {  	v2 =	vld [tilespmem:s20+$0x61F0]  }
0x111: {  	v8 =	vld [tilespmem:s20+$0x2180]  }
0x112: {  	v9 =	vld [tilespmem:s20+$0x2190]  }
.Ltmp5:
0x113: {  	v12 =	vld [tilespmem:s20+$0x21A0];
	(pc) =	sbr.rel @p0 .LBB2_9-.Ltmp5, $4  }
0x114: {  	v11 =	vld [tilespmem:s20+$0x21B0]  }
0x115: {  	v10 =	vld [tilespmem:s20+$0x21C0]  }
0x116: {  	v14 =	vadd.f32 v14, v8;
	v8 =	vld [tilespmem:s20+$0x21D0]  }
0x117: {  	s21 =	sadd.s32 $0x1000, s21;
	v13 =	vadd.f32 v13, v9;
	v9 =	vld [tilespmem:s20+$0x21E0]  }
0x118: {  	[tilespmem:s20+$0x2180] =	vst v14;
	v7 =	vadd.f32 v7, v12;
	v12 =	vld [tilespmem:s20+$0x21F0]  }
0x119: {  	[tilespmem:s20+$0x2190] =	vst v13;
	v6 =	vadd.f32 v6, v11  }
0x11a: {  	[tilespmem:s20+$0x21A0] =	vst v7;
	v5 =	vadd.f32 v5, v10  }
0x11b: {  	[tilespmem:s20+$0x21B0] =	vst v6;
	v4 =	vadd.f32 v4, v8  }
0x11c: {  	[tilespmem:s20+$0x21C0] =	vst v5;
	v3 =	vadd.f32 v3, v9  }
0x11d: {  	[tilespmem:s20+$0x21D0] =	vst v4;
	v2 =	vadd.f32 v2, v12  }
0x11e: {  	[tilespmem:s20+$0x21E0] =	vst v3  }
0x11f: {  	[tilespmem:s20+$0x21F0] =	vst v2;
	s20 =	simm.s32 $0x0  }
0x120: {  	v9 =	vld [tilespmem:s20+$0x6200]  }
0x121: {  	v13 =	vld [tilespmem:s20+$0x6210]  }
0x122: {  	v7 =	vld [tilespmem:s20+$0x6220]  }
0x123: {  	v6 =	vld [tilespmem:s20+$0x6230]  }
0x124: {  	v5 =	vld [tilespmem:s20+$0x6240]  }
0x125: {  	v4 =	vld [tilespmem:s20+$0x6250]  }
0x126: {  	v3 =	vld [tilespmem:s20+$0x6260]  }
0x127: {  	v2 =	vld [tilespmem:s20+$0x6270]  }
0x128: {  	v14 =	vld [tilespmem:s20+$0x2200]  }
0x129: {  	v15 =	vld [tilespmem:s20+$0x2210]  }
0x12a: {  	v12 =	vld [tilespmem:s20+$0x2220]  }
0x12b: {  	v11 =	vld [tilespmem:s20+$0x2230]  }
0x12c: {  	v10 =	vld [tilespmem:s20+$0x2240]  }
0x12d: {  	v8 =	vld [tilespmem:s20+$0x2250];
	v14 =	vadd.f32 v9, v14  }
0x12e: {  	s22 =	simm.s32 $0x1000;
	s21 =	simm.s32 $0x0;
	v13 =	vadd.f32 v13, v15;
	v9 =	vld [tilespmem:s20+$0x2260]  }
.LBB2_11:
0x12f: {  	s23 =	sshra.s32 s22, $0x2;
	p0 =	sne.s32 s22, $0xF000;
	[tilespmem:s21+$0x2200] =	vst v14;
	v7 =	vadd.f32 v7, v12;
	v12 =	vld [tilespmem:s21+$0x2270]  }
0x130: {  	v14 =	vld [tilespmem:s23+$0x6200];
	[tilespmem:s21+$0x2210] =	vst v13;
	v6 =	vadd.f32 v6, v11  }
0x131: {  	v13 =	vld [tilespmem:s23+$0x6210];
	[tilespmem:s21+$0x2220] =	vst v7;
	v5 =	vadd.f32 v5, v10  }
0x132: {  	v7 =	vld [tilespmem:s23+$0x6220];
	[tilespmem:s21+$0x2230] =	vst v6;
	v4 =	vadd.f32 v4, v8  }
0x133: {  	v6 =	vld [tilespmem:s23+$0x6230];
	[tilespmem:s21+$0x2240] =	vst v5;
	v3 =	vadd.f32 v3, v9  }
0x134: {  	v5 =	vld [tilespmem:s23+$0x6240];
	[tilespmem:s21+$0x2250] =	vst v4;
	v2 =	vadd.f32 v2, v12  }
0x135: {  	v4 =	vld [tilespmem:s23+$0x6250];
	[tilespmem:s21+$0x2260] =	vst v3  }
0x136: {  	v3 =	vld [tilespmem:s23+$0x6260];
	[tilespmem:s21+$0x2270] =	vst v2;
	s21 =	smov.u32 s23  }
0x137: {  	v2 =	vld [tilespmem:s21+$0x6270]  }
0x138: {  	v8 =	vld [tilespmem:s21+$0x2200]  }
0x139: {  	v9 =	vld [tilespmem:s21+$0x2210]  }
.Ltmp6:
0x13a: {  	v12 =	vld [tilespmem:s21+$0x2220];
	(pc) =	sbr.rel @p0 .LBB2_11-.Ltmp6, $4  }
0x13b: {  	v11 =	vld [tilespmem:s21+$0x2230]  }
0x13c: {  	v10 =	vld [tilespmem:s21+$0x2240]  }
0x13d: {  	v14 =	vadd.f32 v14, v8;
	v8 =	vld [tilespmem:s21+$0x2250]  }
0x13e: {  	s22 =	sadd.s32 $0x1000, s22;
	v13 =	vadd.f32 v13, v9;
	v9 =	vld [tilespmem:s21+$0x2260]  }
0x13f: {  	[tilespmem:s21+$0x2200] =	vst v14;
	v7 =	vadd.f32 v7, v12;
	v12 =	vld [tilespmem:s21+$0x2270]  }
0x140: {  	[tilespmem:s21+$0x2210] =	vst v13;
	v6 =	vadd.f32 v6, v11  }
0x141: {  	[tilespmem:s21+$0x2220] =	vst v7;
	v5 =	vadd.f32 v5, v10  }
0x142: {  	[tilespmem:s21+$0x2230] =	vst v6;
	v4 =	vadd.f32 v4, v8  }
0x143: {  	[tilespmem:s21+$0x2240] =	vst v5;
	v3 =	vadd.f32 v3, v9  }
0x144: {  	[tilespmem:s21+$0x2250] =	vst v4;
	v2 =	vadd.f32 v2, v12  }
0x145: {  	[tilespmem:s21+$0x2260] =	vst v3  }
0x146: {  	[tilespmem:s21+$0x2270] =	vst v2  }
0x147: {  	v9 =	vld [tilespmem:s20+$0x6280]  }
0x148: {  	v13 =	vld [tilespmem:s20+$0x6290]  }
0x149: {  	v7 =	vld [tilespmem:s20+$0x62A0]  }
0x14a: {  	v6 =	vld [tilespmem:s20+$0x62B0]  }
0x14b: {  	v5 =	vld [tilespmem:s20+$0x62C0]  }
0x14c: {  	v4 =	vld [tilespmem:s20+$0x62D0]  }
0x14d: {  	v3 =	vld [tilespmem:s20+$0x62E0]  }
0x14e: {  	v2 =	vld [tilespmem:s20+$0x62F0]  }
0x14f: {  	v14 =	vld [tilespmem:s20+$0x2280]  }
0x150: {  	v15 =	vld [tilespmem:s20+$0x2290]  }
0x151: {  	v12 =	vld [tilespmem:s20+$0x22A0]  }
0x152: {  	v11 =	vld [tilespmem:s20+$0x22B0]  }
0x153: {  	v10 =	vld [tilespmem:s20+$0x22C0]  }
0x154: {  	v8 =	vld [tilespmem:s20+$0x22D0];
	v14 =	vadd.f32 v9, v14  }
0x155: {  	s21 =	simm.s32 $0x1000;
	v13 =	vadd.f32 v13, v15;
	v9 =	vld [tilespmem:s20+$0x22E0]  }
.LBB2_13:
0x156: {  	s22 =	sshra.s32 s21, $0x2;
	p0 =	sne.s32 s21, $0xF000;
	[tilespmem:s20+$0x2280] =	vst v14;
	v7 =	vadd.f32 v7, v12;
	v12 =	vld [tilespmem:s20+$0x22F0]  }
0x157: {  	v14 =	vld [tilespmem:s22+$0x6280];
	[tilespmem:s20+$0x2290] =	vst v13;
	v6 =	vadd.f32 v6, v11  }
0x158: {  	v13 =	vld [tilespmem:s22+$0x6290];
	[tilespmem:s20+$0x22A0] =	vst v7;
	v5 =	vadd.f32 v5, v10  }
0x159: {  	v7 =	vld [tilespmem:s22+$0x62A0];
	[tilespmem:s20+$0x22B0] =	vst v6;
	v4 =	vadd.f32 v4, v8  }
0x15a: {  	v6 =	vld [tilespmem:s22+$0x62B0];
	[tilespmem:s20+$0x22C0] =	vst v5;
	v3 =	vadd.f32 v3, v9  }
0x15b: {  	v5 =	vld [tilespmem:s22+$0x62C0];
	[tilespmem:s20+$0x22D0] =	vst v4;
	v2 =	vadd.f32 v2, v12  }
0x15c: {  	v4 =	vld [tilespmem:s22+$0x62D0];
	[tilespmem:s20+$0x22E0] =	vst v3  }
0x15d: {  	v3 =	vld [tilespmem:s22+$0x62E0];
	[tilespmem:s20+$0x22F0] =	vst v2;
	s20 =	smov.u32 s22  }
0x15e: {  	v2 =	vld [tilespmem:s20+$0x62F0]  }
0x15f: {  	v8 =	vld [tilespmem:s20+$0x2280]  }
0x160: {  	v9 =	vld [tilespmem:s20+$0x2290]  }
.Ltmp7:
0x161: {  	v12 =	vld [tilespmem:s20+$0x22A0];
	(pc) =	sbr.rel @p0 .LBB2_13-.Ltmp7, $4  }
0x162: {  	v11 =	vld [tilespmem:s20+$0x22B0]  }
0x163: {  	v10 =	vld [tilespmem:s20+$0x22C0]  }
0x164: {  	v14 =	vadd.f32 v14, v8;
	v8 =	vld [tilespmem:s20+$0x22D0]  }
0x165: {  	s21 =	sadd.s32 $0x1000, s21;
	v13 =	vadd.f32 v13, v9;
	v9 =	vld [tilespmem:s20+$0x22E0]  }
0x166: {  	[tilespmem:s20+$0x2280] =	vst v14;
	v7 =	vadd.f32 v7, v12;
	v12 =	vld [tilespmem:s20+$0x22F0]  }
0x167: {  	[tilespmem:s20+$0x2290] =	vst v13;
	v6 =	vadd.f32 v6, v11  }
0x168: {  	[tilespmem:s20+$0x22A0] =	vst v7;
	v5 =	vadd.f32 v5, v10  }
0x169: {  	[tilespmem:s20+$0x22B0] =	vst v6;
	v4 =	vadd.f32 v4, v8  }
0x16a: {  	[tilespmem:s20+$0x22C0] =	vst v5;
	v3 =	vadd.f32 v3, v9  }
0x16b: {  	[tilespmem:s20+$0x22D0] =	vst v4;
	v2 =	vadd.f32 v2, v12  }
0x16c: {  	[tilespmem:s20+$0x22E0] =	vst v3  }
0x16d: {  	[tilespmem:s20+$0x22F0] =	vst v2;
	s20 =	simm.s32 $0x0  }
0x16e: {  	v9 =	vld [tilespmem:s20+$0x6300]  }
0x16f: {  	v13 =	vld [tilespmem:s20+$0x6310]  }
0x170: {  	v7 =	vld [tilespmem:s20+$0x6320]  }
0x171: {  	v6 =	vld [tilespmem:s20+$0x6330]  }
0x172: {  	v5 =	vld [tilespmem:s20+$0x6340]  }
0x173: {  	v4 =	vld [tilespmem:s20+$0x6350]  }
0x174: {  	v3 =	vld [tilespmem:s20+$0x6360]  }
0x175: {  	v2 =	vld [tilespmem:s20+$0x6370]  }
0x176: {  	v14 =	vld [tilespmem:s20+$0x2300]  }
0x177: {  	v15 =	vld [tilespmem:s20+$0x2310]  }
0x178: {  	v12 =	vld [tilespmem:s20+$0x2320]  }
0x179: {  	v11 =	vld [tilespmem:s20+$0x2330]  }
0x17a: {  	v10 =	vld [tilespmem:s20+$0x2340]  }
0x17b: {  	v8 =	vld [tilespmem:s20+$0x2350];
	v14 =	vadd.f32 v9, v14  }
0x17c: {  	s22 =	simm.s32 $0x1000;
	s21 =	simm.s32 $0x0;
	v13 =	vadd.f32 v13, v15;
	v9 =	vld [tilespmem:s20+$0x2360]  }
.LBB2_15:
0x17d: {  	s23 =	sshra.s32 s22, $0x2;
	p0 =	sne.s32 s22, $0xF000;
	[tilespmem:s21+$0x2300] =	vst v14;
	v7 =	vadd.f32 v7, v12;
	v12 =	vld [tilespmem:s21+$0x2370]  }
0x17e: {  	v14 =	vld [tilespmem:s23+$0x6300];
	[tilespmem:s21+$0x2310] =	vst v13;
	v6 =	vadd.f32 v6, v11  }
0x17f: {  	v13 =	vld [tilespmem:s23+$0x6310];
	[tilespmem:s21+$0x2320] =	vst v7;
	v5 =	vadd.f32 v5, v10  }
0x180: {  	v7 =	vld [tilespmem:s23+$0x6320];
	[tilespmem:s21+$0x2330] =	vst v6;
	v4 =	vadd.f32 v4, v8  }
0x181: {  	v6 =	vld [tilespmem:s23+$0x6330];
	[tilespmem:s21+$0x2340] =	vst v5;
	v3 =	vadd.f32 v3, v9  }
0x182: {  	v5 =	vld [tilespmem:s23+$0x6340];
	[tilespmem:s21+$0x2350] =	vst v4;
	v2 =	vadd.f32 v2, v12  }
0x183: {  	v4 =	vld [tilespmem:s23+$0x6350];
	[tilespmem:s21+$0x2360] =	vst v3  }
0x184: {  	v3 =	vld [tilespmem:s23+$0x6360];
	[tilespmem:s21+$0x2370] =	vst v2;
	s21 =	smov.u32 s23  }
0x185: {  	v2 =	vld [tilespmem:s21+$0x6370]  }
0x186: {  	v8 =	vld [tilespmem:s21+$0x2300]  }
0x187: {  	v9 =	vld [tilespmem:s21+$0x2310]  }
.Ltmp8:
0x188: {  	v12 =	vld [tilespmem:s21+$0x2320];
	(pc) =	sbr.rel @p0 .LBB2_15-.Ltmp8, $4  }
0x189: {  	v11 =	vld [tilespmem:s21+$0x2330]  }
0x18a: {  	v10 =	vld [tilespmem:s21+$0x2340]  }
0x18b: {  	v14 =	vadd.f32 v14, v8;
	v8 =	vld [tilespmem:s21+$0x2350]  }
0x18c: {  	s22 =	sadd.s32 $0x1000, s22;
	v13 =	vadd.f32 v13, v9;
	v9 =	vld [tilespmem:s21+$0x2360]  }
0x18d: {  	[tilespmem:s21+$0x2300] =	vst v14;
	v7 =	vadd.f32 v7, v12;
	v12 =	vld [tilespmem:s21+$0x2370]  }
0x18e: {  	[tilespmem:s21+$0x2310] =	vst v13;
	v6 =	vadd.f32 v6, v11  }
0x18f: {  	[tilespmem:s21+$0x2320] =	vst v7;
	v5 =	vadd.f32 v5, v10  }
0x190: {  	[tilespmem:s21+$0x2330] =	vst v6;
	v4 =	vadd.f32 v4, v8  }
0x191: {  	[tilespmem:s21+$0x2340] =	vst v5;
	v3 =	vadd.f32 v3, v9  }
0x192: {  	[tilespmem:s21+$0x2350] =	vst v4;
	v2 =	vadd.f32 v2, v12  }
0x193: {  	[tilespmem:s21+$0x2360] =	vst v3  }
0x194: {  	[tilespmem:s21+$0x2370] =	vst v2  }
0x195: {  	v9 =	vld [tilespmem:s20+$0x6380]  }
0x196: {  	v13 =	vld [tilespmem:s20+$0x6390]  }
0x197: {  	v7 =	vld [tilespmem:s20+$0x63A0]  }
0x198: {  	v6 =	vld [tilespmem:s20+$0x63B0]  }
0x199: {  	v5 =	vld [tilespmem:s20+$0x63C0]  }
0x19a: {  	v4 =	vld [tilespmem:s20+$0x63D0]  }
0x19b: {  	v3 =	vld [tilespmem:s20+$0x63E0]  }
0x19c: {  	v2 =	vld [tilespmem:s20+$0x63F0]  }
0x19d: {  	v14 =	vld [tilespmem:s20+$0x2380]  }
0x19e: {  	v15 =	vld [tilespmem:s20+$0x2390]  }
0x19f: {  	v12 =	vld [tilespmem:s20+$0x23A0]  }
0x1a0: {  	v11 =	vld [tilespmem:s20+$0x23B0]  }
0x1a1: {  	v10 =	vld [tilespmem:s20+$0x23C0]  }
0x1a2: {  	v8 =	vld [tilespmem:s20+$0x23D0];
	v14 =	vadd.f32 v9, v14  }
0x1a3: {  	s21 =	simm.s32 $0x1000;
	v13 =	vadd.f32 v13, v15;
	v9 =	vld [tilespmem:s20+$0x23E0]  }
.LBB2_17:
0x1a4: {  	s22 =	sshra.s32 s21, $0x2;
	p0 =	sne.s32 s21, $0xF000;
	[tilespmem:s20+$0x2380] =	vst v14;
	v7 =	vadd.f32 v7, v12;
	v12 =	vld [tilespmem:s20+$0x23F0]  }
0x1a5: {  	v14 =	vld [tilespmem:s22+$0x6380];
	[tilespmem:s20+$0x2390] =	vst v13;
	v6 =	vadd.f32 v6, v11  }
0x1a6: {  	v13 =	vld [tilespmem:s22+$0x6390];
	[tilespmem:s20+$0x23A0] =	vst v7;
	v5 =	vadd.f32 v5, v10  }
0x1a7: {  	v7 =	vld [tilespmem:s22+$0x63A0];
	[tilespmem:s20+$0x23B0] =	vst v6;
	v4 =	vadd.f32 v4, v8  }
0x1a8: {  	v6 =	vld [tilespmem:s22+$0x63B0];
	[tilespmem:s20+$0x23C0] =	vst v5;
	v3 =	vadd.f32 v3, v9  }
0x1a9: {  	v5 =	vld [tilespmem:s22+$0x63C0];
	[tilespmem:s20+$0x23D0] =	vst v4;
	v2 =	vadd.f32 v2, v12  }
0x1aa: {  	v4 =	vld [tilespmem:s22+$0x63D0];
	[tilespmem:s20+$0x23E0] =	vst v3  }
0x1ab: {  	v3 =	vld [tilespmem:s22+$0x63E0];
	[tilespmem:s20+$0x23F0] =	vst v2;
	s20 =	smov.u32 s22  }
0x1ac: {  	v2 =	vld [tilespmem:s20+$0x63F0]  }
0x1ad: {  	v8 =	vld [tilespmem:s20+$0x2380]  }
0x1ae: {  	v9 =	vld [tilespmem:s20+$0x2390]  }
.Ltmp9:
0x1af: {  	v12 =	vld [tilespmem:s20+$0x23A0];
	(pc) =	sbr.rel @p0 .LBB2_17-.Ltmp9, $4  }
0x1b0: {  	v11 =	vld [tilespmem:s20+$0x23B0]  }
0x1b1: {  	v10 =	vld [tilespmem:s20+$0x23C0]  }
0x1b2: {  	v14 =	vadd.f32 v14, v8;
	v8 =	vld [tilespmem:s20+$0x23D0]  }
0x1b3: {  	s21 =	sadd.s32 $0x1000, s21;
	v13 =	vadd.f32 v13, v9;
	v9 =	vld [tilespmem:s20+$0x23E0]  }
0x1b4: {  	[tilespmem:s20+$0x2380] =	vst v14;
	v7 =	vadd.f32 v7, v12;
	v12 =	vld [tilespmem:s20+$0x23F0]  }
0x1b5: {  	[tilespmem:s20+$0x2390] =	vst v13;
	v6 =	vadd.f32 v6, v11  }
0x1b6: {  	[tilespmem:s20+$0x23A0] =	vst v7;
	v5 =	vadd.f32 v5, v10  }
0x1b7: {  	[tilespmem:s20+$0x23B0] =	vst v6;
	v4 =	vadd.f32 v4, v8  }
0x1b8: {  	[tilespmem:s20+$0x23C0] =	vst v5;
	v3 =	vadd.f32 v3, v9  }
0x1b9: {  	[tilespmem:s20+$0x23D0] =	vst v4;
	v2 =	vadd.f32 v2, v12  }
0x1ba: {  	s21 =	sshll.u32 s19, $0xC;
	p0 =	seq.s32 s19, $0xF;
	[tilespmem:s20+$0x23E0] =	vst v3  }
0x1bb: {  	s21 =	sadd.s32 s21, s13;
	s22 =	simm.s32 @!p0 $0x5;
	[tilespmem:s20+$0x23F0] =	vst v2  }
0x1bc: {  	[hbm4b:s21+s2] =	stream.linear.scatter [tilespmem:s17], [sflag:$0x5], $0x4000, $0x38;
	[tilespmem:$0x12000] =	vst v63  }
0x1bd: {  	_ =	swait.ge @!p0 [sflag:s22], $0x4000  }
0x1be: {  	[sflag:s22] =	ssyncset.done @!p0 $0x0  }
0x1bf: {  	s20 =	sshll.u32 s19, $0x8;
	[sflag:s22] =	ssyncadd.s32 @!p0 $0xFFFFC000  }
0x1c0: {  	v2 =	vld.msk @!p0 [tilespmem:s20+$0x100], $0xff;
	_ =	sdelay $0x4  }
0x1c1: {  	v3 =	vshll.u32 @!p0 v2, $0x4  }
0x1c2: {  	v4 =	vlaneseq.u32 @!p0;
	v2 =	vand.u32 @!p0 $0x7, v2;
	v3 =	vand.u32 @!p0 $0xFFFFFF80, v3  }
0x1c3: {  	v2 =	vor.u32 @!p0 v2, v3;
	v3 =	vand.u32 @!p0 $0x7, v4;
	v4 =	vshrl.u32 @!p0 v4, $0x3  }
0x1c4: {  	v2 =	vperm.xlane @!p0 v2, v3;
	v4 =	vmul.u32 @!p0 $0x8, v4;
	_ =	sdelay $0x1  }
0x1c5: {  	v2 =	vadd.s32 @!p0 v4, v2;
	_ =	sdelay $0x3  }
0x1c6: {  	vm1 =	vmmov @!p0 $0xffff;
	s23 =	simm.s32 @!p0 $0x2000;
	s22 =	simm.s32 @!p0 $0x0  }
0x1c7: {  	[tilespmem:s23], [sflag:$0x1] =	stream.indirect_vreg.gather @!p0 [hbm4b:s3+s22], $0x80, v2, vm1, $0xb8;
	[tilespmem:$0x12000] =	vst v63  }
0x1c8: {  	s23 =	simm.s32 @!p0 $0x2800  }
0x1c9: {  	[tilespmem:s23], [sflag:$0x1] =	stream.indirect_vreg.gather @!p0 [hbm4b:s5+s22], $0x80, v2, vm1, $0xb8;
	[tilespmem:$0x12000] =	vst v63  }
0x1ca: {  	s23 =	simm.s32 @!p0 $0x3000  }
0x1cb: {  	[tilespmem:s23], [sflag:$0x1] =	stream.indirect_vreg.gather @!p0 [hbm4b:s7+s22], $0x80, v2, vm1, $0xb8;
	[tilespmem:$0x12000] =	vst v63  }
0x1cc: {  	s23 =	simm.s32 @!p0 $0x3800  }
0x1cd: {  	[tilespmem:s23], [sflag:$0x1] =	stream.indirect_vreg.gather @!p0 [hbm4b:s8+s22], $0x80, v2, vm1, $0xb8;
	[tilespmem:$0x12000] =	vst v63  }
0x1ce: {  	s23 =	simm.s32 @!p0 $0x4000  }
0x1cf: {  	[tilespmem:s23], [sflag:$0x1] =	stream.indirect_vreg.gather @!p0 [hbm4b:s9+s22], $0x80, v2, vm1, $0xb8;
	[tilespmem:$0x12000] =	vst v63  }
0x1d0: {  	s23 =	simm.s32 @!p0 $0x4800  }
0x1d1: {  	[tilespmem:s23], [sflag:$0x1] =	stream.indirect_vreg.gather @!p0 [hbm4b:s10+s22], $0x80, v2, vm1, $0xb8;
	[tilespmem:$0x12000] =	vst v63  }
0x1d2: {  	s23 =	simm.s32 @!p0 $0x5000  }
0x1d3: {  	[tilespmem:s23], [sflag:$0x1] =	stream.indirect_vreg.gather @!p0 [hbm4b:s11+s22], $0x80, v2, vm1, $0xb8;
	[tilespmem:$0x12000] =	vst v63  }
0x1d4: {  	s23 =	simm.s32 @!p0 $0x5800  }
0x1d5: {  	[tilespmem:s23], [sflag:$0x1] =	stream.indirect_vreg.gather @!p0 [hbm4b:s12+s22], $0x80, v2, vm1, $0xb8;
	[tilespmem:$0x12000] =	vst v63  }
0x1d6: {  	v2 =	vld.msk @!p0 [tilespmem:s20+$0x1100], $0xff;
	_ =	sdelay $0x4  }
0x1d7: {  	v5 =	vshll.u32 @!p0 v2, $0x4  }
0x1d8: {  	v2 =	vand.u32 @!p0 $0x7, v2;
	v5 =	vand.u32 @!p0 $0xFFFFFF80, v5  }
0x1d9: {  	v2 =	vor.u32 @!p0 v2, v5  }
0x1da: {  	v2 =	vperm.xlane @!p0 v2, v3;
	_ =	sdelay $0x1  }
0x1db: {  	v2 =	vadd.s32 @!p0 v4, v2;
	_ =	sdelay $0x3  }
0x1dc: {  	s23 =	simm.s32 @!p0 $0x6000  }
0x1dd: {  	[tilespmem:s23], [sflag:$0x2] =	stream.indirect_vreg.gather @!p0 [hbm4b:s3+s22], $0x80, v2, vm1, $0xb8;
	[tilespmem:$0x12000] =	vst v63  }
0x1de: {  	s23 =	simm.s32 @!p0 $0x6800  }
0x1df: {  	[tilespmem:s23], [sflag:$0x2] =	stream.indirect_vreg.gather @!p0 [hbm4b:s5+s22], $0x80, v2, vm1, $0xb8;
	[tilespmem:$0x12000] =	vst v63  }
0x1e0: {  	s23 =	simm.s32 @!p0 $0x7000  }
0x1e1: {  	[tilespmem:s23], [sflag:$0x2] =	stream.indirect_vreg.gather @!p0 [hbm4b:s7+s22], $0x80, v2, vm1, $0xb8;
	[tilespmem:$0x12000] =	vst v63  }
0x1e2: {  	s23 =	simm.s32 @!p0 $0x7800  }
0x1e3: {  	[tilespmem:s23], [sflag:$0x2] =	stream.indirect_vreg.gather @!p0 [hbm4b:s8+s22], $0x80, v2, vm1, $0xb8;
	[tilespmem:$0x12000] =	vst v63  }
0x1e4: {  	s23 =	simm.s32 @!p0 $0x8000  }
0x1e5: {  	[tilespmem:s23], [sflag:$0x2] =	stream.indirect_vreg.gather @!p0 [hbm4b:s9+s22], $0x80, v2, vm1, $0xb8;
	[tilespmem:$0x12000] =	vst v63  }
0x1e6: {  	s23 =	simm.s32 @!p0 $0x8800  }
0x1e7: {  	[tilespmem:s23], [sflag:$0x2] =	stream.indirect_vreg.gather @!p0 [hbm4b:s10+s22], $0x80, v2, vm1, $0xb8;
	[tilespmem:$0x12000] =	vst v63  }
0x1e8: {  	s23 =	simm.s32 @!p0 $0x9000  }
0x1e9: {  	[tilespmem:s23], [sflag:$0x2] =	stream.indirect_vreg.gather @!p0 [hbm4b:s11+s22], $0x80, v2, vm1, $0xb8;
	[tilespmem:$0x12000] =	vst v63  }
0x1ea: {  	s23 =	simm.s32 @!p0 $0x9800  }
0x1eb: {  	[tilespmem:s23], [sflag:$0x2] =	stream.indirect_vreg.gather @!p0 [hbm4b:s12+s22], $0x80, v2, vm1, $0xb8;
	[tilespmem:$0x12000] =	vst v63  }
0x1ec: {  	_ =	swait.ge [sflag:s14], $0x4000  }
0x1ed: {  	[sflag:s14] =	ssyncset.done $0x0  }
0x1ee: {  	[sflag:s14] =	ssyncadd.s32 $0xFFFFC000  }
0x1ef: {  	_ =	swait.ge [sflag:s15], $0x4000  }
0x1f0: {  	[sflag:s15] =	ssyncset.done $0x0  }
0x1f1: {  	s22 =	simm.s32 $0x0;
	[sflag:s15] =	ssyncadd.s32 $0xFFFFC000  }
0x1f2: {  	v9 =	vld [tilespmem:s22+$0xE000]  }
0x1f3: {  	v13 =	vld [tilespmem:s22+$0xE010]  }
0x1f4: {  	v7 =	vld [tilespmem:s22+$0xE020]  }
0x1f5: {  	v6 =	vld [tilespmem:s22+$0xE030]  }
0x1f6: {  	v5 =	vld [tilespmem:s22+$0xE040]  }
0x1f7: {  	v4 =	vld [tilespmem:s22+$0xE050]  }
0x1f8: {  	v3 =	vld [tilespmem:s22+$0xE060]  }
0x1f9: {  	v2 =	vld [tilespmem:s22+$0xE070]  }
0x1fa: {  	v14 =	vld [tilespmem:s22+$0xA000]  }
0x1fb: {  	v15 =	vld [tilespmem:s22+$0xA010]  }
0x1fc: {  	v12 =	vld [tilespmem:s22+$0xA020]  }
0x1fd: {  	v11 =	vld [tilespmem:s22+$0xA030]  }
0x1fe: {  	v10 =	vld [tilespmem:s22+$0xA040]  }
0x1ff: {  	v8 =	vld [tilespmem:s22+$0xA050];
	v14 =	vadd.f32 v9, v14  }
0x200: {  	s24 =	simm.s32 $0x1000;
	s23 =	simm.s32 $0x0;
	v13 =	vadd.f32 v13, v15;
	v9 =	vld [tilespmem:s22+$0xA060]  }
.LBB2_19:
0x201: {  	s25 =	sshra.s32 s24, $0x2;
	p1 =	sne.s32 s24, $0xF000;
	[tilespmem:s23+$0xA000] =	vst v14;
	v7 =	vadd.f32 v7, v12;
	v12 =	vld [tilespmem:s23+$0xA070]  }
0x202: {  	v14 =	vld [tilespmem:s25+$0xE000];
	[tilespmem:s23+$0xA010] =	vst v13;
	v6 =	vadd.f32 v6, v11  }
0x203: {  	v13 =	vld [tilespmem:s25+$0xE010];
	[tilespmem:s23+$0xA020] =	vst v7;
	v5 =	vadd.f32 v5, v10  }
0x204: {  	v7 =	vld [tilespmem:s25+$0xE020];
	[tilespmem:s23+$0xA030] =	vst v6;
	v4 =	vadd.f32 v4, v8  }
0x205: {  	v6 =	vld [tilespmem:s25+$0xE030];
	[tilespmem:s23+$0xA040] =	vst v5;
	v3 =	vadd.f32 v3, v9  }
0x206: {  	v5 =	vld [tilespmem:s25+$0xE040];
	[tilespmem:s23+$0xA050] =	vst v4;
	v2 =	vadd.f32 v2, v12  }
0x207: {  	v4 =	vld [tilespmem:s25+$0xE050];
	[tilespmem:s23+$0xA060] =	vst v3  }
0x208: {  	v3 =	vld [tilespmem:s25+$0xE060];
	[tilespmem:s23+$0xA070] =	vst v2;
	s23 =	smov.u32 s25  }
0x209: {  	v2 =	vld [tilespmem:s23+$0xE070]  }
0x20a: {  	v8 =	vld [tilespmem:s23+$0xA000]  }
0x20b: {  	v9 =	vld [tilespmem:s23+$0xA010]  }
.Ltmp10:
0x20c: {  	v12 =	vld [tilespmem:s23+$0xA020];
	(pc) =	sbr.rel @p1 .LBB2_19-.Ltmp10, $4  }
0x20d: {  	v11 =	vld [tilespmem:s23+$0xA030]  }
0x20e: {  	v10 =	vld [tilespmem:s23+$0xA040]  }
0x20f: {  	v14 =	vadd.f32 v14, v8;
	v8 =	vld [tilespmem:s23+$0xA050]  }
0x210: {  	s24 =	sadd.s32 $0x1000, s24;
	v13 =	vadd.f32 v13, v9;
	v9 =	vld [tilespmem:s23+$0xA060]  }
0x211: {  	[tilespmem:s23+$0xA000] =	vst v14;
	v7 =	vadd.f32 v7, v12;
	v12 =	vld [tilespmem:s23+$0xA070]  }
0x212: {  	[tilespmem:s23+$0xA010] =	vst v13;
	v6 =	vadd.f32 v6, v11  }
0x213: {  	[tilespmem:s23+$0xA020] =	vst v7;
	v5 =	vadd.f32 v5, v10  }
0x214: {  	[tilespmem:s23+$0xA030] =	vst v6;
	v4 =	vadd.f32 v4, v8  }
0x215: {  	[tilespmem:s23+$0xA040] =	vst v5;
	v3 =	vadd.f32 v3, v9  }
0x216: {  	[tilespmem:s23+$0xA050] =	vst v4;
	v2 =	vadd.f32 v2, v12  }
0x217: {  	[tilespmem:s23+$0xA060] =	vst v3  }
0x218: {  	[tilespmem:s23+$0xA070] =	vst v2  }
0x219: {  	v9 =	vld [tilespmem:s22+$0xE080]  }
0x21a: {  	v13 =	vld [tilespmem:s22+$0xE090]  }
0x21b: {  	v7 =	vld [tilespmem:s22+$0xE0A0]  }
0x21c: {  	v6 =	vld [tilespmem:s22+$0xE0B0]  }
0x21d: {  	v5 =	vld [tilespmem:s22+$0xE0C0]  }
0x21e: {  	v4 =	vld [tilespmem:s22+$0xE0D0]  }
0x21f: {  	v3 =	vld [tilespmem:s22+$0xE0E0]  }
0x220: {  	v2 =	vld [tilespmem:s22+$0xE0F0]  }
0x221: {  	v14 =	vld [tilespmem:s22+$0xA080]  }
0x222: {  	v15 =	vld [tilespmem:s22+$0xA090]  }
0x223: {  	v12 =	vld [tilespmem:s22+$0xA0A0]  }
0x224: {  	v11 =	vld [tilespmem:s22+$0xA0B0]  }
0x225: {  	v10 =	vld [tilespmem:s22+$0xA0C0]  }
0x226: {  	v8 =	vld [tilespmem:s22+$0xA0D0];
	v14 =	vadd.f32 v9, v14  }
0x227: {  	s23 =	simm.s32 $0x1000;
	v13 =	vadd.f32 v13, v15;
	v9 =	vld [tilespmem:s22+$0xA0E0]  }
.LBB2_21:
0x228: {  	s24 =	sshra.s32 s23, $0x2;
	p1 =	sne.s32 s23, $0xF000;
	[tilespmem:s22+$0xA080] =	vst v14;
	v7 =	vadd.f32 v7, v12;
	v12 =	vld [tilespmem:s22+$0xA0F0]  }
0x229: {  	v14 =	vld [tilespmem:s24+$0xE080];
	[tilespmem:s22+$0xA090] =	vst v13;
	v6 =	vadd.f32 v6, v11  }
0x22a: {  	v13 =	vld [tilespmem:s24+$0xE090];
	[tilespmem:s22+$0xA0A0] =	vst v7;
	v5 =	vadd.f32 v5, v10  }
0x22b: {  	v7 =	vld [tilespmem:s24+$0xE0A0];
	[tilespmem:s22+$0xA0B0] =	vst v6;
	v4 =	vadd.f32 v4, v8  }
0x22c: {  	v6 =	vld [tilespmem:s24+$0xE0B0];
	[tilespmem:s22+$0xA0C0] =	vst v5;
	v3 =	vadd.f32 v3, v9  }
0x22d: {  	v5 =	vld [tilespmem:s24+$0xE0C0];
	[tilespmem:s22+$0xA0D0] =	vst v4;
	v2 =	vadd.f32 v2, v12  }
0x22e: {  	v4 =	vld [tilespmem:s24+$0xE0D0];
	[tilespmem:s22+$0xA0E0] =	vst v3  }
0x22f: {  	v3 =	vld [tilespmem:s24+$0xE0E0];
	[tilespmem:s22+$0xA0F0] =	vst v2;
	s22 =	smov.u32 s24  }
0x230: {  	v2 =	vld [tilespmem:s22+$0xE0F0]  }
0x231: {  	v8 =	vld [tilespmem:s22+$0xA080]  }
0x232: {  	v9 =	vld [tilespmem:s22+$0xA090]  }
.Ltmp11:
0x233: {  	v12 =	vld [tilespmem:s22+$0xA0A0];
	(pc) =	sbr.rel @p1 .LBB2_21-.Ltmp11, $4  }
0x234: {  	v11 =	vld [tilespmem:s22+$0xA0B0]  }
0x235: {  	v10 =	vld [tilespmem:s22+$0xA0C0]  }
0x236: {  	v14 =	vadd.f32 v14, v8;
	v8 =	vld [tilespmem:s22+$0xA0D0]  }
0x237: {  	s23 =	sadd.s32 $0x1000, s23;
	v13 =	vadd.f32 v13, v9;
	v9 =	vld [tilespmem:s22+$0xA0E0]  }
0x238: {  	[tilespmem:s22+$0xA080] =	vst v14;
	v7 =	vadd.f32 v7, v12;
	v12 =	vld [tilespmem:s22+$0xA0F0]  }
0x239: {  	[tilespmem:s22+$0xA090] =	vst v13;
	v6 =	vadd.f32 v6, v11  }
0x23a: {  	[tilespmem:s22+$0xA0A0] =	vst v7;
	v5 =	vadd.f32 v5, v10  }
0x23b: {  	[tilespmem:s22+$0xA0B0] =	vst v6;
	v4 =	vadd.f32 v4, v8  }
0x23c: {  	[tilespmem:s22+$0xA0C0] =	vst v5;
	v3 =	vadd.f32 v3, v9  }
0x23d: {  	[tilespmem:s22+$0xA0D0] =	vst v4;
	v2 =	vadd.f32 v2, v12  }
0x23e: {  	[tilespmem:s22+$0xA0E0] =	vst v3  }
0x23f: {  	[tilespmem:s22+$0xA0F0] =	vst v2;
	s22 =	simm.s32 $0x0  }
0x240: {  	v9 =	vld [tilespmem:s22+$0xE100]  }
0x241: {  	v13 =	vld [tilespmem:s22+$0xE110]  }
0x242: {  	v7 =	vld [tilespmem:s22+$0xE120]  }
0x243: {  	v6 =	vld [tilespmem:s22+$0xE130]  }
0x244: {  	v5 =	vld [tilespmem:s22+$0xE140]  }
0x245: {  	v4 =	vld [tilespmem:s22+$0xE150]  }
0x246: {  	v3 =	vld [tilespmem:s22+$0xE160]  }
0x247: {  	v2 =	vld [tilespmem:s22+$0xE170]  }
0x248: {  	v14 =	vld [tilespmem:s22+$0xA100]  }
0x249: {  	v15 =	vld [tilespmem:s22+$0xA110]  }
0x24a: {  	v12 =	vld [tilespmem:s22+$0xA120]  }
0x24b: {  	v11 =	vld [tilespmem:s22+$0xA130]  }
0x24c: {  	v10 =	vld [tilespmem:s22+$0xA140]  }
0x24d: {  	v8 =	vld [tilespmem:s22+$0xA150];
	v14 =	vadd.f32 v9, v14  }
0x24e: {  	s24 =	simm.s32 $0x1000;
	s23 =	simm.s32 $0x0;
	v13 =	vadd.f32 v13, v15;
	v9 =	vld [tilespmem:s22+$0xA160]  }
.LBB2_23:
0x24f: {  	s25 =	sshra.s32 s24, $0x2;
	p1 =	sne.s32 s24, $0xF000;
	[tilespmem:s23+$0xA100] =	vst v14;
	v7 =	vadd.f32 v7, v12;
	v12 =	vld [tilespmem:s23+$0xA170]  }
0x250: {  	v14 =	vld [tilespmem:s25+$0xE100];
	[tilespmem:s23+$0xA110] =	vst v13;
	v6 =	vadd.f32 v6, v11  }
0x251: {  	v13 =	vld [tilespmem:s25+$0xE110];
	[tilespmem:s23+$0xA120] =	vst v7;
	v5 =	vadd.f32 v5, v10  }
0x252: {  	v7 =	vld [tilespmem:s25+$0xE120];
	[tilespmem:s23+$0xA130] =	vst v6;
	v4 =	vadd.f32 v4, v8  }
0x253: {  	v6 =	vld [tilespmem:s25+$0xE130];
	[tilespmem:s23+$0xA140] =	vst v5;
	v3 =	vadd.f32 v3, v9  }
0x254: {  	v5 =	vld [tilespmem:s25+$0xE140];
	[tilespmem:s23+$0xA150] =	vst v4;
	v2 =	vadd.f32 v2, v12  }
0x255: {  	v4 =	vld [tilespmem:s25+$0xE150];
	[tilespmem:s23+$0xA160] =	vst v3  }
0x256: {  	v3 =	vld [tilespmem:s25+$0xE160];
	[tilespmem:s23+$0xA170] =	vst v2;
	s23 =	smov.u32 s25  }
0x257: {  	v2 =	vld [tilespmem:s23+$0xE170]  }
0x258: {  	v8 =	vld [tilespmem:s23+$0xA100]  }
0x259: {  	v9 =	vld [tilespmem:s23+$0xA110]  }
.Ltmp12:
0x25a: {  	v12 =	vld [tilespmem:s23+$0xA120];
	(pc) =	sbr.rel @p1 .LBB2_23-.Ltmp12, $4  }
0x25b: {  	v11 =	vld [tilespmem:s23+$0xA130]  }
0x25c: {  	v10 =	vld [tilespmem:s23+$0xA140]  }
0x25d: {  	v14 =	vadd.f32 v14, v8;
	v8 =	vld [tilespmem:s23+$0xA150]  }
0x25e: {  	s24 =	sadd.s32 $0x1000, s24;
	v13 =	vadd.f32 v13, v9;
	v9 =	vld [tilespmem:s23+$0xA160]  }
0x25f: {  	[tilespmem:s23+$0xA100] =	vst v14;
	v7 =	vadd.f32 v7, v12;
	v12 =	vld [tilespmem:s23+$0xA170]  }
0x260: {  	[tilespmem:s23+$0xA110] =	vst v13;
	v6 =	vadd.f32 v6, v11  }
0x261: {  	[tilespmem:s23+$0xA120] =	vst v7;
	v5 =	vadd.f32 v5, v10  }
0x262: {  	[tilespmem:s23+$0xA130] =	vst v6;
	v4 =	vadd.f32 v4, v8  }
0x263: {  	[tilespmem:s23+$0xA140] =	vst v5;
	v3 =	vadd.f32 v3, v9  }
0x264: {  	[tilespmem:s23+$0xA150] =	vst v4;
	v2 =	vadd.f32 v2, v12  }
0x265: {  	[tilespmem:s23+$0xA160] =	vst v3  }
0x266: {  	[tilespmem:s23+$0xA170] =	vst v2  }
0x267: {  	v9 =	vld [tilespmem:s22+$0xE180]  }
0x268: {  	v13 =	vld [tilespmem:s22+$0xE190]  }
0x269: {  	v7 =	vld [tilespmem:s22+$0xE1A0]  }
0x26a: {  	v6 =	vld [tilespmem:s22+$0xE1B0]  }
0x26b: {  	v5 =	vld [tilespmem:s22+$0xE1C0]  }
0x26c: {  	v4 =	vld [tilespmem:s22+$0xE1D0]  }
0x26d: {  	v3 =	vld [tilespmem:s22+$0xE1E0]  }
0x26e: {  	v2 =	vld [tilespmem:s22+$0xE1F0]  }
0x26f: {  	v14 =	vld [tilespmem:s22+$0xA180]  }
0x270: {  	v15 =	vld [tilespmem:s22+$0xA190]  }
0x271: {  	v12 =	vld [tilespmem:s22+$0xA1A0]  }
0x272: {  	v11 =	vld [tilespmem:s22+$0xA1B0]  }
0x273: {  	v10 =	vld [tilespmem:s22+$0xA1C0]  }
0x274: {  	v8 =	vld [tilespmem:s22+$0xA1D0];
	v14 =	vadd.f32 v9, v14  }
0x275: {  	s23 =	simm.s32 $0x1000;
	v13 =	vadd.f32 v13, v15;
	v9 =	vld [tilespmem:s22+$0xA1E0]  }
.LBB2_25:
0x276: {  	s24 =	sshra.s32 s23, $0x2;
	p1 =	sne.s32 s23, $0xF000;
	[tilespmem:s22+$0xA180] =	vst v14;
	v7 =	vadd.f32 v7, v12;
	v12 =	vld [tilespmem:s22+$0xA1F0]  }
0x277: {  	v14 =	vld [tilespmem:s24+$0xE180];
	[tilespmem:s22+$0xA190] =	vst v13;
	v6 =	vadd.f32 v6, v11  }
0x278: {  	v13 =	vld [tilespmem:s24+$0xE190];
	[tilespmem:s22+$0xA1A0] =	vst v7;
	v5 =	vadd.f32 v5, v10  }
0x279: {  	v7 =	vld [tilespmem:s24+$0xE1A0];
	[tilespmem:s22+$0xA1B0] =	vst v6;
	v4 =	vadd.f32 v4, v8  }
0x27a: {  	v6 =	vld [tilespmem:s24+$0xE1B0];
	[tilespmem:s22+$0xA1C0] =	vst v5;
	v3 =	vadd.f32 v3, v9  }
0x27b: {  	v5 =	vld [tilespmem:s24+$0xE1C0];
	[tilespmem:s22+$0xA1D0] =	vst v4;
	v2 =	vadd.f32 v2, v12  }
0x27c: {  	v4 =	vld [tilespmem:s24+$0xE1D0];
	[tilespmem:s22+$0xA1E0] =	vst v3  }
0x27d: {  	v3 =	vld [tilespmem:s24+$0xE1E0];
	[tilespmem:s22+$0xA1F0] =	vst v2;
	s22 =	smov.u32 s24  }
0x27e: {  	v2 =	vld [tilespmem:s22+$0xE1F0]  }
0x27f: {  	v8 =	vld [tilespmem:s22+$0xA180]  }
0x280: {  	v9 =	vld [tilespmem:s22+$0xA190]  }
.Ltmp13:
0x281: {  	v12 =	vld [tilespmem:s22+$0xA1A0];
	(pc) =	sbr.rel @p1 .LBB2_25-.Ltmp13, $4  }
0x282: {  	v11 =	vld [tilespmem:s22+$0xA1B0]  }
0x283: {  	v10 =	vld [tilespmem:s22+$0xA1C0]  }
0x284: {  	v14 =	vadd.f32 v14, v8;
	v8 =	vld [tilespmem:s22+$0xA1D0]  }
0x285: {  	s23 =	sadd.s32 $0x1000, s23;
	v13 =	vadd.f32 v13, v9;
	v9 =	vld [tilespmem:s22+$0xA1E0]  }
0x286: {  	[tilespmem:s22+$0xA180] =	vst v14;
	v7 =	vadd.f32 v7, v12;
	v12 =	vld [tilespmem:s22+$0xA1F0]  }
0x287: {  	[tilespmem:s22+$0xA190] =	vst v13;
	v6 =	vadd.f32 v6, v11  }
0x288: {  	[tilespmem:s22+$0xA1A0] =	vst v7;
	v5 =	vadd.f32 v5, v10  }
0x289: {  	[tilespmem:s22+$0xA1B0] =	vst v6;
	v4 =	vadd.f32 v4, v8  }
0x28a: {  	[tilespmem:s22+$0xA1C0] =	vst v5;
	v3 =	vadd.f32 v3, v9  }
0x28b: {  	[tilespmem:s22+$0xA1D0] =	vst v4;
	v2 =	vadd.f32 v2, v12  }
0x28c: {  	[tilespmem:s22+$0xA1E0] =	vst v3  }
0x28d: {  	[tilespmem:s22+$0xA1F0] =	vst v2;
	s22 =	simm.s32 $0x0  }
0x28e: {  	v9 =	vld [tilespmem:s22+$0xE200]  }
0x28f: {  	v13 =	vld [tilespmem:s22+$0xE210]  }
0x290: {  	v7 =	vld [tilespmem:s22+$0xE220]  }
0x291: {  	v6 =	vld [tilespmem:s22+$0xE230]  }
0x292: {  	v5 =	vld [tilespmem:s22+$0xE240]  }
0x293: {  	v4 =	vld [tilespmem:s22+$0xE250]  }
0x294: {  	v3 =	vld [tilespmem:s22+$0xE260]  }
0x295: {  	v2 =	vld [tilespmem:s22+$0xE270]  }
0x296: {  	v14 =	vld [tilespmem:s22+$0xA200]  }
0x297: {  	v15 =	vld [tilespmem:s22+$0xA210]  }
0x298: {  	v12 =	vld [tilespmem:s22+$0xA220]  }
0x299: {  	v11 =	vld [tilespmem:s22+$0xA230]  }
0x29a: {  	v10 =	vld [tilespmem:s22+$0xA240]  }
0x29b: {  	v8 =	vld [tilespmem:s22+$0xA250];
	v14 =	vadd.f32 v9, v14  }
0x29c: {  	s24 =	simm.s32 $0x1000;
	s23 =	simm.s32 $0x0;
	v13 =	vadd.f32 v13, v15;
	v9 =	vld [tilespmem:s22+$0xA260]  }
.LBB2_27:
0x29d: {  	s25 =	sshra.s32 s24, $0x2;
	p1 =	sne.s32 s24, $0xF000;
	[tilespmem:s23+$0xA200] =	vst v14;
	v7 =	vadd.f32 v7, v12;
	v12 =	vld [tilespmem:s23+$0xA270]  }
0x29e: {  	v14 =	vld [tilespmem:s25+$0xE200];
	[tilespmem:s23+$0xA210] =	vst v13;
	v6 =	vadd.f32 v6, v11  }
0x29f: {  	v13 =	vld [tilespmem:s25+$0xE210];
	[tilespmem:s23+$0xA220] =	vst v7;
	v5 =	vadd.f32 v5, v10  }
0x2a0: {  	v7 =	vld [tilespmem:s25+$0xE220];
	[tilespmem:s23+$0xA230] =	vst v6;
	v4 =	vadd.f32 v4, v8  }
0x2a1: {  	v6 =	vld [tilespmem:s25+$0xE230];
	[tilespmem:s23+$0xA240] =	vst v5;
	v3 =	vadd.f32 v3, v9  }
0x2a2: {  	v5 =	vld [tilespmem:s25+$0xE240];
	[tilespmem:s23+$0xA250] =	vst v4;
	v2 =	vadd.f32 v2, v12  }
0x2a3: {  	v4 =	vld [tilespmem:s25+$0xE250];
	[tilespmem:s23+$0xA260] =	vst v3  }
0x2a4: {  	v3 =	vld [tilespmem:s25+$0xE260];
	[tilespmem:s23+$0xA270] =	vst v2;
	s23 =	smov.u32 s25  }
0x2a5: {  	v2 =	vld [tilespmem:s23+$0xE270]  }
0x2a6: {  	v8 =	vld [tilespmem:s23+$0xA200]  }
0x2a7: {  	v9 =	vld [tilespmem:s23+$0xA210]  }
.Ltmp14:
0x2a8: {  	v12 =	vld [tilespmem:s23+$0xA220];
	(pc) =	sbr.rel @p1 .LBB2_27-.Ltmp14, $4  }
0x2a9: {  	v11 =	vld [tilespmem:s23+$0xA230]  }
0x2aa: {  	v10 =	vld [tilespmem:s23+$0xA240]  }
0x2ab: {  	v14 =	vadd.f32 v14, v8;
	v8 =	vld [tilespmem:s23+$0xA250]  }
0x2ac: {  	s24 =	sadd.s32 $0x1000, s24;
	v13 =	vadd.f32 v13, v9;
	v9 =	vld [tilespmem:s23+$0xA260]  }
0x2ad: {  	[tilespmem:s23+$0xA200] =	vst v14;
	v7 =	vadd.f32 v7, v12;
	v12 =	vld [tilespmem:s23+$0xA270]  }
0x2ae: {  	[tilespmem:s23+$0xA210] =	vst v13;
	v6 =	vadd.f32 v6, v11  }
0x2af: {  	[tilespmem:s23+$0xA220] =	vst v7;
	v5 =	vadd.f32 v5, v10  }
0x2b0: {  	[tilespmem:s23+$0xA230] =	vst v6;
	v4 =	vadd.f32 v4, v8  }
0x2b1: {  	[tilespmem:s23+$0xA240] =	vst v5;
	v3 =	vadd.f32 v3, v9  }
0x2b2: {  	[tilespmem:s23+$0xA250] =	vst v4;
	v2 =	vadd.f32 v2, v12  }
0x2b3: {  	[tilespmem:s23+$0xA260] =	vst v3  }
0x2b4: {  	[tilespmem:s23+$0xA270] =	vst v2  }
0x2b5: {  	v9 =	vld [tilespmem:s22+$0xE280]  }
0x2b6: {  	v13 =	vld [tilespmem:s22+$0xE290]  }
0x2b7: {  	v7 =	vld [tilespmem:s22+$0xE2A0]  }
0x2b8: {  	v6 =	vld [tilespmem:s22+$0xE2B0]  }
0x2b9: {  	v5 =	vld [tilespmem:s22+$0xE2C0]  }
0x2ba: {  	v4 =	vld [tilespmem:s22+$0xE2D0]  }
0x2bb: {  	v3 =	vld [tilespmem:s22+$0xE2E0]  }
0x2bc: {  	v2 =	vld [tilespmem:s22+$0xE2F0]  }
0x2bd: {  	v14 =	vld [tilespmem:s22+$0xA280]  }
0x2be: {  	v15 =	vld [tilespmem:s22+$0xA290]  }
0x2bf: {  	v12 =	vld [tilespmem:s22+$0xA2A0]  }
0x2c0: {  	v11 =	vld [tilespmem:s22+$0xA2B0]  }
0x2c1: {  	v10 =	vld [tilespmem:s22+$0xA2C0]  }
0x2c2: {  	v8 =	vld [tilespmem:s22+$0xA2D0];
	v14 =	vadd.f32 v9, v14  }
0x2c3: {  	s23 =	simm.s32 $0x1000;
	v13 =	vadd.f32 v13, v15;
	v9 =	vld [tilespmem:s22+$0xA2E0]  }
.LBB2_29:
0x2c4: {  	s24 =	sshra.s32 s23, $0x2;
	p1 =	sne.s32 s23, $0xF000;
	[tilespmem:s22+$0xA280] =	vst v14;
	v7 =	vadd.f32 v7, v12;
	v12 =	vld [tilespmem:s22+$0xA2F0]  }
0x2c5: {  	v14 =	vld [tilespmem:s24+$0xE280];
	[tilespmem:s22+$0xA290] =	vst v13;
	v6 =	vadd.f32 v6, v11  }
0x2c6: {  	v13 =	vld [tilespmem:s24+$0xE290];
	[tilespmem:s22+$0xA2A0] =	vst v7;
	v5 =	vadd.f32 v5, v10  }
0x2c7: {  	v7 =	vld [tilespmem:s24+$0xE2A0];
	[tilespmem:s22+$0xA2B0] =	vst v6;
	v4 =	vadd.f32 v4, v8  }
0x2c8: {  	v6 =	vld [tilespmem:s24+$0xE2B0];
	[tilespmem:s22+$0xA2C0] =	vst v5;
	v3 =	vadd.f32 v3, v9  }
0x2c9: {  	v5 =	vld [tilespmem:s24+$0xE2C0];
	[tilespmem:s22+$0xA2D0] =	vst v4;
	v2 =	vadd.f32 v2, v12  }
0x2ca: {  	v4 =	vld [tilespmem:s24+$0xE2D0];
	[tilespmem:s22+$0xA2E0] =	vst v3  }
0x2cb: {  	v3 =	vld [tilespmem:s24+$0xE2E0];
	[tilespmem:s22+$0xA2F0] =	vst v2;
	s22 =	smov.u32 s24  }
0x2cc: {  	v2 =	vld [tilespmem:s22+$0xE2F0]  }
0x2cd: {  	v8 =	vld [tilespmem:s22+$0xA280]  }
0x2ce: {  	v9 =	vld [tilespmem:s22+$0xA290]  }
.Ltmp15:
0x2cf: {  	v12 =	vld [tilespmem:s22+$0xA2A0];
	(pc) =	sbr.rel @p1 .LBB2_29-.Ltmp15, $4  }
0x2d0: {  	v11 =	vld [tilespmem:s22+$0xA2B0]  }
0x2d1: {  	v10 =	vld [tilespmem:s22+$0xA2C0]  }
0x2d2: {  	v14 =	vadd.f32 v14, v8;
	v8 =	vld [tilespmem:s22+$0xA2D0]  }
0x2d3: {  	s23 =	sadd.s32 $0x1000, s23;
	v13 =	vadd.f32 v13, v9;
	v9 =	vld [tilespmem:s22+$0xA2E0]  }
0x2d4: {  	[tilespmem:s22+$0xA280] =	vst v14;
	v7 =	vadd.f32 v7, v12;
	v12 =	vld [tilespmem:s22+$0xA2F0]  }
0x2d5: {  	[tilespmem:s22+$0xA290] =	vst v13;
	v6 =	vadd.f32 v6, v11  }
0x2d6: {  	[tilespmem:s22+$0xA2A0] =	vst v7;
	v5 =	vadd.f32 v5, v10  }
0x2d7: {  	[tilespmem:s22+$0xA2B0] =	vst v6;
	v4 =	vadd.f32 v4, v8  }
0x2d8: {  	[tilespmem:s22+$0xA2C0] =	vst v5;
	v3 =	vadd.f32 v3, v9  }
0x2d9: {  	[tilespmem:s22+$0xA2D0] =	vst v4;
	v2 =	vadd.f32 v2, v12  }
0x2da: {  	[tilespmem:s22+$0xA2E0] =	vst v3  }
0x2db: {  	[tilespmem:s22+$0xA2F0] =	vst v2;
	s22 =	simm.s32 $0x0  }
0x2dc: {  	v9 =	vld [tilespmem:s22+$0xE300]  }
0x2dd: {  	v13 =	vld [tilespmem:s22+$0xE310]  }
0x2de: {  	v7 =	vld [tilespmem:s22+$0xE320]  }
0x2df: {  	v6 =	vld [tilespmem:s22+$0xE330]  }
0x2e0: {  	v5 =	vld [tilespmem:s22+$0xE340]  }
0x2e1: {  	v4 =	vld [tilespmem:s22+$0xE350]  }
0x2e2: {  	v3 =	vld [tilespmem:s22+$0xE360]  }
0x2e3: {  	v2 =	vld [tilespmem:s22+$0xE370]  }
0x2e4: {  	v14 =	vld [tilespmem:s22+$0xA300]  }
0x2e5: {  	v15 =	vld [tilespmem:s22+$0xA310]  }
0x2e6: {  	v12 =	vld [tilespmem:s22+$0xA320]  }
0x2e7: {  	v11 =	vld [tilespmem:s22+$0xA330]  }
0x2e8: {  	v10 =	vld [tilespmem:s22+$0xA340]  }
0x2e9: {  	v8 =	vld [tilespmem:s22+$0xA350];
	v14 =	vadd.f32 v9, v14  }
0x2ea: {  	s24 =	simm.s32 $0x1000;
	s23 =	simm.s32 $0x0;
	v13 =	vadd.f32 v13, v15;
	v9 =	vld [tilespmem:s22+$0xA360]  }
.LBB2_31:
0x2eb: {  	s25 =	sshra.s32 s24, $0x2;
	p1 =	sne.s32 s24, $0xF000;
	[tilespmem:s23+$0xA300] =	vst v14;
	v7 =	vadd.f32 v7, v12;
	v12 =	vld [tilespmem:s23+$0xA370]  }
0x2ec: {  	v14 =	vld [tilespmem:s25+$0xE300];
	[tilespmem:s23+$0xA310] =	vst v13;
	v6 =	vadd.f32 v6, v11  }
0x2ed: {  	v13 =	vld [tilespmem:s25+$0xE310];
	[tilespmem:s23+$0xA320] =	vst v7;
	v5 =	vadd.f32 v5, v10  }
0x2ee: {  	v7 =	vld [tilespmem:s25+$0xE320];
	[tilespmem:s23+$0xA330] =	vst v6;
	v4 =	vadd.f32 v4, v8  }
0x2ef: {  	v6 =	vld [tilespmem:s25+$0xE330];
	[tilespmem:s23+$0xA340] =	vst v5;
	v3 =	vadd.f32 v3, v9  }
0x2f0: {  	v5 =	vld [tilespmem:s25+$0xE340];
	[tilespmem:s23+$0xA350] =	vst v4;
	v2 =	vadd.f32 v2, v12  }
0x2f1: {  	v4 =	vld [tilespmem:s25+$0xE350];
	[tilespmem:s23+$0xA360] =	vst v3  }
0x2f2: {  	v3 =	vld [tilespmem:s25+$0xE360];
	[tilespmem:s23+$0xA370] =	vst v2;
	s23 =	smov.u32 s25  }
0x2f3: {  	v2 =	vld [tilespmem:s23+$0xE370]  }
0x2f4: {  	v8 =	vld [tilespmem:s23+$0xA300]  }
0x2f5: {  	v9 =	vld [tilespmem:s23+$0xA310]  }
.Ltmp16:
0x2f6: {  	v12 =	vld [tilespmem:s23+$0xA320];
	(pc) =	sbr.rel @p1 .LBB2_31-.Ltmp16, $4  }
0x2f7: {  	v11 =	vld [tilespmem:s23+$0xA330]  }
0x2f8: {  	v10 =	vld [tilespmem:s23+$0xA340]  }
0x2f9: {  	v14 =	vadd.f32 v14, v8;
	v8 =	vld [tilespmem:s23+$0xA350]  }
0x2fa: {  	s24 =	sadd.s32 $0x1000, s24;
	v13 =	vadd.f32 v13, v9;
	v9 =	vld [tilespmem:s23+$0xA360]  }
0x2fb: {  	[tilespmem:s23+$0xA300] =	vst v14;
	v7 =	vadd.f32 v7, v12;
	v12 =	vld [tilespmem:s23+$0xA370]  }
0x2fc: {  	[tilespmem:s23+$0xA310] =	vst v13;
	v6 =	vadd.f32 v6, v11  }
0x2fd: {  	[tilespmem:s23+$0xA320] =	vst v7;
	v5 =	vadd.f32 v5, v10  }
0x2fe: {  	[tilespmem:s23+$0xA330] =	vst v6;
	v4 =	vadd.f32 v4, v8  }
0x2ff: {  	[tilespmem:s23+$0xA340] =	vst v5;
	v3 =	vadd.f32 v3, v9  }
0x300: {  	[tilespmem:s23+$0xA350] =	vst v4;
	v2 =	vadd.f32 v2, v12  }
0x301: {  	[tilespmem:s23+$0xA360] =	vst v3  }
0x302: {  	[tilespmem:s23+$0xA370] =	vst v2  }
0x303: {  	v9 =	vld [tilespmem:s22+$0xE380]  }
0x304: {  	v13 =	vld [tilespmem:s22+$0xE390]  }
0x305: {  	v7 =	vld [tilespmem:s22+$0xE3A0]  }
0x306: {  	v6 =	vld [tilespmem:s22+$0xE3B0]  }
0x307: {  	v5 =	vld [tilespmem:s22+$0xE3C0]  }
0x308: {  	v4 =	vld [tilespmem:s22+$0xE3D0]  }
0x309: {  	v3 =	vld [tilespmem:s22+$0xE3E0]  }
0x30a: {  	v2 =	vld [tilespmem:s22+$0xE3F0]  }
0x30b: {  	v14 =	vld [tilespmem:s22+$0xA380]  }
0x30c: {  	v15 =	vld [tilespmem:s22+$0xA390]  }
0x30d: {  	v12 =	vld [tilespmem:s22+$0xA3A0]  }
0x30e: {  	v11 =	vld [tilespmem:s22+$0xA3B0]  }
0x30f: {  	v10 =	vld [tilespmem:s22+$0xA3C0]  }
0x310: {  	v8 =	vld [tilespmem:s22+$0xA3D0];
	v14 =	vadd.f32 v9, v14  }
0x311: {  	s23 =	simm.s32 $0x1000;
	v13 =	vadd.f32 v13, v15;
	v9 =	vld [tilespmem:s22+$0xA3E0]  }
.LBB2_33:
0x312: {  	s24 =	sshra.s32 s23, $0x2;
	p1 =	sne.s32 s23, $0xF000;
	[tilespmem:s22+$0xA380] =	vst v14;
	v7 =	vadd.f32 v7, v12;
	v12 =	vld [tilespmem:s22+$0xA3F0]  }
0x313: {  	v14 =	vld [tilespmem:s24+$0xE380];
	[tilespmem:s22+$0xA390] =	vst v13;
	v6 =	vadd.f32 v6, v11  }
0x314: {  	v13 =	vld [tilespmem:s24+$0xE390];
	[tilespmem:s22+$0xA3A0] =	vst v7;
	v5 =	vadd.f32 v5, v10  }
0x315: {  	v7 =	vld [tilespmem:s24+$0xE3A0];
	[tilespmem:s22+$0xA3B0] =	vst v6;
	v4 =	vadd.f32 v4, v8  }
0x316: {  	v6 =	vld [tilespmem:s24+$0xE3B0];
	[tilespmem:s22+$0xA3C0] =	vst v5;
	v3 =	vadd.f32 v3, v9  }
0x317: {  	v5 =	vld [tilespmem:s24+$0xE3C0];
	[tilespmem:s22+$0xA3D0] =	vst v4;
	v2 =	vadd.f32 v2, v12  }
0x318: {  	v4 =	vld [tilespmem:s24+$0xE3D0];
	[tilespmem:s22+$0xA3E0] =	vst v3  }
0x319: {  	v3 =	vld [tilespmem:s24+$0xE3E0];
	[tilespmem:s22+$0xA3F0] =	vst v2;
	s22 =	smov.u32 s24  }
0x31a: {  	v2 =	vld [tilespmem:s22+$0xE3F0]  }
0x31b: {  	v8 =	vld [tilespmem:s22+$0xA380]  }
0x31c: {  	v9 =	vld [tilespmem:s22+$0xA390]  }
.Ltmp17:
0x31d: {  	v12 =	vld [tilespmem:s22+$0xA3A0];
	(pc) =	sbr.rel @p1 .LBB2_33-.Ltmp17, $4  }
0x31e: {  	v11 =	vld [tilespmem:s22+$0xA3B0]  }
0x31f: {  	v10 =	vld [tilespmem:s22+$0xA3C0]  }
0x320: {  	v14 =	vadd.f32 v14, v8;
	v8 =	vld [tilespmem:s22+$0xA3D0]  }
0x321: {  	s23 =	sadd.s32 $0x1000, s23;
	v13 =	vadd.f32 v13, v9;
	v9 =	vld [tilespmem:s22+$0xA3E0]  }
0x322: {  	[tilespmem:s22+$0xA380] =	vst v14;
	v7 =	vadd.f32 v7, v12;
	v63 =	vld [tilespmem:s22+$0xA3F0]  }
0x323: {  	[tilespmem:s22+$0xA390] =	vst v13;
	v6 =	vadd.f32 v6, v11  }
0x324: {  	[tilespmem:s22+$0xA3A0] =	vst v7;
	v5 =	vadd.f32 v5, v10  }
0x325: {  	[tilespmem:s22+$0xA3B0] =	vst v6;
	v4 =	vadd.f32 v4, v8  }
.Ltmp18:
0x326: {  	[tilespmem:s22+$0xA3C0] =	vst v5;
	v3 =	vadd.f32 v3, v9;
	(pc) =	sbr.rel @p0 .LBB2_36-.Ltmp18, $4  }
0x327: {  	[tilespmem:s22+$0xA3D0] =	vst v4;
	v2 =	vadd.f32 v2, v63  }
0x328: {  	[tilespmem:s22+$0xA3E0] =	vst v3  }
0x329: {  	s21 =	sadd.s32 $0x800, s21;
	[tilespmem:s22+$0xA3F0] =	vst v2  }
0x32a: {  	[hbm4b:s21+s2] =	stream.linear.scatter [tilespmem:s16], [sflag:$0x6], $0x4000, $0x38;
	[tilespmem:$0x12000] =	vst v63  }
0x32b: {  	_ =	swait.ge [sflag:s18], $0x4000  }
0x32c: {  	[sflag:s18] =	ssyncset.done $0x0  }
0x32d: {  	[sflag:s18] =	ssyncadd.s32 $0xFFFFC000  }
0x32e: {  	v2 =	vld.msk [tilespmem:s20+$0x180], $0xff;
	_ =	sdelay $0x4  }
0x32f: {  	v3 =	vshll.u32 v2, $0x4  }
0x330: {  	v2 =	vand.u32 $0x7, v2;
	v3 =	vand.u32 $0xFFFFFF80, v3  }
0x331: {  	v2 =	vor.u32 v2, v3  }
0x332: {  	v2 =	vperm.xlane v2, v0;
	_ =	sdelay $0x1  }
0x333: {  	v2 =	vadd.s32 v1, v2;
	_ =	sdelay $0x4  }
0x334: {  	[tilespmem:s16], [sflag:$0x3] =	stream.indirect_vreg.gather [hbm4b:s3+s2], $0x80, v2, vm0, $0xb8;
	[tilespmem:$0x12000] =	vst v63  }
0x335: {  	s21 =	simm.s32 $0xA800  }
0x336: {  	[tilespmem:s21], [sflag:$0x3] =	stream.indirect_vreg.gather [hbm4b:s5+s2], $0x80, v2, vm0, $0xb8;
	[tilespmem:$0x12000] =	vst v63  }
0x337: {  	s23 =	simm.s32 $0xB000  }
0x338: {  	[tilespmem:s23], [sflag:$0x3] =	stream.indirect_vreg.gather [hbm4b:s7+s2], $0x80, v2, vm0, $0xb8;
	[tilespmem:$0x12000] =	vst v63  }
0x339: {  	s24 =	simm.s32 $0xB800  }
0x33a: {  	[tilespmem:s24], [sflag:$0x3] =	stream.indirect_vreg.gather [hbm4b:s8+s2], $0x80, v2, vm0, $0xb8;
	[tilespmem:$0x12000] =	vst v63  }
0x33b: {  	s25 =	simm.s32 $0xC000  }
0x33c: {  	[tilespmem:s25], [sflag:$0x3] =	stream.indirect_vreg.gather [hbm4b:s9+s2], $0x80, v2, vm0, $0xb8;
	[tilespmem:$0x12000] =	vst v63  }
0x33d: {  	s22 =	simm.s32 $0xC800  }
0x33e: {  	[tilespmem:s22], [sflag:$0x3] =	stream.indirect_vreg.gather [hbm4b:s10+s2], $0x80, v2, vm0, $0xb8;
	[tilespmem:$0x12000] =	vst v63  }
0x33f: {  	s23 =	simm.s32 $0xD000  }
0x340: {  	[tilespmem:s23], [sflag:$0x3] =	stream.indirect_vreg.gather [hbm4b:s11+s2], $0x80, v2, vm0, $0xb8;
	[tilespmem:$0x12000] =	vst v63  }
0x341: {  	s24 =	simm.s32 $0xD800  }
0x342: {  	[tilespmem:s24], [sflag:$0x3] =	stream.indirect_vreg.gather [hbm4b:s12+s2], $0x80, v2, vm0, $0xb8;
	[tilespmem:$0x12000] =	vst v63  }
0x343: {  	v2 =	vld.msk [tilespmem:s20+$0x1180], $0xff;
	_ =	sdelay $0x4  }
0x344: {  	v3 =	vshll.u32 v2, $0x4  }
0x345: {  	v2 =	vand.u32 $0x7, v2;
	v3 =	vand.u32 $0xFFFFFF80, v3  }
0x346: {  	v2 =	vor.u32 v2, v3  }
0x347: {  	v2 =	vperm.xlane v2, v0;
	_ =	sdelay $0x1  }
0x348: {  	v2 =	vadd.s32 v1, v2;
	_ =	sdelay $0x3  }
0x349: {  	s25 =	simm.s32 $0xE000  }
0x34a: {  	[tilespmem:s25], [sflag:$0x4] =	stream.indirect_vreg.gather [hbm4b:s3+s2], $0x80, v2, vm0, $0xb8;
	[tilespmem:$0x12000] =	vst v63  }
0x34b: {  	_ = 	snop  }
0x34c: {  	[tilespmem:s26], [sflag:$0x4] =	stream.indirect_vreg.gather [hbm4b:s5+s2], $0x80, v2, vm0, $0xb8;
	[tilespmem:$0x12000] =	vst v63  }
0x34d: {  	_ = 	snop  }
0x34e: {  	[tilespmem:s28], [sflag:$0x4] =	stream.indirect_vreg.gather [hbm4b:s7+s2], $0x80, v2, vm0, $0xb8;
	[tilespmem:$0x12000] =	vst v63  }
0x34f: {  	_ = 	snop  }
0x350: {  	[tilespmem:s29], [sflag:$0x4] =	stream.indirect_vreg.gather [hbm4b:s8+s2], $0x80, v2, vm0, $0xb8;
	[tilespmem:$0x12000] =	vst v63  }
0x351: {  	_ = 	snop  }
0x352: {  	[tilespmem:s30], [sflag:$0x4] =	stream.indirect_vreg.gather [hbm4b:s9+s2], $0x80, v2, vm0, $0xb8;
	[tilespmem:$0x12000] =	vst v63  }
0x353: {  	_ = 	snop  }
0x354: {  	[tilespmem:s31], [sflag:$0x4] =	stream.indirect_vreg.gather [hbm4b:s10+s2], $0x80, v2, vm0, $0xb8;
	[tilespmem:$0x12000] =	vst v63  }
.Ltmp19:
0x355: {  	_ = 	snop;
	(pc) =	sbr.rel .LBB2_2-.Ltmp19, $4  }
0x356: {  	_ = 	snop  }
0x357: {  	[tilespmem:s0], [sflag:$0x4] =	stream.indirect_vreg.gather [hbm4b:s11+s2], $0x80, v2, vm0, $0xb8;
	[tilespmem:$0x12000] =	vst v63  }
0x358: {  	s19 =	sadd.s32 $0x1, s19  }
0x359: {  	[tilespmem:s1], [sflag:$0x4] =	stream.indirect_vreg.gather [hbm4b:s12+s2], $0x80, v2, vm0, $0xb8;
	[tilespmem:$0x12000] =	vst v63  }
.LBB2_37:
0x35a: {  	_ =	sfence.sel $0x180000  }
0x35b: {  	[bflag:$0x0] =	sbarrier.arrive $0xFFFF  }
0x35c: {  	_ =	strace $0x9000004A  }
0x35d: {  	s0 =	stileid.u32;
	[bflag:$0x2] =	sbarrier.arrive $0xFFFF  }
0x35e: {  	p0 =	sne.s32 s0, $0x0;
	s0 =	rddreg [dreg:$0x2]  }
0x35f: {  	s0 =	sadd.s32 @!p0 $0x100000, s0  }
0x360: {  	[sflag:s0] =	ssyncadd.tile.s32 @!p0 $0x1;
	_ =	shalt  }
.Lfunc_end2:
_tile_overlayer_lowered:
.L_overlay_start_2:
0x361: {  	(tag) =	ssettag $0x2  }
0x362: {  	s0 =	rddreg [dreg:$0x0];
	s2 =	stileid.u32  }
0x363: {  	s1 =	rddreg [dreg:$0x1];
	p0 =	sne.s32 s2, $0x0  }
0x364: {  	s3 =	rddreg [dreg:$0x2];
	[bflag:$0x3] =	sbarrier.arrive $0xFFFF;
	s2 =	simm.s32 @!p0 $0x1C07  }
0x365: {  	[timem:s3], [sflag:s2] =	dma.local @!p0 [hbm:s0], s1  }
0x366: {  	s0 =	simm.s32 @!p0 $0x7  }
0x367: {  	_ =	swait.ge @!p0 [sflag:s0], s1  }
0x368: {  	s1 =	ssub.s32 @!p0 $0x0, s1;
	[sflag:s0] =	ssyncset.done @!p0 $0x0  }
0x369: {  	[sflag:s0] =	ssyncadd.s32 @!p0 s1  }
0x36a: {  	[bflag:$0x3] =	sbarrier.arrive $0xFFFF  }
0x36b: {  	_ =	shalt  }

</sc_bundles>
